<compile_context>
chip_gen: v7x
topology: tpu7x:2x2x1
jax: 0.10.2.dev20260603
libtpu: 0.0.44.dev20260713+nightly
codegen_flags: <defaults>
</compile_context>

<pallas_src>
import functools

import jax
import jax.numpy as jnp
from jax import lax
from jax.experimental import pallas as pl
from jax.experimental.pallas import tpu as pltpu
from jax.experimental.pallas import tpu_sc as plsc

U_N = 50000
I_N = 25000
E_N = 800000
HALF = 32
N_TILES = 16

EP = 819200
ROWS = EP // 128
RPT = ROWS // N_TILES
CHUNK = 8
N_CHUNKS = RPT // CHUNK

U_PAD = 50048
I_PAD = 25088
U_ACC = 51200
I_ACC = 26624
DEG_PAD = 50048
DEG_ACC = 51200

_MESH = plsc.VectorSubcoreMesh(core_axis_name="c", subcore_axis_name="s")


def _make_spmm(n_dst_pad, n_acc):
    zrows = n_acc // N_TILES
    orows = n_dst_pad // N_TILES
    NBUF = 4
    IDXB = 8
    NBLK = RPT // IDXB

    @functools.partial(
        pl.kernel,
        out_type=jax.ShapeDtypeStruct((2 * n_dst_pad, HALF), jnp.float32),
        mesh=_MESH,
        scratch_types=[
            pltpu.VMEM((3 * IDXB, 128), jnp.int32),
            pltpu.VMEM((3 * IDXB, 128), jnp.int32),
            pltpu.VMEM((NBUF * 128, HALF), jnp.float32),
            pltpu.VMEM_SHARED((n_acc, HALF), jnp.float32),
            pltpu.SemaphoreType.DMA,
            pltpu.SemaphoreType.DMA,
            pltpu.SemaphoreType.DMA,
            pltpu.SemaphoreType.DMA,
        ],
        compiler_params=pltpu.CompilerParams(use_tc_tiling_on_sc=False),
    )
    def spmm(src, sidx, didx, zeros, out, vsi, vdi, vbuf, acc,
             gsem, ssem, sisem, disem):
        c = lax.axis_index("c")
        s = lax.axis_index("s")
        t0 = s * RPT

        def idx_issue(blk, slot):
            pltpu.async_copy(sidx.at[pl.ds(c * ROWS + t0 + blk * IDXB, IDXB)],
                             vsi.at[pl.ds(slot * IDXB, IDXB)], sisem)
            pltpu.async_copy(didx.at[pl.ds(t0 + blk * IDXB, IDXB)],
                             vdi.at[pl.ds(slot * IDXB, IDXB)], disem)

        def idx_wait():
            pltpu.make_async_copy(sidx.at[pl.ds(t0, IDXB)],
                                  vsi.at[pl.ds(0, IDXB)], sisem).wait()
            pltpu.make_async_copy(didx.at[pl.ds(t0, IDXB)],
                                  vdi.at[pl.ds(0, IDXB)], disem).wait()

        def gather_issue(j):
            pltpu.async_copy(
                src.at[vsi.at[lax.rem(j, 3 * IDXB)]],
                vbuf.at[pl.ds(lax.rem(j, NBUF) * 128, 128)], gsem)

        def gather_wait(j):
            pltpu.make_async_copy(
                src.at[vsi.at[lax.rem(j, 3 * IDXB)]],
                vbuf.at[pl.ds(lax.rem(j, NBUF) * 128, 128)], gsem).wait()

        def scatter_issue(j):
            pltpu.async_copy(
                vbuf.at[pl.ds(lax.rem(j, NBUF) * 128, 128)],
                acc.at[vdi.at[lax.rem(j, 3 * IDXB)]], ssem, add=True)

        def scatter_wait(j):
            pltpu.make_async_copy(
                vbuf.at[pl.ds(lax.rem(j, NBUF) * 128, 128)],
                acc.at[vdi.at[lax.rem(j, 3 * IDXB)]], ssem).wait()

        pltpu.sync_copy(zeros.at[pl.ds(0, zrows)],
                        acc.at[pl.ds(s * zrows, zrows)])
        idx_issue(0, 0)
        idx_issue(1, 1)
        idx_wait()
        plsc.subcore_barrier()

        gather_issue(0)
        gather_issue(1)
        gather_issue(2)

        def body(j, carry):
            gather_wait(j)
            scatter_issue(j)

            @pl.when(j >= 1)
            def _():
                scatter_wait(j - 1)

            @pl.when(lax.rem(j, IDXB) == 0)
            def _():
                b = j // IDXB

                @pl.when(b + 1 <= NBLK - 1)
                def _():
                    idx_wait()

                @pl.when(b + 2 <= NBLK - 1)
                def _():
                    idx_issue(b + 2, lax.rem(b + 2, 3))

            @pl.when(j + 3 <= RPT - 1)
            def _():
                gather_issue(j + 3)
            return carry

        lax.fori_loop(0, RPT, body, 0)
        scatter_wait(RPT - 1)
        plsc.subcore_barrier()

        pltpu.sync_copy(acc.at[pl.ds(s * orows, orows)],
                        out.at[pl.ds(c * n_dst_pad + s * orows, orows)])

    return spmm


_spmm_u2i = _make_spmm(I_PAD, I_ACC)
_spmm_i2u = _make_spmm(U_PAD, U_ACC)


@functools.partial(
    pl.kernel,
    out_type=jax.ShapeDtypeStruct((2 * DEG_PAD, 1), jnp.float32),
    mesh=_MESH,
    scratch_types=[
        pltpu.VMEM((RPT, 128), jnp.int32),
        pltpu.VMEM((128, 1), jnp.float32),
        pltpu.VMEM_SHARED((DEG_ACC, 1), jnp.float32),
        pltpu.SemaphoreType.DMA,
    ],
    compiler_params=pltpu.CompilerParams(use_tc_tiling_on_sc=False),
)
def _degrees(didx, zeros1, ones, out, vdi, ones_v, acc, sem):
    c = lax.axis_index("c")
    s = lax.axis_index("s")
    t0 = s * RPT
    zrows = DEG_ACC // N_TILES
    orows = DEG_PAD // N_TILES

    pltpu.sync_copy(ones, ones_v)
    pltpu.sync_copy(zeros1.at[pl.ds(0, zrows)],
                    acc.at[pl.ds(s * zrows, zrows)])
    pltpu.sync_copy(didx.at[pl.ds(c * ROWS + t0, RPT)], vdi)
    plsc.subcore_barrier()

    def chunk_body(k, carry):
        base = k * CHUNK
        descs = []
        for j in range(CHUNK):
            descs.append(
                pltpu.async_copy(ones_v, acc.at[vdi.at[base + j]], sem,
                                 add=True))
        for d in descs:
            d.wait()
        return carry

    lax.fori_loop(0, N_CHUNKS, chunk_body, 0)
    plsc.subcore_barrier()
    pltpu.sync_copy(acc.at[pl.ds(s * orows, orows)],
                    out.at[pl.ds(c * DEG_PAD + s * orows, orows)])


def _half(x, n, n_pad):
    q = x.reshape(n, 2, HALF).transpose(1, 0, 2)
    q = jnp.pad(q, ((0, 0), (0, n_pad - n), (0, 0)))
    return q.reshape(2 * n_pad, HALF)


def _unhalf(x, n, n_pad):
    return x.reshape(2, n_pad, HALF)[:, :n].transpose(1, 0, 2).reshape(n, 64)


def _mult(vals, n, n_pad):
    return jnp.tile(jnp.pad(vals, (0, n_pad - n)), 2)[:, None]


def kernel(user_emb, item_emb, edge_row, edge_col):
    pad = EP - E_N
    pr = jnp.concatenate([edge_row, jnp.full((pad,), U_N, jnp.int32)])
    pc = jnp.concatenate([edge_col, jnp.full((pad,), I_N, jnp.int32)])
    dsti = jnp.concatenate([pr, pc]).reshape(2 * ROWS, 128)
    row_dst = dsti[:ROWS]
    col_dst = dsti[ROWS:]

    prs = jnp.concatenate([edge_row, jnp.zeros((pad,), jnp.int32)])
    pcs = jnp.concatenate([edge_col, jnp.zeros((pad,), jnp.int32)])
    usrc = jnp.concatenate([prs, prs + U_PAD]).reshape(2 * ROWS, 128)
    isrc = jnp.concatenate([pcs, pcs + I_PAD]).reshape(2 * ROWS, 128)

    zeros_sp = jnp.zeros((U_ACC // N_TILES, HALF), jnp.float32)
    zeros_1 = jnp.zeros((DEG_ACC // N_TILES, 1), jnp.float32)
    ones_128 = jnp.ones((128, 1), jnp.float32)

    deg = _degrees(dsti, zeros_1, ones_128)[:, 0]
    u_deg = jnp.where(deg[:U_N] == 0, 1.0, deg[:U_N])
    i_deg_raw = deg[DEG_PAD:DEG_PAD + I_N]
    i_deg = jnp.where(i_deg_raw == 0, 1.0, i_deg_raw)
    m_dus = _mult(u_deg ** -0.5, U_N, U_PAD)
    m_dis = _mult(i_deg ** -0.5, I_N, I_PAD)
    m_dui = _mult(1.0 / u_deg, U_N, U_PAD)
    m_dii = _mult(1.0 / i_deg, I_N, I_PAD)

    def u2i(x):
        return _spmm_u2i(x, usrc, col_dst, zeros_sp)

    def i2u(x):
        return _spmm_i2u(x, isrc, row_dst, zeros_sp)

    ue = _half(user_emb, U_N, U_PAD)
    ie = _half(item_emb, I_N, I_PAD)
    sum_u = ue
    sum_i = ie

    for _ in range(2):
        t = u2i(ue * m_dus)
        t = i2u(t * m_dii)
        ue = t * m_dus
        sum_u = sum_u + ue
        t = i2u(ie * m_dis)
        t = u2i(t * m_dui)
        ie = t * m_dis
        sum_i = sum_i + ie

    user_out = _unhalf(sum_u / 3.0, U_N, U_PAD)
    item_out = _unhalf(sum_i / 3.0, I_N, I_PAD)
    return (user_out, item_out)

# --- scband reference (transcript-rebuilt; emitter-appended) ---
"""Pipeline reference for scband-hccf-encoder-48619029790850 (READ-ONLY COPY).

The authoritative reference and input builder live on the scoring server;
editing this copy changes nothing except your own understanding.
"""

import jax, jax.numpy as jnp
import numpy as np

USER_NUM = 50000
ITEM_NUM = 25000
N_EDGES = 800000
EMB = 64
N_LAYERS = 2


def setup_inputs(seed: int = 0) -> dict:
    key = jax.random.key(seed)
    k1, k2, k3, k4 = jax.random.split(key, 4)
    # xavier-uniform-ish init for embedding tables (the module's learned params)
    bound = float(np.sqrt(6.0 / (USER_NUM + EMB)))
    user_emb = jax.random.uniform(k1, (USER_NUM, EMB), dtype=jnp.float32, minval=-bound, maxval=bound)
    bound_i = float(np.sqrt(6.0 / (ITEM_NUM + EMB)))
    item_emb = jax.random.uniform(k2, (ITEM_NUM, EMB), dtype=jnp.float32, minval=-bound_i, maxval=bound_i)
    # COO indices of the sparse interaction matrix R (user x item)
    edge_row = jax.random.randint(k3, (N_EDGES,), 0, USER_NUM, dtype=jnp.int32)
    edge_col = jax.random.randint(k4, (N_EDGES,), 0, ITEM_NUM, dtype=jnp.int32)
    return {"user_emb": user_emb, "item_emb": item_emb, "edge_row": edge_row, "edge_col": edge_col}


def reference(user_emb, item_emb, edge_row, edge_col):
    ones = jnp.ones((edge_row.shape[0],), dtype=jnp.float32)
    u_deg = jax.ops.segment_sum(ones, edge_row, num_segments=USER_NUM)
    i_deg = jax.ops.segment_sum(ones, edge_col, num_segments=ITEM_NUM)
    u_deg = jnp.where(u_deg == 0, 1.0, u_deg)
    i_deg = jnp.where(i_deg == 0, 1.0, i_deg)
    d_u_inv = (1.0 / u_deg)[:, None]
    d_i_inv = (1.0 / i_deg)[:, None]
    d_u_inv_sqrt = (u_deg ** -0.5)[:, None]
    d_i_inv_sqrt = (i_deg ** -0.5)[:, None]

    def spmm_rt(x_users):  # R^T @ x : users -> items
        return jax.ops.segment_sum(x_users[edge_row], edge_col, num_segments=ITEM_NUM)

    def spmm_r(x_items):  # R @ x : items -> users
        return jax.ops.segment_sum(x_items[edge_col], edge_row, num_segments=USER_NUM)

    ue = user_emb
    ie = item_emb
    all_user = [ue]
    all_item = [ie]
    for _ in range(N_LAYERS):
        tmp_u = ue * d_u_inv_sqrt
        tmp_i = spmm_rt(tmp_u)
        tmp_i = tmp_i * d_i_inv
        tmp_u = spmm_r(tmp_i)
        ue = tmp_u * d_u_inv_sqrt
        all_user.append(ue)
        tmp_i2 = ie * d_i_inv_sqrt
        tmp_u2 = spmm_r(tmp_i2)
        tmp_u2 = tmp_u2 * d_u_inv
        tmp_i2 = spmm_rt(tmp_u2)
        ie = tmp_i2 * d_i_inv_sqrt
        all_item.append(ie)
    user_out = jnp.mean(jnp.stack(all_user, axis=1), axis=1)
    item_out = jnp.mean(jnp.stack(all_item, axis=1), axis=1)
    return (user_out, item_out)

if __name__ == "__main__":
    import jax
    _d = setup_inputs()
    print(jax.jit(kernel)(*tuple(_d.values())))

</pallas_src>

<mosaic_0001>
#map = affine_map<(d0, d1) -> (0, 0)>
module attributes {stable_mosaic.version = 14 : i64} {
  func.func @spmm(%arg0: i32, %arg1: i32, %arg2: memref<50176x32xf32, #tpu.memory_space<hbm>>, %arg3: memref<12800x128xi32, #tpu.memory_space<hbm>>, %arg4: memref<6400x128xi32, #tpu.memory_space<hbm>>, %arg5: memref<3200x32xf32, #tpu.memory_space<hbm>>, %arg6: memref<100096x32xf32, #tpu.memory_space<hbm>>, %arg7: memref<24x128xi32, #tpu.memory_space<vmem>>, %arg8: memref<24x128xi32, #tpu.memory_space<vmem>>, %arg9: memref<512x32xf32, #tpu.memory_space<vmem>>, %arg10: memref<51200x32xf32, #tpu.memory_space<vmem_shared>>, %arg11: memref<!tpu.dma_semaphore, #tpu.memory_space<semaphore_mem>>, %arg12: memref<!tpu.dma_semaphore, #tpu.memory_space<semaphore_mem>>, %arg13: memref<!tpu.dma_semaphore, #tpu.memory_space<semaphore_mem>>, %arg14: memref<!tpu.dma_semaphore, #tpu.memory_space<semaphore_mem>>) attributes {dimension_semantics = [#tpu.dimension_semantics<core_parallel>, #tpu.dimension_semantics<subcore_parallel>], iteration_bounds = array<i64: 2, 16>, scalar_prefetch = 0 : i64, scratch_operands = 8 : i64, tpu.core_type = #tpu.core_type<sc_vector_subcore>, window_params = [{transform_indices = #map}, {transform_indices = #map}, {transform_indices = #map}, {transform_indices = #map}, {transform_indices = #map}]} {
    %mul3A = arith.constant 400 : i32
    %mul3A_0 = arith.muli %arg1, %mul3A : i32
    %mul3A_1 = arith.constant 3200 : i32
    %mul3A_2 = arith.muli %arg1, %mul3A_1 : i32
    "tpu.region"() ({
      %run_scoped3A = tpu.sem_alloc : memref<!tpu.dma_semaphore, #tpu.memory_space<semaphore_mem>>
      %dma_start3A_150 = arith.constant 0 : i32
      %dma_start3A_151 = tpu.memref_slice %arg10[%mul3A_2, %dma_start3A_150] : memref<51200x32xf32, #tpu.memory_space<vmem_shared>> -> memref<3200x32xf32, #tpu.memory_space<vmem_shared>>
      %dma_start3A_152 = arith.constant 0 : i32
      %dma_start3A_153 = arith.constant 0 : i32
      %dma_start3A_154 = tpu.memref_slice %arg5[%dma_start3A_152, %dma_start3A_153] : memref<3200x32xf32, #tpu.memory_space<hbm>> -> memref<3200x32xf32, #tpu.memory_space<hbm>>
      tpu.enqueue_dma source(%dma_start3A_154 : memref<3200x32xf32, #tpu.memory_space<hbm>>) target(%dma_start3A_151 : memref<3200x32xf32, #tpu.memory_space<vmem_shared>>) target_semaphore(%run_scoped3A : memref<!tpu.dma_semaphore, #tpu.memory_space<semaphore_mem>>)
      %dma_wait3A_155 = arith.constant 0 : i32
      %dma_wait3A_156 = tpu.memref_slice %arg10[%mul3A_2, %dma_wait3A_155] : memref<51200x32xf32, #tpu.memory_space<vmem_shared>> -> memref<3200x32xf32, #tpu.memory_space<vmem_shared>>
      %dma_wait3A_157 = arith.constant 0 : i32
      %dma_wait3A_158 = arith.constant 0 : i32
      %dma_wait3A_159 = tpu.memref_slice %arg5[%dma_wait3A_157, %dma_wait3A_158] : memref<3200x32xf32, #tpu.memory_space<hbm>> -> memref<3200x32xf32, #tpu.memory_space<hbm>>
      tpu.wait_dma2 semaphore(%run_scoped3A : memref<!tpu.dma_semaphore, #tpu.memory_space<semaphore_mem>>) src(%dma_wait3A_159 : memref<3200x32xf32, #tpu.memory_space<hbm>>) dst(%dma_wait3A_156 : memref<3200x32xf32, #tpu.memory_space<vmem_shared>>)
      tpu.yield
    }) : () -> ()
    %mul3A_3 = arith.constant 6400 : i32
    %mul3A_4 = arith.muli %arg0, %mul3A_3 : i32
    %add3A = arith.addi %mul3A_4, %mul3A_0 : i32
    %add3A_5 = arith.constant 0 : i32
    %add3A_6 = arith.addi %add3A, %add3A_5 : i32
    %dma_start3A = arith.constant 0 : i32
    %dma_start3A_7 = arith.constant 0 : i32
    %dma_start3A_8 = tpu.memref_slice %arg7[%dma_start3A, %dma_start3A_7] : memref<24x128xi32, #tpu.memory_space<vmem>> -> memref<8x128xi32, #tpu.memory_space<vmem>>
    %dma_start3A_9 = arith.constant 0 : i32
    %dma_start3A_10 = tpu.memref_slice %arg3[%add3A_6, %dma_start3A_9] : memref<12800x128xi32, #tpu.memory_space<hbm>> -> memref<8x128xi32, #tpu.memory_space<hbm>>
    %dma_start3A_11 = arith.constant 0 : i32
    %dma_start3A_12 = arith.constant 0 : i32
    %dma_start3A_13 = tpu.memref_slice %arg7[%dma_start3A_11, %dma_start3A_12] : memref<24x128xi32, #tpu.memory_space<vmem>> -> memref<8x128xi32, #tpu.memory_space<vmem>>
    %dma_start3A_14 = arith.constant 0 : i32
    %dma_start3A_15 = tpu.memref_slice %arg3[%add3A_6, %dma_start3A_14] : memref<12800x128xi32, #tpu.memory_space<hbm>> -> memref<8x128xi32, #tpu.memory_space<hbm>>
    tpu.enqueue_dma source(%dma_start3A_15 : memref<8x128xi32, #tpu.memory_space<hbm>>) target(%dma_start3A_13 : memref<8x128xi32, #tpu.memory_space<vmem>>) target_semaphore(%arg13 : memref<!tpu.dma_semaphore, #tpu.memory_space<semaphore_mem>>)
    %add3A_16 = arith.constant 0 : i32
    %add3A_17 = arith.addi %mul3A_0, %add3A_16 : i32
    %dma_start3A_18 = arith.constant 0 : i32
    %dma_start3A_19 = arith.constant 0 : i32
    %dma_start3A_20 = tpu.memref_slice %arg8[%dma_start3A_18, %dma_start3A_19] : memref<24x128xi32, #tpu.memory_space<vmem>> -> memref<8x128xi32, #tpu.memory_space<vmem>>
    %dma_start3A_21 = arith.constant 0 : i32
    %dma_start3A_22 = tpu.memref_slice %arg4[%add3A_17, %dma_start3A_21] : memref<6400x128xi32, #tpu.memory_space<hbm>> -> memref<8x128xi32, #tpu.memory_space<hbm>>
    %dma_start3A_23 = arith.constant 0 : i32
    %dma_start3A_24 = arith.constant 0 : i32
    %dma_start3A_25 = tpu.memref_slice %arg8[%dma_start3A_23, %dma_start3A_24] : memref<24x128xi32, #tpu.memory_space<vmem>> -> memref<8x128xi32, #tpu.memory_space<vmem>>
    %dma_start3A_26 = arith.constant 0 : i32
    %dma_start3A_27 = tpu.memref_slice %arg4[%add3A_17, %dma_start3A_26] : memref<6400x128xi32, #tpu.memory_space<hbm>> -> memref<8x128xi32, #tpu.memory_space<hbm>>
    tpu.enqueue_dma source(%dma_start3A_27 : memref<8x128xi32, #tpu.memory_space<hbm>>) target(%dma_start3A_25 : memref<8x128xi32, #tpu.memory_space<vmem>>) target_semaphore(%arg14 : memref<!tpu.dma_semaphore, #tpu.memory_space<semaphore_mem>>)
    %mul3A_28 = arith.constant 6400 : i32
    %mul3A_29 = arith.muli %arg0, %mul3A_28 : i32
    %add3A_30 = arith.addi %mul3A_29, %mul3A_0 : i32
    %add3A_31 = arith.constant 8 : i32
    %add3A_32 = arith.addi %add3A_30, %add3A_31 : i32
    %dma_start3A_33 = arith.constant 8 : i32
    %dma_start3A_34 = arith.constant 0 : i32
    %dma_start3A_35 = tpu.memref_slice %arg7[%dma_start3A_33, %dma_start3A_34] : memref<24x128xi32, #tpu.memory_space<vmem>> -> memref<8x128xi32, #tpu.memory_space<vmem>>
    %dma_start3A_36 = arith.constant 0 : i32
    %dma_start3A_37 = tpu.memref_slice %arg3[%add3A_32, %dma_start3A_36] : memref<12800x128xi32, #tpu.memory_space<hbm>> -> memref<8x128xi32, #tpu.memory_space<hbm>>
    %dma_start3A_38 = arith.constant 8 : i32
    %dma_start3A_39 = arith.constant 0 : i32
    %dma_start3A_40 = tpu.memref_slice %arg7[%dma_start3A_38, %dma_start3A_39] : memref<24x128xi32, #tpu.memory_space<vmem>> -> memref<8x128xi32, #tpu.memory_space<vmem>>
    %dma_start3A_41 = arith.constant 0 : i32
    %dma_start3A_42 = tpu.memref_slice %arg3[%add3A_32, %dma_start3A_41] : memref<12800x128xi32, #tpu.memory_space<hbm>> -> memref<8x128xi32, #tpu.memory_space<hbm>>
    tpu.enqueue_dma source(%dma_start3A_42 : memref<8x128xi32, #tpu.memory_space<hbm>>) target(%dma_start3A_40 : memref<8x128xi32, #tpu.memory_space<vmem>>) target_semaphore(%arg13 : memref<!tpu.dma_semaphore, #tpu.memory_space<semaphore_mem>>)
    %add3A_43 = arith.constant 8 : i32
    %add3A_44 = arith.addi %mul3A_0, %add3A_43 : i32
    %dma_start3A_45 = arith.constant 8 : i32
    %dma_start3A_46 = arith.constant 0 : i32
    %dma_start3A_47 = tpu.memref_slice %arg8[%dma_start3A_45, %dma_start3A_46] : memref<24x128xi32, #tpu.memory_space<vmem>> -> memref<8x128xi32, #tpu.memory_space<vmem>>
    %dma_start3A_48 = arith.constant 0 : i32
    %dma_start3A_49 = tpu.memref_slice %arg4[%add3A_44, %dma_start3A_48] : memref<6400x128xi32, #tpu.memory_space<hbm>> -> memref<8x128xi32, #tpu.memory_space<hbm>>
    %dma_start3A_50 = arith.constant 8 : i32
    %dma_start3A_51 = arith.constant 0 : i32
    %dma_start3A_52 = tpu.memref_slice %arg8[%dma_start3A_50, %dma_start3A_51] : memref<24x128xi32, #tpu.memory_space<vmem>> -> memref<8x128xi32, #tpu.memory_space<vmem>>
    %dma_start3A_53 = arith.constant 0 : i32
    %dma_start3A_54 = tpu.memref_slice %arg4[%add3A_44, %dma_start3A_53] : memref<6400x128xi32, #tpu.memory_space<hbm>> -> memref<8x128xi32, #tpu.memory_space<hbm>>
    tpu.enqueue_dma source(%dma_start3A_54 : memref<8x128xi32, #tpu.memory_space<hbm>>) target(%dma_start3A_52 : memref<8x128xi32, #tpu.memory_space<vmem>>) target_semaphore(%arg14 : memref<!tpu.dma_semaphore, #tpu.memory_space<semaphore_mem>>)
    %dma_wait3A = arith.constant 0 : i32
    %dma_wait3A_55 = arith.constant 0 : i32
    %dma_wait3A_56 = tpu.memref_slice %arg7[%dma_wait3A, %dma_wait3A_55] : memref<24x128xi32, #tpu.memory_space<vmem>> -> memref<8x128xi32, #tpu.memory_space<vmem>>
    %dma_wait3A_57 = arith.constant 0 : i32
    %dma_wait3A_58 = tpu.memref_slice %arg3[%mul3A_0, %dma_wait3A_57] : memref<12800x128xi32, #tpu.memory_space<hbm>> -> memref<8x128xi32, #tpu.memory_space<hbm>>
    %dma_wait3A_59 = arith.constant 0 : i32
    %dma_wait3A_60 = arith.constant 0 : i32
    %dma_wait3A_61 = tpu.memref_slice %arg7[%dma_wait3A_59, %dma_wait3A_60] : memref<24x128xi32, #tpu.memory_space<vmem>> -> memref<8x128xi32, #tpu.memory_space<vmem>>
    %dma_wait3A_62 = arith.constant 0 : i32
    %dma_wait3A_63 = tpu.memref_slice %arg3[%mul3A_0, %dma_wait3A_62] : memref<12800x128xi32, #tpu.memory_space<hbm>> -> memref<8x128xi32, #tpu.memory_space<hbm>>
    tpu.wait_dma2 semaphore(%arg13 : memref<!tpu.dma_semaphore, #tpu.memory_space<semaphore_mem>>) src(%dma_wait3A_63 : memref<8x128xi32, #tpu.memory_space<hbm>>) dst(%dma_wait3A_61 : memref<8x128xi32, #tpu.memory_space<vmem>>)
    %dma_wait3A_64 = arith.constant 0 : i32
    %dma_wait3A_65 = arith.constant 0 : i32
    %dma_wait3A_66 = tpu.memref_slice %arg8[%dma_wait3A_64, %dma_wait3A_65] : memref<24x128xi32, #tpu.memory_space<vmem>> -> memref<8x128xi32, #tpu.memory_space<vmem>>
    %dma_wait3A_67 = arith.constant 0 : i32
    %dma_wait3A_68 = tpu.memref_slice %arg4[%mul3A_0, %dma_wait3A_67] : memref<6400x128xi32, #tpu.memory_space<hbm>> -> memref<8x128xi32, #tpu.memory_space<hbm>>
    %dma_wait3A_69 = arith.constant 0 : i32
    %dma_wait3A_70 = arith.constant 0 : i32
    %dma_wait3A_71 = tpu.memref_slice %arg8[%dma_wait3A_69, %dma_wait3A_70] : memref<24x128xi32, #tpu.memory_space<vmem>> -> memref<8x128xi32, #tpu.memory_space<vmem>>
    %dma_wait3A_72 = arith.constant 0 : i32
    %dma_wait3A_73 = tpu.memref_slice %arg4[%mul3A_0, %dma_wait3A_72] : memref<6400x128xi32, #tpu.memory_space<hbm>> -> memref<8x128xi32, #tpu.memory_space<hbm>>
    tpu.wait_dma2 semaphore(%arg14 : memref<!tpu.dma_semaphore, #tpu.memory_space<semaphore_mem>>) src(%dma_wait3A_73 : memref<8x128xi32, #tpu.memory_space<hbm>>) dst(%dma_wait3A_71 : memref<8x128xi32, #tpu.memory_space<vmem>>)
    %barrier3A = arith.constant 0 : index
    tpu.barrier barrier_id(%barrier3A)
    %rem3A = arith.constant 0 : i32
    %rem3A_74 = arith.constant 24 : i32
    %rem3A_75 = arith.remsi %rem3A, %rem3A_74 : i32
    %rem3A_76 = arith.constant 0 : i32
    %rem3A_77 = arith.constant 4 : i32
    %rem3A_78 = arith.remsi %rem3A_76, %rem3A_77 : i32
    %mul3A_79 = arith.constant 128 : i32
    %mul3A_80 = arith.muli %rem3A_78, %mul3A_79 : i32
    %dma_start3A_81 = arith.constant 0 : i32
    %dma_start3A_82 = tpu.memref_slice %arg9[%mul3A_80, %dma_start3A_81] : memref<512x32xf32, #tpu.memory_space<vmem>> -> memref<128x32xf32, #tpu.memory_space<vmem>>
    %dma_start3A_83 = arith.constant 0 : i32
    %dma_start3A_84 = tpu.memref_slice %arg7[%rem3A_75, %dma_start3A_83] : memref<24x128xi32, #tpu.memory_space<vmem>> -> memref<1x128xi32, #tpu.memory_space<vmem>>
    %dma_start3A_85 = tpu.memref_squeeze %dma_start3A_84 : memref<1x128xi32, #tpu.memory_space<vmem>> -> memref<128xi32, #tpu.memory_space<vmem>>
    %dma_start3A_86 = arith.constant 0 : i32
    %dma_start3A_87 = arith.constant 0 : i32
    %dma_start3A_88 = tpu.memref_slice %arg2[%dma_start3A_86, %dma_start3A_87] : memref<50176x32xf32, #tpu.memory_space<hbm>> -> memref<50176x32xf32, #tpu.memory_space<hbm>>
    tpu.enqueue_indirect_dma source(%dma_start3A_88 : memref<50176x32xf32, #tpu.memory_space<hbm>>) target(%dma_start3A_82 : memref<128x32xf32, #tpu.memory_space<vmem>>) offsets(%dma_start3A_85 : memref<128xi32, #tpu.memory_space<vmem>>) semaphore(%arg11 : memref<!tpu.dma_semaphore, #tpu.memory_space<semaphore_mem>>)
    %rem3A_89 = arith.constant 1 : i32
    %rem3A_90 = arith.constant 24 : i32
    %rem3A_91 = arith.remsi %rem3A_89, %rem3A_90 : i32
    %rem3A_92 = arith.constant 1 : i32
    %rem3A_93 = arith.constant 4 : i32
    %rem3A_94 = arith.remsi %rem3A_92, %rem3A_93 : i32
    %mul3A_95 = arith.constant 128 : i32
    %mul3A_96 = arith.muli %rem3A_94, %mul3A_95 : i32
    %dma_start3A_97 = arith.constant 0 : i32
    %dma_start3A_98 = tpu.memref_slice %arg9[%mul3A_96, %dma_start3A_97] : memref<512x32xf32, #tpu.memory_space<vmem>> -> memref<128x32xf32, #tpu.memory_space<vmem>>
    %dma_start3A_99 = arith.constant 0 : i32
    %dma_start3A_100 = tpu.memref_slice %arg7[%rem3A_91, %dma_start3A_99] : memref<24x128xi32, #tpu.memory_space<vmem>> -> memref<1x128xi32, #tpu.memory_space<vmem>>
    %dma_start3A_101 = tpu.memref_squeeze %dma_start3A_100 : memref<1x128xi32, #tpu.memory_space<vmem>> -> memref<128xi32, #tpu.memory_space<vmem>>
    %dma_start3A_102 = arith.constant 0 : i32
    %dma_start3A_103 = arith.constant 0 : i32
    %dma_start3A_104 = tpu.memref_slice %arg2[%dma_start3A_102, %dma_start3A_103] : memref<50176x32xf32, #tpu.memory_space<hbm>> -> memref<50176x32xf32, #tpu.memory_space<hbm>>
    tpu.enqueue_indirect_dma source(%dma_start3A_104 : memref<50176x32xf32, #tpu.memory_space<hbm>>) target(%dma_start3A_98 : memref<128x32xf32, #tpu.memory_space<vmem>>) offsets(%dma_start3A_101 : memref<128xi32, #tpu.memory_space<vmem>>) semaphore(%arg11 : memref<!tpu.dma_semaphore, #tpu.memory_space<semaphore_mem>>)
    %rem3A_105 = arith.constant 2 : i32
    %rem3A_106 = arith.constant 24 : i32
    %rem3A_107 = arith.remsi %rem3A_105, %rem3A_106 : i32
    %rem3A_108 = arith.constant 2 : i32
    %rem3A_109 = arith.constant 4 : i32
    %rem3A_110 = arith.remsi %rem3A_108, %rem3A_109 : i32
    %mul3A_111 = arith.constant 128 : i32
    %mul3A_112 = arith.muli %rem3A_110, %mul3A_111 : i32
    %dma_start3A_113 = arith.constant 0 : i32
    %dma_start3A_114 = tpu.memref_slice %arg9[%mul3A_112, %dma_start3A_113] : memref<512x32xf32, #tpu.memory_space<vmem>> -> memref<128x32xf32, #tpu.memory_space<vmem>>
    %dma_start3A_115 = arith.constant 0 : i32
    %dma_start3A_116 = tpu.memref_slice %arg7[%rem3A_107, %dma_start3A_115] : memref<24x128xi32, #tpu.memory_space<vmem>> -> memref<1x128xi32, #tpu.memory_space<vmem>>
    %dma_start3A_117 = tpu.memref_squeeze %dma_start3A_116 : memref<1x128xi32, #tpu.memory_space<vmem>> -> memref<128xi32, #tpu.memory_space<vmem>>
    %dma_start3A_118 = arith.constant 0 : i32
    %dma_start3A_119 = arith.constant 0 : i32
    %dma_start3A_120 = tpu.memref_slice %arg2[%dma_start3A_118, %dma_start3A_119] : memref<50176x32xf32, #tpu.memory_space<hbm>> -> memref<50176x32xf32, #tpu.memory_space<hbm>>
    tpu.enqueue_indirect_dma source(%dma_start3A_120 : memref<50176x32xf32, #tpu.memory_space<hbm>>) target(%dma_start3A_114 : memref<128x32xf32, #tpu.memory_space<vmem>>) offsets(%dma_start3A_117 : memref<128xi32, #tpu.memory_space<vmem>>) semaphore(%arg11 : memref<!tpu.dma_semaphore, #tpu.memory_space<semaphore_mem>>)
    %scan3A = arith.constant 0 : i32
    %scan3A_121 = arith.constant 0 : i32
    %scan3A_122 = arith.constant 400 : i32
    %scan3A_123 = arith.addi %scan3A_121, %scan3A_122 : i32
    %scan3A_124 = arith.constant 1 : i32
    scf.for %scan3A_150 = %scan3A_121 to %scan3A_123 step %scan3A_124  : i32 {
      %rem3A_151 = arith.constant 24 : i32
      %rem3A_152 = arith.remsi %scan3A_150, %rem3A_151 : i32
      %rem3A_153 = arith.constant 4 : i32
      %rem3A_154 = arith.remsi %scan3A_150, %rem3A_153 : i32
      %mul3A_155 = arith.constant 128 : i32
      %mul3A_156 = arith.muli %rem3A_154, %mul3A_155 : i32
      %dma_wait3A_157 = arith.constant 0 : i32
      %dma_wait3A_158 = tpu.memref_slice %arg9[%mul3A_156, %dma_wait3A_157] : memref<512x32xf32, #tpu.memory_space<vmem>> -> memref<128x32xf32, #tpu.memory_space<vmem>>
      %dma_wait3A_159 = arith.constant 0 : i32
      %dma_wait3A_160 = tpu.memref_slice %arg7[%rem3A_152, %dma_wait3A_159] : memref<24x128xi32, #tpu.memory_space<vmem>> -> memref<1x128xi32, #tpu.memory_space<vmem>>
      %dma_wait3A_161 = tpu.memref_squeeze %dma_wait3A_160 : memref<1x128xi32, #tpu.memory_space<vmem>> -> memref<128xi32, #tpu.memory_space<vmem>>
      %dma_wait3A_162 = arith.constant 0 : i32
      %dma_wait3A_163 = arith.constant 0 : i32
      %dma_wait3A_164 = tpu.memref_slice %arg2[%dma_wait3A_162, %dma_wait3A_163] : memref<50176x32xf32, #tpu.memory_space<hbm>> -> memref<50176x32xf32, #tpu.memory_space<hbm>>
      tpu.wait_indirect_dma semaphore(%arg11 : memref<!tpu.dma_semaphore, #tpu.memory_space<semaphore_mem>>) src(%dma_wait3A_164 : memref<50176x32xf32, #tpu.memory_space<hbm>>) dst(%dma_wait3A_158 : memref<128x32xf32, #tpu.memory_space<vmem>>)
      %rem3A_165 = arith.constant 4 : i32
      %rem3A_166 = arith.remsi %scan3A_150, %rem3A_165 : i32
      %mul3A_167 = arith.constant 128 : i32
      %mul3A_168 = arith.muli %rem3A_166, %mul3A_167 : i32
      %rem3A_169 = arith.constant 24 : i32
      %rem3A_170 = arith.remsi %scan3A_150, %rem3A_169 : i32
      %dma_start3A_171 = arith.constant 0 : i32
      %dma_start3A_172 = tpu.memref_slice %arg9[%mul3A_168, %dma_start3A_171] : memref<512x32xf32, #tpu.memory_space<vmem>> -> memref<128x32xf32, #tpu.memory_space<vmem>>
      %dma_start3A_173 = arith.constant 0 : i32
      %dma_start3A_174 = tpu.memref_slice %arg8[%rem3A_170, %dma_start3A_173] : memref<24x128xi32, #tpu.memory_space<vmem>> -> memref<1x128xi32, #tpu.memory_space<vmem>>
      %dma_start3A_175 = tpu.memref_squeeze %dma_start3A_174 : memref<1x128xi32, #tpu.memory_space<vmem>> -> memref<128xi32, #tpu.memory_space<vmem>>
      %dma_start3A_176 = arith.constant 0 : i32
      %dma_start3A_177 = arith.constant 0 : i32
      %dma_start3A_178 = tpu.memref_slice %arg10[%dma_start3A_176, %dma_start3A_177] : memref<51200x32xf32, #tpu.memory_space<vmem_shared>> -> memref<51200x32xf32, #tpu.memory_space<vmem_shared>>
      tpu.enqueue_indirect_dma source(%dma_start3A_172 : memref<128x32xf32, #tpu.memory_space<vmem>>) target(%dma_start3A_178 : memref<51200x32xf32, #tpu.memory_space<vmem_shared>>) offsets(%dma_start3A_175 : memref<128xi32, #tpu.memory_space<vmem>>) semaphore(%arg12 : memref<!tpu.dma_semaphore, #tpu.memory_space<semaphore_mem>>) {add = true}
      %ge3A = arith.constant 1 : i32
      %ge3A_179 = arith.cmpi sge, %scan3A_150, %ge3A : i32
      %convert_element_type3A = arith.extui %ge3A_179 : i1 to i32
      %cond3A = arith.constant 0 : i32
      %cond3A_180 = arith.cmpi ne, %convert_element_type3A, %cond3A : i32
      scf.if %cond3A_180 {
        %sub3A = arith.constant 1 : i32
        %sub3A_193 = arith.subi %scan3A_150, %sub3A : i32
        %rem3A_194 = arith.constant 4 : i32
        %rem3A_195 = arith.remsi %sub3A_193, %rem3A_194 : i32
        %mul3A_196 = arith.constant 128 : i32
        %mul3A_197 = arith.muli %rem3A_195, %mul3A_196 : i32
        %rem3A_198 = arith.constant 24 : i32
        %rem3A_199 = arith.remsi %sub3A_193, %rem3A_198 : i32
        %dma_wait3A_200 = arith.constant 0 : i32
        %dma_wait3A_201 = tpu.memref_slice %arg9[%mul3A_197, %dma_wait3A_200] : memref<512x32xf32, #tpu.memory_space<vmem>> -> memref<128x32xf32, #tpu.memory_space<vmem>>
        %dma_wait3A_202 = arith.constant 0 : i32
        %dma_wait3A_203 = tpu.memref_slice %arg8[%rem3A_199, %dma_wait3A_202] : memref<24x128xi32, #tpu.memory_space<vmem>> -> memref<1x128xi32, #tpu.memory_space<vmem>>
        %dma_wait3A_204 = tpu.memref_squeeze %dma_wait3A_203 : memref<1x128xi32, #tpu.memory_space<vmem>> -> memref<128xi32, #tpu.memory_space<vmem>>
        %dma_wait3A_205 = arith.constant 0 : i32
        %dma_wait3A_206 = arith.constant 0 : i32
        %dma_wait3A_207 = tpu.memref_slice %arg10[%dma_wait3A_205, %dma_wait3A_206] : memref<51200x32xf32, #tpu.memory_space<vmem_shared>> -> memref<51200x32xf32, #tpu.memory_space<vmem_shared>>
        tpu.wait_indirect_dma semaphore(%arg12 : memref<!tpu.dma_semaphore, #tpu.memory_space<semaphore_mem>>) src(%dma_wait3A_201 : memref<128x32xf32, #tpu.memory_space<vmem>>) dst(%dma_wait3A_207 : memref<51200x32xf32, #tpu.memory_space<vmem_shared>>)
      } else {
      }
      %rem3A_181 = arith.constant 8 : i32
      %rem3A_182 = arith.remsi %scan3A_150, %rem3A_181 : i32
      %eq3A = arith.constant 0 : i32
      %eq3A_183 = arith.cmpi eq, %rem3A_182, %eq3A : i32
      %convert_element_type3A_184 = arith.extui %eq3A_183 : i1 to i32
      %cond3A_185 = arith.constant 0 : i32
      %cond3A_186 = arith.cmpi ne, %convert_element_type3A_184, %cond3A_185 : i32
      scf.if %cond3A_186 {
        %jit3A = arith.constant 8 : i32
        %div3A = arith.divsi %scan3A_150, %jit3A : i32
        %sign3A = arith.constant 0 : i32
        %sign3A_193 = arith.cmpi sgt, %scan3A_150, %sign3A : i32
        %sign3A_194 = arith.extui %sign3A_193 : i1 to i32
        %sign3A_195 = arith.constant 0 : i32
        %sign3A_196 = arith.cmpi slt, %scan3A_150, %sign3A_195 : i32
        %sign3A_197 = arith.extui %sign3A_196 : i1 to i32
        %sign3A_198 = arith.subi %sign3A_194, %sign3A_197 : i32
        %sign3A_199 = arith.constant 0 : i32
        %sign3A_200 = arith.cmpi sgt, %jit3A, %sign3A_199 : i32
        %sign3A_201 = arith.extui %sign3A_200 : i1 to i32
        %sign3A_202 = arith.constant 0 : i32
        %sign3A_203 = arith.cmpi slt, %jit3A, %sign3A_202 : i32
        %sign3A_204 = arith.extui %sign3A_203 : i1 to i32
        %sign3A_205 = arith.subi %sign3A_201, %sign3A_204 : i32
        %ne3A = arith.cmpi ne, %sign3A_198, %sign3A_205 : i32
        %rem3A_206 = arith.remsi %scan3A_150, %jit3A : i32
        %ne3A_207 = arith.constant 0 : i32
        %ne3A_208 = arith.cmpi ne, %rem3A_206, %ne3A_207 : i32
        %and3A = arith.andi %ne3A, %ne3A_208 : i1
        %sub3A = arith.constant 1 : i32
        %sub3A_209 = arith.subi %div3A, %sub3A : i32
        %select_n3A = arith.select %and3A, %sub3A_209, %div3A : i32
        %add3A_210 = arith.constant 1 : i32
        %add3A_211 = arith.addi %select_n3A, %add3A_210 : i32
        %le3A_212 = arith.constant 49 : i32
        %le3A_213 = arith.cmpi sle, %add3A_211, %le3A_212 : i32
        %convert_element_type3A_214 = arith.extui %le3A_213 : i1 to i32
        %cond3A_215 = arith.constant 0 : i32
        %cond3A_216 = arith.cmpi ne, %convert_element_type3A_214, %cond3A_215 : i32
        scf.if %cond3A_216 {
          %dma_wait3A_224 = arith.constant 0 : i32
          %dma_wait3A_225 = arith.constant 0 : i32
          %dma_wait3A_226 = tpu.memref_slice %arg7[%dma_wait3A_224, %dma_wait3A_225] : memref<24x128xi32, #tpu.memory_space<vmem>> -> memref<8x128xi32, #tpu.memory_space<vmem>>
          %dma_wait3A_227 = arith.constant 0 : i32
          %dma_wait3A_228 = tpu.memref_slice %arg3[%mul3A_0, %dma_wait3A_227] : memref<12800x128xi32, #tpu.memory_space<hbm>> -> memref<8x128xi32, #tpu.memory_space<hbm>>
          %dma_wait3A_229 = arith.constant 0 : i32
          %dma_wait3A_230 = arith.constant 0 : i32
          %dma_wait3A_231 = tpu.memref_slice %arg7[%dma_wait3A_229, %dma_wait3A_230] : memref<24x128xi32, #tpu.memory_space<vmem>> -> memref<8x128xi32, #tpu.memory_space<vmem>>
          %dma_wait3A_232 = arith.constant 0 : i32
          %dma_wait3A_233 = tpu.memref_slice %arg3[%mul3A_0, %dma_wait3A_232] : memref<12800x128xi32, #tpu.memory_space<hbm>> -> memref<8x128xi32, #tpu.memory_space<hbm>>
          tpu.wait_dma2 semaphore(%arg13 : memref<!tpu.dma_semaphore, #tpu.memory_space<semaphore_mem>>) src(%dma_wait3A_233 : memref<8x128xi32, #tpu.memory_space<hbm>>) dst(%dma_wait3A_231 : memref<8x128xi32, #tpu.memory_space<vmem>>)
          %dma_wait3A_234 = arith.constant 0 : i32
          %dma_wait3A_235 = arith.constant 0 : i32
          %dma_wait3A_236 = tpu.memref_slice %arg8[%dma_wait3A_234, %dma_wait3A_235] : memref<24x128xi32, #tpu.memory_space<vmem>> -> memref<8x128xi32, #tpu.memory_space<vmem>>
          %dma_wait3A_237 = arith.constant 0 : i32
          %dma_wait3A_238 = tpu.memref_slice %arg4[%mul3A_0, %dma_wait3A_237] : memref<6400x128xi32, #tpu.memory_space<hbm>> -> memref<8x128xi32, #tpu.memory_space<hbm>>
          %dma_wait3A_239 = arith.constant 0 : i32
          %dma_wait3A_240 = arith.constant 0 : i32
          %dma_wait3A_241 = tpu.memref_slice %arg8[%dma_wait3A_239, %dma_wait3A_240] : memref<24x128xi32, #tpu.memory_space<vmem>> -> memref<8x128xi32, #tpu.memory_space<vmem>>
          %dma_wait3A_242 = arith.constant 0 : i32
          %dma_wait3A_243 = tpu.memref_slice %arg4[%mul3A_0, %dma_wait3A_242] : memref<6400x128xi32, #tpu.memory_space<hbm>> -> memref<8x128xi32, #tpu.memory_space<hbm>>
          tpu.wait_dma2 semaphore(%arg14 : memref<!tpu.dma_semaphore, #tpu.memory_space<semaphore_mem>>) src(%dma_wait3A_243 : memref<8x128xi32, #tpu.memory_space<hbm>>) dst(%dma_wait3A_241 : memref<8x128xi32, #tpu.memory_space<vmem>>)
        } else {
        }
        %add3A_217 = arith.constant 2 : i32
        %add3A_218 = arith.addi %select_n3A, %add3A_217 : i32
        %le3A_219 = arith.constant 49 : i32
        %le3A_220 = arith.cmpi sle, %add3A_218, %le3A_219 : i32
        %convert_element_type3A_221 = arith.extui %le3A_220 : i1 to i32
        %cond3A_222 = arith.constant 0 : i32
        %cond3A_223 = arith.cmpi ne, %convert_element_type3A_221, %cond3A_222 : i32
        scf.if %cond3A_223 {
          %add3A_224 = arith.constant 2 : i32
          %add3A_225 = arith.addi %select_n3A, %add3A_224 : i32
          %add3A_226 = arith.constant 2 : i32
          %add3A_227 = arith.addi %select_n3A, %add3A_226 : i32
          %rem3A_228 = arith.constant 3 : i32
          %rem3A_229 = arith.remsi %add3A_227, %rem3A_228 : i32
          %mul3A_230 = arith.constant 6400 : i32
          %mul3A_231 = arith.muli %arg0, %mul3A_230 : i32
          %add3A_232 = arith.addi %mul3A_231, %mul3A_0 : i32
          %mul3A_233 = arith.constant 8 : i32
          %mul3A_234 = arith.muli %add3A_225, %mul3A_233 : i32
          %add3A_235 = arith.addi %add3A_232, %mul3A_234 : i32
          %mul3A_236 = arith.constant 8 : i32
          %mul3A_237 = arith.muli %rem3A_229, %mul3A_236 : i32
          %dma_start3A_238 = arith.constant 0 : i32
          %dma_start3A_239 = tpu.memref_slice %arg7[%mul3A_237, %dma_start3A_238] : memref<24x128xi32, #tpu.memory_space<vmem>> -> memref<8x128xi32, #tpu.memory_space<vmem>>
          %dma_start3A_240 = arith.constant 0 : i32
          %dma_start3A_241 = tpu.memref_slice %arg3[%add3A_235, %dma_start3A_240] : memref<12800x128xi32, #tpu.memory_space<hbm>> -> memref<8x128xi32, #tpu.memory_space<hbm>>
          %dma_start3A_242 = arith.constant 0 : i32
          %dma_start3A_243 = tpu.memref_slice %arg7[%mul3A_237, %dma_start3A_242] : memref<24x128xi32, #tpu.memory_space<vmem>> -> memref<8x128xi32, #tpu.memory_space<vmem>>
          %dma_start3A_244 = arith.constant 0 : i32
          %dma_start3A_245 = tpu.memref_slice %arg3[%add3A_235, %dma_start3A_244] : memref<12800x128xi32, #tpu.memory_space<hbm>> -> memref<8x128xi32, #tpu.memory_space<hbm>>
          tpu.enqueue_dma source(%dma_start3A_245 : memref<8x128xi32, #tpu.memory_space<hbm>>) target(%dma_start3A_243 : memref<8x128xi32, #tpu.memory_space<vmem>>) target_semaphore(%arg13 : memref<!tpu.dma_semaphore, #tpu.memory_space<semaphore_mem>>)
          %mul3A_246 = arith.constant 8 : i32
          %mul3A_247 = arith.muli %add3A_225, %mul3A_246 : i32
          %add3A_248 = arith.addi %mul3A_0, %mul3A_247 : i32
          %mul3A_249 = arith.constant 8 : i32
          %mul3A_250 = arith.muli %rem3A_229, %mul3A_249 : i32
          %dma_start3A_251 = arith.constant 0 : i32
          %dma_start3A_252 = tpu.memref_slice %arg8[%mul3A_250, %dma_start3A_251] : memref<24x128xi32, #tpu.memory_space<vmem>> -> memref<8x128xi32, #tpu.memory_space<vmem>>
          %dma_start3A_253 = arith.constant 0 : i32
          %dma_start3A_254 = tpu.memref_slice %arg4[%add3A_248, %dma_start3A_253] : memref<6400x128xi32, #tpu.memory_space<hbm>> -> memref<8x128xi32, #tpu.memory_space<hbm>>
          %dma_start3A_255 = arith.constant 0 : i32
          %dma_start3A_256 = tpu.memref_slice %arg8[%mul3A_250, %dma_start3A_255] : memref<24x128xi32, #tpu.memory_space<vmem>> -> memref<8x128xi32, #tpu.memory_space<vmem>>
          %dma_start3A_257 = arith.constant 0 : i32
          %dma_start3A_258 = tpu.memref_slice %arg4[%add3A_248, %dma_start3A_257] : memref<6400x128xi32, #tpu.memory_space<hbm>> -> memref<8x128xi32, #tpu.memory_space<hbm>>
          tpu.enqueue_dma source(%dma_start3A_258 : memref<8x128xi32, #tpu.memory_space<hbm>>) target(%dma_start3A_256 : memref<8x128xi32, #tpu.memory_space<vmem>>) target_semaphore(%arg14 : memref<!tpu.dma_semaphore, #tpu.memory_space<semaphore_mem>>)
        } else {
        }
      } else {
      }
      %add3A_187 = arith.constant 3 : i32
      %add3A_188 = arith.addi %scan3A_150, %add3A_187 : i32
      %le3A = arith.constant 399 : i32
      %le3A_189 = arith.cmpi sle, %add3A_188, %le3A : i32
      %convert_element_type3A_190 = arith.extui %le3A_189 : i1 to i32
      %cond3A_191 = arith.constant 0 : i32
      %cond3A_192 = arith.cmpi ne, %convert_element_type3A_190, %cond3A_191 : i32
      scf.if %cond3A_192 {
        %add3A_193 = arith.constant 3 : i32
        %add3A_194 = arith.addi %scan3A_150, %add3A_193 : i32
        %rem3A_195 = arith.constant 24 : i32
        %rem3A_196 = arith.remsi %add3A_194, %rem3A_195 : i32
        %rem3A_197 = arith.constant 4 : i32
        %rem3A_198 = arith.remsi %add3A_194, %rem3A_197 : i32
        %mul3A_199 = arith.constant 128 : i32
        %mul3A_200 = arith.muli %rem3A_198, %mul3A_199 : i32
        %dma_start3A_201 = arith.constant 0 : i32
        %dma_start3A_202 = tpu.memref_slice %arg9[%mul3A_200, %dma_start3A_201] : memref<512x32xf32, #tpu.memory_space<vmem>> -> memref<128x32xf32, #tpu.memory_space<vmem>>
        %dma_start3A_203 = arith.constant 0 : i32
        %dma_start3A_204 = tpu.memref_slice %arg7[%rem3A_196, %dma_start3A_203] : memref<24x128xi32, #tpu.memory_space<vmem>> -> memref<1x128xi32, #tpu.memory_space<vmem>>
        %dma_start3A_205 = tpu.memref_squeeze %dma_start3A_204 : memref<1x128xi32, #tpu.memory_space<vmem>> -> memref<128xi32, #tpu.memory_space<vmem>>
        %dma_start3A_206 = arith.constant 0 : i32
        %dma_start3A_207 = arith.constant 0 : i32
        %dma_start3A_208 = tpu.memref_slice %arg2[%dma_start3A_206, %dma_start3A_207] : memref<50176x32xf32, #tpu.memory_space<hbm>> -> memref<50176x32xf32, #tpu.memory_space<hbm>>
        tpu.enqueue_indirect_dma source(%dma_start3A_208 : memref<50176x32xf32, #tpu.memory_space<hbm>>) target(%dma_start3A_202 : memref<128x32xf32, #tpu.memory_space<vmem>>) offsets(%dma_start3A_205 : memref<128xi32, #tpu.memory_space<vmem>>) semaphore(%arg11 : memref<!tpu.dma_semaphore, #tpu.memory_space<semaphore_mem>>)
      } else {
      }
    }
    %scan3A_125 = arith.constant 400 : i32
    %rem3A_126 = arith.constant 399 : i32
    %rem3A_127 = arith.constant 4 : i32
    %rem3A_128 = arith.remsi %rem3A_126, %rem3A_127 : i32
    %mul3A_129 = arith.constant 128 : i32
    %mul3A_130 = arith.muli %rem3A_128, %mul3A_129 : i32
    %rem3A_131 = arith.constant 399 : i32
    %rem3A_132 = arith.constant 24 : i32
    %rem3A_133 = arith.remsi %rem3A_131, %rem3A_132 : i32
    %dma_wait3A_134 = arith.constant 0 : i32
    %dma_wait3A_135 = tpu.memref_slice %arg9[%mul3A_130, %dma_wait3A_134] : memref<512x32xf32, #tpu.memory_space<vmem>> -> memref<128x32xf32, #tpu.memory_space<vmem>>
    %dma_wait3A_136 = arith.constant 0 : i32
    %dma_wait3A_137 = tpu.memref_slice %arg8[%rem3A_133, %dma_wait3A_136] : memref<24x128xi32, #tpu.memory_space<vmem>> -> memref<1x128xi32, #tpu.memory_space<vmem>>
    %dma_wait3A_138 = tpu.memref_squeeze %dma_wait3A_137 : memref<1x128xi32, #tpu.memory_space<vmem>> -> memref<128xi32, #tpu.memory_space<vmem>>
    %dma_wait3A_139 = arith.constant 0 : i32
    %dma_wait3A_140 = arith.constant 0 : i32
    %dma_wait3A_141 = tpu.memref_slice %arg10[%dma_wait3A_139, %dma_wait3A_140] : memref<51200x32xf32, #tpu.memory_space<vmem_shared>> -> memref<51200x32xf32, #tpu.memory_space<vmem_shared>>
    tpu.wait_indirect_dma semaphore(%arg12 : memref<!tpu.dma_semaphore, #tpu.memory_space<semaphore_mem>>) src(%dma_wait3A_135 : memref<128x32xf32, #tpu.memory_space<vmem>>) dst(%dma_wait3A_141 : memref<51200x32xf32, #tpu.memory_space<vmem_shared>>)
    %barrier3A_142 = arith.constant 0 : index
    tpu.barrier barrier_id(%barrier3A_142)
    %mul3A_143 = arith.constant 3128 : i32
    %mul3A_144 = arith.muli %arg1, %mul3A_143 : i32
    %mul3A_145 = arith.constant 50048 : i32
    %mul3A_146 = arith.muli %arg0, %mul3A_145 : i32
    %mul3A_147 = arith.constant 3128 : i32
    %mul3A_148 = arith.muli %arg1, %mul3A_147 : i32
    %add3A_149 = arith.addi %mul3A_146, %mul3A_148 : i32
    "tpu.region"() ({
      %run_scoped3A = tpu.sem_alloc : memref<!tpu.dma_semaphore, #tpu.memory_space<semaphore_mem>>
      %dma_start3A_150 = arith.constant 0 : i32
      %dma_start3A_151 = tpu.memref_slice %arg6[%add3A_149, %dma_start3A_150] : memref<100096x32xf32, #tpu.memory_space<hbm>> -> memref<3128x32xf32, #tpu.memory_space<hbm>>
      %dma_start3A_152 = arith.constant 0 : i32
      %dma_start3A_153 = tpu.memref_slice %arg10[%mul3A_144, %dma_start3A_152] : memref<51200x32xf32, #tpu.memory_space<vmem_shared>> -> memref<3128x32xf32, #tpu.memory_space<vmem_shared>>
      tpu.enqueue_dma source(%dma_start3A_153 : memref<3128x32xf32, #tpu.memory_space<vmem_shared>>) target(%dma_start3A_151 : memref<3128x32xf32, #tpu.memory_space<hbm>>) target_semaphore(%run_scoped3A : memref<!tpu.dma_semaphore, #tpu.memory_space<semaphore_mem>>)
      %dma_wait3A_154 = arith.constant 0 : i32
      %dma_wait3A_155 = tpu.memref_slice %arg6[%add3A_149, %dma_wait3A_154] : memref<100096x32xf32, #tpu.memory_space<hbm>> -> memref<3128x32xf32, #tpu.memory_space<hbm>>
      %dma_wait3A_156 = arith.constant 0 : i32
      %dma_wait3A_157 = tpu.memref_slice %arg10[%mul3A_144, %dma_wait3A_156] : memref<51200x32xf32, #tpu.memory_space<vmem_shared>> -> memref<3128x32xf32, #tpu.memory_space<vmem_shared>>
      tpu.wait_dma2 semaphore(%run_scoped3A : memref<!tpu.dma_semaphore, #tpu.memory_space<semaphore_mem>>) src(%dma_wait3A_157 : memref<3128x32xf32, #tpu.memory_space<vmem_shared>>) dst(%dma_wait3A_155 : memref<3128x32xf32, #tpu.memory_space<hbm>>)
      tpu.yield
    }) : () -> ()
    return
  }
}

#map = affine_map<(d0, d1) -> (0, 0)>
module attributes {stable_mosaic.version = 14 : i64} {
  func.func @spmm(%arg0: i32, %arg1: i32, %arg2: memref<100096x32xf32, #tpu.memory_space<hbm>>, %arg3: memref<12800x128xi32, #tpu.memory_space<hbm>>, %arg4: memref<6400x128xi32, #tpu.memory_space<hbm>>, %arg5: memref<3200x32xf32, #tpu.memory_space<hbm>>, %arg6: memref<50176x32xf32, #tpu.memory_space<hbm>>, %arg7: memref<24x128xi32, #tpu.memory_space<vmem>>, %arg8: memref<24x128xi32, #tpu.memory_space<vmem>>, %arg9: memref<512x32xf32, #tpu.memory_space<vmem>>, %arg10: memref<26624x32xf32, #tpu.memory_space<vmem_shared>>, %arg11: memref<!tpu.dma_semaphore, #tpu.memory_space<semaphore_mem>>, %arg12: memref<!tpu.dma_semaphore, #tpu.memory_space<semaphore_mem>>, %arg13: memref<!tpu.dma_semaphore, #tpu.memory_space<semaphore_mem>>, %arg14: memref<!tpu.dma_semaphore, #tpu.memory_space<semaphore_mem>>) attributes {dimension_semantics = [#tpu.dimension_semantics<core_parallel>, #tpu.dimension_semantics<subcore_parallel>], iteration_bounds = array<i64: 2, 16>, scalar_prefetch = 0 : i64, scratch_operands = 8 : i64, tpu.core_type = #tpu.core_type<sc_vector_subcore>, window_params = [{transform_indices = #map}, {transform_indices = #map}, {transform_indices = #map}, {transform_indices = #map}, {transform_indices = #map}]} {
    %mul3A = arith.constant 400 : i32
    %mul3A_0 = arith.muli %arg1, %mul3A : i32
    %mul3A_1 = arith.constant 1664 : i32
    %mul3A_2 = arith.muli %arg1, %mul3A_1 : i32
    "tpu.region"() ({
      %run_scoped3A = tpu.sem_alloc : memref<!tpu.dma_semaphore, #tpu.memory_space<semaphore_mem>>
      %dma_start3A_150 = arith.constant 0 : i32
      %dma_start3A_151 = tpu.memref_slice %arg10[%mul3A_2, %dma_start3A_150] : memref<26624x32xf32, #tpu.memory_space<vmem_shared>> -> memref<1664x32xf32, #tpu.memory_space<vmem_shared>>
      %dma_start3A_152 = arith.constant 0 : i32
      %dma_start3A_153 = arith.constant 0 : i32
      %dma_start3A_154 = tpu.memref_slice %arg5[%dma_start3A_152, %dma_start3A_153] : memref<3200x32xf32, #tpu.memory_space<hbm>> -> memref<1664x32xf32, #tpu.memory_space<hbm>>
      tpu.enqueue_dma source(%dma_start3A_154 : memref<1664x32xf32, #tpu.memory_space<hbm>>) target(%dma_start3A_151 : memref<1664x32xf32, #tpu.memory_space<vmem_shared>>) target_semaphore(%run_scoped3A : memref<!tpu.dma_semaphore, #tpu.memory_space<semaphore_mem>>)
      %dma_wait3A_155 = arith.constant 0 : i32
      %dma_wait3A_156 = tpu.memref_slice %arg10[%mul3A_2, %dma_wait3A_155] : memref<26624x32xf32, #tpu.memory_space<vmem_shared>> -> memref<1664x32xf32, #tpu.memory_space<vmem_shared>>
      %dma_wait3A_157 = arith.constant 0 : i32
      %dma_wait3A_158 = arith.constant 0 : i32
      %dma_wait3A_159 = tpu.memref_slice %arg5[%dma_wait3A_157, %dma_wait3A_158] : memref<3200x32xf32, #tpu.memory_space<hbm>> -> memref<1664x32xf32, #tpu.memory_space<hbm>>
      tpu.wait_dma2 semaphore(%run_scoped3A : memref<!tpu.dma_semaphore, #tpu.memory_space<semaphore_mem>>) src(%dma_wait3A_159 : memref<1664x32xf32, #tpu.memory_space<hbm>>) dst(%dma_wait3A_156 : memref<1664x32xf32, #tpu.memory_space<vmem_shared>>)
      tpu.yield
    }) : () -> ()
    %mul3A_3 = arith.constant 6400 : i32
    %mul3A_4 = arith.muli %arg0, %mul3A_3 : i32
    %add3A = arith.addi %mul3A_4, %mul3A_0 : i32
    %add3A_5 = arith.constant 0 : i32
    %add3A_6 = arith.addi %add3A, %add3A_5 : i32
    %dma_start3A = arith.constant 0 : i32
    %dma_start3A_7 = arith.constant 0 : i32
    %dma_start3A_8 = tpu.memref_slice %arg7[%dma_start3A, %dma_start3A_7] : memref<24x128xi32, #tpu.memory_space<vmem>> -> memref<8x128xi32, #tpu.memory_space<vmem>>
    %dma_start3A_9 = arith.constant 0 : i32
    %dma_start3A_10 = tpu.memref_slice %arg3[%add3A_6, %dma_start3A_9] : memref<12800x128xi32, #tpu.memory_space<hbm>> -> memref<8x128xi32, #tpu.memory_space<hbm>>
    %dma_start3A_11 = arith.constant 0 : i32
    %dma_start3A_12 = arith.constant 0 : i32
    %dma_start3A_13 = tpu.memref_slice %arg7[%dma_start3A_11, %dma_start3A_12] : memref<24x128xi32, #tpu.memory_space<vmem>> -> memref<8x128xi32, #tpu.memory_space<vmem>>
    %dma_start3A_14 = arith.constant 0 : i32
    %dma_start3A_15 = tpu.memref_slice %arg3[%add3A_6, %dma_start3A_14] : memref<12800x128xi32, #tpu.memory_space<hbm>> -> memref<8x128xi32, #tpu.memory_space<hbm>>
    tpu.enqueue_dma source(%dma_start3A_15 : memref<8x128xi32, #tpu.memory_space<hbm>>) target(%dma_start3A_13 : memref<8x128xi32, #tpu.memory_space<vmem>>) target_semaphore(%arg13 : memref<!tpu.dma_semaphore, #tpu.memory_space<semaphore_mem>>)
    %add3A_16 = arith.constant 0 : i32
    %add3A_17 = arith.addi %mul3A_0, %add3A_16 : i32
    %dma_start3A_18 = arith.constant 0 : i32
    %dma_start3A_19 = arith.constant 0 : i32
    %dma_start3A_20 = tpu.memref_slice %arg8[%dma_start3A_18, %dma_start3A_19] : memref<24x128xi32, #tpu.memory_space<vmem>> -> memref<8x128xi32, #tpu.memory_space<vmem>>
    %dma_start3A_21 = arith.constant 0 : i32
    %dma_start3A_22 = tpu.memref_slice %arg4[%add3A_17, %dma_start3A_21] : memref<6400x128xi32, #tpu.memory_space<hbm>> -> memref<8x128xi32, #tpu.memory_space<hbm>>
    %dma_start3A_23 = arith.constant 0 : i32
    %dma_start3A_24 = arith.constant 0 : i32
    %dma_start3A_25 = tpu.memref_slice %arg8[%dma_start3A_23, %dma_start3A_24] : memref<24x128xi32, #tpu.memory_space<vmem>> -> memref<8x128xi32, #tpu.memory_space<vmem>>
    %dma_start3A_26 = arith.constant 0 : i32
    %dma_start3A_27 = tpu.memref_slice %arg4[%add3A_17, %dma_start3A_26] : memref<6400x128xi32, #tpu.memory_space<hbm>> -> memref<8x128xi32, #tpu.memory_space<hbm>>
    tpu.enqueue_dma source(%dma_start3A_27 : memref<8x128xi32, #tpu.memory_space<hbm>>) target(%dma_start3A_25 : memref<8x128xi32, #tpu.memory_space<vmem>>) target_semaphore(%arg14 : memref<!tpu.dma_semaphore, #tpu.memory_space<semaphore_mem>>)
    %mul3A_28 = arith.constant 6400 : i32
    %mul3A_29 = arith.muli %arg0, %mul3A_28 : i32
    %add3A_30 = arith.addi %mul3A_29, %mul3A_0 : i32
    %add3A_31 = arith.constant 8 : i32
    %add3A_32 = arith.addi %add3A_30, %add3A_31 : i32
    %dma_start3A_33 = arith.constant 8 : i32
    %dma_start3A_34 = arith.constant 0 : i32
    %dma_start3A_35 = tpu.memref_slice %arg7[%dma_start3A_33, %dma_start3A_34] : memref<24x128xi32, #tpu.memory_space<vmem>> -> memref<8x128xi32, #tpu.memory_space<vmem>>
    %dma_start3A_36 = arith.constant 0 : i32
    %dma_start3A_37 = tpu.memref_slice %arg3[%add3A_32, %dma_start3A_36] : memref<12800x128xi32, #tpu.memory_space<hbm>> -> memref<8x128xi32, #tpu.memory_space<hbm>>
    %dma_start3A_38 = arith.constant 8 : i32
    %dma_start3A_39 = arith.constant 0 : i32
    %dma_start3A_40 = tpu.memref_slice %arg7[%dma_start3A_38, %dma_start3A_39] : memref<24x128xi32, #tpu.memory_space<vmem>> -> memref<8x128xi32, #tpu.memory_space<vmem>>
    %dma_start3A_41 = arith.constant 0 : i32
    %dma_start3A_42 = tpu.memref_slice %arg3[%add3A_32, %dma_start3A_41] : memref<12800x128xi32, #tpu.memory_space<hbm>> -> memref<8x128xi32, #tpu.memory_space<hbm>>
    tpu.enqueue_dma source(%dma_start3A_42 : memref<8x128xi32, #tpu.memory_space<hbm>>) target(%dma_start3A_40 : memref<8x128xi32, #tpu.memory_space<vmem>>) target_semaphore(%arg13 : memref<!tpu.dma_semaphore, #tpu.memory_space<semaphore_mem>>)
    %add3A_43 = arith.constant 8 : i32
    %add3A_44 = arith.addi %mul3A_0, %add3A_43 : i32
    %dma_start3A_45 = arith.constant 8 : i32
    %dma_start3A_46 = arith.constant 0 : i32
    %dma_start3A_47 = tpu.memref_slice %arg8[%dma_start3A_45, %dma_start3A_46] : memref<24x128xi32, #tpu.memory_space<vmem>> -> memref<8x128xi32, #tpu.memory_space<vmem>>
    %dma_start3A_48 = arith.constant 0 : i32
    %dma_start3A_49 = tpu.memref_slice %arg4[%add3A_44, %dma_start3A_48] : memref<6400x128xi32, #tpu.memory_space<hbm>> -> memref<8x128xi32, #tpu.memory_space<hbm>>
    %dma_start3A_50 = arith.constant 8 : i32
    %dma_start3A_51 = arith.constant 0 : i32
    %dma_start3A_52 = tpu.memref_slice %arg8[%dma_start3A_50, %dma_start3A_51] : memref<24x128xi32, #tpu.memory_space<vmem>> -> memref<8x128xi32, #tpu.memory_space<vmem>>
    %dma_start3A_53 = arith.constant 0 : i32
    %dma_start3A_54 = tpu.memref_slice %arg4[%add3A_44, %dma_start3A_53] : memref<6400x128xi32, #tpu.memory_space<hbm>> -> memref<8x128xi32, #tpu.memory_space<hbm>>
    tpu.enqueue_dma source(%dma_start3A_54 : memref<8x128xi32, #tpu.memory_space<hbm>>) target(%dma_start3A_52 : memref<8x128xi32, #tpu.memory_space<vmem>>) target_semaphore(%arg14 : memref<!tpu.dma_semaphore, #tpu.memory_space<semaphore_mem>>)
    %dma_wait3A = arith.constant 0 : i32
    %dma_wait3A_55 = arith.constant 0 : i32
    %dma_wait3A_56 = tpu.memref_slice %arg7[%dma_wait3A, %dma_wait3A_55] : memref<24x128xi32, #tpu.memory_space<vmem>> -> memref<8x128xi32, #tpu.memory_space<vmem>>
    %dma_wait3A_57 = arith.constant 0 : i32
    %dma_wait3A_58 = tpu.memref_slice %arg3[%mul3A_0, %dma_wait3A_57] : memref<12800x128xi32, #tpu.memory_space<hbm>> -> memref<8x128xi32, #tpu.memory_space<hbm>>
    %dma_wait3A_59 = arith.constant 0 : i32
    %dma_wait3A_60 = arith.constant 0 : i32
    %dma_wait3A_61 = tpu.memref_slice %arg7[%dma_wait3A_59, %dma_wait3A_60] : memref<24x128xi32, #tpu.memory_space<vmem>> -> memref<8x128xi32, #tpu.memory_space<vmem>>
    %dma_wait3A_62 = arith.constant 0 : i32
    %dma_wait3A_63 = tpu.memref_slice %arg3[%mul3A_0, %dma_wait3A_62] : memref<12800x128xi32, #tpu.memory_space<hbm>> -> memref<8x128xi32, #tpu.memory_space<hbm>>
    tpu.wait_dma2 semaphore(%arg13 : memref<!tpu.dma_semaphore, #tpu.memory_space<semaphore_mem>>) src(%dma_wait3A_63 : memref<8x128xi32, #tpu.memory_space<hbm>>) dst(%dma_wait3A_61 : memref<8x128xi32, #tpu.memory_space<vmem>>)
    %dma_wait3A_64 = arith.constant 0 : i32
    %dma_wait3A_65 = arith.constant 0 : i32
    %dma_wait3A_66 = tpu.memref_slice %arg8[%dma_wait3A_64, %dma_wait3A_65] : memref<24x128xi32, #tpu.memory_space<vmem>> -> memref<8x128xi32, #tpu.memory_space<vmem>>
    %dma_wait3A_67 = arith.constant 0 : i32
    %dma_wait3A_68 = tpu.memref_slice %arg4[%mul3A_0, %dma_wait3A_67] : memref<6400x128xi32, #tpu.memory_space<hbm>> -> memref<8x128xi32, #tpu.memory_space<hbm>>
    %dma_wait3A_69 = arith.constant 0 : i32
    %dma_wait3A_70 = arith.constant 0 : i32
    %dma_wait3A_71 = tpu.memref_slice %arg8[%dma_wait3A_69, %dma_wait3A_70] : memref<24x128xi32, #tpu.memory_space<vmem>> -> memref<8x128xi32, #tpu.memory_space<vmem>>
    %dma_wait3A_72 = arith.constant 0 : i32
    %dma_wait3A_73 = tpu.memref_slice %arg4[%mul3A_0, %dma_wait3A_72] : memref<6400x128xi32, #tpu.memory_space<hbm>> -> memref<8x128xi32, #tpu.memory_space<hbm>>
    tpu.wait_dma2 semaphore(%arg14 : memref<!tpu.dma_semaphore, #tpu.memory_space<semaphore_mem>>) src(%dma_wait3A_73 : memref<8x128xi32, #tpu.memory_space<hbm>>) dst(%dma_wait3A_71 : memref<8x128xi32, #tpu.memory_space<vmem>>)
    %barrier3A = arith.constant 0 : index
    tpu.barrier barrier_id(%barrier3A)
    %rem3A = arith.constant 0 : i32
    %rem3A_74 = arith.constant 24 : i32
    %rem3A_75 = arith.remsi %rem3A, %rem3A_74 : i32
    %rem3A_76 = arith.constant 0 : i32
    %rem3A_77 = arith.constant 4 : i32
    %rem3A_78 = arith.remsi %rem3A_76, %rem3A_77 : i32
    %mul3A_79 = arith.constant 128 : i32
    %mul3A_80 = arith.muli %rem3A_78, %mul3A_79 : i32
    %dma_start3A_81 = arith.constant 0 : i32
    %dma_start3A_82 = tpu.memref_slice %arg9[%mul3A_80, %dma_start3A_81] : memref<512x32xf32, #tpu.memory_space<vmem>> -> memref<128x32xf32, #tpu.memory_space<vmem>>
    %dma_start3A_83 = arith.constant 0 : i32
    %dma_start3A_84 = tpu.memref_slice %arg7[%rem3A_75, %dma_start3A_83] : memref<24x128xi32, #tpu.memory_space<vmem>> -> memref<1x128xi32, #tpu.memory_space<vmem>>
    %dma_start3A_85 = tpu.memref_squeeze %dma_start3A_84 : memref<1x128xi32, #tpu.memory_space<vmem>> -> memref<128xi32, #tpu.memory_space<vmem>>
    %dma_start3A_86 = arith.constant 0 : i32
    %dma_start3A_87 = arith.constant 0 : i32
    %dma_start3A_88 = tpu.memref_slice %arg2[%dma_start3A_86, %dma_start3A_87] : memref<100096x32xf32, #tpu.memory_space<hbm>> -> memref<100096x32xf32, #tpu.memory_space<hbm>>
    tpu.enqueue_indirect_dma source(%dma_start3A_88 : memref<100096x32xf32, #tpu.memory_space<hbm>>) target(%dma_start3A_82 : memref<128x32xf32, #tpu.memory_space<vmem>>) offsets(%dma_start3A_85 : memref<128xi32, #tpu.memory_space<vmem>>) semaphore(%arg11 : memref<!tpu.dma_semaphore, #tpu.memory_space<semaphore_mem>>)
    %rem3A_89 = arith.constant 1 : i32
    %rem3A_90 = arith.constant 24 : i32
    %rem3A_91 = arith.remsi %rem3A_89, %rem3A_90 : i32
    %rem3A_92 = arith.constant 1 : i32
    %rem3A_93 = arith.constant 4 : i32
    %rem3A_94 = arith.remsi %rem3A_92, %rem3A_93 : i32
    %mul3A_95 = arith.constant 128 : i32
    %mul3A_96 = arith.muli %rem3A_94, %mul3A_95 : i32
    %dma_start3A_97 = arith.constant 0 : i32
    %dma_start3A_98 = tpu.memref_slice %arg9[%mul3A_96, %dma_start3A_97] : memref<512x32xf32, #tpu.memory_space<vmem>> -> memref<128x32xf32, #tpu.memory_space<vmem>>
    %dma_start3A_99 = arith.constant 0 : i32
    %dma_start3A_100 = tpu.memref_slice %arg7[%rem3A_91, %dma_start3A_99] : memref<24x128xi32, #tpu.memory_space<vmem>> -> memref<1x128xi32, #tpu.memory_space<vmem>>
    %dma_start3A_101 = tpu.memref_squeeze %dma_start3A_100 : memref<1x128xi32, #tpu.memory_space<vmem>> -> memref<128xi32, #tpu.memory_space<vmem>>
    %dma_start3A_102 = arith.constant 0 : i32
    %dma_start3A_103 = arith.constant 0 : i32
    %dma_start3A_104 = tpu.memref_slice %arg2[%dma_start3A_102, %dma_start3A_103] : memref<100096x32xf32, #tpu.memory_space<hbm>> -> memref<100096x32xf32, #tpu.memory_space<hbm>>
    tpu.enqueue_indirect_dma source(%dma_start3A_104 : memref<100096x32xf32, #tpu.memory_space<hbm>>) target(%dma_start3A_98 : memref<128x32xf32, #tpu.memory_space<vmem>>) offsets(%dma_start3A_101 : memref<128xi32, #tpu.memory_space<vmem>>) semaphore(%arg11 : memref<!tpu.dma_semaphore, #tpu.memory_space<semaphore_mem>>)
    %rem3A_105 = arith.constant 2 : i32
    %rem3A_106 = arith.constant 24 : i32
    %rem3A_107 = arith.remsi %rem3A_105, %rem3A_106 : i32
    %rem3A_108 = arith.constant 2 : i32
    %rem3A_109 = arith.constant 4 : i32
    %rem3A_110 = arith.remsi %rem3A_108, %rem3A_109 : i32
    %mul3A_111 = arith.constant 128 : i32
    %mul3A_112 = arith.muli %rem3A_110, %mul3A_111 : i32
    %dma_start3A_113 = arith.constant 0 : i32
    %dma_start3A_114 = tpu.memref_slice %arg9[%mul3A_112, %dma_start3A_113] : memref<512x32xf32, #tpu.memory_space<vmem>> -> memref<128x32xf32, #tpu.memory_space<vmem>>
    %dma_start3A_115 = arith.constant 0 : i32
    %dma_start3A_116 = tpu.memref_slice %arg7[%rem3A_107, %dma_start3A_115] : memref<24x128xi32, #tpu.memory_space<vmem>> -> memref<1x128xi32, #tpu.memory_space<vmem>>
    %dma_start3A_117 = tpu.memref_squeeze %dma_start3A_116 : memref<1x128xi32, #tpu.memory_space<vmem>> -> memref<128xi32, #tpu.memory_space<vmem>>
    %dma_start3A_118 = arith.constant 0 : i32
    %dma_start3A_119 = arith.constant 0 : i32
    %dma_start3A_120 = tpu.memref_slice %arg2[%dma_start3A_118, %dma_start3A_119] : memref<100096x32xf32, #tpu.memory_space<hbm>> -> memref<100096x32xf32, #tpu.memory_space<hbm>>
    tpu.enqueue_indirect_dma source(%dma_start3A_120 : memref<100096x32xf32, #tpu.memory_space<hbm>>) target(%dma_start3A_114 : memref<128x32xf32, #tpu.memory_space<vmem>>) offsets(%dma_start3A_117 : memref<128xi32, #tpu.memory_space<vmem>>) semaphore(%arg11 : memref<!tpu.dma_semaphore, #tpu.memory_space<semaphore_mem>>)
    %scan3A = arith.constant 0 : i32
    %scan3A_121 = arith.constant 0 : i32
    %scan3A_122 = arith.constant 400 : i32
    %scan3A_123 = arith.addi %scan3A_121, %scan3A_122 : i32
    %scan3A_124 = arith.constant 1 : i32
    scf.for %scan3A_150 = %scan3A_121 to %scan3A_123 step %scan3A_124  : i32 {
      %rem3A_151 = arith.constant 24 : i32
      %rem3A_152 = arith.remsi %scan3A_150, %rem3A_151 : i32
      %rem3A_153 = arith.constant 4 : i32
      %rem3A_154 = arith.remsi %scan3A_150, %rem3A_153 : i32
      %mul3A_155 = arith.constant 128 : i32
      %mul3A_156 = arith.muli %rem3A_154, %mul3A_155 : i32
      %dma_wait3A_157 = arith.constant 0 : i32
      %dma_wait3A_158 = tpu.memref_slice %arg9[%mul3A_156, %dma_wait3A_157] : memref<512x32xf32, #tpu.memory_space<vmem>> -> memref<128x32xf32, #tpu.memory_space<vmem>>
      %dma_wait3A_159 = arith.constant 0 : i32
      %dma_wait3A_160 = tpu.memref_slice %arg7[%rem3A_152, %dma_wait3A_159] : memref<24x128xi32, #tpu.memory_space<vmem>> -> memref<1x128xi32, #tpu.memory_space<vmem>>
      %dma_wait3A_161 = tpu.memref_squeeze %dma_wait3A_160 : memref<1x128xi32, #tpu.memory_space<vmem>> -> memref<128xi32, #tpu.memory_space<vmem>>
      %dma_wait3A_162 = arith.constant 0 : i32
      %dma_wait3A_163 = arith.constant 0 : i32
      %dma_wait3A_164 = tpu.memref_slice %arg2[%dma_wait3A_162, %dma_wait3A_163] : memref<100096x32xf32, #tpu.memory_space<hbm>> -> memref<100096x32xf32, #tpu.memory_space<hbm>>
      tpu.wait_indirect_dma semaphore(%arg11 : memref<!tpu.dma_semaphore, #tpu.memory_space<semaphore_mem>>) src(%dma_wait3A_164 : memref<100096x32xf32, #tpu.memory_space<hbm>>) dst(%dma_wait3A_158 : memref<128x32xf32, #tpu.memory_space<vmem>>)
      %rem3A_165 = arith.constant 4 : i32
      %rem3A_166 = arith.remsi %scan3A_150, %rem3A_165 : i32
      %mul3A_167 = arith.constant 128 : i32
      %mul3A_168 = arith.muli %rem3A_166, %mul3A_167 : i32
      %rem3A_169 = arith.constant 24 : i32
      %rem3A_170 = arith.remsi %scan3A_150, %rem3A_169 : i32
      %dma_start3A_171 = arith.constant 0 : i32
      %dma_start3A_172 = tpu.memref_slice %arg9[%mul3A_168, %dma_start3A_171] : memref<512x32xf32, #tpu.memory_space<vmem>> -> memref<128x32xf32, #tpu.memory_space<vmem>>
      %dma_start3A_173 = arith.constant 0 : i32
      %dma_start3A_174 = tpu.memref_slice %arg8[%rem3A_170, %dma_start3A_173] : memref<24x128xi32, #tpu.memory_space<vmem>> -> memref<1x128xi32, #tpu.memory_space<vmem>>
      %dma_start3A_175 = tpu.memref_squeeze %dma_start3A_174 : memref<1x128xi32, #tpu.memory_space<vmem>> -> memref<128xi32, #tpu.memory_space<vmem>>
      %dma_start3A_176 = arith.constant 0 : i32
      %dma_start3A_177 = arith.constant 0 : i32
      %dma_start3A_178 = tpu.memref_slice %arg10[%dma_start3A_176, %dma_start3A_177] : memref<26624x32xf32, #tpu.memory_space<vmem_shared>> -> memref<26624x32xf32, #tpu.memory_space<vmem_shared>>
      tpu.enqueue_indirect_dma source(%dma_start3A_172 : memref<128x32xf32, #tpu.memory_space<vmem>>) target(%dma_start3A_178 : memref<26624x32xf32, #tpu.memory_space<vmem_shared>>) offsets(%dma_start3A_175 : memref<128xi32, #tpu.memory_space<vmem>>) semaphore(%arg12 : memref<!tpu.dma_semaphore, #tpu.memory_space<semaphore_mem>>) {add = true}
      %ge3A = arith.constant 1 : i32
      %ge3A_179 = arith.cmpi sge, %scan3A_150, %ge3A : i32
      %convert_element_type3A = arith.extui %ge3A_179 : i1 to i32
      %cond3A = arith.constant 0 : i32
      %cond3A_180 = arith.cmpi ne, %convert_element_type3A, %cond3A : i32
      scf.if %cond3A_180 {
        %sub3A = arith.constant 1 : i32
        %sub3A_193 = arith.subi %scan3A_150, %sub3A : i32
        %rem3A_194 = arith.constant 4 : i32
        %rem3A_195 = arith.remsi %sub3A_193, %rem3A_194 : i32
        %mul3A_196 = arith.constant 128 : i32
        %mul3A_197 = arith.muli %rem3A_195, %mul3A_196 : i32
        %rem3A_198 = arith.constant 24 : i32
        %rem3A_199 = arith.remsi %sub3A_193, %rem3A_198 : i32
        %dma_wait3A_200 = arith.constant 0 : i32
        %dma_wait3A_201 = tpu.memref_slice %arg9[%mul3A_197, %dma_wait3A_200] : memref<512x32xf32, #tpu.memory_space<vmem>> -> memref<128x32xf32, #tpu.memory_space<vmem>>
        %dma_wait3A_202 = arith.constant 0 : i32
        %dma_wait3A_203 = tpu.memref_slice %arg8[%rem3A_199, %dma_wait3A_202] : memref<24x128xi32, #tpu.memory_space<vmem>> -> memref<1x128xi32, #tpu.memory_space<vmem>>
        %dma_wait3A_204 = tpu.memref_squeeze %dma_wait3A_203 : memref<1x128xi32, #tpu.memory_space<vmem>> -> memref<128xi32, #tpu.memory_space<vmem>>
        %dma_wait3A_205 = arith.constant 0 : i32
        %dma_wait3A_206 = arith.constant 0 : i32
        %dma_wait3A_207 = tpu.memref_slice %arg10[%dma_wait3A_205, %dma_wait3A_206] : memref<26624x32xf32, #tpu.memory_space<vmem_shared>> -> memref<26624x32xf32, #tpu.memory_space<vmem_shared>>
        tpu.wait_indirect_dma semaphore(%arg12 : memref<!tpu.dma_semaphore, #tpu.memory_space<semaphore_mem>>) src(%dma_wait3A_201 : memref<128x32xf32, #tpu.memory_space<vmem>>) dst(%dma_wait3A_207 : memref<26624x32xf32, #tpu.memory_space<vmem_shared>>)
      } else {
      }
      %rem3A_181 = arith.constant 8 : i32
      %rem3A_182 = arith.remsi %scan3A_150, %rem3A_181 : i32
      %eq3A = arith.constant 0 : i32
      %eq3A_183 = arith.cmpi eq, %rem3A_182, %eq3A : i32
      %convert_element_type3A_184 = arith.extui %eq3A_183 : i1 to i32
      %cond3A_185 = arith.constant 0 : i32
      %cond3A_186 = arith.cmpi ne, %convert_element_type3A_184, %cond3A_185 : i32
      scf.if %cond3A_186 {
        %jit3A = arith.constant 8 : i32
        %div3A = arith.divsi %scan3A_150, %jit3A : i32
        %sign3A = arith.constant 0 : i32
        %sign3A_193 = arith.cmpi sgt, %scan3A_150, %sign3A : i32
        %sign3A_194 = arith.extui %sign3A_193 : i1 to i32
        %sign3A_195 = arith.constant 0 : i32
        %sign3A_196 = arith.cmpi slt, %scan3A_150, %sign3A_195 : i32
        %sign3A_197 = arith.extui %sign3A_196 : i1 to i32
        %sign3A_198 = arith.subi %sign3A_194, %sign3A_197 : i32
        %sign3A_199 = arith.constant 0 : i32
        %sign3A_200 = arith.cmpi sgt, %jit3A, %sign3A_199 : i32
        %sign3A_201 = arith.extui %sign3A_200 : i1 to i32
        %sign3A_202 = arith.constant 0 : i32
        %sign3A_203 = arith.cmpi slt, %jit3A, %sign3A_202 : i32
        %sign3A_204 = arith.extui %sign3A_203 : i1 to i32
        %sign3A_205 = arith.subi %sign3A_201, %sign3A_204 : i32
        %ne3A = arith.cmpi ne, %sign3A_198, %sign3A_205 : i32
        %rem3A_206 = arith.remsi %scan3A_150, %jit3A : i32
        %ne3A_207 = arith.constant 0 : i32
        %ne3A_208 = arith.cmpi ne, %rem3A_206, %ne3A_207 : i32
        %and3A = arith.andi %ne3A, %ne3A_208 : i1
        %sub3A = arith.constant 1 : i32
        %sub3A_209 = arith.subi %div3A, %sub3A : i32
        %select_n3A = arith.select %and3A, %sub3A_209, %div3A : i32
        %add3A_210 = arith.constant 1 : i32
        %add3A_211 = arith.addi %select_n3A, %add3A_210 : i32
        %le3A_212 = arith.constant 49 : i32
        %le3A_213 = arith.cmpi sle, %add3A_211, %le3A_212 : i32
        %convert_element_type3A_214 = arith.extui %le3A_213 : i1 to i32
        %cond3A_215 = arith.constant 0 : i32
        %cond3A_216 = arith.cmpi ne, %convert_element_type3A_214, %cond3A_215 : i32
        scf.if %cond3A_216 {
          %dma_wait3A_224 = arith.constant 0 : i32
          %dma_wait3A_225 = arith.constant 0 : i32
          %dma_wait3A_226 = tpu.memref_slice %arg7[%dma_wait3A_224, %dma_wait3A_225] : memref<24x128xi32, #tpu.memory_space<vmem>> -> memref<8x128xi32, #tpu.memory_space<vmem>>
          %dma_wait3A_227 = arith.constant 0 : i32
          %dma_wait3A_228 = tpu.memref_slice %arg3[%mul3A_0, %dma_wait3A_227] : memref<12800x128xi32, #tpu.memory_space<hbm>> -> memref<8x128xi32, #tpu.memory_space<hbm>>
          %dma_wait3A_229 = arith.constant 0 : i32
          %dma_wait3A_230 = arith.constant 0 : i32
          %dma_wait3A_231 = tpu.memref_slice %arg7[%dma_wait3A_229, %dma_wait3A_230] : memref<24x128xi32, #tpu.memory_space<vmem>> -> memref<8x128xi32, #tpu.memory_space<vmem>>
          %dma_wait3A_232 = arith.constant 0 : i32
          %dma_wait3A_233 = tpu.memref_slice %arg3[%mul3A_0, %dma_wait3A_232] : memref<12800x128xi32, #tpu.memory_space<hbm>> -> memref<8x128xi32, #tpu.memory_space<hbm>>
          tpu.wait_dma2 semaphore(%arg13 : memref<!tpu.dma_semaphore, #tpu.memory_space<semaphore_mem>>) src(%dma_wait3A_233 : memref<8x128xi32, #tpu.memory_space<hbm>>) dst(%dma_wait3A_231 : memref<8x128xi32, #tpu.memory_space<vmem>>)
          %dma_wait3A_234 = arith.constant 0 : i32
          %dma_wait3A_235 = arith.constant 0 : i32
          %dma_wait3A_236 = tpu.memref_slice %arg8[%dma_wait3A_234, %dma_wait3A_235] : memref<24x128xi32, #tpu.memory_space<vmem>> -> memref<8x128xi32, #tpu.memory_space<vmem>>
          %dma_wait3A_237 = arith.constant 0 : i32
          %dma_wait3A_238 = tpu.memref_slice %arg4[%mul3A_0, %dma_wait3A_237] : memref<6400x128xi32, #tpu.memory_space<hbm>> -> memref<8x128xi32, #tpu.memory_space<hbm>>
          %dma_wait3A_239 = arith.constant 0 : i32
          %dma_wait3A_240 = arith.constant 0 : i32
          %dma_wait3A_241 = tpu.memref_slice %arg8[%dma_wait3A_239, %dma_wait3A_240] : memref<24x128xi32, #tpu.memory_space<vmem>> -> memref<8x128xi32, #tpu.memory_space<vmem>>
          %dma_wait3A_242 = arith.constant 0 : i32
          %dma_wait3A_243 = tpu.memref_slice %arg4[%mul3A_0, %dma_wait3A_242] : memref<6400x128xi32, #tpu.memory_space<hbm>> -> memref<8x128xi32, #tpu.memory_space<hbm>>
          tpu.wait_dma2 semaphore(%arg14 : memref<!tpu.dma_semaphore, #tpu.memory_space<semaphore_mem>>) src(%dma_wait3A_243 : memref<8x128xi32, #tpu.memory_space<hbm>>) dst(%dma_wait3A_241 : memref<8x128xi32, #tpu.memory_space<vmem>>)
        } else {
        }
        %add3A_217 = arith.constant 2 : i32
        %add3A_218 = arith.addi %select_n3A, %add3A_217 : i32
        %le3A_219 = arith.constant 49 : i32
        %le3A_220 = arith.cmpi sle, %add3A_218, %le3A_219 : i32
        %convert_element_type3A_221 = arith.extui %le3A_220 : i1 to i32
        %cond3A_222 = arith.constant 0 : i32
        %cond3A_223 = arith.cmpi ne, %convert_element_type3A_221, %cond3A_222 : i32
        scf.if %cond3A_223 {
          %add3A_224 = arith.constant 2 : i32
          %add3A_225 = arith.addi %select_n3A, %add3A_224 : i32
          %add3A_226 = arith.constant 2 : i32
          %add3A_227 = arith.addi %select_n3A, %add3A_226 : i32
          %rem3A_228 = arith.constant 3 : i32
          %rem3A_229 = arith.remsi %add3A_227, %rem3A_228 : i32
          %mul3A_230 = arith.constant 6400 : i32
          %mul3A_231 = arith.muli %arg0, %mul3A_230 : i32
          %add3A_232 = arith.addi %mul3A_231, %mul3A_0 : i32
          %mul3A_233 = arith.constant 8 : i32
          %mul3A_234 = arith.muli %add3A_225, %mul3A_233 : i32
          %add3A_235 = arith.addi %add3A_232, %mul3A_234 : i32
          %mul3A_236 = arith.constant 8 : i32
          %mul3A_237 = arith.muli %rem3A_229, %mul3A_236 : i32
          %dma_start3A_238 = arith.constant 0 : i32
          %dma_start3A_239 = tpu.memref_slice %arg7[%mul3A_237, %dma_start3A_238] : memref<24x128xi32, #tpu.memory_space<vmem>> -> memref<8x128xi32, #tpu.memory_space<vmem>>
          %dma_start3A_240 = arith.constant 0 : i32
          %dma_start3A_241 = tpu.memref_slice %arg3[%add3A_235, %dma_start3A_240] : memref<12800x128xi32, #tpu.memory_space<hbm>> -> memref<8x128xi32, #tpu.memory_space<hbm>>
          %dma_start3A_242 = arith.constant 0 : i32
          %dma_start3A_243 = tpu.memref_slice %arg7[%mul3A_237, %dma_start3A_242] : memref<24x128xi32, #tpu.memory_space<vmem>> -> memref<8x128xi32, #tpu.memory_space<vmem>>
          %dma_start3A_244 = arith.constant 0 : i32
          %dma_start3A_245 = tpu.memref_slice %arg3[%add3A_235, %dma_start3A_244] : memref<12800x128xi32, #tpu.memory_space<hbm>> -> memref<8x128xi32, #tpu.memory_space<hbm>>
          tpu.enqueue_dma source(%dma_start3A_245 : memref<8x128xi32, #tpu.memory_space<hbm>>) target(%dma_start3A_243 : memref<8x128xi32, #tpu.memory_space<vmem>>) target_semaphore(%arg13 : memref<!tpu.dma_semaphore, #tpu.memory_space<semaphore_mem>>)
          %mul3A_246 = arith.constant 8 : i32
          %mul3A_247 = arith.muli %add3A_225, %mul3A_246 : i32
          %add3A_248 = arith.addi %mul3A_0, %mul3A_247 : i32
          %mul3A_249 = arith.constant 8 : i32
          %mul3A_250 = arith.muli %rem3A_229, %mul3A_249 : i32
          %dma_start3A_251 = arith.constant 0 : i32
          %dma_start3A_252 = tpu.memref_slice %arg8[%mul3A_250, %dma_start3A_251] : memref<24x128xi32, #tpu.memory_space<vmem>> -> memref<8x128xi32, #tpu.memory_space<vmem>>
          %dma_start3A_253 = arith.constant 0 : i32
          %dma_start3A_254 = tpu.memref_slice %arg4[%add3A_248, %dma_start3A_253] : memref<6400x128xi32, #tpu.memory_space<hbm>> -> memref<8x128xi32, #tpu.memory_space<hbm>>
          %dma_start3A_255 = arith.constant 0 : i32
          %dma_start3A_256 = tpu.memref_slice %arg8[%mul3A_250, %dma_start3A_255] : memref<24x128xi32, #tpu.memory_space<vmem>> -> memref<8x128xi32, #tpu.memory_space<vmem>>
          %dma_start3A_257 = arith.constant 0 : i32
          %dma_start3A_258 = tpu.memref_slice %arg4[%add3A_248, %dma_start3A_257] : memref<6400x128xi32, #tpu.memory_space<hbm>> -> memref<8x128xi32, #tpu.memory_space<hbm>>
          tpu.enqueue_dma source(%dma_start3A_258 : memref<8x128xi32, #tpu.memory_space<hbm>>) target(%dma_start3A_256 : memref<8x128xi32, #tpu.memory_space<vmem>>) target_semaphore(%arg14 : memref<!tpu.dma_semaphore, #tpu.memory_space<semaphore_mem>>)
        } else {
        }
      } else {
      }
      %add3A_187 = arith.constant 3 : i32
      %add3A_188 = arith.addi %scan3A_150, %add3A_187 : i32
      %le3A = arith.constant 399 : i32
      %le3A_189 = arith.cmpi sle, %add3A_188, %le3A : i32
      %convert_element_type3A_190 = arith.extui %le3A_189 : i1 to i32
      %cond3A_191 = arith.constant 0 : i32
      %cond3A_192 = arith.cmpi ne, %convert_element_type3A_190, %cond3A_191 : i32
      scf.if %cond3A_192 {
        %add3A_193 = arith.constant 3 : i32
        %add3A_194 = arith.addi %scan3A_150, %add3A_193 : i32
        %rem3A_195 = arith.constant 24 : i32
        %rem3A_196 = arith.remsi %add3A_194, %rem3A_195 : i32
        %rem3A_197 = arith.constant 4 : i32
        %rem3A_198 = arith.remsi %add3A_194, %rem3A_197 : i32
        %mul3A_199 = arith.constant 128 : i32
        %mul3A_200 = arith.muli %rem3A_198, %mul3A_199 : i32
        %dma_start3A_201 = arith.constant 0 : i32
        %dma_start3A_202 = tpu.memref_slice %arg9[%mul3A_200, %dma_start3A_201] : memref<512x32xf32, #tpu.memory_space<vmem>> -> memref<128x32xf32, #tpu.memory_space<vmem>>
        %dma_start3A_203 = arith.constant 0 : i32
        %dma_start3A_204 = tpu.memref_slice %arg7[%rem3A_196, %dma_start3A_203] : memref<24x128xi32, #tpu.memory_space<vmem>> -> memref<1x128xi32, #tpu.memory_space<vmem>>
        %dma_start3A_205 = tpu.memref_squeeze %dma_start3A_204 : memref<1x128xi32, #tpu.memory_space<vmem>> -> memref<128xi32, #tpu.memory_space<vmem>>
        %dma_start3A_206 = arith.constant 0 : i32
        %dma_start3A_207 = arith.constant 0 : i32
        %dma_start3A_208 = tpu.memref_slice %arg2[%dma_start3A_206, %dma_start3A_207] : memref<100096x32xf32, #tpu.memory_space<hbm>> -> memref<100096x32xf32, #tpu.memory_space<hbm>>
        tpu.enqueue_indirect_dma source(%dma_start3A_208 : memref<100096x32xf32, #tpu.memory_space<hbm>>) target(%dma_start3A_202 : memref<128x32xf32, #tpu.memory_space<vmem>>) offsets(%dma_start3A_205 : memref<128xi32, #tpu.memory_space<vmem>>) semaphore(%arg11 : memref<!tpu.dma_semaphore, #tpu.memory_space<semaphore_mem>>)
      } else {
      }
    }
    %scan3A_125 = arith.constant 400 : i32
    %rem3A_126 = arith.constant 399 : i32
    %rem3A_127 = arith.constant 4 : i32
    %rem3A_128 = arith.remsi %rem3A_126, %rem3A_127 : i32
    %mul3A_129 = arith.constant 128 : i32
    %mul3A_130 = arith.muli %rem3A_128, %mul3A_129 : i32
    %rem3A_131 = arith.constant 399 : i32
    %rem3A_132 = arith.constant 24 : i32
    %rem3A_133 = arith.remsi %rem3A_131, %rem3A_132 : i32
    %dma_wait3A_134 = arith.constant 0 : i32
    %dma_wait3A_135 = tpu.memref_slice %arg9[%mul3A_130, %dma_wait3A_134] : memref<512x32xf32, #tpu.memory_space<vmem>> -> memref<128x32xf32, #tpu.memory_space<vmem>>
    %dma_wait3A_136 = arith.constant 0 : i32
    %dma_wait3A_137 = tpu.memref_slice %arg8[%rem3A_133, %dma_wait3A_136] : memref<24x128xi32, #tpu.memory_space<vmem>> -> memref<1x128xi32, #tpu.memory_space<vmem>>
    %dma_wait3A_138 = tpu.memref_squeeze %dma_wait3A_137 : memref<1x128xi32, #tpu.memory_space<vmem>> -> memref<128xi32, #tpu.memory_space<vmem>>
    %dma_wait3A_139 = arith.constant 0 : i32
    %dma_wait3A_140 = arith.constant 0 : i32
    %dma_wait3A_141 = tpu.memref_slice %arg10[%dma_wait3A_139, %dma_wait3A_140] : memref<26624x32xf32, #tpu.memory_space<vmem_shared>> -> memref<26624x32xf32, #tpu.memory_space<vmem_shared>>
    tpu.wait_indirect_dma semaphore(%arg12 : memref<!tpu.dma_semaphore, #tpu.memory_space<semaphore_mem>>) src(%dma_wait3A_135 : memref<128x32xf32, #tpu.memory_space<vmem>>) dst(%dma_wait3A_141 : memref<26624x32xf32, #tpu.memory_space<vmem_shared>>)
    %barrier3A_142 = arith.constant 0 : index
    tpu.barrier barrier_id(%barrier3A_142)
    %mul3A_143 = arith.constant 1568 : i32
    %mul3A_144 = arith.muli %arg1, %mul3A_143 : i32
    %mul3A_145 = arith.constant 25088 : i32
    %mul3A_146 = arith.muli %arg0, %mul3A_145 : i32
    %mul3A_147 = arith.constant 1568 : i32
    %mul3A_148 = arith.muli %arg1, %mul3A_147 : i32
    %add3A_149 = arith.addi %mul3A_146, %mul3A_148 : i32
    "tpu.region"() ({
      %run_scoped3A = tpu.sem_alloc : memref<!tpu.dma_semaphore, #tpu.memory_space<semaphore_mem>>
      %dma_start3A_150 = arith.constant 0 : i32
      %dma_start3A_151 = tpu.memref_slice %arg6[%add3A_149, %dma_start3A_150] : memref<50176x32xf32, #tpu.memory_space<hbm>> -> memref<1568x32xf32, #tpu.memory_space<hbm>>
      %dma_start3A_152 = arith.constant 0 : i32
      %dma_start3A_153 = tpu.memref_slice %arg10[%mul3A_144, %dma_start3A_152] : memref<26624x32xf32, #tpu.memory_space<vmem_shared>> -> memref<1568x32xf32, #tpu.memory_space<vmem_shared>>
      tpu.enqueue_dma source(%dma_start3A_153 : memref<1568x32xf32, #tpu.memory_space<vmem_shared>>) target(%dma_start3A_151 : memref<1568x32xf32, #tpu.memory_space<hbm>>) target_semaphore(%run_scoped3A : memref<!tpu.dma_semaphore, #tpu.memory_space<semaphore_mem>>)
      %dma_wait3A_154 = arith.constant 0 : i32
      %dma_wait3A_155 = tpu.memref_slice %arg6[%add3A_149, %dma_wait3A_154] : memref<50176x32xf32, #tpu.memory_space<hbm>> -> memref<1568x32xf32, #tpu.memory_space<hbm>>
      %dma_wait3A_156 = arith.constant 0 : i32
      %dma_wait3A_157 = tpu.memref_slice %arg10[%mul3A_144, %dma_wait3A_156] : memref<26624x32xf32, #tpu.memory_space<vmem_shared>> -> memref<1568x32xf32, #tpu.memory_space<vmem_shared>>
      tpu.wait_dma2 semaphore(%run_scoped3A : memref<!tpu.dma_semaphore, #tpu.memory_space<semaphore_mem>>) src(%dma_wait3A_157 : memref<1568x32xf32, #tpu.memory_space<vmem_shared>>) dst(%dma_wait3A_155 : memref<1568x32xf32, #tpu.memory_space<hbm>>)
      tpu.yield
    }) : () -> ()
    return
  }
}

#map = affine_map<(d0, d1) -> (0, 0)>
module attributes {stable_mosaic.version = 14 : i64} {
  func.func @_degrees(%arg0: i32, %arg1: i32, %arg2: memref<12800x128xi32, #tpu.memory_space<hbm>>, %arg3: memref<3200x1xf32, #tpu.memory_space<hbm>>, %arg4: memref<128x1xf32, #tpu.memory_space<hbm>>, %arg5: memref<100096x1xf32, #tpu.memory_space<hbm>>, %arg6: memref<400x128xi32, #tpu.memory_space<vmem>>, %arg7: memref<128x1xf32, #tpu.memory_space<vmem>>, %arg8: memref<51200x1xf32, #tpu.memory_space<vmem_shared>>, %arg9: memref<!tpu.dma_semaphore, #tpu.memory_space<semaphore_mem>>) attributes {dimension_semantics = [#tpu.dimension_semantics<core_parallel>, #tpu.dimension_semantics<subcore_parallel>], iteration_bounds = array<i64: 2, 16>, scalar_prefetch = 0 : i64, scratch_operands = 4 : i64, tpu.core_type = #tpu.core_type<sc_vector_subcore>, window_params = [{transform_indices = #map}, {transform_indices = #map}, {transform_indices = #map}, {transform_indices = #map}]} {
    %mul3A = arith.constant 400 : i32
    %mul3A_0 = arith.muli %arg1, %mul3A : i32
    "tpu.region"() ({
      %run_scoped3A = tpu.sem_alloc : memref<!tpu.dma_semaphore, #tpu.memory_space<semaphore_mem>>
      tpu.enqueue_dma source(%arg4 : memref<128x1xf32, #tpu.memory_space<hbm>>) target(%arg7 : memref<128x1xf32, #tpu.memory_space<vmem>>) target_semaphore(%run_scoped3A : memref<!tpu.dma_semaphore, #tpu.memory_space<semaphore_mem>>)
      tpu.wait_dma2 semaphore(%run_scoped3A : memref<!tpu.dma_semaphore, #tpu.memory_space<semaphore_mem>>) src(%arg4 : memref<128x1xf32, #tpu.memory_space<hbm>>) dst(%arg7 : memref<128x1xf32, #tpu.memory_space<vmem>>)
      tpu.yield
    }) : () -> ()
    %mul3A_1 = arith.constant 3200 : i32
    %mul3A_2 = arith.muli %arg1, %mul3A_1 : i32
    "tpu.region"() ({
      %run_scoped3A = tpu.sem_alloc : memref<!tpu.dma_semaphore, #tpu.memory_space<semaphore_mem>>
      %dma_start3A = arith.constant 0 : i32
      %dma_start3A_18 = tpu.memref_slice %arg8[%mul3A_2, %dma_start3A] : memref<51200x1xf32, #tpu.memory_space<vmem_shared>> -> memref<3200x1xf32, #tpu.memory_space<vmem_shared>>
      %dma_start3A_19 = arith.constant 0 : i32
      %dma_start3A_20 = arith.constant 0 : i32
      %dma_start3A_21 = tpu.memref_slice %arg3[%dma_start3A_19, %dma_start3A_20] : memref<3200x1xf32, #tpu.memory_space<hbm>> -> memref<3200x1xf32, #tpu.memory_space<hbm>>
      tpu.enqueue_dma source(%dma_start3A_21 : memref<3200x1xf32, #tpu.memory_space<hbm>>) target(%dma_start3A_18 : memref<3200x1xf32, #tpu.memory_space<vmem_shared>>) target_semaphore(%run_scoped3A : memref<!tpu.dma_semaphore, #tpu.memory_space<semaphore_mem>>)
      %dma_wait3A = arith.constant 0 : i32
      %dma_wait3A_22 = tpu.memref_slice %arg8[%mul3A_2, %dma_wait3A] : memref<51200x1xf32, #tpu.memory_space<vmem_shared>> -> memref<3200x1xf32, #tpu.memory_space<vmem_shared>>
      %dma_wait3A_23 = arith.constant 0 : i32
      %dma_wait3A_24 = arith.constant 0 : i32
      %dma_wait3A_25 = tpu.memref_slice %arg3[%dma_wait3A_23, %dma_wait3A_24] : memref<3200x1xf32, #tpu.memory_space<hbm>> -> memref<3200x1xf32, #tpu.memory_space<hbm>>
      tpu.wait_dma2 semaphore(%run_scoped3A : memref<!tpu.dma_semaphore, #tpu.memory_space<semaphore_mem>>) src(%dma_wait3A_25 : memref<3200x1xf32, #tpu.memory_space<hbm>>) dst(%dma_wait3A_22 : memref<3200x1xf32, #tpu.memory_space<vmem_shared>>)
      tpu.yield
    }) : () -> ()
    %mul3A_3 = arith.constant 6400 : i32
    %mul3A_4 = arith.muli %arg0, %mul3A_3 : i32
    %add3A = arith.addi %mul3A_4, %mul3A_0 : i32
    "tpu.region"() ({
      %run_scoped3A = tpu.sem_alloc : memref<!tpu.dma_semaphore, #tpu.memory_space<semaphore_mem>>
      %dma_start3A = arith.constant 0 : i32
      %dma_start3A_18 = tpu.memref_slice %arg2[%add3A, %dma_start3A] : memref<12800x128xi32, #tpu.memory_space<hbm>> -> memref<400x128xi32, #tpu.memory_space<hbm>>
      %dma_start3A_19 = arith.constant 0 : i32
      %dma_start3A_20 = tpu.memref_slice %arg2[%add3A, %dma_start3A_19] : memref<12800x128xi32, #tpu.memory_space<hbm>> -> memref<400x128xi32, #tpu.memory_space<hbm>>
      tpu.enqueue_dma source(%dma_start3A_20 : memref<400x128xi32, #tpu.memory_space<hbm>>) target(%arg6 : memref<400x128xi32, #tpu.memory_space<vmem>>) target_semaphore(%run_scoped3A : memref<!tpu.dma_semaphore, #tpu.memory_space<semaphore_mem>>)
      %dma_wait3A = arith.constant 0 : i32
      %dma_wait3A_21 = tpu.memref_slice %arg2[%add3A, %dma_wait3A] : memref<12800x128xi32, #tpu.memory_space<hbm>> -> memref<400x128xi32, #tpu.memory_space<hbm>>
      %dma_wait3A_22 = arith.constant 0 : i32
      %dma_wait3A_23 = tpu.memref_slice %arg2[%add3A, %dma_wait3A_22] : memref<12800x128xi32, #tpu.memory_space<hbm>> -> memref<400x128xi32, #tpu.memory_space<hbm>>
      tpu.wait_dma2 semaphore(%run_scoped3A : memref<!tpu.dma_semaphore, #tpu.memory_space<semaphore_mem>>) src(%dma_wait3A_23 : memref<400x128xi32, #tpu.memory_space<hbm>>) dst(%arg6 : memref<400x128xi32, #tpu.memory_space<vmem>>)
      tpu.yield
    }) : () -> ()
    %barrier3A = arith.constant 0 : index
    tpu.barrier barrier_id(%barrier3A)
    %scan3A = arith.constant 0 : i32
    %scan3A_5 = arith.constant 0 : i32
    %scan3A_6 = arith.constant 50 : i32
    %scan3A_7 = arith.addi %scan3A_5, %scan3A_6 : i32
    %scan3A_8 = arith.constant 1 : i32
    scf.for %scan3A_18 = %scan3A_5 to %scan3A_7 step %scan3A_8  : i32 {
      %mul3A_19 = arith.constant 8 : i32
      %mul3A_20 = arith.muli %scan3A_18, %mul3A_19 : i32
      %add3A_21 = arith.constant 0 : i32
      %add3A_22 = arith.addi %mul3A_20, %add3A_21 : i32
      %dma_start3A = arith.constant 0 : i32
      %dma_start3A_23 = tpu.memref_slice %arg6[%add3A_22, %dma_start3A] : memref<400x128xi32, #tpu.memory_space<vmem>> -> memref<1x128xi32, #tpu.memory_space<vmem>>
      %dma_start3A_24 = tpu.memref_squeeze %dma_start3A_23 : memref<1x128xi32, #tpu.memory_space<vmem>> -> memref<128xi32, #tpu.memory_space<vmem>>
      %dma_start3A_25 = arith.constant 0 : i32
      %dma_start3A_26 = arith.constant 0 : i32
      %dma_start3A_27 = tpu.memref_slice %arg8[%dma_start3A_25, %dma_start3A_26] : memref<51200x1xf32, #tpu.memory_space<vmem_shared>> -> memref<51200x1xf32, #tpu.memory_space<vmem_shared>>
      tpu.enqueue_indirect_dma source(%arg7 : memref<128x1xf32, #tpu.memory_space<vmem>>) target(%dma_start3A_27 : memref<51200x1xf32, #tpu.memory_space<vmem_shared>>) offsets(%dma_start3A_24 : memref<128xi32, #tpu.memory_space<vmem>>) semaphore(%arg9 : memref<!tpu.dma_semaphore, #tpu.memory_space<semaphore_mem>>) {add = true}
      %add3A_28 = arith.constant 1 : i32
      %add3A_29 = arith.addi %mul3A_20, %add3A_28 : i32
      %dma_start3A_30 = arith.constant 0 : i32
      %dma_start3A_31 = tpu.memref_slice %arg6[%add3A_29, %dma_start3A_30] : memref<400x128xi32, #tpu.memory_space<vmem>> -> memref<1x128xi32, #tpu.memory_space<vmem>>
      %dma_start3A_32 = tpu.memref_squeeze %dma_start3A_31 : memref<1x128xi32, #tpu.memory_space<vmem>> -> memref<128xi32, #tpu.memory_space<vmem>>
      %dma_start3A_33 = arith.constant 0 : i32
      %dma_start3A_34 = arith.constant 0 : i32
      %dma_start3A_35 = tpu.memref_slice %arg8[%dma_start3A_33, %dma_start3A_34] : memref<51200x1xf32, #tpu.memory_space<vmem_shared>> -> memref<51200x1xf32, #tpu.memory_space<vmem_shared>>
      tpu.enqueue_indirect_dma source(%arg7 : memref<128x1xf32, #tpu.memory_space<vmem>>) target(%dma_start3A_35 : memref<51200x1xf32, #tpu.memory_space<vmem_shared>>) offsets(%dma_start3A_32 : memref<128xi32, #tpu.memory_space<vmem>>) semaphore(%arg9 : memref<!tpu.dma_semaphore, #tpu.memory_space<semaphore_mem>>) {add = true}
      %add3A_36 = arith.constant 2 : i32
      %add3A_37 = arith.addi %mul3A_20, %add3A_36 : i32
      %dma_start3A_38 = arith.constant 0 : i32
      %dma_start3A_39 = tpu.memref_slice %arg6[%add3A_37, %dma_start3A_38] : memref<400x128xi32, #tpu.memory_space<vmem>> -> memref<1x128xi32, #tpu.memory_space<vmem>>
      %dma_start3A_40 = tpu.memref_squeeze %dma_start3A_39 : memref<1x128xi32, #tpu.memory_space<vmem>> -> memref<128xi32, #tpu.memory_space<vmem>>
      %dma_start3A_41 = arith.constant 0 : i32
      %dma_start3A_42 = arith.constant 0 : i32
      %dma_start3A_43 = tpu.memref_slice %arg8[%dma_start3A_41, %dma_start3A_42] : memref<51200x1xf32, #tpu.memory_space<vmem_shared>> -> memref<51200x1xf32, #tpu.memory_space<vmem_shared>>
      tpu.enqueue_indirect_dma source(%arg7 : memref<128x1xf32, #tpu.memory_space<vmem>>) target(%dma_start3A_43 : memref<51200x1xf32, #tpu.memory_space<vmem_shared>>) offsets(%dma_start3A_40 : memref<128xi32, #tpu.memory_space<vmem>>) semaphore(%arg9 : memref<!tpu.dma_semaphore, #tpu.memory_space<semaphore_mem>>) {add = true}
      %add3A_44 = arith.constant 3 : i32
      %add3A_45 = arith.addi %mul3A_20, %add3A_44 : i32
      %dma_start3A_46 = arith.constant 0 : i32
      %dma_start3A_47 = tpu.memref_slice %arg6[%add3A_45, %dma_start3A_46] : memref<400x128xi32, #tpu.memory_space<vmem>> -> memref<1x128xi32, #tpu.memory_space<vmem>>
      %dma_start3A_48 = tpu.memref_squeeze %dma_start3A_47 : memref<1x128xi32, #tpu.memory_space<vmem>> -> memref<128xi32, #tpu.memory_space<vmem>>
      %dma_start3A_49 = arith.constant 0 : i32
      %dma_start3A_50 = arith.constant 0 : i32
      %dma_start3A_51 = tpu.memref_slice %arg8[%dma_start3A_49, %dma_start3A_50] : memref<51200x1xf32, #tpu.memory_space<vmem_shared>> -> memref<51200x1xf32, #tpu.memory_space<vmem_shared>>
      tpu.enqueue_indirect_dma source(%arg7 : memref<128x1xf32, #tpu.memory_space<vmem>>) target(%dma_start3A_51 : memref<51200x1xf32, #tpu.memory_space<vmem_shared>>) offsets(%dma_start3A_48 : memref<128xi32, #tpu.memory_space<vmem>>) semaphore(%arg9 : memref<!tpu.dma_semaphore, #tpu.memory_space<semaphore_mem>>) {add = true}
      %add3A_52 = arith.constant 4 : i32
      %add3A_53 = arith.addi %mul3A_20, %add3A_52 : i32
      %dma_start3A_54 = arith.constant 0 : i32
      %dma_start3A_55 = tpu.memref_slice %arg6[%add3A_53, %dma_start3A_54] : memref<400x128xi32, #tpu.memory_space<vmem>> -> memref<1x128xi32, #tpu.memory_space<vmem>>
      %dma_start3A_56 = tpu.memref_squeeze %dma_start3A_55 : memref<1x128xi32, #tpu.memory_space<vmem>> -> memref<128xi32, #tpu.memory_space<vmem>>
      %dma_start3A_57 = arith.constant 0 : i32
      %dma_start3A_58 = arith.constant 0 : i32
      %dma_start3A_59 = tpu.memref_slice %arg8[%dma_start3A_57, %dma_start3A_58] : memref<51200x1xf32, #tpu.memory_space<vmem_shared>> -> memref<51200x1xf32, #tpu.memory_space<vmem_shared>>
      tpu.enqueue_indirect_dma source(%arg7 : memref<128x1xf32, #tpu.memory_space<vmem>>) target(%dma_start3A_59 : memref<51200x1xf32, #tpu.memory_space<vmem_shared>>) offsets(%dma_start3A_56 : memref<128xi32, #tpu.memory_space<vmem>>) semaphore(%arg9 : memref<!tpu.dma_semaphore, #tpu.memory_space<semaphore_mem>>) {add = true}
      %add3A_60 = arith.constant 5 : i32
      %add3A_61 = arith.addi %mul3A_20, %add3A_60 : i32
      %dma_start3A_62 = arith.constant 0 : i32
      %dma_start3A_63 = tpu.memref_slice %arg6[%add3A_61, %dma_start3A_62] : memref<400x128xi32, #tpu.memory_space<vmem>> -> memref<1x128xi32, #tpu.memory_space<vmem>>
      %dma_start3A_64 = tpu.memref_squeeze %dma_start3A_63 : memref<1x128xi32, #tpu.memory_space<vmem>> -> memref<128xi32, #tpu.memory_space<vmem>>
      %dma_start3A_65 = arith.constant 0 : i32
      %dma_start3A_66 = arith.constant 0 : i32
      %dma_start3A_67 = tpu.memref_slice %arg8[%dma_start3A_65, %dma_start3A_66] : memref<51200x1xf32, #tpu.memory_space<vmem_shared>> -> memref<51200x1xf32, #tpu.memory_space<vmem_shared>>
      tpu.enqueue_indirect_dma source(%arg7 : memref<128x1xf32, #tpu.memory_space<vmem>>) target(%dma_start3A_67 : memref<51200x1xf32, #tpu.memory_space<vmem_shared>>) offsets(%dma_start3A_64 : memref<128xi32, #tpu.memory_space<vmem>>) semaphore(%arg9 : memref<!tpu.dma_semaphore, #tpu.memory_space<semaphore_mem>>) {add = true}
      %add3A_68 = arith.constant 6 : i32
      %add3A_69 = arith.addi %mul3A_20, %add3A_68 : i32
      %dma_start3A_70 = arith.constant 0 : i32
      %dma_start3A_71 = tpu.memref_slice %arg6[%add3A_69, %dma_start3A_70] : memref<400x128xi32, #tpu.memory_space<vmem>> -> memref<1x128xi32, #tpu.memory_space<vmem>>
      %dma_start3A_72 = tpu.memref_squeeze %dma_start3A_71 : memref<1x128xi32, #tpu.memory_space<vmem>> -> memref<128xi32, #tpu.memory_space<vmem>>
      %dma_start3A_73 = arith.constant 0 : i32
      %dma_start3A_74 = arith.constant 0 : i32
      %dma_start3A_75 = tpu.memref_slice %arg8[%dma_start3A_73, %dma_start3A_74] : memref<51200x1xf32, #tpu.memory_space<vmem_shared>> -> memref<51200x1xf32, #tpu.memory_space<vmem_shared>>
      tpu.enqueue_indirect_dma source(%arg7 : memref<128x1xf32, #tpu.memory_space<vmem>>) target(%dma_start3A_75 : memref<51200x1xf32, #tpu.memory_space<vmem_shared>>) offsets(%dma_start3A_72 : memref<128xi32, #tpu.memory_space<vmem>>) semaphore(%arg9 : memref<!tpu.dma_semaphore, #tpu.memory_space<semaphore_mem>>) {add = true}
      %add3A_76 = arith.constant 7 : i32
      %add3A_77 = arith.addi %mul3A_20, %add3A_76 : i32
      %dma_start3A_78 = arith.constant 0 : i32
      %dma_start3A_79 = tpu.memref_slice %arg6[%add3A_77, %dma_start3A_78] : memref<400x128xi32, #tpu.memory_space<vmem>> -> memref<1x128xi32, #tpu.memory_space<vmem>>
      %dma_start3A_80 = tpu.memref_squeeze %dma_start3A_79 : memref<1x128xi32, #tpu.memory_space<vmem>> -> memref<128xi32, #tpu.memory_space<vmem>>
      %dma_start3A_81 = arith.constant 0 : i32
      %dma_start3A_82 = arith.constant 0 : i32
      %dma_start3A_83 = tpu.memref_slice %arg8[%dma_start3A_81, %dma_start3A_82] : memref<51200x1xf32, #tpu.memory_space<vmem_shared>> -> memref<51200x1xf32, #tpu.memory_space<vmem_shared>>
      tpu.enqueue_indirect_dma source(%arg7 : memref<128x1xf32, #tpu.memory_space<vmem>>) target(%dma_start3A_83 : memref<51200x1xf32, #tpu.memory_space<vmem_shared>>) offsets(%dma_start3A_80 : memref<128xi32, #tpu.memory_space<vmem>>) semaphore(%arg9 : memref<!tpu.dma_semaphore, #tpu.memory_space<semaphore_mem>>) {add = true}
      %dma_wait3A = arith.constant 0 : i32
      %dma_wait3A_84 = tpu.memref_slice %arg6[%add3A_22, %dma_wait3A] : memref<400x128xi32, #tpu.memory_space<vmem>> -> memref<1x128xi32, #tpu.memory_space<vmem>>
      %dma_wait3A_85 = tpu.memref_squeeze %dma_wait3A_84 : memref<1x128xi32, #tpu.memory_space<vmem>> -> memref<128xi32, #tpu.memory_space<vmem>>
      %dma_wait3A_86 = arith.constant 0 : i32
      %dma_wait3A_87 = arith.constant 0 : i32
      %dma_wait3A_88 = tpu.memref_slice %arg8[%dma_wait3A_86, %dma_wait3A_87] : memref<51200x1xf32, #tpu.memory_space<vmem_shared>> -> memref<51200x1xf32, #tpu.memory_space<vmem_shared>>
      tpu.wait_indirect_dma semaphore(%arg9 : memref<!tpu.dma_semaphore, #tpu.memory_space<semaphore_mem>>) src(%arg7 : memref<128x1xf32, #tpu.memory_space<vmem>>) dst(%dma_wait3A_88 : memref<51200x1xf32, #tpu.memory_space<vmem_shared>>)
      %dma_wait3A_89 = arith.constant 0 : i32
      %dma_wait3A_90 = tpu.memref_slice %arg6[%add3A_29, %dma_wait3A_89] : memref<400x128xi32, #tpu.memory_space<vmem>> -> memref<1x128xi32, #tpu.memory_space<vmem>>
      %dma_wait3A_91 = tpu.memref_squeeze %dma_wait3A_90 : memref<1x128xi32, #tpu.memory_space<vmem>> -> memref<128xi32, #tpu.memory_space<vmem>>
      %dma_wait3A_92 = arith.constant 0 : i32
      %dma_wait3A_93 = arith.constant 0 : i32
      %dma_wait3A_94 = tpu.memref_slice %arg8[%dma_wait3A_92, %dma_wait3A_93] : memref<51200x1xf32, #tpu.memory_space<vmem_shared>> -> memref<51200x1xf32, #tpu.memory_space<vmem_shared>>
      tpu.wait_indirect_dma semaphore(%arg9 : memref<!tpu.dma_semaphore, #tpu.memory_space<semaphore_mem>>) src(%arg7 : memref<128x1xf32, #tpu.memory_space<vmem>>) dst(%dma_wait3A_94 : memref<51200x1xf32, #tpu.memory_space<vmem_shared>>)
      %dma_wait3A_95 = arith.constant 0 : i32
      %dma_wait3A_96 = tpu.memref_slice %arg6[%add3A_37, %dma_wait3A_95] : memref<400x128xi32, #tpu.memory_space<vmem>> -> memref<1x128xi32, #tpu.memory_space<vmem>>
      %dma_wait3A_97 = tpu.memref_squeeze %dma_wait3A_96 : memref<1x128xi32, #tpu.memory_space<vmem>> -> memref<128xi32, #tpu.memory_space<vmem>>
      %dma_wait3A_98 = arith.constant 0 : i32
      %dma_wait3A_99 = arith.constant 0 : i32
      %dma_wait3A_100 = tpu.memref_slice %arg8[%dma_wait3A_98, %dma_wait3A_99] : memref<51200x1xf32, #tpu.memory_space<vmem_shared>> -> memref<51200x1xf32, #tpu.memory_space<vmem_shared>>
      tpu.wait_indirect_dma semaphore(%arg9 : memref<!tpu.dma_semaphore, #tpu.memory_space<semaphore_mem>>) src(%arg7 : memref<128x1xf32, #tpu.memory_space<vmem>>) dst(%dma_wait3A_100 : memref<51200x1xf32, #tpu.memory_space<vmem_shared>>)
      %dma_wait3A_101 = arith.constant 0 : i32
      %dma_wait3A_102 = tpu.memref_slice %arg6[%add3A_45, %dma_wait3A_101] : memref<400x128xi32, #tpu.memory_space<vmem>> -> memref<1x128xi32, #tpu.memory_space<vmem>>
      %dma_wait3A_103 = tpu.memref_squeeze %dma_wait3A_102 : memref<1x128xi32, #tpu.memory_space<vmem>> -> memref<128xi32, #tpu.memory_space<vmem>>
      %dma_wait3A_104 = arith.constant 0 : i32
      %dma_wait3A_105 = arith.constant 0 : i32
      %dma_wait3A_106 = tpu.memref_slice %arg8[%dma_wait3A_104, %dma_wait3A_105] : memref<51200x1xf32, #tpu.memory_space<vmem_shared>> -> memref<51200x1xf32, #tpu.memory_space<vmem_shared>>
      tpu.wait_indirect_dma semaphore(%arg9 : memref<!tpu.dma_semaphore, #tpu.memory_space<semaphore_mem>>) src(%arg7 : memref<128x1xf32, #tpu.memory_space<vmem>>) dst(%dma_wait3A_106 : memref<51200x1xf32, #tpu.memory_space<vmem_shared>>)
      %dma_wait3A_107 = arith.constant 0 : i32
      %dma_wait3A_108 = tpu.memref_slice %arg6[%add3A_53, %dma_wait3A_107] : memref<400x128xi32, #tpu.memory_space<vmem>> -> memref<1x128xi32, #tpu.memory_space<vmem>>
      %dma_wait3A_109 = tpu.memref_squeeze %dma_wait3A_108 : memref<1x128xi32, #tpu.memory_space<vmem>> -> memref<128xi32, #tpu.memory_space<vmem>>
      %dma_wait3A_110 = arith.constant 0 : i32
      %dma_wait3A_111 = arith.constant 0 : i32
      %dma_wait3A_112 = tpu.memref_slice %arg8[%dma_wait3A_110, %dma_wait3A_111] : memref<51200x1xf32, #tpu.memory_space<vmem_shared>> -> memref<51200x1xf32, #tpu.memory_space<vmem_shared>>
      tpu.wait_indirect_dma semaphore(%arg9 : memref<!tpu.dma_semaphore, #tpu.memory_space<semaphore_mem>>) src(%arg7 : memref<128x1xf32, #tpu.memory_space<vmem>>) dst(%dma_wait3A_112 : memref<51200x1xf32, #tpu.memory_space<vmem_shared>>)
      %dma_wait3A_113 = arith.constant 0 : i32
      %dma_wait3A_114 = tpu.memref_slice %arg6[%add3A_61, %dma_wait3A_113] : memref<400x128xi32, #tpu.memory_space<vmem>> -> memref<1x128xi32, #tpu.memory_space<vmem>>
      %dma_wait3A_115 = tpu.memref_squeeze %dma_wait3A_114 : memref<1x128xi32, #tpu.memory_space<vmem>> -> memref<128xi32, #tpu.memory_space<vmem>>
      %dma_wait3A_116 = arith.constant 0 : i32
      %dma_wait3A_117 = arith.constant 0 : i32
      %dma_wait3A_118 = tpu.memref_slice %arg8[%dma_wait3A_116, %dma_wait3A_117] : memref<51200x1xf32, #tpu.memory_space<vmem_shared>> -> memref<51200x1xf32, #tpu.memory_space<vmem_shared>>
      tpu.wait_indirect_dma semaphore(%arg9 : memref<!tpu.dma_semaphore, #tpu.memory_space<semaphore_mem>>) src(%arg7 : memref<128x1xf32, #tpu.memory_space<vmem>>) dst(%dma_wait3A_118 : memref<51200x1xf32, #tpu.memory_space<vmem_shared>>)
      %dma_wait3A_119 = arith.constant 0 : i32
      %dma_wait3A_120 = tpu.memref_slice %arg6[%add3A_69, %dma_wait3A_119] : memref<400x128xi32, #tpu.memory_space<vmem>> -> memref<1x128xi32, #tpu.memory_space<vmem>>
      %dma_wait3A_121 = tpu.memref_squeeze %dma_wait3A_120 : memref<1x128xi32, #tpu.memory_space<vmem>> -> memref<128xi32, #tpu.memory_space<vmem>>
      %dma_wait3A_122 = arith.constant 0 : i32
      %dma_wait3A_123 = arith.constant 0 : i32
      %dma_wait3A_124 = tpu.memref_slice %arg8[%dma_wait3A_122, %dma_wait3A_123] : memref<51200x1xf32, #tpu.memory_space<vmem_shared>> -> memref<51200x1xf32, #tpu.memory_space<vmem_shared>>
      tpu.wait_indirect_dma semaphore(%arg9 : memref<!tpu.dma_semaphore, #tpu.memory_space<semaphore_mem>>) src(%arg7 : memref<128x1xf32, #tpu.memory_space<vmem>>) dst(%dma_wait3A_124 : memref<51200x1xf32, #tpu.memory_space<vmem_shared>>)
      %dma_wait3A_125 = arith.constant 0 : i32
      %dma_wait3A_126 = tpu.memref_slice %arg6[%add3A_77, %dma_wait3A_125] : memref<400x128xi32, #tpu.memory_space<vmem>> -> memref<1x128xi32, #tpu.memory_space<vmem>>
      %dma_wait3A_127 = tpu.memref_squeeze %dma_wait3A_126 : memref<1x128xi32, #tpu.memory_space<vmem>> -> memref<128xi32, #tpu.memory_space<vmem>>
      %dma_wait3A_128 = arith.constant 0 : i32
      %dma_wait3A_129 = arith.constant 0 : i32
      %dma_wait3A_130 = tpu.memref_slice %arg8[%dma_wait3A_128, %dma_wait3A_129] : memref<51200x1xf32, #tpu.memory_space<vmem_shared>> -> memref<51200x1xf32, #tpu.memory_space<vmem_shared>>
      tpu.wait_indirect_dma semaphore(%arg9 : memref<!tpu.dma_semaphore, #tpu.memory_space<semaphore_mem>>) src(%arg7 : memref<128x1xf32, #tpu.memory_space<vmem>>) dst(%dma_wait3A_130 : memref<51200x1xf32, #tpu.memory_space<vmem_shared>>)
    }
    %scan3A_9 = arith.constant 50 : i32
    %barrier3A_10 = arith.constant 0 : index
    tpu.barrier barrier_id(%barrier3A_10)
    %mul3A_11 = arith.constant 3128 : i32
    %mul3A_12 = arith.muli %arg1, %mul3A_11 : i32
    %mul3A_13 = arith.constant 50048 : i32
    %mul3A_14 = arith.muli %arg0, %mul3A_13 : i32
    %mul3A_15 = arith.constant 3128 : i32
    %mul3A_16 = arith.muli %arg1, %mul3A_15 : i32
    %add3A_17 = arith.addi %mul3A_14, %mul3A_16 : i32
    "tpu.region"() ({
      %run_scoped3A = tpu.sem_alloc : memref<!tpu.dma_semaphore, #tpu.memory_space<semaphore_mem>>
      %dma_start3A = arith.constant 0 : i32
      %dma_start3A_18 = tpu.memref_slice %arg5[%add3A_17, %dma_start3A] : memref<100096x1xf32, #tpu.memory_space<hbm>> -> memref<3128x1xf32, #tpu.memory_space<hbm>>
      %dma_start3A_19 = arith.constant 0 : i32
      %dma_start3A_20 = tpu.memref_slice %arg8[%mul3A_12, %dma_start3A_19] : memref<51200x1xf32, #tpu.memory_space<vmem_shared>> -> memref<3128x1xf32, #tpu.memory_space<vmem_shared>>
      tpu.enqueue_dma source(%dma_start3A_20 : memref<3128x1xf32, #tpu.memory_space<vmem_shared>>) target(%dma_start3A_18 : memref<3128x1xf32, #tpu.memory_space<hbm>>) target_semaphore(%run_scoped3A : memref<!tpu.dma_semaphore, #tpu.memory_space<semaphore_mem>>)
      %dma_wait3A = arith.constant 0 : i32
      %dma_wait3A_21 = tpu.memref_slice %arg5[%add3A_17, %dma_wait3A] : memref<100096x1xf32, #tpu.memory_space<hbm>> -> memref<3128x1xf32, #tpu.memory_space<hbm>>
      %dma_wait3A_22 = arith.constant 0 : i32
      %dma_wait3A_23 = tpu.memref_slice %arg8[%mul3A_12, %dma_wait3A_22] : memref<51200x1xf32, #tpu.memory_space<vmem_shared>> -> memref<3128x1xf32, #tpu.memory_space<vmem_shared>>
      tpu.wait_dma2 semaphore(%run_scoped3A : memref<!tpu.dma_semaphore, #tpu.memory_space<semaphore_mem>>) src(%dma_wait3A_23 : memref<3128x1xf32, #tpu.memory_space<vmem_shared>>) dst(%dma_wait3A_21 : memref<3128x1xf32, #tpu.memory_space<hbm>>)
      tpu.yield
    }) : () -> ()
    return
  }
}

#map = affine_map<(d0, d1) -> (0, 0)>
module attributes {stable_mosaic.version = 14 : i64} {
  func.func @spmm(%arg0: i32, %arg1: i32, %arg2: memref<50176x32xf32, #tpu.memory_space<hbm>>, %arg3: memref<12800x128xi32, #tpu.memory_space<hbm>>, %arg4: memref<6400x128xi32, #tpu.memory_space<hbm>>, %arg5: memref<3200x32xf32, #tpu.memory_space<hbm>>, %arg6: memref<100096x32xf32, #tpu.memory_space<hbm>>, %arg7: memref<24x128xi32, #tpu.memory_space<vmem>>, %arg8: memref<24x128xi32, #tpu.memory_space<vmem>>, %arg9: memref<512x32xf32, #tpu.memory_space<vmem>>, %arg10: memref<51200x32xf32, #tpu.memory_space<vmem_shared>>, %arg11: memref<!tpu.dma_semaphore, #tpu.memory_space<semaphore_mem>>, %arg12: memref<!tpu.dma_semaphore, #tpu.memory_space<semaphore_mem>>, %arg13: memref<!tpu.dma_semaphore, #tpu.memory_space<semaphore_mem>>, %arg14: memref<!tpu.dma_semaphore, #tpu.memory_space<semaphore_mem>>) attributes {dimension_semantics = [#tpu.dimension_semantics<core_parallel>, #tpu.dimension_semantics<subcore_parallel>], iteration_bounds = array<i64: 2, 16>, scalar_prefetch = 0 : i64, scratch_operands = 8 : i64, tpu.core_type = #tpu.core_type<sc_vector_subcore>, window_params = [{transform_indices = #map}, {transform_indices = #map}, {transform_indices = #map}, {transform_indices = #map}, {transform_indices = #map}]} {
    %mul3A = arith.constant 400 : i32
    %mul3A_0 = arith.muli %arg1, %mul3A : i32
    %mul3A_1 = arith.constant 3200 : i32
    %mul3A_2 = arith.muli %arg1, %mul3A_1 : i32
    "tpu.region"() ({
      %run_scoped3A = tpu.sem_alloc : memref<!tpu.dma_semaphore, #tpu.memory_space<semaphore_mem>>
      %dma_start3A_150 = arith.constant 0 : i32
      %dma_start3A_151 = tpu.memref_slice %arg10[%mul3A_2, %dma_start3A_150] : memref<51200x32xf32, #tpu.memory_space<vmem_shared>> -> memref<3200x32xf32, #tpu.memory_space<vmem_shared>>
      %dma_start3A_152 = arith.constant 0 : i32
      %dma_start3A_153 = arith.constant 0 : i32
      %dma_start3A_154 = tpu.memref_slice %arg5[%dma_start3A_152, %dma_start3A_153] : memref<3200x32xf32, #tpu.memory_space<hbm>> -> memref<3200x32xf32, #tpu.memory_space<hbm>>
      tpu.enqueue_dma source(%dma_start3A_154 : memref<3200x32xf32, #tpu.memory_space<hbm>>) target(%dma_start3A_151 : memref<3200x32xf32, #tpu.memory_space<vmem_shared>>) target_semaphore(%run_scoped3A : memref<!tpu.dma_semaphore, #tpu.memory_space<semaphore_mem>>)
      %dma_wait3A_155 = arith.constant 0 : i32
      %dma_wait3A_156 = tpu.memref_slice %arg10[%mul3A_2, %dma_wait3A_155] : memref<51200x32xf32, #tpu.memory_space<vmem_shared>> -> memref<3200x32xf32, #tpu.memory_space<vmem_shared>>
      %dma_wait3A_157 = arith.constant 0 : i32
      %dma_wait3A_158 = arith.constant 0 : i32
      %dma_wait3A_159 = tpu.memref_slice %arg5[%dma_wait3A_157, %dma_wait3A_158] : memref<3200x32xf32, #tpu.memory_space<hbm>> -> memref<3200x32xf32, #tpu.memory_space<hbm>>
      tpu.wait_dma2 semaphore(%run_scoped3A : memref<!tpu.dma_semaphore, #tpu.memory_space<semaphore_mem>>) src(%dma_wait3A_159 : memref<3200x32xf32, #tpu.memory_space<hbm>>) dst(%dma_wait3A_156 : memref<3200x32xf32, #tpu.memory_space<vmem_shared>>)
      tpu.yield
    }) : () -> ()
    %mul3A_3 = arith.constant 6400 : i32
    %mul3A_4 = arith.muli %arg0, %mul3A_3 : i32
    %add3A = arith.addi %mul3A_4, %mul3A_0 : i32
    %add3A_5 = arith.constant 0 : i32
    %add3A_6 = arith.addi %add3A, %add3A_5 : i32
    %dma_start3A = arith.constant 0 : i32
    %dma_start3A_7 = arith.constant 0 : i32
    %dma_start3A_8 = tpu.memref_slice %arg7[%dma_start3A, %dma_start3A_7] : memref<24x128xi32, #tpu.memory_space<vmem>> -> memref<8x128xi32, #tpu.memory_space<vmem>>
    %dma_start3A_9 = arith.constant 0 : i32
    %dma_start3A_10 = tpu.memref_slice %arg3[%add3A_6, %dma_start3A_9] : memref<12800x128xi32, #tpu.memory_space<hbm>> -> memref<8x128xi32, #tpu.memory_space<hbm>>
    %dma_start3A_11 = arith.constant 0 : i32
    %dma_start3A_12 = arith.constant 0 : i32
    %dma_start3A_13 = tpu.memref_slice %arg7[%dma_start3A_11, %dma_start3A_12] : memref<24x128xi32, #tpu.memory_space<vmem>> -> memref<8x128xi32, #tpu.memory_space<vmem>>
    %dma_start3A_14 = arith.constant 0 : i32
    %dma_start3A_15 = tpu.memref_slice %arg3[%add3A_6, %dma_start3A_14] : memref<12800x128xi32, #tpu.memory_space<hbm>> -> memref<8x128xi32, #tpu.memory_space<hbm>>
    tpu.enqueue_dma source(%dma_start3A_15 : memref<8x128xi32, #tpu.memory_space<hbm>>) target(%dma_start3A_13 : memref<8x128xi32, #tpu.memory_space<vmem>>) target_semaphore(%arg13 : memref<!tpu.dma_semaphore, #tpu.memory_space<semaphore_mem>>)
    %add3A_16 = arith.constant 0 : i32
    %add3A_17 = arith.addi %mul3A_0, %add3A_16 : i32
    %dma_start3A_18 = arith.constant 0 : i32
    %dma_start3A_19 = arith.constant 0 : i32
    %dma_start3A_20 = tpu.memref_slice %arg8[%dma_start3A_18, %dma_start3A_19] : memref<24x128xi32, #tpu.memory_space<vmem>> -> memref<8x128xi32, #tpu.memory_space<vmem>>
    %dma_start3A_21 = arith.constant 0 : i32
    %dma_start3A_22 = tpu.memref_slice %arg4[%add3A_17, %dma_start3A_21] : memref<6400x128xi32, #tpu.memory_space<hbm>> -> memref<8x128xi32, #tpu.memory_space<hbm>>
    %dma_start3A_23 = arith.constant 0 : i32
    %dma_start3A_24 = arith.constant 0 : i32
    %dma_start3A_25 = tpu.memref_slice %arg8[%dma_start3A_23, %dma_start3A_24] : memref<24x128xi32, #tpu.memory_space<vmem>> -> memref<8x128xi32, #tpu.memory_space<vmem>>
    %dma_start3A_26 = arith.constant 0 : i32
    %dma_start3A_27 = tpu.memref_slice %arg4[%add3A_17, %dma_start3A_26] : memref<6400x128xi32, #tpu.memory_space<hbm>> -> memref<8x128xi32, #tpu.memory_space<hbm>>
    tpu.enqueue_dma source(%dma_start3A_27 : memref<8x128xi32, #tpu.memory_space<hbm>>) target(%dma_start3A_25 : memref<8x128xi32, #tpu.memory_space<vmem>>) target_semaphore(%arg14 : memref<!tpu.dma_semaphore, #tpu.memory_space<semaphore_mem>>)
    %mul3A_28 = arith.constant 6400 : i32
    %mul3A_29 = arith.muli %arg0, %mul3A_28 : i32
    %add3A_30 = arith.addi %mul3A_29, %mul3A_0 : i32
    %add3A_31 = arith.constant 8 : i32
    %add3A_32 = arith.addi %add3A_30, %add3A_31 : i32
    %dma_start3A_33 = arith.constant 8 : i32
    %dma_start3A_34 = arith.constant 0 : i32
    %dma_start3A_35 = tpu.memref_slice %arg7[%dma_start3A_33, %dma_start3A_34] : memref<24x128xi32, #tpu.memory_space<vmem>> -> memref<8x128xi32, #tpu.memory_space<vmem>>
    %dma_start3A_36 = arith.constant 0 : i32
    %dma_start3A_37 = tpu.memref_slice %arg3[%add3A_32, %dma_start3A_36] : memref<12800x128xi32, #tpu.memory_space<hbm>> -> memref<8x128xi32, #tpu.memory_space<hbm>>
    %dma_start3A_38 = arith.constant 8 : i32
    %dma_start3A_39 = arith.constant 0 : i32
    %dma_start3A_40 = tpu.memref_slice %arg7[%dma_start3A_38, %dma_start3A_39] : memref<24x128xi32, #tpu.memory_space<vmem>> -> memref<8x128xi32, #tpu.memory_space<vmem>>
    %dma_start3A_41 = arith.constant 0 : i32
    %dma_start3A_42 = tpu.memref_slice %arg3[%add3A_32, %dma_start3A_41] : memref<12800x128xi32, #tpu.memory_space<hbm>> -> memref<8x128xi32, #tpu.memory_space<hbm>>
    tpu.enqueue_dma source(%dma_start3A_42 : memref<8x128xi32, #tpu.memory_space<hbm>>) target(%dma_start3A_40 : memref<8x128xi32, #tpu.memory_space<vmem>>) target_semaphore(%arg13 : memref<!tpu.dma_semaphore, #tpu.memory_space<semaphore_mem>>)
    %add3A_43 = arith.constant 8 : i32
    %add3A_44 = arith.addi %mul3A_0, %add3A_43 : i32
    %dma_start3A_45 = arith.constant 8 : i32
    %dma_start3A_46 = arith.constant 0 : i32
    %dma_start3A_47 = tpu.memref_slice %arg8[%dma_start3A_45, %dma_start3A_46] : memref<24x128xi32, #tpu.memory_space<vmem>> -> memref<8x128xi32, #tpu.memory_space<vmem>>
    %dma_start3A_48 = arith.constant 0 : i32
    %dma_start3A_49 = tpu.memref_slice %arg4[%add3A_44, %dma_start3A_48] : memref<6400x128xi32, #tpu.memory_space<hbm>> -> memref<8x128xi32, #tpu.memory_space<hbm>>
    %dma_start3A_50 = arith.constant 8 : i32
    %dma_start3A_51 = arith.constant 0 : i32
    %dma_start3A_52 = tpu.memref_slice %arg8[%dma_start3A_50, %dma_start3A_51] : memref<24x128xi32, #tpu.memory_space<vmem>> -> memref<8x128xi32, #tpu.memory_space<vmem>>
    %dma_start3A_53 = arith.constant 0 : i32
    %dma_start3A_54 = tpu.memref_slice %arg4[%add3A_44, %dma_start3A_53] : memref<6400x128xi32, #tpu.memory_space<hbm>> -> memref<8x128xi32, #tpu.memory_space<hbm>>
    tpu.enqueue_dma source(%dma_start3A_54 : memref<8x128xi32, #tpu.memory_space<hbm>>) target(%dma_start3A_52 : memref<8x128xi32, #tpu.memory_space<vmem>>) target_semaphore(%arg14 : memref<!tpu.dma_semaphore, #tpu.memory_space<semaphore_mem>>)
    %dma_wait3A = arith.constant 0 : i32
    %dma_wait3A_55 = arith.constant 0 : i32
    %dma_wait3A_56 = tpu.memref_slice %arg7[%dma_wait3A, %dma_wait3A_55] : memref<24x128xi32, #tpu.memory_space<vmem>> -> memref<8x128xi32, #tpu.memory_space<vmem>>
    %dma_wait3A_57 = arith.constant 0 : i32
    %dma_wait3A_58 = tpu.memref_slice %arg3[%mul3A_0, %dma_wait3A_57] : memref<12800x128xi32, #tpu.memory_space<hbm>> -> memref<8x128xi32, #tpu.memory_space<hbm>>
    %dma_wait3A_59 = arith.constant 0 : i32
    %dma_wait3A_60 = arith.constant 0 : i32
    %dma_wait3A_61 = tpu.memref_slice %arg7[%dma_wait3A_59, %dma_wait3A_60] : memref<24x128xi32, #tpu.memory_space<vmem>> -> memref<8x128xi32, #tpu.memory_space<vmem>>
    %dma_wait3A_62 = arith.constant 0 : i32
    %dma_wait3A_63 = tpu.memref_slice %arg3[%mul3A_0, %dma_wait3A_62] : memref<12800x128xi32, #tpu.memory_space<hbm>> -> memref<8x128xi32, #tpu.memory_space<hbm>>
    tpu.wait_dma2 semaphore(%arg13 : memref<!tpu.dma_semaphore, #tpu.memory_space<semaphore_mem>>) src(%dma_wait3A_63 : memref<8x128xi32, #tpu.memory_space<hbm>>) dst(%dma_wait3A_61 : memref<8x128xi32, #tpu.memory_space<vmem>>)
    %dma_wait3A_64 = arith.constant 0 : i32
    %dma_wait3A_65 = arith.constant 0 : i32
    %dma_wait3A_66 = tpu.memref_slice %arg8[%dma_wait3A_64, %dma_wait3A_65] : memref<24x128xi32, #tpu.memory_space<vmem>> -> memref<8x128xi32, #tpu.memory_space<vmem>>
    %dma_wait3A_67 = arith.constant 0 : i32
    %dma_wait3A_68 = tpu.memref_slice %arg4[%mul3A_0, %dma_wait3A_67] : memref<6400x128xi32, #tpu.memory_space<hbm>> -> memref<8x128xi32, #tpu.memory_space<hbm>>
    %dma_wait3A_69 = arith.constant 0 : i32
    %dma_wait3A_70 = arith.constant 0 : i32
    %dma_wait3A_71 = tpu.memref_slice %arg8[%dma_wait3A_69, %dma_wait3A_70] : memref<24x128xi32, #tpu.memory_space<vmem>> -> memref<8x128xi32, #tpu.memory_space<vmem>>
    %dma_wait3A_72 = arith.constant 0 : i32
    %dma_wait3A_73 = tpu.memref_slice %arg4[%mul3A_0, %dma_wait3A_72] : memref<6400x128xi32, #tpu.memory_space<hbm>> -> memref<8x128xi32, #tpu.memory_space<hbm>>
    tpu.wait_dma2 semaphore(%arg14 : memref<!tpu.dma_semaphore, #tpu.memory_space<semaphore_mem>>) src(%dma_wait3A_73 : memref<8x128xi32, #tpu.memory_space<hbm>>) dst(%dma_wait3A_71 : memref<8x128xi32, #tpu.memory_space<vmem>>)
    %barrier3A = arith.constant 0 : index
    tpu.barrier barrier_id(%barrier3A)
    %rem3A = arith.constant 0 : i32
    %rem3A_74 = arith.constant 24 : i32
    %rem3A_75 = arith.remsi %rem3A, %rem3A_74 : i32
    %rem3A_76 = arith.constant 0 : i32
    %rem3A_77 = arith.constant 4 : i32
    %rem3A_78 = arith.remsi %rem3A_76, %rem3A_77 : i32
    %mul3A_79 = arith.constant 128 : i32
    %mul3A_80 = arith.muli %rem3A_78, %mul3A_79 : i32
    %dma_start3A_81 = arith.constant 0 : i32
    %dma_start3A_82 = tpu.memref_slice %arg9[%mul3A_80, %dma_start3A_81] : memref<512x32xf32, #tpu.memory_space<vmem>> -> memref<128x32xf32, #tpu.memory_space<vmem>>
    %dma_start3A_83 = arith.constant 0 : i32
    %dma_start3A_84 = tpu.memref_slice %arg7[%rem3A_75, %dma_start3A_83] : memref<24x128xi32, #tpu.memory_space<vmem>> -> memref<1x128xi32, #tpu.memory_space<vmem>>
    %dma_start3A_85 = tpu.memref_squeeze %dma_start3A_84 : memref<1x128xi32, #tpu.memory_space<vmem>> -> memref<128xi32, #tpu.memory_space<vmem>>
    %dma_start3A_86 = arith.constant 0 : i32
    %dma_start3A_87 = arith.constant 0 : i32
    %dma_start3A_88 = tpu.memref_slice %arg2[%dma_start3A_86, %dma_start3A_87] : memref<50176x32xf32, #tpu.memory_space<hbm>> -> memref<50176x32xf32, #tpu.memory_space<hbm>>
    tpu.enqueue_indirect_dma source(%dma_start3A_88 : memref<50176x32xf32, #tpu.memory_space<hbm>>) target(%dma_start3A_82 : memref<128x32xf32, #tpu.memory_space<vmem>>) offsets(%dma_start3A_85 : memref<128xi32, #tpu.memory_space<vmem>>) semaphore(%arg11 : memref<!tpu.dma_semaphore, #tpu.memory_space<semaphore_mem>>)
    %rem3A_89 = arith.constant 1 : i32
    %rem3A_90 = arith.constant 24 : i32
    %rem3A_91 = arith.remsi %rem3A_89, %rem3A_90 : i32
    %rem3A_92 = arith.constant 1 : i32
    %rem3A_93 = arith.constant 4 : i32
    %rem3A_94 = arith.remsi %rem3A_92, %rem3A_93 : i32
    %mul3A_95 = arith.constant 128 : i32
    %mul3A_96 = arith.muli %rem3A_94, %mul3A_95 : i32
    %dma_start3A_97 = arith.constant 0 : i32
    %dma_start3A_98 = tpu.memref_slice %arg9[%mul3A_96, %dma_start3A_97] : memref<512x32xf32, #tpu.memory_space<vmem>> -> memref<128x32xf32, #tpu.memory_space<vmem>>
    %dma_start3A_99 = arith.constant 0 : i32
    %dma_start3A_100 = tpu.memref_slice %arg7[%rem3A_91, %dma_start3A_99] : memref<24x128xi32, #tpu.memory_space<vmem>> -> memref<1x128xi32, #tpu.memory_space<vmem>>
    %dma_start3A_101 = tpu.memref_squeeze %dma_start3A_100 : memref<1x128xi32, #tpu.memory_space<vmem>> -> memref<128xi32, #tpu.memory_space<vmem>>
    %dma_start3A_102 = arith.constant 0 : i32
    %dma_start3A_103 = arith.constant 0 : i32
    %dma_start3A_104 = tpu.memref_slice %arg2[%dma_start3A_102, %dma_start3A_103] : memref<50176x32xf32, #tpu.memory_space<hbm>> -> memref<50176x32xf32, #tpu.memory_space<hbm>>
    tpu.enqueue_indirect_dma source(%dma_start3A_104 : memref<50176x32xf32, #tpu.memory_space<hbm>>) target(%dma_start3A_98 : memref<128x32xf32, #tpu.memory_space<vmem>>) offsets(%dma_start3A_101 : memref<128xi32, #tpu.memory_space<vmem>>) semaphore(%arg11 : memref<!tpu.dma_semaphore, #tpu.memory_space<semaphore_mem>>)
    %rem3A_105 = arith.constant 2 : i32
    %rem3A_106 = arith.constant 24 : i32
    %rem3A_107 = arith.remsi %rem3A_105, %rem3A_106 : i32
    %rem3A_108 = arith.constant 2 : i32
    %rem3A_109 = arith.constant 4 : i32
    %rem3A_110 = arith.remsi %rem3A_108, %rem3A_109 : i32
    %mul3A_111 = arith.constant 128 : i32
    %mul3A_112 = arith.muli %rem3A_110, %mul3A_111 : i32
    %dma_start3A_113 = arith.constant 0 : i32
    %dma_start3A_114 = tpu.memref_slice %arg9[%mul3A_112, %dma_start3A_113] : memref<512x32xf32, #tpu.memory_space<vmem>> -> memref<128x32xf32, #tpu.memory_space<vmem>>
    %dma_start3A_115 = arith.constant 0 : i32
    %dma_start3A_116 = tpu.memref_slice %arg7[%rem3A_107, %dma_start3A_115] : memref<24x128xi32, #tpu.memory_space<vmem>> -> memref<1x128xi32, #tpu.memory_space<vmem>>
    %dma_start3A_117 = tpu.memref_squeeze %dma_start3A_116 : memref<1x128xi32, #tpu.memory_space<vmem>> -> memref<128xi32, #tpu.memory_space<vmem>>
    %dma_start3A_118 = arith.constant 0 : i32
    %dma_start3A_119 = arith.constant 0 : i32
    %dma_start3A_120 = tpu.memref_slice %arg2[%dma_start3A_118, %dma_start3A_119] : memref<50176x32xf32, #tpu.memory_space<hbm>> -> memref<50176x32xf32, #tpu.memory_space<hbm>>
    tpu.enqueue_indirect_dma source(%dma_start3A_120 : memref<50176x32xf32, #tpu.memory_space<hbm>>) target(%dma_start3A_114 : memref<128x32xf32, #tpu.memory_space<vmem>>) offsets(%dma_start3A_117 : memref<128xi32, #tpu.memory_space<vmem>>) semaphore(%arg11 : memref<!tpu.dma_semaphore, #tpu.memory_space<semaphore_mem>>)
    %scan3A = arith.constant 0 : i32
    %scan3A_121 = arith.constant 0 : i32
    %scan3A_122 = arith.constant 400 : i32
    %scan3A_123 = arith.addi %scan3A_121, %scan3A_122 : i32
    %scan3A_124 = arith.constant 1 : i32
    scf.for %scan3A_150 = %scan3A_121 to %scan3A_123 step %scan3A_124  : i32 {
      %rem3A_151 = arith.constant 24 : i32
      %rem3A_152 = arith.remsi %scan3A_150, %rem3A_151 : i32
      %rem3A_153 = arith.constant 4 : i32
      %rem3A_154 = arith.remsi %scan3A_150, %rem3A_153 : i32
      %mul3A_155 = arith.constant 128 : i32
      %mul3A_156 = arith.muli %rem3A_154, %mul3A_155 : i32
      %dma_wait3A_157 = arith.constant 0 : i32
      %dma_wait3A_158 = tpu.memref_slice %arg9[%mul3A_156, %dma_wait3A_157] : memref<512x32xf32, #tpu.memory_space<vmem>> -> memref<128x32xf32, #tpu.memory_space<vmem>>
      %dma_wait3A_159 = arith.constant 0 : i32
      %dma_wait3A_160 = tpu.memref_slice %arg7[%rem3A_152, %dma_wait3A_159] : memref<24x128xi32, #tpu.memory_space<vmem>> -> memref<1x128xi32, #tpu.memory_space<vmem>>
      %dma_wait3A_161 = tpu.memref_squeeze %dma_wait3A_160 : memref<1x128xi32, #tpu.memory_space<vmem>> -> memref<128xi32, #tpu.memory_space<vmem>>
      %dma_wait3A_162 = arith.constant 0 : i32
      %dma_wait3A_163 = arith.constant 0 : i32
      %dma_wait3A_164 = tpu.memref_slice %arg2[%dma_wait3A_162, %dma_wait3A_163] : memref<50176x32xf32, #tpu.memory_space<hbm>> -> memref<50176x32xf32, #tpu.memory_space<hbm>>
      tpu.wait_indirect_dma semaphore(%arg11 : memref<!tpu.dma_semaphore, #tpu.memory_space<semaphore_mem>>) src(%dma_wait3A_164 : memref<50176x32xf32, #tpu.memory_space<hbm>>) dst(%dma_wait3A_158 : memref<128x32xf32, #tpu.memory_space<vmem>>)
      %rem3A_165 = arith.constant 4 : i32
      %rem3A_166 = arith.remsi %scan3A_150, %rem3A_165 : i32
      %mul3A_167 = arith.constant 128 : i32
      %mul3A_168 = arith.muli %rem3A_166, %mul3A_167 : i32
      %rem3A_169 = arith.constant 24 : i32
      %rem3A_170 = arith.remsi %scan3A_150, %rem3A_169 : i32
      %dma_start3A_171 = arith.constant 0 : i32
      %dma_start3A_172 = tpu.memref_slice %arg9[%mul3A_168, %dma_start3A_171] : memref<512x32xf32, #tpu.memory_space<vmem>> -> memref<128x32xf32, #tpu.memory_space<vmem>>
      %dma_start3A_173 = arith.constant 0 : i32
      %dma_start3A_174 = tpu.memref_slice %arg8[%rem3A_170, %dma_start3A_173] : memref<24x128xi32, #tpu.memory_space<vmem>> -> memref<1x128xi32, #tpu.memory_space<vmem>>
      %dma_start3A_175 = tpu.memref_squeeze %dma_start3A_174 : memref<1x128xi32, #tpu.memory_space<vmem>> -> memref<128xi32, #tpu.memory_space<vmem>>
      %dma_start3A_176 = arith.constant 0 : i32
      %dma_start3A_177 = arith.constant 0 : i32
      %dma_start3A_178 = tpu.memref_slice %arg10[%dma_start3A_176, %dma_start3A_177] : memref<51200x32xf32, #tpu.memory_space<vmem_shared>> -> memref<51200x32xf32, #tpu.memory_space<vmem_shared>>
      tpu.enqueue_indirect_dma source(%dma_start3A_172 : memref<128x32xf32, #tpu.memory_space<vmem>>) target(%dma_start3A_178 : memref<51200x32xf32, #tpu.memory_space<vmem_shared>>) offsets(%dma_start3A_175 : memref<128xi32, #tpu.memory_space<vmem>>) semaphore(%arg12 : memref<!tpu.dma_semaphore, #tpu.memory_space<semaphore_mem>>) {add = true}
      %ge3A = arith.constant 1 : i32
      %ge3A_179 = arith.cmpi sge, %scan3A_150, %ge3A : i32
      %convert_element_type3A = arith.extui %ge3A_179 : i1 to i32
      %cond3A = arith.constant 0 : i32
      %cond3A_180 = arith.cmpi ne, %convert_element_type3A, %cond3A : i32
      scf.if %cond3A_180 {
        %sub3A = arith.constant 1 : i32
        %sub3A_193 = arith.subi %scan3A_150, %sub3A : i32
        %rem3A_194 = arith.constant 4 : i32
        %rem3A_195 = arith.remsi %sub3A_193, %rem3A_194 : i32
        %mul3A_196 = arith.constant 128 : i32
        %mul3A_197 = arith.muli %rem3A_195, %mul3A_196 : i32
        %rem3A_198 = arith.constant 24 : i32
        %rem3A_199 = arith.remsi %sub3A_193, %rem3A_198 : i32
        %dma_wait3A_200 = arith.constant 0 : i32
        %dma_wait3A_201 = tpu.memref_slice %arg9[%mul3A_197, %dma_wait3A_200] : memref<512x32xf32, #tpu.memory_space<vmem>> -> memref<128x32xf32, #tpu.memory_space<vmem>>
        %dma_wait3A_202 = arith.constant 0 : i32
        %dma_wait3A_203 = tpu.memref_slice %arg8[%rem3A_199, %dma_wait3A_202] : memref<24x128xi32, #tpu.memory_space<vmem>> -> memref<1x128xi32, #tpu.memory_space<vmem>>
        %dma_wait3A_204 = tpu.memref_squeeze %dma_wait3A_203 : memref<1x128xi32, #tpu.memory_space<vmem>> -> memref<128xi32, #tpu.memory_space<vmem>>
        %dma_wait3A_205 = arith.constant 0 : i32
        %dma_wait3A_206 = arith.constant 0 : i32
        %dma_wait3A_207 = tpu.memref_slice %arg10[%dma_wait3A_205, %dma_wait3A_206] : memref<51200x32xf32, #tpu.memory_space<vmem_shared>> -> memref<51200x32xf32, #tpu.memory_space<vmem_shared>>
        tpu.wait_indirect_dma semaphore(%arg12 : memref<!tpu.dma_semaphore, #tpu.memory_space<semaphore_mem>>) src(%dma_wait3A_201 : memref<128x32xf32, #tpu.memory_space<vmem>>) dst(%dma_wait3A_207 : memref<51200x32xf32, #tpu.memory_space<vmem_shared>>)
      } else {
      }
      %rem3A_181 = arith.constant 8 : i32
      %rem3A_182 = arith.remsi %scan3A_150, %rem3A_181 : i32
      %eq3A = arith.constant 0 : i32
      %eq3A_183 = arith.cmpi eq, %rem3A_182, %eq3A : i32
      %convert_element_type3A_184 = arith.extui %eq3A_183 : i1 to i32
      %cond3A_185 = arith.constant 0 : i32
      %cond3A_186 = arith.cmpi ne, %convert_element_type3A_184, %cond3A_185 : i32
      scf.if %cond3A_186 {
        %jit3A = arith.constant 8 : i32
        %div3A = arith.divsi %scan3A_150, %jit3A : i32
        %sign3A = arith.constant 0 : i32
        %sign3A_193 = arith.cmpi sgt, %scan3A_150, %sign3A : i32
        %sign3A_194 = arith.extui %sign3A_193 : i1 to i32
        %sign3A_195 = arith.constant 0 : i32
        %sign3A_196 = arith.cmpi slt, %scan3A_150, %sign3A_195 : i32
        %sign3A_197 = arith.extui %sign3A_196 : i1 to i32
        %sign3A_198 = arith.subi %sign3A_194, %sign3A_197 : i32
        %sign3A_199 = arith.constant 0 : i32
        %sign3A_200 = arith.cmpi sgt, %jit3A, %sign3A_199 : i32
        %sign3A_201 = arith.extui %sign3A_200 : i1 to i32
        %sign3A_202 = arith.constant 0 : i32
        %sign3A_203 = arith.cmpi slt, %jit3A, %sign3A_202 : i32
        %sign3A_204 = arith.extui %sign3A_203 : i1 to i32
        %sign3A_205 = arith.subi %sign3A_201, %sign3A_204 : i32
        %ne3A = arith.cmpi ne, %sign3A_198, %sign3A_205 : i32
        %rem3A_206 = arith.remsi %scan3A_150, %jit3A : i32
        %ne3A_207 = arith.constant 0 : i32
        %ne3A_208 = arith.cmpi ne, %rem3A_206, %ne3A_207 : i32
        %and3A = arith.andi %ne3A, %ne3A_208 : i1
        %sub3A = arith.constant 1 : i32
        %sub3A_209 = arith.subi %div3A, %sub3A : i32
        %select_n3A = arith.select %and3A, %sub3A_209, %div3A : i32
        %add3A_210 = arith.constant 1 : i32
        %add3A_211 = arith.addi %select_n3A, %add3A_210 : i32
        %le3A_212 = arith.constant 49 : i32
        %le3A_213 = arith.cmpi sle, %add3A_211, %le3A_212 : i32
        %convert_element_type3A_214 = arith.extui %le3A_213 : i1 to i32
        %cond3A_215 = arith.constant 0 : i32
        %cond3A_216 = arith.cmpi ne, %convert_element_type3A_214, %cond3A_215 : i32
        scf.if %cond3A_216 {
          %dma_wait3A_224 = arith.constant 0 : i32
          %dma_wait3A_225 = arith.constant 0 : i32
          %dma_wait3A_226 = tpu.memref_slice %arg7[%dma_wait3A_224, %dma_wait3A_225] : memref<24x128xi32, #tpu.memory_space<vmem>> -> memref<8x128xi32, #tpu.memory_space<vmem>>
          %dma_wait3A_227 = arith.constant 0 : i32
          %dma_wait3A_228 = tpu.memref_slice %arg3[%mul3A_0, %dma_wait3A_227] : memref<12800x128xi32, #tpu.memory_space<hbm>> -> memref<8x128xi32, #tpu.memory_space<hbm>>
          %dma_wait3A_229 = arith.constant 0 : i32
          %dma_wait3A_230 = arith.constant 0 : i32
          %dma_wait3A_231 = tpu.memref_slice %arg7[%dma_wait3A_229, %dma_wait3A_230] : memref<24x128xi32, #tpu.memory_space<vmem>> -> memref<8x128xi32, #tpu.memory_space<vmem>>
          %dma_wait3A_232 = arith.constant 0 : i32
          %dma_wait3A_233 = tpu.memref_slice %arg3[%mul3A_0, %dma_wait3A_232] : memref<12800x128xi32, #tpu.memory_space<hbm>> -> memref<8x128xi32, #tpu.memory_space<hbm>>
          tpu.wait_dma2 semaphore(%arg13 : memref<!tpu.dma_semaphore, #tpu.memory_space<semaphore_mem>>) src(%dma_wait3A_233 : memref<8x128xi32, #tpu.memory_space<hbm>>) dst(%dma_wait3A_231 : memref<8x128xi32, #tpu.memory_space<vmem>>)
          %dma_wait3A_234 = arith.constant 0 : i32
          %dma_wait3A_235 = arith.constant 0 : i32
          %dma_wait3A_236 = tpu.memref_slice %arg8[%dma_wait3A_234, %dma_wait3A_235] : memref<24x128xi32, #tpu.memory_space<vmem>> -> memref<8x128xi32, #tpu.memory_space<vmem>>
          %dma_wait3A_237 = arith.constant 0 : i32
          %dma_wait3A_238 = tpu.memref_slice %arg4[%mul3A_0, %dma_wait3A_237] : memref<6400x128xi32, #tpu.memory_space<hbm>> -> memref<8x128xi32, #tpu.memory_space<hbm>>
          %dma_wait3A_239 = arith.constant 0 : i32
          %dma_wait3A_240 = arith.constant 0 : i32
          %dma_wait3A_241 = tpu.memref_slice %arg8[%dma_wait3A_239, %dma_wait3A_240] : memref<24x128xi32, #tpu.memory_space<vmem>> -> memref<8x128xi32, #tpu.memory_space<vmem>>
          %dma_wait3A_242 = arith.constant 0 : i32
          %dma_wait3A_243 = tpu.memref_slice %arg4[%mul3A_0, %dma_wait3A_242] : memref<6400x128xi32, #tpu.memory_space<hbm>> -> memref<8x128xi32, #tpu.memory_space<hbm>>
          tpu.wait_dma2 semaphore(%arg14 : memref<!tpu.dma_semaphore, #tpu.memory_space<semaphore_mem>>) src(%dma_wait3A_243 : memref<8x128xi32, #tpu.memory_space<hbm>>) dst(%dma_wait3A_241 : memref<8x128xi32, #tpu.memory_space<vmem>>)
        } else {
        }
        %add3A_217 = arith.constant 2 : i32
        %add3A_218 = arith.addi %select_n3A, %add3A_217 : i32
        %le3A_219 = arith.constant 49 : i32
        %le3A_220 = arith.cmpi sle, %add3A_218, %le3A_219 : i32
        %convert_element_type3A_221 = arith.extui %le3A_220 : i1 to i32
        %cond3A_222 = arith.constant 0 : i32
        %cond3A_223 = arith.cmpi ne, %convert_element_type3A_221, %cond3A_222 : i32
        scf.if %cond3A_223 {
          %add3A_224 = arith.constant 2 : i32
          %add3A_225 = arith.addi %select_n3A, %add3A_224 : i32
          %add3A_226 = arith.constant 2 : i32
          %add3A_227 = arith.addi %select_n3A, %add3A_226 : i32
          %rem3A_228 = arith.constant 3 : i32
          %rem3A_229 = arith.remsi %add3A_227, %rem3A_228 : i32
          %mul3A_230 = arith.constant 6400 : i32
          %mul3A_231 = arith.muli %arg0, %mul3A_230 : i32
          %add3A_232 = arith.addi %mul3A_231, %mul3A_0 : i32
          %mul3A_233 = arith.constant 8 : i32
          %mul3A_234 = arith.muli %add3A_225, %mul3A_233 : i32
          %add3A_235 = arith.addi %add3A_232, %mul3A_234 : i32
          %mul3A_236 = arith.constant 8 : i32
          %mul3A_237 = arith.muli %rem3A_229, %mul3A_236 : i32
          %dma_start3A_238 = arith.constant 0 : i32
          %dma_start3A_239 = tpu.memref_slice %arg7[%mul3A_237, %dma_start3A_238] : memref<24x128xi32, #tpu.memory_space<vmem>> -> memref<8x128xi32, #tpu.memory_space<vmem>>
          %dma_start3A_240 = arith.constant 0 : i32
          %dma_start3A_241 = tpu.memref_slice %arg3[%add3A_235, %dma_start3A_240] : memref<12800x128xi32, #tpu.memory_space<hbm>> -> memref<8x128xi32, #tpu.memory_space<hbm>>
          %dma_start3A_242 = arith.constant 0 : i32
          %dma_start3A_243 = tpu.memref_slice %arg7[%mul3A_237, %dma_start3A_242] : memref<24x128xi32, #tpu.memory_space<vmem>> -> memref<8x128xi32, #tpu.memory_space<vmem>>
          %dma_start3A_244 = arith.constant 0 : i32
          %dma_start3A_245 = tpu.memref_slice %arg3[%add3A_235, %dma_start3A_244] : memref<12800x128xi32, #tpu.memory_space<hbm>> -> memref<8x128xi32, #tpu.memory_space<hbm>>
          tpu.enqueue_dma source(%dma_start3A_245 : memref<8x128xi32, #tpu.memory_space<hbm>>) target(%dma_start3A_243 : memref<8x128xi32, #tpu.memory_space<vmem>>) target_semaphore(%arg13 : memref<!tpu.dma_semaphore, #tpu.memory_space<semaphore_mem>>)
          %mul3A_246 = arith.constant 8 : i32
          %mul3A_247 = arith.muli %add3A_225, %mul3A_246 : i32
          %add3A_248 = arith.addi %mul3A_0, %mul3A_247 : i32
          %mul3A_249 = arith.constant 8 : i32
          %mul3A_250 = arith.muli %rem3A_229, %mul3A_249 : i32
          %dma_start3A_251 = arith.constant 0 : i32
          %dma_start3A_252 = tpu.memref_slice %arg8[%mul3A_250, %dma_start3A_251] : memref<24x128xi32, #tpu.memory_space<vmem>> -> memref<8x128xi32, #tpu.memory_space<vmem>>
          %dma_start3A_253 = arith.constant 0 : i32
          %dma_start3A_254 = tpu.memref_slice %arg4[%add3A_248, %dma_start3A_253] : memref<6400x128xi32, #tpu.memory_space<hbm>> -> memref<8x128xi32, #tpu.memory_space<hbm>>
          %dma_start3A_255 = arith.constant 0 : i32
          %dma_start3A_256 = tpu.memref_slice %arg8[%mul3A_250, %dma_start3A_255] : memref<24x128xi32, #tpu.memory_space<vmem>> -> memref<8x128xi32, #tpu.memory_space<vmem>>
          %dma_start3A_257 = arith.constant 0 : i32
          %dma_start3A_258 = tpu.memref_slice %arg4[%add3A_248, %dma_start3A_257] : memref<6400x128xi32, #tpu.memory_space<hbm>> -> memref<8x128xi32, #tpu.memory_space<hbm>>
          tpu.enqueue_dma source(%dma_start3A_258 : memref<8x128xi32, #tpu.memory_space<hbm>>) target(%dma_start3A_256 : memref<8x128xi32, #tpu.memory_space<vmem>>) target_semaphore(%arg14 : memref<!tpu.dma_semaphore, #tpu.memory_space<semaphore_mem>>)
        } else {
        }
      } else {
      }
      %add3A_187 = arith.constant 3 : i32
      %add3A_188 = arith.addi %scan3A_150, %add3A_187 : i32
      %le3A = arith.constant 399 : i32
      %le3A_189 = arith.cmpi sle, %add3A_188, %le3A : i32
      %convert_element_type3A_190 = arith.extui %le3A_189 : i1 to i32
      %cond3A_191 = arith.constant 0 : i32
      %cond3A_192 = arith.cmpi ne, %convert_element_type3A_190, %cond3A_191 : i32
      scf.if %cond3A_192 {
        %add3A_193 = arith.constant 3 : i32
        %add3A_194 = arith.addi %scan3A_150, %add3A_193 : i32
        %rem3A_195 = arith.constant 24 : i32
        %rem3A_196 = arith.remsi %add3A_194, %rem3A_195 : i32
        %rem3A_197 = arith.constant 4 : i32
        %rem3A_198 = arith.remsi %add3A_194, %rem3A_197 : i32
        %mul3A_199 = arith.constant 128 : i32
        %mul3A_200 = arith.muli %rem3A_198, %mul3A_199 : i32
        %dma_start3A_201 = arith.constant 0 : i32
        %dma_start3A_202 = tpu.memref_slice %arg9[%mul3A_200, %dma_start3A_201] : memref<512x32xf32, #tpu.memory_space<vmem>> -> memref<128x32xf32, #tpu.memory_space<vmem>>
        %dma_start3A_203 = arith.constant 0 : i32
        %dma_start3A_204 = tpu.memref_slice %arg7[%rem3A_196, %dma_start3A_203] : memref<24x128xi32, #tpu.memory_space<vmem>> -> memref<1x128xi32, #tpu.memory_space<vmem>>
        %dma_start3A_205 = tpu.memref_squeeze %dma_start3A_204 : memref<1x128xi32, #tpu.memory_space<vmem>> -> memref<128xi32, #tpu.memory_space<vmem>>
        %dma_start3A_206 = arith.constant 0 : i32
        %dma_start3A_207 = arith.constant 0 : i32
        %dma_start3A_208 = tpu.memref_slice %arg2[%dma_start3A_206, %dma_start3A_207] : memref<50176x32xf32, #tpu.memory_space<hbm>> -> memref<50176x32xf32, #tpu.memory_space<hbm>>
        tpu.enqueue_indirect_dma source(%dma_start3A_208 : memref<50176x32xf32, #tpu.memory_space<hbm>>) target(%dma_start3A_202 : memref<128x32xf32, #tpu.memory_space<vmem>>) offsets(%dma_start3A_205 : memref<128xi32, #tpu.memory_space<vmem>>) semaphore(%arg11 : memref<!tpu.dma_semaphore, #tpu.memory_space<semaphore_mem>>)
      } else {
      }
    }
    %scan3A_125 = arith.constant 400 : i32
    %rem3A_126 = arith.constant 399 : i32
    %rem3A_127 = arith.constant 4 : i32
    %rem3A_128 = arith.remsi %rem3A_126, %rem3A_127 : i32
    %mul3A_129 = arith.constant 128 : i32
    %mul3A_130 = arith.muli %rem3A_128, %mul3A_129 : i32
    %rem3A_131 = arith.constant 399 : i32
    %rem3A_132 = arith.constant 24 : i32
    %rem3A_133 = arith.remsi %rem3A_131, %rem3A_132 : i32
    %dma_wait3A_134 = arith.constant 0 : i32
    %dma_wait3A_135 = tpu.memref_slice %arg9[%mul3A_130, %dma_wait3A_134] : memref<512x32xf32, #tpu.memory_space<vmem>> -> memref<128x32xf32, #tpu.memory_space<vmem>>
    %dma_wait3A_136 = arith.constant 0 : i32
    %dma_wait3A_137 = tpu.memref_slice %arg8[%rem3A_133, %dma_wait3A_136] : memref<24x128xi32, #tpu.memory_space<vmem>> -> memref<1x128xi32, #tpu.memory_space<vmem>>
    %dma_wait3A_138 = tpu.memref_squeeze %dma_wait3A_137 : memref<1x128xi32, #tpu.memory_space<vmem>> -> memref<128xi32, #tpu.memory_space<vmem>>
    %dma_wait3A_139 = arith.constant 0 : i32
    %dma_wait3A_140 = arith.constant 0 : i32
    %dma_wait3A_141 = tpu.memref_slice %arg10[%dma_wait3A_139, %dma_wait3A_140] : memref<51200x32xf32, #tpu.memory_space<vmem_shared>> -> memref<51200x32xf32, #tpu.memory_space<vmem_shared>>
    tpu.wait_indirect_dma semaphore(%arg12 : memref<!tpu.dma_semaphore, #tpu.memory_space<semaphore_mem>>) src(%dma_wait3A_135 : memref<128x32xf32, #tpu.memory_space<vmem>>) dst(%dma_wait3A_141 : memref<51200x32xf32, #tpu.memory_space<vmem_shared>>)
    %barrier3A_142 = arith.constant 0 : index
    tpu.barrier barrier_id(%barrier3A_142)
    %mul3A_143 = arith.constant 3128 : i32
    %mul3A_144 = arith.muli %arg1, %mul3A_143 : i32
    %mul3A_145 = arith.constant 50048 : i32
    %mul3A_146 = arith.muli %arg0, %mul3A_145 : i32
    %mul3A_147 = arith.constant 3128 : i32
    %mul3A_148 = arith.muli %arg1, %mul3A_147 : i32
    %add3A_149 = arith.addi %mul3A_146, %mul3A_148 : i32
    "tpu.region"() ({
      %run_scoped3A = tpu.sem_alloc : memref<!tpu.dma_semaphore, #tpu.memory_space<semaphore_mem>>
      %dma_start3A_150 = arith.constant 0 : i32
      %dma_start3A_151 = tpu.memref_slice %arg6[%add3A_149, %dma_start3A_150] : memref<100096x32xf32, #tpu.memory_space<hbm>> -> memref<3128x32xf32, #tpu.memory_space<hbm>>
      %dma_start3A_152 = arith.constant 0 : i32
      %dma_start3A_153 = tpu.memref_slice %arg10[%mul3A_144, %dma_start3A_152] : memref<51200x32xf32, #tpu.memory_space<vmem_shared>> -> memref<3128x32xf32, #tpu.memory_space<vmem_shared>>
      tpu.enqueue_dma source(%dma_start3A_153 : memref<3128x32xf32, #tpu.memory_space<vmem_shared>>) target(%dma_start3A_151 : memref<3128x32xf32, #tpu.memory_space<hbm>>) target_semaphore(%run_scoped3A : memref<!tpu.dma_semaphore, #tpu.memory_space<semaphore_mem>>)
      %dma_wait3A_154 = arith.constant 0 : i32
      %dma_wait3A_155 = tpu.memref_slice %arg6[%add3A_149, %dma_wait3A_154] : memref<100096x32xf32, #tpu.memory_space<hbm>> -> memref<3128x32xf32, #tpu.memory_space<hbm>>
      %dma_wait3A_156 = arith.constant 0 : i32
      %dma_wait3A_157 = tpu.memref_slice %arg10[%mul3A_144, %dma_wait3A_156] : memref<51200x32xf32, #tpu.memory_space<vmem_shared>> -> memref<3128x32xf32, #tpu.memory_space<vmem_shared>>
      tpu.wait_dma2 semaphore(%run_scoped3A : memref<!tpu.dma_semaphore, #tpu.memory_space<semaphore_mem>>) src(%dma_wait3A_157 : memref<3128x32xf32, #tpu.memory_space<vmem_shared>>) dst(%dma_wait3A_155 : memref<3128x32xf32, #tpu.memory_space<hbm>>)
      tpu.yield
    }) : () -> ()
    return
  }
}

#map = affine_map<(d0, d1) -> (0, 0)>
module attributes {stable_mosaic.version = 14 : i64} {
  func.func @spmm(%arg0: i32, %arg1: i32, %arg2: memref<100096x32xf32, #tpu.memory_space<hbm>>, %arg3: memref<12800x128xi32, #tpu.memory_space<hbm>>, %arg4: memref<6400x128xi32, #tpu.memory_space<hbm>>, %arg5: memref<3200x32xf32, #tpu.memory_space<hbm>>, %arg6: memref<50176x32xf32, #tpu.memory_space<hbm>>, %arg7: memref<24x128xi32, #tpu.memory_space<vmem>>, %arg8: memref<24x128xi32, #tpu.memory_space<vmem>>, %arg9: memref<512x32xf32, #tpu.memory_space<vmem>>, %arg10: memref<26624x32xf32, #tpu.memory_space<vmem_shared>>, %arg11: memref<!tpu.dma_semaphore, #tpu.memory_space<semaphore_mem>>, %arg12: memref<!tpu.dma_semaphore, #tpu.memory_space<semaphore_mem>>, %arg13: memref<!tpu.dma_semaphore, #tpu.memory_space<semaphore_mem>>, %arg14: memref<!tpu.dma_semaphore, #tpu.memory_space<semaphore_mem>>) attributes {dimension_semantics = [#tpu.dimension_semantics<core_parallel>, #tpu.dimension_semantics<subcore_parallel>], iteration_bounds = array<i64: 2, 16>, scalar_prefetch = 0 : i64, scratch_operands = 8 : i64, tpu.core_type = #tpu.core_type<sc_vector_subcore>, window_params = [{transform_indices = #map}, {transform_indices = #map}, {transform_indices = #map}, {transform_indices = #map}, {transform_indices = #map}]} {
    %mul3A = arith.constant 400 : i32
    %mul3A_0 = arith.muli %arg1, %mul3A : i32
    %mul3A_1 = arith.constant 1664 : i32
    %mul3A_2 = arith.muli %arg1, %mul3A_1 : i32
    "tpu.region"() ({
      %run_scoped3A = tpu.sem_alloc : memref<!tpu.dma_semaphore, #tpu.memory_space<semaphore_mem>>
      %dma_start3A_150 = arith.constant 0 : i32
      %dma_start3A_151 = tpu.memref_slice %arg10[%mul3A_2, %dma_start3A_150] : memref<26624x32xf32, #tpu.memory_space<vmem_shared>> -> memref<1664x32xf32, #tpu.memory_space<vmem_shared>>
      %dma_start3A_152 = arith.constant 0 : i32
      %dma_start3A_153 = arith.constant 0 : i32
      %dma_start3A_154 = tpu.memref_slice %arg5[%dma_start3A_152, %dma_start3A_153] : memref<3200x32xf32, #tpu.memory_space<hbm>> -> memref<1664x32xf32, #tpu.memory_space<hbm>>
      tpu.enqueue_dma source(%dma_start3A_154 : memref<1664x32xf32, #tpu.memory_space<hbm>>) target(%dma_start3A_151 : memref<1664x32xf32, #tpu.memory_space<vmem_shared>>) target_semaphore(%run_scoped3A : memref<!tpu.dma_semaphore, #tpu.memory_space<semaphore_mem>>)
      %dma_wait3A_155 = arith.constant 0 : i32
      %dma_wait3A_156 = tpu.memref_slice %arg10[%mul3A_2, %dma_wait3A_155] : memref<26624x32xf32, #tpu.memory_space<vmem_shared>> -> memref<1664x32xf32, #tpu.memory_space<vmem_shared>>
      %dma_wait3A_157 = arith.constant 0 : i32
      %dma_wait3A_158 = arith.constant 0 : i32
      %dma_wait3A_159 = tpu.memref_slice %arg5[%dma_wait3A_157, %dma_wait3A_158] : memref<3200x32xf32, #tpu.memory_space<hbm>> -> memref<1664x32xf32, #tpu.memory_space<hbm>>
      tpu.wait_dma2 semaphore(%run_scoped3A : memref<!tpu.dma_semaphore, #tpu.memory_space<semaphore_mem>>) src(%dma_wait3A_159 : memref<1664x32xf32, #tpu.memory_space<hbm>>) dst(%dma_wait3A_156 : memref<1664x32xf32, #tpu.memory_space<vmem_shared>>)
      tpu.yield
    }) : () -> ()
    %mul3A_3 = arith.constant 6400 : i32
    %mul3A_4 = arith.muli %arg0, %mul3A_3 : i32
    %add3A = arith.addi %mul3A_4, %mul3A_0 : i32
    %add3A_5 = arith.constant 0 : i32
    %add3A_6 = arith.addi %add3A, %add3A_5 : i32
    %dma_start3A = arith.constant 0 : i32
    %dma_start3A_7 = arith.constant 0 : i32
    %dma_start3A_8 = tpu.memref_slice %arg7[%dma_start3A, %dma_start3A_7] : memref<24x128xi32, #tpu.memory_space<vmem>> -> memref<8x128xi32, #tpu.memory_space<vmem>>
    %dma_start3A_9 = arith.constant 0 : i32
    %dma_start3A_10 = tpu.memref_slice %arg3[%add3A_6, %dma_start3A_9] : memref<12800x128xi32, #tpu.memory_space<hbm>> -> memref<8x128xi32, #tpu.memory_space<hbm>>
    %dma_start3A_11 = arith.constant 0 : i32
    %dma_start3A_12 = arith.constant 0 : i32
    %dma_start3A_13 = tpu.memref_slice %arg7[%dma_start3A_11, %dma_start3A_12] : memref<24x128xi32, #tpu.memory_space<vmem>> -> memref<8x128xi32, #tpu.memory_space<vmem>>
    %dma_start3A_14 = arith.constant 0 : i32
    %dma_start3A_15 = tpu.memref_slice %arg3[%add3A_6, %dma_start3A_14] : memref<12800x128xi32, #tpu.memory_space<hbm>> -> memref<8x128xi32, #tpu.memory_space<hbm>>
    tpu.enqueue_dma source(%dma_start3A_15 : memref<8x128xi32, #tpu.memory_space<hbm>>) target(%dma_start3A_13 : memref<8x128xi32, #tpu.memory_space<vmem>>) target_semaphore(%arg13 : memref<!tpu.dma_semaphore, #tpu.memory_space<semaphore_mem>>)
    %add3A_16 = arith.constant 0 : i32
    %add3A_17 = arith.addi %mul3A_0, %add3A_16 : i32
    %dma_start3A_18 = arith.constant 0 : i32
    %dma_start3A_19 = arith.constant 0 : i32
    %dma_start3A_20 = tpu.memref_slice %arg8[%dma_start3A_18, %dma_start3A_19] : memref<24x128xi32, #tpu.memory_space<vmem>> -> memref<8x128xi32, #tpu.memory_space<vmem>>
    %dma_start3A_21 = arith.constant 0 : i32
    %dma_start3A_22 = tpu.memref_slice %arg4[%add3A_17, %dma_start3A_21] : memref<6400x128xi32, #tpu.memory_space<hbm>> -> memref<8x128xi32, #tpu.memory_space<hbm>>
    %dma_start3A_23 = arith.constant 0 : i32
    %dma_start3A_24 = arith.constant 0 : i32
    %dma_start3A_25 = tpu.memref_slice %arg8[%dma_start3A_23, %dma_start3A_24] : memref<24x128xi32, #tpu.memory_space<vmem>> -> memref<8x128xi32, #tpu.memory_space<vmem>>
    %dma_start3A_26 = arith.constant 0 : i32
    %dma_start3A_27 = tpu.memref_slice %arg4[%add3A_17, %dma_start3A_26] : memref<6400x128xi32, #tpu.memory_space<hbm>> -> memref<8x128xi32, #tpu.memory_space<hbm>>
    tpu.enqueue_dma source(%dma_start3A_27 : memref<8x128xi32, #tpu.memory_space<hbm>>) target(%dma_start3A_25 : memref<8x128xi32, #tpu.memory_space<vmem>>) target_semaphore(%arg14 : memref<!tpu.dma_semaphore, #tpu.memory_space<semaphore_mem>>)
    %mul3A_28 = arith.constant 6400 : i32
    %mul3A_29 = arith.muli %arg0, %mul3A_28 : i32
    %add3A_30 = arith.addi %mul3A_29, %mul3A_0 : i32
    %add3A_31 = arith.constant 8 : i32
    %add3A_32 = arith.addi %add3A_30, %add3A_31 : i32
    %dma_start3A_33 = arith.constant 8 : i32
    %dma_start3A_34 = arith.constant 0 : i32
    %dma_start3A_35 = tpu.memref_slice %arg7[%dma_start3A_33, %dma_start3A_34] : memref<24x128xi32, #tpu.memory_space<vmem>> -> memref<8x128xi32, #tpu.memory_space<vmem>>
    %dma_start3A_36 = arith.constant 0 : i32
    %dma_start3A_37 = tpu.memref_slice %arg3[%add3A_32, %dma_start3A_36] : memref<12800x128xi32, #tpu.memory_space<hbm>> -> memref<8x128xi32, #tpu.memory_space<hbm>>
    %dma_start3A_38 = arith.constant 8 : i32
    %dma_start3A_39 = arith.constant 0 : i32
    %dma_start3A_40 = tpu.memref_slice %arg7[%dma_start3A_38, %dma_start3A_39] : memref<24x128xi32, #tpu.memory_space<vmem>> -> memref<8x128xi32, #tpu.memory_space<vmem>>
    %dma_start3A_41 = arith.constant 0 : i32
    %dma_start3A_42 = tpu.memref_slice %arg3[%add3A_32, %dma_start3A_41] : memref<12800x128xi32, #tpu.memory_space<hbm>> -> memref<8x128xi32, #tpu.memory_space<hbm>>
    tpu.enqueue_dma source(%dma_start3A_42 : memref<8x128xi32, #tpu.memory_space<hbm>>) target(%dma_start3A_40 : memref<8x128xi32, #tpu.memory_space<vmem>>) target_semaphore(%arg13 : memref<!tpu.dma_semaphore, #tpu.memory_space<semaphore_mem>>)
    %add3A_43 = arith.constant 8 : i32
    %add3A_44 = arith.addi %mul3A_0, %add3A_43 : i32
    %dma_start3A_45 = arith.constant 8 : i32
    %dma_start3A_46 = arith.constant 0 : i32
    %dma_start3A_47 = tpu.memref_slice %arg8[%dma_start3A_45, %dma_start3A_46] : memref<24x128xi32, #tpu.memory_space<vmem>> -> memref<8x128xi32, #tpu.memory_space<vmem>>
    %dma_start3A_48 = arith.constant 0 : i32
    %dma_start3A_49 = tpu.memref_slice %arg4[%add3A_44, %dma_start3A_48] : memref<6400x128xi32, #tpu.memory_space<hbm>> -> memref<8x128xi32, #tpu.memory_space<hbm>>
    %dma_start3A_50 = arith.constant 8 : i32
    %dma_start3A_51 = arith.constant 0 : i32
    %dma_start3A_52 = tpu.memref_slice %arg8[%dma_start3A_50, %dma_start3A_51] : memref<24x128xi32, #tpu.memory_space<vmem>> -> memref<8x128xi32, #tpu.memory_space<vmem>>
    %dma_start3A_53 = arith.constant 0 : i32
    %dma_start3A_54 = tpu.memref_slice %arg4[%add3A_44, %dma_start3A_53] : memref<6400x128xi32, #tpu.memory_space<hbm>> -> memref<8x128xi32, #tpu.memory_space<hbm>>
    tpu.enqueue_dma source(%dma_start3A_54 : memref<8x128xi32, #tpu.memory_space<hbm>>) target(%dma_start3A_52 : memref<8x128xi32, #tpu.memory_space<vmem>>) target_semaphore(%arg14 : memref<!tpu.dma_semaphore, #tpu.memory_space<semaphore_mem>>)
    %dma_wait3A = arith.constant 0 : i32
    %dma_wait3A_55 = arith.constant 0 : i32
    %dma_wait3A_56 = tpu.memref_slice %arg7[%dma_wait3A, %dma_wait3A_55] : memref<24x128xi32, #tpu.memory_space<vmem>> -> memref<8x128xi32, #tpu.memory_space<vmem>>
    %dma_wait3A_57 = arith.constant 0 : i32
    %dma_wait3A_58 = tpu.memref_slice %arg3[%mul3A_0, %dma_wait3A_57] : memref<12800x128xi32, #tpu.memory_space<hbm>> -> memref<8x128xi32, #tpu.memory_space<hbm>>
    %dma_wait3A_59 = arith.constant 0 : i32
    %dma_wait3A_60 = arith.constant 0 : i32
    %dma_wait3A_61 = tpu.memref_slice %arg7[%dma_wait3A_59, %dma_wait3A_60] : memref<24x128xi32, #tpu.memory_space<vmem>> -> memref<8x128xi32, #tpu.memory_space<vmem>>
    %dma_wait3A_62 = arith.constant 0 : i32
    %dma_wait3A_63 = tpu.memref_slice %arg3[%mul3A_0, %dma_wait3A_62] : memref<12800x128xi32, #tpu.memory_space<hbm>> -> memref<8x128xi32, #tpu.memory_space<hbm>>
    tpu.wait_dma2 semaphore(%arg13 : memref<!tpu.dma_semaphore, #tpu.memory_space<semaphore_mem>>) src(%dma_wait3A_63 : memref<8x128xi32, #tpu.memory_space<hbm>>) dst(%dma_wait3A_61 : memref<8x128xi32, #tpu.memory_space<vmem>>)
    %dma_wait3A_64 = arith.constant 0 : i32
    %dma_wait3A_65 = arith.constant 0 : i32
    %dma_wait3A_66 = tpu.memref_slice %arg8[%dma_wait3A_64, %dma_wait3A_65] : memref<24x128xi32, #tpu.memory_space<vmem>> -> memref<8x128xi32, #tpu.memory_space<vmem>>
    %dma_wait3A_67 = arith.constant 0 : i32
    %dma_wait3A_68 = tpu.memref_slice %arg4[%mul3A_0, %dma_wait3A_67] : memref<6400x128xi32, #tpu.memory_space<hbm>> -> memref<8x128xi32, #tpu.memory_space<hbm>>
    %dma_wait3A_69 = arith.constant 0 : i32
    %dma_wait3A_70 = arith.constant 0 : i32
    %dma_wait3A_71 = tpu.memref_slice %arg8[%dma_wait3A_69, %dma_wait3A_70] : memref<24x128xi32, #tpu.memory_space<vmem>> -> memref<8x128xi32, #tpu.memory_space<vmem>>
    %dma_wait3A_72 = arith.constant 0 : i32
    %dma_wait3A_73 = tpu.memref_slice %arg4[%mul3A_0, %dma_wait3A_72] : memref<6400x128xi32, #tpu.memory_space<hbm>> -> memref<8x128xi32, #tpu.memory_space<hbm>>
    tpu.wait_dma2 semaphore(%arg14 : memref<!tpu.dma_semaphore, #tpu.memory_space<semaphore_mem>>) src(%dma_wait3A_73 : memref<8x128xi32, #tpu.memory_space<hbm>>) dst(%dma_wait3A_71 : memref<8x128xi32, #tpu.memory_space<vmem>>)
    %barrier3A = arith.constant 0 : index
    tpu.barrier barrier_id(%barrier3A)
    %rem3A = arith.constant 0 : i32
    %rem3A_74 = arith.constant 24 : i32
    %rem3A_75 = arith.remsi %rem3A, %rem3A_74 : i32
    %rem3A_76 = arith.constant 0 : i32
    %rem3A_77 = arith.constant 4 : i32
    %rem3A_78 = arith.remsi %rem3A_76, %rem3A_77 : i32
    %mul3A_79 = arith.constant 128 : i32
    %mul3A_80 = arith.muli %rem3A_78, %mul3A_79 : i32
    %dma_start3A_81 = arith.constant 0 : i32
    %dma_start3A_82 = tpu.memref_slice %arg9[%mul3A_80, %dma_start3A_81] : memref<512x32xf32, #tpu.memory_space<vmem>> -> memref<128x32xf32, #tpu.memory_space<vmem>>
    %dma_start3A_83 = arith.constant 0 : i32
    %dma_start3A_84 = tpu.memref_slice %arg7[%rem3A_75, %dma_start3A_83] : memref<24x128xi32, #tpu.memory_space<vmem>> -> memref<1x128xi32, #tpu.memory_space<vmem>>
    %dma_start3A_85 = tpu.memref_squeeze %dma_start3A_84 : memref<1x128xi32, #tpu.memory_space<vmem>> -> memref<128xi32, #tpu.memory_space<vmem>>
    %dma_start3A_86 = arith.constant 0 : i32
    %dma_start3A_87 = arith.constant 0 : i32
    %dma_start3A_88 = tpu.memref_slice %arg2[%dma_start3A_86, %dma_start3A_87] : memref<100096x32xf32, #tpu.memory_space<hbm>> -> memref<100096x32xf32, #tpu.memory_space<hbm>>
    tpu.enqueue_indirect_dma source(%dma_start3A_88 : memref<100096x32xf32, #tpu.memory_space<hbm>>) target(%dma_start3A_82 : memref<128x32xf32, #tpu.memory_space<vmem>>) offsets(%dma_start3A_85 : memref<128xi32, #tpu.memory_space<vmem>>) semaphore(%arg11 : memref<!tpu.dma_semaphore, #tpu.memory_space<semaphore_mem>>)
    %rem3A_89 = arith.constant 1 : i32
    %rem3A_90 = arith.constant 24 : i32
    %rem3A_91 = arith.remsi %rem3A_89, %rem3A_90 : i32
    %rem3A_92 = arith.constant 1 : i32
    %rem3A_93 = arith.constant 4 : i32
    %rem3A_94 = arith.remsi %rem3A_92, %rem3A_93 : i32
    %mul3A_95 = arith.constant 128 : i32
    %mul3A_96 = arith.muli %rem3A_94, %mul3A_95 : i32
    %dma_start3A_97 = arith.constant 0 : i32
    %dma_start3A_98 = tpu.memref_slice %arg9[%mul3A_96, %dma_start3A_97] : memref<512x32xf32, #tpu.memory_space<vmem>> -> memref<128x32xf32, #tpu.memory_space<vmem>>
    %dma_start3A_99 = arith.constant 0 : i32
    %dma_start3A_100 = tpu.memref_slice %arg7[%rem3A_91, %dma_start3A_99] : memref<24x128xi32, #tpu.memory_space<vmem>> -> memref<1x128xi32, #tpu.memory_space<vmem>>
    %dma_start3A_101 = tpu.memref_squeeze %dma_start3A_100 : memref<1x128xi32, #tpu.memory_space<vmem>> -> memref<128xi32, #tpu.memory_space<vmem>>
    %dma_start3A_102 = arith.constant 0 : i32
    %dma_start3A_103 = arith.constant 0 : i32
    %dma_start3A_104 = tpu.memref_slice %arg2[%dma_start3A_102, %dma_start3A_103] : memref<100096x32xf32, #tpu.memory_space<hbm>> -> memref<100096x32xf32, #tpu.memory_space<hbm>>
    tpu.enqueue_indirect_dma source(%dma_start3A_104 : memref<100096x32xf32, #tpu.memory_space<hbm>>) target(%dma_start3A_98 : memref<128x32xf32, #tpu.memory_space<vmem>>) offsets(%dma_start3A_101 : memref<128xi32, #tpu.memory_space<vmem>>) semaphore(%arg11 : memref<!tpu.dma_semaphore, #tpu.memory_space<semaphore_mem>>)
    %rem3A_105 = arith.constant 2 : i32
    %rem3A_106 = arith.constant 24 : i32
    %rem3A_107 = arith.remsi %rem3A_105, %rem3A_106 : i32
    %rem3A_108 = arith.constant 2 : i32
    %rem3A_109 = arith.constant 4 : i32
    %rem3A_110 = arith.remsi %rem3A_108, %rem3A_109 : i32
    %mul3A_111 = arith.constant 128 : i32
    %mul3A_112 = arith.muli %rem3A_110, %mul3A_111 : i32
    %dma_start3A_113 = arith.constant 0 : i32
    %dma_start3A_114 = tpu.memref_slice %arg9[%mul3A_112, %dma_start3A_113] : memref<512x32xf32, #tpu.memory_space<vmem>> -> memref<128x32xf32, #tpu.memory_space<vmem>>
    %dma_start3A_115 = arith.constant 0 : i32
    %dma_start3A_116 = tpu.memref_slice %arg7[%rem3A_107, %dma_start3A_115] : memref<24x128xi32, #tpu.memory_space<vmem>> -> memref<1x128xi32, #tpu.memory_space<vmem>>
    %dma_start3A_117 = tpu.memref_squeeze %dma_start3A_116 : memref<1x128xi32, #tpu.memory_space<vmem>> -> memref<128xi32, #tpu.memory_space<vmem>>
    %dma_start3A_118 = arith.constant 0 : i32
    %dma_start3A_119 = arith.constant 0 : i32
    %dma_start3A_120 = tpu.memref_slice %arg2[%dma_start3A_118, %dma_start3A_119] : memref<100096x32xf32, #tpu.memory_space<hbm>> -> memref<100096x32xf32, #tpu.memory_space<hbm>>
    tpu.enqueue_indirect_dma source(%dma_start3A_120 : memref<100096x32xf32, #tpu.memory_space<hbm>>) target(%dma_start3A_114 : memref<128x32xf32, #tpu.memory_space<vmem>>) offsets(%dma_start3A_117 : memref<128xi32, #tpu.memory_space<vmem>>) semaphore(%arg11 : memref<!tpu.dma_semaphore, #tpu.memory_space<semaphore_mem>>)
    %scan3A = arith.constant 0 : i32
    %scan3A_121 = arith.constant 0 : i32
    %scan3A_122 = arith.constant 400 : i32
    %scan3A_123 = arith.addi %scan3A_121, %scan3A_122 : i32
    %scan3A_124 = arith.constant 1 : i32
    scf.for %scan3A_150 = %scan3A_121 to %scan3A_123 step %scan3A_124  : i32 {
      %rem3A_151 = arith.constant 24 : i32
      %rem3A_152 = arith.remsi %scan3A_150, %rem3A_151 : i32
      %rem3A_153 = arith.constant 4 : i32
      %rem3A_154 = arith.remsi %scan3A_150, %rem3A_153 : i32
      %mul3A_155 = arith.constant 128 : i32
      %mul3A_156 = arith.muli %rem3A_154, %mul3A_155 : i32
      %dma_wait3A_157 = arith.constant 0 : i32
      %dma_wait3A_158 = tpu.memref_slice %arg9[%mul3A_156, %dma_wait3A_157] : memref<512x32xf32, #tpu.memory_space<vmem>> -> memref<128x32xf32, #tpu.memory_space<vmem>>
      %dma_wait3A_159 = arith.constant 0 : i32
      %dma_wait3A_160 = tpu.memref_slice %arg7[%rem3A_152, %dma_wait3A_159] : memref<24x128xi32, #tpu.memory_space<vmem>> -> memref<1x128xi32, #tpu.memory_space<vmem>>
      %dma_wait3A_161 = tpu.memref_squeeze %dma_wait3A_160 : memref<1x128xi32, #tpu.memory_space<vmem>> -> memref<128xi32, #tpu.memory_space<vmem>>
      %dma_wait3A_162 = arith.constant 0 : i32
      %dma_wait3A_163 = arith.constant 0 : i32
      %dma_wait3A_164 = tpu.memref_slice %arg2[%dma_wait3A_162, %dma_wait3A_163] : memref<100096x32xf32, #tpu.memory_space<hbm>> -> memref<100096x32xf32, #tpu.memory_space<hbm>>
      tpu.wait_indirect_dma semaphore(%arg11 : memref<!tpu.dma_semaphore, #tpu.memory_space<semaphore_mem>>) src(%dma_wait3A_164 : memref<100096x32xf32, #tpu.memory_space<hbm>>) dst(%dma_wait3A_158 : memref<128x32xf32, #tpu.memory_space<vmem>>)
      %rem3A_165 = arith.constant 4 : i32
      %rem3A_166 = arith.remsi %scan3A_150, %rem3A_165 : i32
      %mul3A_167 = arith.constant 128 : i32
      %mul3A_168 = arith.muli %rem3A_166, %mul3A_167 : i32
      %rem3A_169 = arith.constant 24 : i32
      %rem3A_170 = arith.remsi %scan3A_150, %rem3A_169 : i32
      %dma_start3A_171 = arith.constant 0 : i32
      %dma_start3A_172 = tpu.memref_slice %arg9[%mul3A_168, %dma_start3A_171] : memref<512x32xf32, #tpu.memory_space<vmem>> -> memref<128x32xf32, #tpu.memory_space<vmem>>
      %dma_start3A_173 = arith.constant 0 : i32
      %dma_start3A_174 = tpu.memref_slice %arg8[%rem3A_170, %dma_start3A_173] : memref<24x128xi32, #tpu.memory_space<vmem>> -> memref<1x128xi32, #tpu.memory_space<vmem>>
      %dma_start3A_175 = tpu.memref_squeeze %dma_start3A_174 : memref<1x128xi32, #tpu.memory_space<vmem>> -> memref<128xi32, #tpu.memory_space<vmem>>
      %dma_start3A_176 = arith.constant 0 : i32
      %dma_start3A_177 = arith.constant 0 : i32
      %dma_start3A_178 = tpu.memref_slice %arg10[%dma_start3A_176, %dma_start3A_177] : memref<26624x32xf32, #tpu.memory_space<vmem_shared>> -> memref<26624x32xf32, #tpu.memory_space<vmem_shared>>
      tpu.enqueue_indirect_dma source(%dma_start3A_172 : memref<128x32xf32, #tpu.memory_space<vmem>>) target(%dma_start3A_178 : memref<26624x32xf32, #tpu.memory_space<vmem_shared>>) offsets(%dma_start3A_175 : memref<128xi32, #tpu.memory_space<vmem>>) semaphore(%arg12 : memref<!tpu.dma_semaphore, #tpu.memory_space<semaphore_mem>>) {add = true}
      %ge3A = arith.constant 1 : i32
      %ge3A_179 = arith.cmpi sge, %scan3A_150, %ge3A : i32
      %convert_element_type3A = arith.extui %ge3A_179 : i1 to i32
      %cond3A = arith.constant 0 : i32
      %cond3A_180 = arith.cmpi ne, %convert_element_type3A, %cond3A : i32
      scf.if %cond3A_180 {
        %sub3A = arith.constant 1 : i32
        %sub3A_193 = arith.subi %scan3A_150, %sub3A : i32
        %rem3A_194 = arith.constant 4 : i32
        %rem3A_195 = arith.remsi %sub3A_193, %rem3A_194 : i32
        %mul3A_196 = arith.constant 128 : i32
        %mul3A_197 = arith.muli %rem3A_195, %mul3A_196 : i32
        %rem3A_198 = arith.constant 24 : i32
        %rem3A_199 = arith.remsi %sub3A_193, %rem3A_198 : i32
        %dma_wait3A_200 = arith.constant 0 : i32
        %dma_wait3A_201 = tpu.memref_slice %arg9[%mul3A_197, %dma_wait3A_200] : memref<512x32xf32, #tpu.memory_space<vmem>> -> memref<128x32xf32, #tpu.memory_space<vmem>>
        %dma_wait3A_202 = arith.constant 0 : i32
        %dma_wait3A_203 = tpu.memref_slice %arg8[%rem3A_199, %dma_wait3A_202] : memref<24x128xi32, #tpu.memory_space<vmem>> -> memref<1x128xi32, #tpu.memory_space<vmem>>
        %dma_wait3A_204 = tpu.memref_squeeze %dma_wait3A_203 : memref<1x128xi32, #tpu.memory_space<vmem>> -> memref<128xi32, #tpu.memory_space<vmem>>
        %dma_wait3A_205 = arith.constant 0 : i32
        %dma_wait3A_206 = arith.constant 0 : i32
        %dma_wait3A_207 = tpu.memref_slice %arg10[%dma_wait3A_205, %dma_wait3A_206] : memref<26624x32xf32, #tpu.memory_space<vmem_shared>> -> memref<26624x32xf32, #tpu.memory_space<vmem_shared>>
        tpu.wait_indirect_dma semaphore(%arg12 : memref<!tpu.dma_semaphore, #tpu.memory_space<semaphore_mem>>) src(%dma_wait3A_201 : memref<128x32xf32, #tpu.memory_space<vmem>>) dst(%dma_wait3A_207 : memref<26624x32xf32, #tpu.memory_space<vmem_shared>>)
      } else {
      }
      %rem3A_181 = arith.constant 8 : i32
      %rem3A_182 = arith.remsi %scan3A_150, %rem3A_181 : i32
      %eq3A = arith.constant 0 : i32
      %eq3A_183 = arith.cmpi eq, %rem3A_182, %eq3A : i32
      %convert_element_type3A_184 = arith.extui %eq3A_183 : i1 to i32
      %cond3A_185 = arith.constant 0 : i32
      %cond3A_186 = arith.cmpi ne, %convert_element_type3A_184, %cond3A_185 : i32
      scf.if %cond3A_186 {
        %jit3A = arith.constant 8 : i32
        %div3A = arith.divsi %scan3A_150, %jit3A : i32
        %sign3A = arith.constant 0 : i32
        %sign3A_193 = arith.cmpi sgt, %scan3A_150, %sign3A : i32
        %sign3A_194 = arith.extui %sign3A_193 : i1 to i32
        %sign3A_195 = arith.constant 0 : i32
        %sign3A_196 = arith.cmpi slt, %scan3A_150, %sign3A_195 : i32
        %sign3A_197 = arith.extui %sign3A_196 : i1 to i32
        %sign3A_198 = arith.subi %sign3A_194, %sign3A_197 : i32
        %sign3A_199 = arith.constant 0 : i32
        %sign3A_200 = arith.cmpi sgt, %jit3A, %sign3A_199 : i32
        %sign3A_201 = arith.extui %sign3A_200 : i1 to i32
        %sign3A_202 = arith.constant 0 : i32
        %sign3A_203 = arith.cmpi slt, %jit3A, %sign3A_202 : i32
        %sign3A_204 = arith.extui %sign3A_203 : i1 to i32
        %sign3A_205 = arith.subi %sign3A_201, %sign3A_204 : i32
        %ne3A = arith.cmpi ne, %sign3A_198, %sign3A_205 : i32
        %rem3A_206 = arith.remsi %scan3A_150, %jit3A : i32
        %ne3A_207 = arith.constant 0 : i32
        %ne3A_208 = arith.cmpi ne, %rem3A_206, %ne3A_207 : i32
        %and3A = arith.andi %ne3A, %ne3A_208 : i1
        %sub3A = arith.constant 1 : i32
        %sub3A_209 = arith.subi %div3A, %sub3A : i32
        %select_n3A = arith.select %and3A, %sub3A_209, %div3A : i32
        %add3A_210 = arith.constant 1 : i32
        %add3A_211 = arith.addi %select_n3A, %add3A_210 : i32
        %le3A_212 = arith.constant 49 : i32
        %le3A_213 = arith.cmpi sle, %add3A_211, %le3A_212 : i32
        %convert_element_type3A_214 = arith.extui %le3A_213 : i1 to i32
        %cond3A_215 = arith.constant 0 : i32
        %cond3A_216 = arith.cmpi ne, %convert_element_type3A_214, %cond3A_215 : i32
        scf.if %cond3A_216 {
          %dma_wait3A_224 = arith.constant 0 : i32
          %dma_wait3A_225 = arith.constant 0 : i32
          %dma_wait3A_226 = tpu.memref_slice %arg7[%dma_wait3A_224, %dma_wait3A_225] : memref<24x128xi32, #tpu.memory_space<vmem>> -> memref<8x128xi32, #tpu.memory_space<vmem>>
          %dma_wait3A_227 = arith.constant 0 : i32
          %dma_wait3A_228 = tpu.memref_slice %arg3[%mul3A_0, %dma_wait3A_227] : memref<12800x128xi32, #tpu.memory_space<hbm>> -> memref<8x128xi32, #tpu.memory_space<hbm>>
          %dma_wait3A_229 = arith.constant 0 : i32
          %dma_wait3A_230 = arith.constant 0 : i32
          %dma_wait3A_231 = tpu.memref_slice %arg7[%dma_wait3A_229, %dma_wait3A_230] : memref<24x128xi32, #tpu.memory_space<vmem>> -> memref<8x128xi32, #tpu.memory_space<vmem>>
          %dma_wait3A_232 = arith.constant 0 : i32
          %dma_wait3A_233 = tpu.memref_slice %arg3[%mul3A_0, %dma_wait3A_232] : memref<12800x128xi32, #tpu.memory_space<hbm>> -> memref<8x128xi32, #tpu.memory_space<hbm>>
          tpu.wait_dma2 semaphore(%arg13 : memref<!tpu.dma_semaphore, #tpu.memory_space<semaphore_mem>>) src(%dma_wait3A_233 : memref<8x128xi32, #tpu.memory_space<hbm>>) dst(%dma_wait3A_231 : memref<8x128xi32, #tpu.memory_space<vmem>>)
          %dma_wait3A_234 = arith.constant 0 : i32
          %dma_wait3A_235 = arith.constant 0 : i32
          %dma_wait3A_236 = tpu.memref_slice %arg8[%dma_wait3A_234, %dma_wait3A_235] : memref<24x128xi32, #tpu.memory_space<vmem>> -> memref<8x128xi32, #tpu.memory_space<vmem>>
          %dma_wait3A_237 = arith.constant 0 : i32
          %dma_wait3A_238 = tpu.memref_slice %arg4[%mul3A_0, %dma_wait3A_237] : memref<6400x128xi32, #tpu.memory_space<hbm>> -> memref<8x128xi32, #tpu.memory_space<hbm>>
          %dma_wait3A_239 = arith.constant 0 : i32
          %dma_wait3A_240 = arith.constant 0 : i32
          %dma_wait3A_241 = tpu.memref_slice %arg8[%dma_wait3A_239, %dma_wait3A_240] : memref<24x128xi32, #tpu.memory_space<vmem>> -> memref<8x128xi32, #tpu.memory_space<vmem>>
          %dma_wait3A_242 = arith.constant 0 : i32
          %dma_wait3A_243 = tpu.memref_slice %arg4[%mul3A_0, %dma_wait3A_242] : memref<6400x128xi32, #tpu.memory_space<hbm>> -> memref<8x128xi32, #tpu.memory_space<hbm>>
          tpu.wait_dma2 semaphore(%arg14 : memref<!tpu.dma_semaphore, #tpu.memory_space<semaphore_mem>>) src(%dma_wait3A_243 : memref<8x128xi32, #tpu.memory_space<hbm>>) dst(%dma_wait3A_241 : memref<8x128xi32, #tpu.memory_space<vmem>>)
        } else {
        }
        %add3A_217 = arith.constant 2 : i32
        %add3A_218 = arith.addi %select_n3A, %add3A_217 : i32
        %le3A_219 = arith.constant 49 : i32
        %le3A_220 = arith.cmpi sle, %add3A_218, %le3A_219 : i32
        %convert_element_type3A_221 = arith.extui %le3A_220 : i1 to i32
        %cond3A_222 = arith.constant 0 : i32
        %cond3A_223 = arith.cmpi ne, %convert_element_type3A_221, %cond3A_222 : i32
        scf.if %cond3A_223 {
          %add3A_224 = arith.constant 2 : i32
          %add3A_225 = arith.addi %select_n3A, %add3A_224 : i32
          %add3A_226 = arith.constant 2 : i32
          %add3A_227 = arith.addi %select_n3A, %add3A_226 : i32
          %rem3A_228 = arith.constant 3 : i32
          %rem3A_229 = arith.remsi %add3A_227, %rem3A_228 : i32
          %mul3A_230 = arith.constant 6400 : i32
          %mul3A_231 = arith.muli %arg0, %mul3A_230 : i32
          %add3A_232 = arith.addi %mul3A_231, %mul3A_0 : i32
          %mul3A_233 = arith.constant 8 : i32
          %mul3A_234 = arith.muli %add3A_225, %mul3A_233 : i32
          %add3A_235 = arith.addi %add3A_232, %mul3A_234 : i32
          %mul3A_236 = arith.constant 8 : i32
          %mul3A_237 = arith.muli %rem3A_229, %mul3A_236 : i32
          %dma_start3A_238 = arith.constant 0 : i32
          %dma_start3A_239 = tpu.memref_slice %arg7[%mul3A_237, %dma_start3A_238] : memref<24x128xi32, #tpu.memory_space<vmem>> -> memref<8x128xi32, #tpu.memory_space<vmem>>
          %dma_start3A_240 = arith.constant 0 : i32
          %dma_start3A_241 = tpu.memref_slice %arg3[%add3A_235, %dma_start3A_240] : memref<12800x128xi32, #tpu.memory_space<hbm>> -> memref<8x128xi32, #tpu.memory_space<hbm>>
          %dma_start3A_242 = arith.constant 0 : i32
          %dma_start3A_243 = tpu.memref_slice %arg7[%mul3A_237, %dma_start3A_242] : memref<24x128xi32, #tpu.memory_space<vmem>> -> memref<8x128xi32, #tpu.memory_space<vmem>>
          %dma_start3A_244 = arith.constant 0 : i32
          %dma_start3A_245 = tpu.memref_slice %arg3[%add3A_235, %dma_start3A_244] : memref<12800x128xi32, #tpu.memory_space<hbm>> -> memref<8x128xi32, #tpu.memory_space<hbm>>
          tpu.enqueue_dma source(%dma_start3A_245 : memref<8x128xi32, #tpu.memory_space<hbm>>) target(%dma_start3A_243 : memref<8x128xi32, #tpu.memory_space<vmem>>) target_semaphore(%arg13 : memref<!tpu.dma_semaphore, #tpu.memory_space<semaphore_mem>>)
          %mul3A_246 = arith.constant 8 : i32
          %mul3A_247 = arith.muli %add3A_225, %mul3A_246 : i32
          %add3A_248 = arith.addi %mul3A_0, %mul3A_247 : i32
          %mul3A_249 = arith.constant 8 : i32
          %mul3A_250 = arith.muli %rem3A_229, %mul3A_249 : i32
          %dma_start3A_251 = arith.constant 0 : i32
          %dma_start3A_252 = tpu.memref_slice %arg8[%mul3A_250, %dma_start3A_251] : memref<24x128xi32, #tpu.memory_space<vmem>> -> memref<8x128xi32, #tpu.memory_space<vmem>>
          %dma_start3A_253 = arith.constant 0 : i32
          %dma_start3A_254 = tpu.memref_slice %arg4[%add3A_248, %dma_start3A_253] : memref<6400x128xi32, #tpu.memory_space<hbm>> -> memref<8x128xi32, #tpu.memory_space<hbm>>
          %dma_start3A_255 = arith.constant 0 : i32
          %dma_start3A_256 = tpu.memref_slice %arg8[%mul3A_250, %dma_start3A_255] : memref<24x128xi32, #tpu.memory_space<vmem>> -> memref<8x128xi32, #tpu.memory_space<vmem>>
          %dma_start3A_257 = arith.constant 0 : i32
          %dma_start3A_258 = tpu.memref_slice %arg4[%add3A_248, %dma_start3A_257] : memref<6400x128xi32, #tpu.memory_space<hbm>> -> memref<8x128xi32, #tpu.memory_space<hbm>>
          tpu.enqueue_dma source(%dma_start3A_258 : memref<8x128xi32, #tpu.memory_space<hbm>>) target(%dma_start3A_256 : memref<8x128xi32, #tpu.memory_space<vmem>>) target_semaphore(%arg14 : memref<!tpu.dma_semaphore, #tpu.memory_space<semaphore_mem>>)
        } else {
        }
      } else {
      }
      %add3A_187 = arith.constant 3 : i32
      %add3A_188 = arith.addi %scan3A_150, %add3A_187 : i32
      %le3A = arith.constant 399 : i32
      %le3A_189 = arith.cmpi sle, %add3A_188, %le3A : i32
      %convert_element_type3A_190 = arith.extui %le3A_189 : i1 to i32
      %cond3A_191 = arith.constant 0 : i32
      %cond3A_192 = arith.cmpi ne, %convert_element_type3A_190, %cond3A_191 : i32
      scf.if %cond3A_192 {
        %add3A_193 = arith.constant 3 : i32
        %add3A_194 = arith.addi %scan3A_150, %add3A_193 : i32
        %rem3A_195 = arith.constant 24 : i32
        %rem3A_196 = arith.remsi %add3A_194, %rem3A_195 : i32
        %rem3A_197 = arith.constant 4 : i32
        %rem3A_198 = arith.remsi %add3A_194, %rem3A_197 : i32
        %mul3A_199 = arith.constant 128 : i32
        %mul3A_200 = arith.muli %rem3A_198, %mul3A_199 : i32
        %dma_start3A_201 = arith.constant 0 : i32
        %dma_start3A_202 = tpu.memref_slice %arg9[%mul3A_200, %dma_start3A_201] : memref<512x32xf32, #tpu.memory_space<vmem>> -> memref<128x32xf32, #tpu.memory_space<vmem>>
        %dma_start3A_203 = arith.constant 0 : i32
        %dma_start3A_204 = tpu.memref_slice %arg7[%rem3A_196, %dma_start3A_203] : memref<24x128xi32, #tpu.memory_space<vmem>> -> memref<1x128xi32, #tpu.memory_space<vmem>>
        %dma_start3A_205 = tpu.memref_squeeze %dma_start3A_204 : memref<1x128xi32, #tpu.memory_space<vmem>> -> memref<128xi32, #tpu.memory_space<vmem>>
        %dma_start3A_206 = arith.constant 0 : i32
        %dma_start3A_207 = arith.constant 0 : i32
        %dma_start3A_208 = tpu.memref_slice %arg2[%dma_start3A_206, %dma_start3A_207] : memref<100096x32xf32, #tpu.memory_space<hbm>> -> memref<100096x32xf32, #tpu.memory_space<hbm>>
        tpu.enqueue_indirect_dma source(%dma_start3A_208 : memref<100096x32xf32, #tpu.memory_space<hbm>>) target(%dma_start3A_202 : memref<128x32xf32, #tpu.memory_space<vmem>>) offsets(%dma_start3A_205 : memref<128xi32, #tpu.memory_space<vmem>>) semaphore(%arg11 : memref<!tpu.dma_semaphore, #tpu.memory_space<semaphore_mem>>)
      } else {
      }
    }
    %scan3A_125 = arith.constant 400 : i32
    %rem3A_126 = arith.constant 399 : i32
    %rem3A_127 = arith.constant 4 : i32
    %rem3A_128 = arith.remsi %rem3A_126, %rem3A_127 : i32
    %mul3A_129 = arith.constant 128 : i32
    %mul3A_130 = arith.muli %rem3A_128, %mul3A_129 : i32
    %rem3A_131 = arith.constant 399 : i32
    %rem3A_132 = arith.constant 24 : i32
    %rem3A_133 = arith.remsi %rem3A_131, %rem3A_132 : i32
    %dma_wait3A_134 = arith.constant 0 : i32
    %dma_wait3A_135 = tpu.memref_slice %arg9[%mul3A_130, %dma_wait3A_134] : memref<512x32xf32, #tpu.memory_space<vmem>> -> memref<128x32xf32, #tpu.memory_space<vmem>>
    %dma_wait3A_136 = arith.constant 0 : i32
    %dma_wait3A_137 = tpu.memref_slice %arg8[%rem3A_133, %dma_wait3A_136] : memref<24x128xi32, #tpu.memory_space<vmem>> -> memref<1x128xi32, #tpu.memory_space<vmem>>
    %dma_wait3A_138 = tpu.memref_squeeze %dma_wait3A_137 : memref<1x128xi32, #tpu.memory_space<vmem>> -> memref<128xi32, #tpu.memory_space<vmem>>
    %dma_wait3A_139 = arith.constant 0 : i32
    %dma_wait3A_140 = arith.constant 0 : i32
    %dma_wait3A_141 = tpu.memref_slice %arg10[%dma_wait3A_139, %dma_wait3A_140] : memref<26624x32xf32, #tpu.memory_space<vmem_shared>> -> memref<26624x32xf32, #tpu.memory_space<vmem_shared>>
    tpu.wait_indirect_dma semaphore(%arg12 : memref<!tpu.dma_semaphore, #tpu.memory_space<semaphore_mem>>) src(%dma_wait3A_135 : memref<128x32xf32, #tpu.memory_space<vmem>>) dst(%dma_wait3A_141 : memref<26624x32xf32, #tpu.memory_space<vmem_shared>>)
    %barrier3A_142 = arith.constant 0 : index
    tpu.barrier barrier_id(%barrier3A_142)
    %mul3A_143 = arith.constant 1568 : i32
    %mul3A_144 = arith.muli %arg1, %mul3A_143 : i32
    %mul3A_145 = arith.constant 25088 : i32
    %mul3A_146 = arith.muli %arg0, %mul3A_145 : i32
    %mul3A_147 = arith.constant 1568 : i32
    %mul3A_148 = arith.muli %arg1, %mul3A_147 : i32
    %add3A_149 = arith.addi %mul3A_146, %mul3A_148 : i32
    "tpu.region"() ({
      %run_scoped3A = tpu.sem_alloc : memref<!tpu.dma_semaphore, #tpu.memory_space<semaphore_mem>>
      %dma_start3A_150 = arith.constant 0 : i32
      %dma_start3A_151 = tpu.memref_slice %arg6[%add3A_149, %dma_start3A_150] : memref<50176x32xf32, #tpu.memory_space<hbm>> -> memref<1568x32xf32, #tpu.memory_space<hbm>>
      %dma_start3A_152 = arith.constant 0 : i32
      %dma_start3A_153 = tpu.memref_slice %arg10[%mul3A_144, %dma_start3A_152] : memref<26624x32xf32, #tpu.memory_space<vmem_shared>> -> memref<1568x32xf32, #tpu.memory_space<vmem_shared>>
      tpu.enqueue_dma source(%dma_start3A_153 : memref<1568x32xf32, #tpu.memory_space<vmem_shared>>) target(%dma_start3A_151 : memref<1568x32xf32, #tpu.memory_space<hbm>>) target_semaphore(%run_scoped3A : memref<!tpu.dma_semaphore, #tpu.memory_space<semaphore_mem>>)
      %dma_wait3A_154 = arith.constant 0 : i32
      %dma_wait3A_155 = tpu.memref_slice %arg6[%add3A_149, %dma_wait3A_154] : memref<50176x32xf32, #tpu.memory_space<hbm>> -> memref<1568x32xf32, #tpu.memory_space<hbm>>
      %dma_wait3A_156 = arith.constant 0 : i32
      %dma_wait3A_157 = tpu.memref_slice %arg10[%mul3A_144, %dma_wait3A_156] : memref<26624x32xf32, #tpu.memory_space<vmem_shared>> -> memref<1568x32xf32, #tpu.memory_space<vmem_shared>>
      tpu.wait_dma2 semaphore(%run_scoped3A : memref<!tpu.dma_semaphore, #tpu.memory_space<semaphore_mem>>) src(%dma_wait3A_157 : memref<1568x32xf32, #tpu.memory_space<vmem_shared>>) dst(%dma_wait3A_155 : memref<1568x32xf32, #tpu.memory_space<hbm>>)
      tpu.yield
    }) : () -> ()
    return
  }
}

#map = affine_map<(d0, d1) -> (0, 0)>
module attributes {stable_mosaic.version = 14 : i64} {
  func.func @spmm(%arg0: i32, %arg1: i32, %arg2: memref<50176x32xf32, #tpu.memory_space<hbm>>, %arg3: memref<12800x128xi32, #tpu.memory_space<hbm>>, %arg4: memref<6400x128xi32, #tpu.memory_space<hbm>>, %arg5: memref<3200x32xf32, #tpu.memory_space<hbm>>, %arg6: memref<100096x32xf32, #tpu.memory_space<hbm>>, %arg7: memref<24x128xi32, #tpu.memory_space<vmem>>, %arg8: memref<24x128xi32, #tpu.memory_space<vmem>>, %arg9: memref<512x32xf32, #tpu.memory_space<vmem>>, %arg10: memref<51200x32xf32, #tpu.memory_space<vmem_shared>>, %arg11: memref<!tpu.dma_semaphore, #tpu.memory_space<semaphore_mem>>, %arg12: memref<!tpu.dma_semaphore, #tpu.memory_space<semaphore_mem>>, %arg13: memref<!tpu.dma_semaphore, #tpu.memory_space<semaphore_mem>>, %arg14: memref<!tpu.dma_semaphore, #tpu.memory_space<semaphore_mem>>) attributes {dimension_semantics = [#tpu.dimension_semantics<core_parallel>, #tpu.dimension_semantics<subcore_parallel>], iteration_bounds = array<i64: 2, 16>, scalar_prefetch = 0 : i64, scratch_operands = 8 : i64, tpu.core_type = #tpu.core_type<sc_vector_subcore>, window_params = [{transform_indices = #map}, {transform_indices = #map}, {transform_indices = #map}, {transform_indices = #map}, {transform_indices = #map}]} {
    %mul3A = arith.constant 400 : i32
    %mul3A_0 = arith.muli %arg1, %mul3A : i32
    %mul3A_1 = arith.constant 3200 : i32
    %mul3A_2 = arith.muli %arg1, %mul3A_1 : i32
    "tpu.region"() ({
      %run_scoped3A = tpu.sem_alloc : memref<!tpu.dma_semaphore, #tpu.memory_space<semaphore_mem>>
      %dma_start3A_150 = arith.constant 0 : i32
      %dma_start3A_151 = tpu.memref_slice %arg10[%mul3A_2, %dma_start3A_150] : memref<51200x32xf32, #tpu.memory_space<vmem_shared>> -> memref<3200x32xf32, #tpu.memory_space<vmem_shared>>
      %dma_start3A_152 = arith.constant 0 : i32
      %dma_start3A_153 = arith.constant 0 : i32
      %dma_start3A_154 = tpu.memref_slice %arg5[%dma_start3A_152, %dma_start3A_153] : memref<3200x32xf32, #tpu.memory_space<hbm>> -> memref<3200x32xf32, #tpu.memory_space<hbm>>
      tpu.enqueue_dma source(%dma_start3A_154 : memref<3200x32xf32, #tpu.memory_space<hbm>>) target(%dma_start3A_151 : memref<3200x32xf32, #tpu.memory_space<vmem_shared>>) target_semaphore(%run_scoped3A : memref<!tpu.dma_semaphore, #tpu.memory_space<semaphore_mem>>)
      %dma_wait3A_155 = arith.constant 0 : i32
      %dma_wait3A_156 = tpu.memref_slice %arg10[%mul3A_2, %dma_wait3A_155] : memref<51200x32xf32, #tpu.memory_space<vmem_shared>> -> memref<3200x32xf32, #tpu.memory_space<vmem_shared>>
      %dma_wait3A_157 = arith.constant 0 : i32
      %dma_wait3A_158 = arith.constant 0 : i32
      %dma_wait3A_159 = tpu.memref_slice %arg5[%dma_wait3A_157, %dma_wait3A_158] : memref<3200x32xf32, #tpu.memory_space<hbm>> -> memref<3200x32xf32, #tpu.memory_space<hbm>>
      tpu.wait_dma2 semaphore(%run_scoped3A : memref<!tpu.dma_semaphore, #tpu.memory_space<semaphore_mem>>) src(%dma_wait3A_159 : memref<3200x32xf32, #tpu.memory_space<hbm>>) dst(%dma_wait3A_156 : memref<3200x32xf32, #tpu.memory_space<vmem_shared>>)
      tpu.yield
    }) : () -> ()
    %mul3A_3 = arith.constant 6400 : i32
    %mul3A_4 = arith.muli %arg0, %mul3A_3 : i32
    %add3A = arith.addi %mul3A_4, %mul3A_0 : i32
    %add3A_5 = arith.constant 0 : i32
    %add3A_6 = arith.addi %add3A, %add3A_5 : i32
    %dma_start3A = arith.constant 0 : i32
    %dma_start3A_7 = arith.constant 0 : i32
    %dma_start3A_8 = tpu.memref_slice %arg7[%dma_start3A, %dma_start3A_7] : memref<24x128xi32, #tpu.memory_space<vmem>> -> memref<8x128xi32, #tpu.memory_space<vmem>>
    %dma_start3A_9 = arith.constant 0 : i32
    %dma_start3A_10 = tpu.memref_slice %arg3[%add3A_6, %dma_start3A_9] : memref<12800x128xi32, #tpu.memory_space<hbm>> -> memref<8x128xi32, #tpu.memory_space<hbm>>
    %dma_start3A_11 = arith.constant 0 : i32
    %dma_start3A_12 = arith.constant 0 : i32
    %dma_start3A_13 = tpu.memref_slice %arg7[%dma_start3A_11, %dma_start3A_12] : memref<24x128xi32, #tpu.memory_space<vmem>> -> memref<8x128xi32, #tpu.memory_space<vmem>>
    %dma_start3A_14 = arith.constant 0 : i32
    %dma_start3A_15 = tpu.memref_slice %arg3[%add3A_6, %dma_start3A_14] : memref<12800x128xi32, #tpu.memory_space<hbm>> -> memref<8x128xi32, #tpu.memory_space<hbm>>
    tpu.enqueue_dma source(%dma_start3A_15 : memref<8x128xi32, #tpu.memory_space<hbm>>) target(%dma_start3A_13 : memref<8x128xi32, #tpu.memory_space<vmem>>) target_semaphore(%arg13 : memref<!tpu.dma_semaphore, #tpu.memory_space<semaphore_mem>>)
    %add3A_16 = arith.constant 0 : i32
    %add3A_17 = arith.addi %mul3A_0, %add3A_16 : i32
    %dma_start3A_18 = arith.constant 0 : i32
    %dma_start3A_19 = arith.constant 0 : i32
    %dma_start3A_20 = tpu.memref_slice %arg8[%dma_start3A_18, %dma_start3A_19] : memref<24x128xi32, #tpu.memory_space<vmem>> -> memref<8x128xi32, #tpu.memory_space<vmem>>
    %dma_start3A_21 = arith.constant 0 : i32
    %dma_start3A_22 = tpu.memref_slice %arg4[%add3A_17, %dma_start3A_21] : memref<6400x128xi32, #tpu.memory_space<hbm>> -> memref<8x128xi32, #tpu.memory_space<hbm>>
    %dma_start3A_23 = arith.constant 0 : i32
    %dma_start3A_24 = arith.constant 0 : i32
    %dma_start3A_25 = tpu.memref_slice %arg8[%dma_start3A_23, %dma_start3A_24] : memref<24x128xi32, #tpu.memory_space<vmem>> -> memref<8x128xi32, #tpu.memory_space<vmem>>
    %dma_start3A_26 = arith.constant 0 : i32
    %dma_start3A_27 = tpu.memref_slice %arg4[%add3A_17, %dma_start3A_26] : memref<6400x128xi32, #tpu.memory_space<hbm>> -> memref<8x128xi32, #tpu.memory_space<hbm>>
    tpu.enqueue_dma source(%dma_start3A_27 : memref<8x128xi32, #tpu.memory_space<hbm>>) target(%dma_start3A_25 : memref<8x128xi32, #tpu.memory_space<vmem>>) target_semaphore(%arg14 : memref<!tpu.dma_semaphore, #tpu.memory_space<semaphore_mem>>)
    %mul3A_28 = arith.constant 6400 : i32
    %mul3A_29 = arith.muli %arg0, %mul3A_28 : i32
    %add3A_30 = arith.addi %mul3A_29, %mul3A_0 : i32
    %add3A_31 = arith.constant 8 : i32
    %add3A_32 = arith.addi %add3A_30, %add3A_31 : i32
    %dma_start3A_33 = arith.constant 8 : i32
    %dma_start3A_34 = arith.constant 0 : i32
    %dma_start3A_35 = tpu.memref_slice %arg7[%dma_start3A_33, %dma_start3A_34] : memref<24x128xi32, #tpu.memory_space<vmem>> -> memref<8x128xi32, #tpu.memory_space<vmem>>
    %dma_start3A_36 = arith.constant 0 : i32
    %dma_start3A_37 = tpu.memref_slice %arg3[%add3A_32, %dma_start3A_36] : memref<12800x128xi32, #tpu.memory_space<hbm>> -> memref<8x128xi32, #tpu.memory_space<hbm>>
    %dma_start3A_38 = arith.constant 8 : i32
    %dma_start3A_39 = arith.constant 0 : i32
    %dma_start3A_40 = tpu.memref_slice %arg7[%dma_start3A_38, %dma_start3A_39] : memref<24x128xi32, #tpu.memory_space<vmem>> -> memref<8x128xi32, #tpu.memory_space<vmem>>
    %dma_start3A_41 = arith.constant 0 : i32
    %dma_start3A_42 = tpu.memref_slice %arg3[%add3A_32, %dma_start3A_41] : memref<12800x128xi32, #tpu.memory_space<hbm>> -> memref<8x128xi32, #tpu.memory_space<hbm>>
    tpu.enqueue_dma source(%dma_start3A_42 : memref<8x128xi32, #tpu.memory_space<hbm>>) target(%dma_start3A_40 : memref<8x128xi32, #tpu.memory_space<vmem>>) target_semaphore(%arg13 : memref<!tpu.dma_semaphore, #tpu.memory_space<semaphore_mem>>)
    %add3A_43 = arith.constant 8 : i32
    %add3A_44 = arith.addi %mul3A_0, %add3A_43 : i32
    %dma_start3A_45 = arith.constant 8 : i32
    %dma_start3A_46 = arith.constant 0 : i32
    %dma_start3A_47 = tpu.memref_slice %arg8[%dma_start3A_45, %dma_start3A_46] : memref<24x128xi32, #tpu.memory_space<vmem>> -> memref<8x128xi32, #tpu.memory_space<vmem>>
    %dma_start3A_48 = arith.constant 0 : i32
    %dma_start3A_49 = tpu.memref_slice %arg4[%add3A_44, %dma_start3A_48] : memref<6400x128xi32, #tpu.memory_space<hbm>> -> memref<8x128xi32, #tpu.memory_space<hbm>>
    %dma_start3A_50 = arith.constant 8 : i32
    %dma_start3A_51 = arith.constant 0 : i32
    %dma_start3A_52 = tpu.memref_slice %arg8[%dma_start3A_50, %dma_start3A_51] : memref<24x128xi32, #tpu.memory_space<vmem>> -> memref<8x128xi32, #tpu.memory_space<vmem>>
    %dma_start3A_53 = arith.constant 0 : i32
    %dma_start3A_54 = tpu.memref_slice %arg4[%add3A_44, %dma_start3A_53] : memref<6400x128xi32, #tpu.memory_space<hbm>> -> memref<8x128xi32, #tpu.memory_space<hbm>>
    tpu.enqueue_dma source(%dma_start3A_54 : memref<8x128xi32, #tpu.memory_space<hbm>>) target(%dma_start3A_52 : memref<8x128xi32, #tpu.memory_space<vmem>>) target_semaphore(%arg14 : memref<!tpu.dma_semaphore, #tpu.memory_space<semaphore_mem>>)
    %dma_wait3A = arith.constant 0 : i32
    %dma_wait3A_55 = arith.constant 0 : i32
    %dma_wait3A_56 = tpu.memref_slice %arg7[%dma_wait3A, %dma_wait3A_55] : memref<24x128xi32, #tpu.memory_space<vmem>> -> memref<8x128xi32, #tpu.memory_space<vmem>>
    %dma_wait3A_57 = arith.constant 0 : i32
    %dma_wait3A_58 = tpu.memref_slice %arg3[%mul3A_0, %dma_wait3A_57] : memref<12800x128xi32, #tpu.memory_space<hbm>> -> memref<8x128xi32, #tpu.memory_space<hbm>>
    %dma_wait3A_59 = arith.constant 0 : i32
    %dma_wait3A_60 = arith.constant 0 : i32
    %dma_wait3A_61 = tpu.memref_slice %arg7[%dma_wait3A_59, %dma_wait3A_60] : memref<24x128xi32, #tpu.memory_space<vmem>> -> memref<8x128xi32, #tpu.memory_space<vmem>>
    %dma_wait3A_62 = arith.constant 0 : i32
    %dma_wait3A_63 = tpu.memref_slice %arg3[%mul3A_0, %dma_wait3A_62] : memref<12800x128xi32, #tpu.memory_space<hbm>> -> memref<8x128xi32, #tpu.memory_space<hbm>>
    tpu.wait_dma2 semaphore(%arg13 : memref<!tpu.dma_semaphore, #tpu.memory_space<semaphore_mem>>) src(%dma_wait3A_63 : memref<8x128xi32, #tpu.memory_space<hbm>>) dst(%dma_wait3A_61 : memref<8x128xi32, #tpu.memory_space<vmem>>)
    %dma_wait3A_64 = arith.constant 0 : i32
    %dma_wait3A_65 = arith.constant 0 : i32
    %dma_wait3A_66 = tpu.memref_slice %arg8[%dma_wait3A_64, %dma_wait3A_65] : memref<24x128xi32, #tpu.memory_space<vmem>> -> memref<8x128xi32, #tpu.memory_space<vmem>>
    %dma_wait3A_67 = arith.constant 0 : i32
    %dma_wait3A_68 = tpu.memref_slice %arg4[%mul3A_0, %dma_wait3A_67] : memref<6400x128xi32, #tpu.memory_space<hbm>> -> memref<8x128xi32, #tpu.memory_space<hbm>>
    %dma_wait3A_69 = arith.constant 0 : i32
    %dma_wait3A_70 = arith.constant 0 : i32
    %dma_wait3A_71 = tpu.memref_slice %arg8[%dma_wait3A_69, %dma_wait3A_70] : memref<24x128xi32, #tpu.memory_space<vmem>> -> memref<8x128xi32, #tpu.memory_space<vmem>>
    %dma_wait3A_72 = arith.constant 0 : i32
    %dma_wait3A_73 = tpu.memref_slice %arg4[%mul3A_0, %dma_wait3A_72] : memref<6400x128xi32, #tpu.memory_space<hbm>> -> memref<8x128xi32, #tpu.memory_space<hbm>>
    tpu.wait_dma2 semaphore(%arg14 : memref<!tpu.dma_semaphore, #tpu.memory_space<semaphore_mem>>) src(%dma_wait3A_73 : memref<8x128xi32, #tpu.memory_space<hbm>>) dst(%dma_wait3A_71 : memref<8x128xi32, #tpu.memory_space<vmem>>)
    %barrier3A = arith.constant 0 : index
    tpu.barrier barrier_id(%barrier3A)
    %rem3A = arith.constant 0 : i32
    %rem3A_74 = arith.constant 24 : i32
    %rem3A_75 = arith.remsi %rem3A, %rem3A_74 : i32
    %rem3A_76 = arith.constant 0 : i32
    %rem3A_77 = arith.constant 4 : i32
    %rem3A_78 = arith.remsi %rem3A_76, %rem3A_77 : i32
    %mul3A_79 = arith.constant 128 : i32
    %mul3A_80 = arith.muli %rem3A_78, %mul3A_79 : i32
    %dma_start3A_81 = arith.constant 0 : i32
    %dma_start3A_82 = tpu.memref_slice %arg9[%mul3A_80, %dma_start3A_81] : memref<512x32xf32, #tpu.memory_space<vmem>> -> memref<128x32xf32, #tpu.memory_space<vmem>>
    %dma_start3A_83 = arith.constant 0 : i32
    %dma_start3A_84 = tpu.memref_slice %arg7[%rem3A_75, %dma_start3A_83] : memref<24x128xi32, #tpu.memory_space<vmem>> -> memref<1x128xi32, #tpu.memory_space<vmem>>
    %dma_start3A_85 = tpu.memref_squeeze %dma_start3A_84 : memref<1x128xi32, #tpu.memory_space<vmem>> -> memref<128xi32, #tpu.memory_space<vmem>>
    %dma_start3A_86 = arith.constant 0 : i32
    %dma_start3A_87 = arith.constant 0 : i32
    %dma_start3A_88 = tpu.memref_slice %arg2[%dma_start3A_86, %dma_start3A_87] : memref<50176x32xf32, #tpu.memory_space<hbm>> -> memref<50176x32xf32, #tpu.memory_space<hbm>>
    tpu.enqueue_indirect_dma source(%dma_start3A_88 : memref<50176x32xf32, #tpu.memory_space<hbm>>) target(%dma_start3A_82 : memref<128x32xf32, #tpu.memory_space<vmem>>) offsets(%dma_start3A_85 : memref<128xi32, #tpu.memory_space<vmem>>) semaphore(%arg11 : memref<!tpu.dma_semaphore, #tpu.memory_space<semaphore_mem>>)
    %rem3A_89 = arith.constant 1 : i32
    %rem3A_90 = arith.constant 24 : i32
    %rem3A_91 = arith.remsi %rem3A_89, %rem3A_90 : i32
    %rem3A_92 = arith.constant 1 : i32
    %rem3A_93 = arith.constant 4 : i32
    %rem3A_94 = arith.remsi %rem3A_92, %rem3A_93 : i32
    %mul3A_95 = arith.constant 128 : i32
    %mul3A_96 = arith.muli %rem3A_94, %mul3A_95 : i32
    %dma_start3A_97 = arith.constant 0 : i32
    %dma_start3A_98 = tpu.memref_slice %arg9[%mul3A_96, %dma_start3A_97] : memref<512x32xf32, #tpu.memory_space<vmem>> -> memref<128x32xf32, #tpu.memory_space<vmem>>
    %dma_start3A_99 = arith.constant 0 : i32
    %dma_start3A_100 = tpu.memref_slice %arg7[%rem3A_91, %dma_start3A_99] : memref<24x128xi32, #tpu.memory_space<vmem>> -> memref<1x128xi32, #tpu.memory_space<vmem>>
    %dma_start3A_101 = tpu.memref_squeeze %dma_start3A_100 : memref<1x128xi32, #tpu.memory_space<vmem>> -> memref<128xi32, #tpu.memory_space<vmem>>
    %dma_start3A_102 = arith.constant 0 : i32
    %dma_start3A_103 = arith.constant 0 : i32
    %dma_start3A_104 = tpu.memref_slice %arg2[%dma_start3A_102, %dma_start3A_103] : memref<50176x32xf32, #tpu.memory_space<hbm>> -> memref<50176x32xf32, #tpu.memory_space<hbm>>
    tpu.enqueue_indirect_dma source(%dma_start3A_104 : memref<50176x32xf32, #tpu.memory_space<hbm>>) target(%dma_start3A_98 : memref<128x32xf32, #tpu.memory_space<vmem>>) offsets(%dma_start3A_101 : memref<128xi32, #tpu.memory_space<vmem>>) semaphore(%arg11 : memref<!tpu.dma_semaphore, #tpu.memory_space<semaphore_mem>>)
    %rem3A_105 = arith.constant 2 : i32
    %rem3A_106 = arith.constant 24 : i32
    %rem3A_107 = arith.remsi %rem3A_105, %rem3A_106 : i32
    %rem3A_108 = arith.constant 2 : i32
    %rem3A_109 = arith.constant 4 : i32
    %rem3A_110 = arith.remsi %rem3A_108, %rem3A_109 : i32
    %mul3A_111 = arith.constant 128 : i32
    %mul3A_112 = arith.muli %rem3A_110, %mul3A_111 : i32
    %dma_start3A_113 = arith.constant 0 : i32
    %dma_start3A_114 = tpu.memref_slice %arg9[%mul3A_112, %dma_start3A_113] : memref<512x32xf32, #tpu.memory_space<vmem>> -> memref<128x32xf32, #tpu.memory_space<vmem>>
    %dma_start3A_115 = arith.constant 0 : i32
    %dma_start3A_116 = tpu.memref_slice %arg7[%rem3A_107, %dma_start3A_115] : memref<24x128xi32, #tpu.memory_space<vmem>> -> memref<1x128xi32, #tpu.memory_space<vmem>>
    %dma_start3A_117 = tpu.memref_squeeze %dma_start3A_116 : memref<1x128xi32, #tpu.memory_space<vmem>> -> memref<128xi32, #tpu.memory_space<vmem>>
    %dma_start3A_118 = arith.constant 0 : i32
    %dma_start3A_119 = arith.constant 0 : i32
    %dma_start3A_120 = tpu.memref_slice %arg2[%dma_start3A_118, %dma_start3A_119] : memref<50176x32xf32, #tpu.memory_space<hbm>> -> memref<50176x32xf32, #tpu.memory_space<hbm>>
    tpu.enqueue_indirect_dma source(%dma_start3A_120 : memref<50176x32xf32, #tpu.memory_space<hbm>>) target(%dma_start3A_114 : memref<128x32xf32, #tpu.memory_space<vmem>>) offsets(%dma_start3A_117 : memref<128xi32, #tpu.memory_space<vmem>>) semaphore(%arg11 : memref<!tpu.dma_semaphore, #tpu.memory_space<semaphore_mem>>)
    %scan3A = arith.constant 0 : i32
    %scan3A_121 = arith.constant 0 : i32
    %scan3A_122 = arith.constant 400 : i32
    %scan3A_123 = arith.addi %scan3A_121, %scan3A_122 : i32
    %scan3A_124 = arith.constant 1 : i32
    scf.for %scan3A_150 = %scan3A_121 to %scan3A_123 step %scan3A_124  : i32 {
      %rem3A_151 = arith.constant 24 : i32
      %rem3A_152 = arith.remsi %scan3A_150, %rem3A_151 : i32
      %rem3A_153 = arith.constant 4 : i32
      %rem3A_154 = arith.remsi %scan3A_150, %rem3A_153 : i32
      %mul3A_155 = arith.constant 128 : i32
      %mul3A_156 = arith.muli %rem3A_154, %mul3A_155 : i32
      %dma_wait3A_157 = arith.constant 0 : i32
      %dma_wait3A_158 = tpu.memref_slice %arg9[%mul3A_156, %dma_wait3A_157] : memref<512x32xf32, #tpu.memory_space<vmem>> -> memref<128x32xf32, #tpu.memory_space<vmem>>
      %dma_wait3A_159 = arith.constant 0 : i32
      %dma_wait3A_160 = tpu.memref_slice %arg7[%rem3A_152, %dma_wait3A_159] : memref<24x128xi32, #tpu.memory_space<vmem>> -> memref<1x128xi32, #tpu.memory_space<vmem>>
      %dma_wait3A_161 = tpu.memref_squeeze %dma_wait3A_160 : memref<1x128xi32, #tpu.memory_space<vmem>> -> memref<128xi32, #tpu.memory_space<vmem>>
      %dma_wait3A_162 = arith.constant 0 : i32
      %dma_wait3A_163 = arith.constant 0 : i32
      %dma_wait3A_164 = tpu.memref_slice %arg2[%dma_wait3A_162, %dma_wait3A_163] : memref<50176x32xf32, #tpu.memory_space<hbm>> -> memref<50176x32xf32, #tpu.memory_space<hbm>>
      tpu.wait_indirect_dma semaphore(%arg11 : memref<!tpu.dma_semaphore, #tpu.memory_space<semaphore_mem>>) src(%dma_wait3A_164 : memref<50176x32xf32, #tpu.memory_space<hbm>>) dst(%dma_wait3A_158 : memref<128x32xf32, #tpu.memory_space<vmem>>)
      %rem3A_165 = arith.constant 4 : i32
      %rem3A_166 = arith.remsi %scan3A_150, %rem3A_165 : i32
      %mul3A_167 = arith.constant 128 : i32
      %mul3A_168 = arith.muli %rem3A_166, %mul3A_167 : i32
      %rem3A_169 = arith.constant 24 : i32
      %rem3A_170 = arith.remsi %scan3A_150, %rem3A_169 : i32
      %dma_start3A_171 = arith.constant 0 : i32
      %dma_start3A_172 = tpu.memref_slice %arg9[%mul3A_168, %dma_start3A_171] : memref<512x32xf32, #tpu.memory_space<vmem>> -> memref<128x32xf32, #tpu.memory_space<vmem>>
      %dma_start3A_173 = arith.constant 0 : i32
      %dma_start3A_174 = tpu.memref_slice %arg8[%rem3A_170, %dma_start3A_173] : memref<24x128xi32, #tpu.memory_space<vmem>> -> memref<1x128xi32, #tpu.memory_space<vmem>>
      %dma_start3A_175 = tpu.memref_squeeze %dma_start3A_174 : memref<1x128xi32, #tpu.memory_space<vmem>> -> memref<128xi32, #tpu.memory_space<vmem>>
      %dma_start3A_176 = arith.constant 0 : i32
      %dma_start3A_177 = arith.constant 0 : i32
      %dma_start3A_178 = tpu.memref_slice %arg10[%dma_start3A_176, %dma_start3A_177] : memref<51200x32xf32, #tpu.memory_space<vmem_shared>> -> memref<51200x32xf32, #tpu.memory_space<vmem_shared>>
      tpu.enqueue_indirect_dma source(%dma_start3A_172 : memref<128x32xf32, #tpu.memory_space<vmem>>) target(%dma_start3A_178 : memref<51200x32xf32, #tpu.memory_space<vmem_shared>>) offsets(%dma_start3A_175 : memref<128xi32, #tpu.memory_space<vmem>>) semaphore(%arg12 : memref<!tpu.dma_semaphore, #tpu.memory_space<semaphore_mem>>) {add = true}
      %ge3A = arith.constant 1 : i32
      %ge3A_179 = arith.cmpi sge, %scan3A_150, %ge3A : i32
      %convert_element_type3A = arith.extui %ge3A_179 : i1 to i32
      %cond3A = arith.constant 0 : i32
      %cond3A_180 = arith.cmpi ne, %convert_element_type3A, %cond3A : i32
      scf.if %cond3A_180 {
        %sub3A = arith.constant 1 : i32
        %sub3A_193 = arith.subi %scan3A_150, %sub3A : i32
        %rem3A_194 = arith.constant 4 : i32
        %rem3A_195 = arith.remsi %sub3A_193, %rem3A_194 : i32
        %mul3A_196 = arith.constant 128 : i32
        %mul3A_197 = arith.muli %rem3A_195, %mul3A_196 : i32
        %rem3A_198 = arith.constant 24 : i32
        %rem3A_199 = arith.remsi %sub3A_193, %rem3A_198 : i32
        %dma_wait3A_200 = arith.constant 0 : i32
        %dma_wait3A_201 = tpu.memref_slice %arg9[%mul3A_197, %dma_wait3A_200] : memref<512x32xf32, #tpu.memory_space<vmem>> -> memref<128x32xf32, #tpu.memory_space<vmem>>
        %dma_wait3A_202 = arith.constant 0 : i32
        %dma_wait3A_203 = tpu.memref_slice %arg8[%rem3A_199, %dma_wait3A_202] : memref<24x128xi32, #tpu.memory_space<vmem>> -> memref<1x128xi32, #tpu.memory_space<vmem>>
        %dma_wait3A_204 = tpu.memref_squeeze %dma_wait3A_203 : memref<1x128xi32, #tpu.memory_space<vmem>> -> memref<128xi32, #tpu.memory_space<vmem>>
        %dma_wait3A_205 = arith.constant 0 : i32
        %dma_wait3A_206 = arith.constant 0 : i32
        %dma_wait3A_207 = tpu.memref_slice %arg10[%dma_wait3A_205, %dma_wait3A_206] : memref<51200x32xf32, #tpu.memory_space<vmem_shared>> -> memref<51200x32xf32, #tpu.memory_space<vmem_shared>>
        tpu.wait_indirect_dma semaphore(%arg12 : memref<!tpu.dma_semaphore, #tpu.memory_space<semaphore_mem>>) src(%dma_wait3A_201 : memref<128x32xf32, #tpu.memory_space<vmem>>) dst(%dma_wait3A_207 : memref<51200x32xf32, #tpu.memory_space<vmem_shared>>)
      } else {
      }
      %rem3A_181 = arith.constant 8 : i32
      %rem3A_182 = arith.remsi %scan3A_150, %rem3A_181 : i32
      %eq3A = arith.constant 0 : i32
      %eq3A_183 = arith.cmpi eq, %rem3A_182, %eq3A : i32
      %convert_element_type3A_184 = arith.extui %eq3A_183 : i1 to i32
      %cond3A_185 = arith.constant 0 : i32
      %cond3A_186 = arith.cmpi ne, %convert_element_type3A_184, %cond3A_185 : i32
      scf.if %cond3A_186 {
        %jit3A = arith.constant 8 : i32
        %div3A = arith.divsi %scan3A_150, %jit3A : i32
        %sign3A = arith.constant 0 : i32
        %sign3A_193 = arith.cmpi sgt, %scan3A_150, %sign3A : i32
        %sign3A_194 = arith.extui %sign3A_193 : i1 to i32
        %sign3A_195 = arith.constant 0 : i32
        %sign3A_196 = arith.cmpi slt, %scan3A_150, %sign3A_195 : i32
        %sign3A_197 = arith.extui %sign3A_196 : i1 to i32
        %sign3A_198 = arith.subi %sign3A_194, %sign3A_197 : i32
        %sign3A_199 = arith.constant 0 : i32
        %sign3A_200 = arith.cmpi sgt, %jit3A, %sign3A_199 : i32
        %sign3A_201 = arith.extui %sign3A_200 : i1 to i32
        %sign3A_202 = arith.constant 0 : i32
        %sign3A_203 = arith.cmpi slt, %jit3A, %sign3A_202 : i32
        %sign3A_204 = arith.extui %sign3A_203 : i1 to i32
        %sign3A_205 = arith.subi %sign3A_201, %sign3A_204 : i32
        %ne3A = arith.cmpi ne, %sign3A_198, %sign3A_205 : i32
        %rem3A_206 = arith.remsi %scan3A_150, %jit3A : i32
        %ne3A_207 = arith.constant 0 : i32
        %ne3A_208 = arith.cmpi ne, %rem3A_206, %ne3A_207 : i32
        %and3A = arith.andi %ne3A, %ne3A_208 : i1
        %sub3A = arith.constant 1 : i32
        %sub3A_209 = arith.subi %div3A, %sub3A : i32
        %select_n3A = arith.select %and3A, %sub3A_209, %div3A : i32
        %add3A_210 = arith.constant 1 : i32
        %add3A_211 = arith.addi %select_n3A, %add3A_210 : i32
        %le3A_212 = arith.constant 49 : i32
        %le3A_213 = arith.cmpi sle, %add3A_211, %le3A_212 : i32
        %convert_element_type3A_214 = arith.extui %le3A_213 : i1 to i32
        %cond3A_215 = arith.constant 0 : i32
        %cond3A_216 = arith.cmpi ne, %convert_element_type3A_214, %cond3A_215 : i32
        scf.if %cond3A_216 {
          %dma_wait3A_224 = arith.constant 0 : i32
          %dma_wait3A_225 = arith.constant 0 : i32
          %dma_wait3A_226 = tpu.memref_slice %arg7[%dma_wait3A_224, %dma_wait3A_225] : memref<24x128xi32, #tpu.memory_space<vmem>> -> memref<8x128xi32, #tpu.memory_space<vmem>>
          %dma_wait3A_227 = arith.constant 0 : i32
          %dma_wait3A_228 = tpu.memref_slice %arg3[%mul3A_0, %dma_wait3A_227] : memref<12800x128xi32, #tpu.memory_space<hbm>> -> memref<8x128xi32, #tpu.memory_space<hbm>>
          %dma_wait3A_229 = arith.constant 0 : i32
          %dma_wait3A_230 = arith.constant 0 : i32
          %dma_wait3A_231 = tpu.memref_slice %arg7[%dma_wait3A_229, %dma_wait3A_230] : memref<24x128xi32, #tpu.memory_space<vmem>> -> memref<8x128xi32, #tpu.memory_space<vmem>>
          %dma_wait3A_232 = arith.constant 0 : i32
          %dma_wait3A_233 = tpu.memref_slice %arg3[%mul3A_0, %dma_wait3A_232] : memref<12800x128xi32, #tpu.memory_space<hbm>> -> memref<8x128xi32, #tpu.memory_space<hbm>>
          tpu.wait_dma2 semaphore(%arg13 : memref<!tpu.dma_semaphore, #tpu.memory_space<semaphore_mem>>) src(%dma_wait3A_233 : memref<8x128xi32, #tpu.memory_space<hbm>>) dst(%dma_wait3A_231 : memref<8x128xi32, #tpu.memory_space<vmem>>)
          %dma_wait3A_234 = arith.constant 0 : i32
          %dma_wait3A_235 = arith.constant 0 : i32
          %dma_wait3A_236 = tpu.memref_slice %arg8[%dma_wait3A_234, %dma_wait3A_235] : memref<24x128xi32, #tpu.memory_space<vmem>> -> memref<8x128xi32, #tpu.memory_space<vmem>>
          %dma_wait3A_237 = arith.constant 0 : i32
          %dma_wait3A_238 = tpu.memref_slice %arg4[%mul3A_0, %dma_wait3A_237] : memref<6400x128xi32, #tpu.memory_space<hbm>> -> memref<8x128xi32, #tpu.memory_space<hbm>>
          %dma_wait3A_239 = arith.constant 0 : i32
          %dma_wait3A_240 = arith.constant 0 : i32
          %dma_wait3A_241 = tpu.memref_slice %arg8[%dma_wait3A_239, %dma_wait3A_240] : memref<24x128xi32, #tpu.memory_space<vmem>> -> memref<8x128xi32, #tpu.memory_space<vmem>>
          %dma_wait3A_242 = arith.constant 0 : i32
          %dma_wait3A_243 = tpu.memref_slice %arg4[%mul3A_0, %dma_wait3A_242] : memref<6400x128xi32, #tpu.memory_space<hbm>> -> memref<8x128xi32, #tpu.memory_space<hbm>>
          tpu.wait_dma2 semaphore(%arg14 : memref<!tpu.dma_semaphore, #tpu.memory_space<semaphore_mem>>) src(%dma_wait3A_243 : memref<8x128xi32, #tpu.memory_space<hbm>>) dst(%dma_wait3A_241 : memref<8x128xi32, #tpu.memory_space<vmem>>)
        } else {
        }
        %add3A_217 = arith.constant 2 : i32
        %add3A_218 = arith.addi %select_n3A, %add3A_217 : i32
        %le3A_219 = arith.constant 49 : i32
        %le3A_220 = arith.cmpi sle, %add3A_218, %le3A_219 : i32
        %convert_element_type3A_221 = arith.extui %le3A_220 : i1 to i32
        %cond3A_222 = arith.constant 0 : i32
        %cond3A_223 = arith.cmpi ne, %convert_element_type3A_221, %cond3A_222 : i32
        scf.if %cond3A_223 {
          %add3A_224 = arith.constant 2 : i32
          %add3A_225 = arith.addi %select_n3A, %add3A_224 : i32
          %add3A_226 = arith.constant 2 : i32
          %add3A_227 = arith.addi %select_n3A, %add3A_226 : i32
          %rem3A_228 = arith.constant 3 : i32
          %rem3A_229 = arith.remsi %add3A_227, %rem3A_228 : i32
          %mul3A_230 = arith.constant 6400 : i32
          %mul3A_231 = arith.muli %arg0, %mul3A_230 : i32
          %add3A_232 = arith.addi %mul3A_231, %mul3A_0 : i32
          %mul3A_233 = arith.constant 8 : i32
          %mul3A_234 = arith.muli %add3A_225, %mul3A_233 : i32
          %add3A_235 = arith.addi %add3A_232, %mul3A_234 : i32
          %mul3A_236 = arith.constant 8 : i32
          %mul3A_237 = arith.muli %rem3A_229, %mul3A_236 : i32
          %dma_start3A_238 = arith.constant 0 : i32
          %dma_start3A_239 = tpu.memref_slice %arg7[%mul3A_237, %dma_start3A_238] : memref<24x128xi32, #tpu.memory_space<vmem>> -> memref<8x128xi32, #tpu.memory_space<vmem>>
          %dma_start3A_240 = arith.constant 0 : i32
          %dma_start3A_241 = tpu.memref_slice %arg3[%add3A_235, %dma_start3A_240] : memref<12800x128xi32, #tpu.memory_space<hbm>> -> memref<8x128xi32, #tpu.memory_space<hbm>>
          %dma_start3A_242 = arith.constant 0 : i32
          %dma_start3A_243 = tpu.memref_slice %arg7[%mul3A_237, %dma_start3A_242] : memref<24x128xi32, #tpu.memory_space<vmem>> -> memref<8x128xi32, #tpu.memory_space<vmem>>
          %dma_start3A_244 = arith.constant 0 : i32
          %dma_start3A_245 = tpu.memref_slice %arg3[%add3A_235, %dma_start3A_244] : memref<12800x128xi32, #tpu.memory_space<hbm>> -> memref<8x128xi32, #tpu.memory_space<hbm>>
          tpu.enqueue_dma source(%dma_start3A_245 : memref<8x128xi32, #tpu.memory_space<hbm>>) target(%dma_start3A_243 : memref<8x128xi32, #tpu.memory_space<vmem>>) target_semaphore(%arg13 : memref<!tpu.dma_semaphore, #tpu.memory_space<semaphore_mem>>)
          %mul3A_246 = arith.constant 8 : i32
          %mul3A_247 = arith.muli %add3A_225, %mul3A_246 : i32
          %add3A_248 = arith.addi %mul3A_0, %mul3A_247 : i32
          %mul3A_249 = arith.constant 8 : i32
          %mul3A_250 = arith.muli %rem3A_229, %mul3A_249 : i32
          %dma_start3A_251 = arith.constant 0 : i32
          %dma_start3A_252 = tpu.memref_slice %arg8[%mul3A_250, %dma_start3A_251] : memref<24x128xi32, #tpu.memory_space<vmem>> -> memref<8x128xi32, #tpu.memory_space<vmem>>
          %dma_start3A_253 = arith.constant 0 : i32
          %dma_start3A_254 = tpu.memref_slice %arg4[%add3A_248, %dma_start3A_253] : memref<6400x128xi32, #tpu.memory_space<hbm>> -> memref<8x128xi32, #tpu.memory_space<hbm>>
          %dma_start3A_255 = arith.constant 0 : i32
          %dma_start3A_256 = tpu.memref_slice %arg8[%mul3A_250, %dma_start3A_255] : memref<24x128xi32, #tpu.memory_space<vmem>> -> memref<8x128xi32, #tpu.memory_space<vmem>>
          %dma_start3A_257 = arith.constant 0 : i32
          %dma_start3A_258 = tpu.memref_slice %arg4[%add3A_248, %dma_start3A_257] : memref<6400x128xi32, #tpu.memory_space<hbm>> -> memref<8x128xi32, #tpu.memory_space<hbm>>
          tpu.enqueue_dma source(%dma_start3A_258 : memref<8x128xi32, #tpu.memory_space<hbm>>) target(%dma_start3A_256 : memref<8x128xi32, #tpu.memory_space<vmem>>) target_semaphore(%arg14 : memref<!tpu.dma_semaphore, #tpu.memory_space<semaphore_mem>>)
        } else {
        }
      } else {
      }
      %add3A_187 = arith.constant 3 : i32
      %add3A_188 = arith.addi %scan3A_150, %add3A_187 : i32
      %le3A = arith.constant 399 : i32
      %le3A_189 = arith.cmpi sle, %add3A_188, %le3A : i32
      %convert_element_type3A_190 = arith.extui %le3A_189 : i1 to i32
      %cond3A_191 = arith.constant 0 : i32
      %cond3A_192 = arith.cmpi ne, %convert_element_type3A_190, %cond3A_191 : i32
      scf.if %cond3A_192 {
        %add3A_193 = arith.constant 3 : i32
        %add3A_194 = arith.addi %scan3A_150, %add3A_193 : i32
        %rem3A_195 = arith.constant 24 : i32
        %rem3A_196 = arith.remsi %add3A_194, %rem3A_195 : i32
        %rem3A_197 = arith.constant 4 : i32
        %rem3A_198 = arith.remsi %add3A_194, %rem3A_197 : i32
        %mul3A_199 = arith.constant 128 : i32
        %mul3A_200 = arith.muli %rem3A_198, %mul3A_199 : i32
        %dma_start3A_201 = arith.constant 0 : i32
        %dma_start3A_202 = tpu.memref_slice %arg9[%mul3A_200, %dma_start3A_201] : memref<512x32xf32, #tpu.memory_space<vmem>> -> memref<128x32xf32, #tpu.memory_space<vmem>>
        %dma_start3A_203 = arith.constant 0 : i32
        %dma_start3A_204 = tpu.memref_slice %arg7[%rem3A_196, %dma_start3A_203] : memref<24x128xi32, #tpu.memory_space<vmem>> -> memref<1x128xi32, #tpu.memory_space<vmem>>
        %dma_start3A_205 = tpu.memref_squeeze %dma_start3A_204 : memref<1x128xi32, #tpu.memory_space<vmem>> -> memref<128xi32, #tpu.memory_space<vmem>>
        %dma_start3A_206 = arith.constant 0 : i32
        %dma_start3A_207 = arith.constant 0 : i32
        %dma_start3A_208 = tpu.memref_slice %arg2[%dma_start3A_206, %dma_start3A_207] : memref<50176x32xf32, #tpu.memory_space<hbm>> -> memref<50176x32xf32, #tpu.memory_space<hbm>>
        tpu.enqueue_indirect_dma source(%dma_start3A_208 : memref<50176x32xf32, #tpu.memory_space<hbm>>) target(%dma_start3A_202 : memref<128x32xf32, #tpu.memory_space<vmem>>) offsets(%dma_start3A_205 : memref<128xi32, #tpu.memory_space<vmem>>) semaphore(%arg11 : memref<!tpu.dma_semaphore, #tpu.memory_space<semaphore_mem>>)
      } else {
      }
    }
    %scan3A_125 = arith.constant 400 : i32
    %rem3A_126 = arith.constant 399 : i32
    %rem3A_127 = arith.constant 4 : i32
    %rem3A_128 = arith.remsi %rem3A_126, %rem3A_127 : i32
    %mul3A_129 = arith.constant 128 : i32
    %mul3A_130 = arith.muli %rem3A_128, %mul3A_129 : i32
    %rem3A_131 = arith.constant 399 : i32
    %rem3A_132 = arith.constant 24 : i32
    %rem3A_133 = arith.remsi %rem3A_131, %rem3A_132 : i32
    %dma_wait3A_134 = arith.constant 0 : i32
    %dma_wait3A_135 = tpu.memref_slice %arg9[%mul3A_130, %dma_wait3A_134] : memref<512x32xf32, #tpu.memory_space<vmem>> -> memref<128x32xf32, #tpu.memory_space<vmem>>
    %dma_wait3A_136 = arith.constant 0 : i32
    %dma_wait3A_137 = tpu.memref_slice %arg8[%rem3A_133, %dma_wait3A_136] : memref<24x128xi32, #tpu.memory_space<vmem>> -> memref<1x128xi32, #tpu.memory_space<vmem>>
    %dma_wait3A_138 = tpu.memref_squeeze %dma_wait3A_137 : memref<1x128xi32, #tpu.memory_space<vmem>> -> memref<128xi32, #tpu.memory_space<vmem>>
    %dma_wait3A_139 = arith.constant 0 : i32
    %dma_wait3A_140 = arith.constant 0 : i32
    %dma_wait3A_141 = tpu.memref_slice %arg10[%dma_wait3A_139, %dma_wait3A_140] : memref<51200x32xf32, #tpu.memory_space<vmem_shared>> -> memref<51200x32xf32, #tpu.memory_space<vmem_shared>>
    tpu.wait_indirect_dma semaphore(%arg12 : memref<!tpu.dma_semaphore, #tpu.memory_space<semaphore_mem>>) src(%dma_wait3A_135 : memref<128x32xf32, #tpu.memory_space<vmem>>) dst(%dma_wait3A_141 : memref<51200x32xf32, #tpu.memory_space<vmem_shared>>)
    %barrier3A_142 = arith.constant 0 : index
    tpu.barrier barrier_id(%barrier3A_142)
    %mul3A_143 = arith.constant 3128 : i32
    %mul3A_144 = arith.muli %arg1, %mul3A_143 : i32
    %mul3A_145 = arith.constant 50048 : i32
    %mul3A_146 = arith.muli %arg0, %mul3A_145 : i32
    %mul3A_147 = arith.constant 3128 : i32
    %mul3A_148 = arith.muli %arg1, %mul3A_147 : i32
    %add3A_149 = arith.addi %mul3A_146, %mul3A_148 : i32
    "tpu.region"() ({
      %run_scoped3A = tpu.sem_alloc : memref<!tpu.dma_semaphore, #tpu.memory_space<semaphore_mem>>
      %dma_start3A_150 = arith.constant 0 : i32
      %dma_start3A_151 = tpu.memref_slice %arg6[%add3A_149, %dma_start3A_150] : memref<100096x32xf32, #tpu.memory_space<hbm>> -> memref<3128x32xf32, #tpu.memory_space<hbm>>
      %dma_start3A_152 = arith.constant 0 : i32
      %dma_start3A_153 = tpu.memref_slice %arg10[%mul3A_144, %dma_start3A_152] : memref<51200x32xf32, #tpu.memory_space<vmem_shared>> -> memref<3128x32xf32, #tpu.memory_space<vmem_shared>>
      tpu.enqueue_dma source(%dma_start3A_153 : memref<3128x32xf32, #tpu.memory_space<vmem_shared>>) target(%dma_start3A_151 : memref<3128x32xf32, #tpu.memory_space<hbm>>) target_semaphore(%run_scoped3A : memref<!tpu.dma_semaphore, #tpu.memory_space<semaphore_mem>>)
      %dma_wait3A_154 = arith.constant 0 : i32
      %dma_wait3A_155 = tpu.memref_slice %arg6[%add3A_149, %dma_wait3A_154] : memref<100096x32xf32, #tpu.memory_space<hbm>> -> memref<3128x32xf32, #tpu.memory_space<hbm>>
      %dma_wait3A_156 = arith.constant 0 : i32
      %dma_wait3A_157 = tpu.memref_slice %arg10[%mul3A_144, %dma_wait3A_156] : memref<51200x32xf32, #tpu.memory_space<vmem_shared>> -> memref<3128x32xf32, #tpu.memory_space<vmem_shared>>
      tpu.wait_dma2 semaphore(%run_scoped3A : memref<!tpu.dma_semaphore, #tpu.memory_space<semaphore_mem>>) src(%dma_wait3A_157 : memref<3128x32xf32, #tpu.memory_space<vmem_shared>>) dst(%dma_wait3A_155 : memref<3128x32xf32, #tpu.memory_space<hbm>>)
      tpu.yield
    }) : () -> ()
    return
  }
}

#map = affine_map<(d0, d1) -> (0, 0)>
module attributes {stable_mosaic.version = 14 : i64} {
  func.func @spmm(%arg0: i32, %arg1: i32, %arg2: memref<100096x32xf32, #tpu.memory_space<hbm>>, %arg3: memref<12800x128xi32, #tpu.memory_space<hbm>>, %arg4: memref<6400x128xi32, #tpu.memory_space<hbm>>, %arg5: memref<3200x32xf32, #tpu.memory_space<hbm>>, %arg6: memref<50176x32xf32, #tpu.memory_space<hbm>>, %arg7: memref<24x128xi32, #tpu.memory_space<vmem>>, %arg8: memref<24x128xi32, #tpu.memory_space<vmem>>, %arg9: memref<512x32xf32, #tpu.memory_space<vmem>>, %arg10: memref<26624x32xf32, #tpu.memory_space<vmem_shared>>, %arg11: memref<!tpu.dma_semaphore, #tpu.memory_space<semaphore_mem>>, %arg12: memref<!tpu.dma_semaphore, #tpu.memory_space<semaphore_mem>>, %arg13: memref<!tpu.dma_semaphore, #tpu.memory_space<semaphore_mem>>, %arg14: memref<!tpu.dma_semaphore, #tpu.memory_space<semaphore_mem>>) attributes {dimension_semantics = [#tpu.dimension_semantics<core_parallel>, #tpu.dimension_semantics<subcore_parallel>], iteration_bounds = array<i64: 2, 16>, scalar_prefetch = 0 : i64, scratch_operands = 8 : i64, tpu.core_type = #tpu.core_type<sc_vector_subcore>, window_params = [{transform_indices = #map}, {transform_indices = #map}, {transform_indices = #map}, {transform_indices = #map}, {transform_indices = #map}]} {
    %mul3A = arith.constant 400 : i32
    %mul3A_0 = arith.muli %arg1, %mul3A : i32
    %mul3A_1 = arith.constant 1664 : i32
    %mul3A_2 = arith.muli %arg1, %mul3A_1 : i32
    "tpu.region"() ({
      %run_scoped3A = tpu.sem_alloc : memref<!tpu.dma_semaphore, #tpu.memory_space<semaphore_mem>>
      %dma_start3A_150 = arith.constant 0 : i32
      %dma_start3A_151 = tpu.memref_slice %arg10[%mul3A_2, %dma_start3A_150] : memref<26624x32xf32, #tpu.memory_space<vmem_shared>> -> memref<1664x32xf32, #tpu.memory_space<vmem_shared>>
      %dma_start3A_152 = arith.constant 0 : i32
      %dma_start3A_153 = arith.constant 0 : i32
      %dma_start3A_154 = tpu.memref_slice %arg5[%dma_start3A_152, %dma_start3A_153] : memref<3200x32xf32, #tpu.memory_space<hbm>> -> memref<1664x32xf32, #tpu.memory_space<hbm>>
      tpu.enqueue_dma source(%dma_start3A_154 : memref<1664x32xf32, #tpu.memory_space<hbm>>) target(%dma_start3A_151 : memref<1664x32xf32, #tpu.memory_space<vmem_shared>>) target_semaphore(%run_scoped3A : memref<!tpu.dma_semaphore, #tpu.memory_space<semaphore_mem>>)
      %dma_wait3A_155 = arith.constant 0 : i32
      %dma_wait3A_156 = tpu.memref_slice %arg10[%mul3A_2, %dma_wait3A_155] : memref<26624x32xf32, #tpu.memory_space<vmem_shared>> -> memref<1664x32xf32, #tpu.memory_space<vmem_shared>>
      %dma_wait3A_157 = arith.constant 0 : i32
      %dma_wait3A_158 = arith.constant 0 : i32
      %dma_wait3A_159 = tpu.memref_slice %arg5[%dma_wait3A_157, %dma_wait3A_158] : memref<3200x32xf32, #tpu.memory_space<hbm>> -> memref<1664x32xf32, #tpu.memory_space<hbm>>
      tpu.wait_dma2 semaphore(%run_scoped3A : memref<!tpu.dma_semaphore, #tpu.memory_space<semaphore_mem>>) src(%dma_wait3A_159 : memref<1664x32xf32, #tpu.memory_space<hbm>>) dst(%dma_wait3A_156 : memref<1664x32xf32, #tpu.memory_space<vmem_shared>>)
      tpu.yield
    }) : () -> ()
    %mul3A_3 = arith.constant 6400 : i32
    %mul3A_4 = arith.muli %arg0, %mul3A_3 : i32
    %add3A = arith.addi %mul3A_4, %mul3A_0 : i32
    %add3A_5 = arith.constant 0 : i32
    %add3A_6 = arith.addi %add3A, %add3A_5 : i32
    %dma_start3A = arith.constant 0 : i32
    %dma_start3A_7 = arith.constant 0 : i32
    %dma_start3A_8 = tpu.memref_slice %arg7[%dma_start3A, %dma_start3A_7] : memref<24x128xi32, #tpu.memory_space<vmem>> -> memref<8x128xi32, #tpu.memory_space<vmem>>
    %dma_start3A_9 = arith.constant 0 : i32
    %dma_start3A_10 = tpu.memref_slice %arg3[%add3A_6, %dma_start3A_9] : memref<12800x128xi32, #tpu.memory_space<hbm>> -> memref<8x128xi32, #tpu.memory_space<hbm>>
    %dma_start3A_11 = arith.constant 0 : i32
    %dma_start3A_12 = arith.constant 0 : i32
    %dma_start3A_13 = tpu.memref_slice %arg7[%dma_start3A_11, %dma_start3A_12] : memref<24x128xi32, #tpu.memory_space<vmem>> -> memref<8x128xi32, #tpu.memory_space<vmem>>
    %dma_start3A_14 = arith.constant 0 : i32
    %dma_start3A_15 = tpu.memref_slice %arg3[%add3A_6, %dma_start3A_14] : memref<12800x128xi32, #tpu.memory_space<hbm>> -> memref<8x128xi32, #tpu.memory_space<hbm>>
    tpu.enqueue_dma source(%dma_start3A_15 : memref<8x128xi32, #tpu.memory_space<hbm>>) target(%dma_start3A_13 : memref<8x128xi32, #tpu.memory_space<vmem>>) target_semaphore(%arg13 : memref<!tpu.dma_semaphore, #tpu.memory_space<semaphore_mem>>)
    %add3A_16 = arith.constant 0 : i32
    %add3A_17 = arith.addi %mul3A_0, %add3A_16 : i32
    %dma_start3A_18 = arith.constant 0 : i32
    %dma_start3A_19 = arith.constant 0 : i32
    %dma_start3A_20 = tpu.memref_slice %arg8[%dma_start3A_18, %dma_start3A_19] : memref<24x128xi32, #tpu.memory_space<vmem>> -> memref<8x128xi32, #tpu.memory_space<vmem>>
    %dma_start3A_21 = arith.constant 0 : i32
    %dma_start3A_22 = tpu.memref_slice %arg4[%add3A_17, %dma_start3A_21] : memref<6400x128xi32, #tpu.memory_space<hbm>> -> memref<8x128xi32, #tpu.memory_space<hbm>>
    %dma_start3A_23 = arith.constant 0 : i32
    %dma_start3A_24 = arith.constant 0 : i32
    %dma_start3A_25 = tpu.memref_slice %arg8[%dma_start3A_23, %dma_start3A_24] : memref<24x128xi32, #tpu.memory_space<vmem>> -> memref<8x128xi32, #tpu.memory_space<vmem>>
    %dma_start3A_26 = arith.constant 0 : i32
    %dma_start3A_27 = tpu.memref_slice %arg4[%add3A_17, %dma_start3A_26] : memref<6400x128xi32, #tpu.memory_space<hbm>> -> memref<8x128xi32, #tpu.memory_space<hbm>>
    tpu.enqueue_dma source(%dma_start3A_27 : memref<8x128xi32, #tpu.memory_space<hbm>>) target(%dma_start3A_25 : memref<8x128xi32, #tpu.memory_space<vmem>>) target_semaphore(%arg14 : memref<!tpu.dma_semaphore, #tpu.memory_space<semaphore_mem>>)
    %mul3A_28 = arith.constant 6400 : i32
    %mul3A_29 = arith.muli %arg0, %mul3A_28 : i32
    %add3A_30 = arith.addi %mul3A_29, %mul3A_0 : i32
    %add3A_31 = arith.constant 8 : i32
    %add3A_32 = arith.addi %add3A_30, %add3A_31 : i32
    %dma_start3A_33 = arith.constant 8 : i32
    %dma_start3A_34 = arith.constant 0 : i32
    %dma_start3A_35 = tpu.memref_slice %arg7[%dma_start3A_33, %dma_start3A_34] : memref<24x128xi32, #tpu.memory_space<vmem>> -> memref<8x128xi32, #tpu.memory_space<vmem>>
    %dma_start3A_36 = arith.constant 0 : i32
    %dma_start3A_37 = tpu.memref_slice %arg3[%add3A_32, %dma_start3A_36] : memref<12800x128xi32, #tpu.memory_space<hbm>> -> memref<8x128xi32, #tpu.memory_space<hbm>>
    %dma_start3A_38 = arith.constant 8 : i32
    %dma_start3A_39 = arith.constant 0 : i32
    %dma_start3A_40 = tpu.memref_slice %arg7[%dma_start3A_38, %dma_start3A_39] : memref<24x128xi32, #tpu.memory_space<vmem>> -> memref<8x128xi32, #tpu.memory_space<vmem>>
    %dma_start3A_41 = arith.constant 0 : i32
    %dma_start3A_42 = tpu.memref_slice %arg3[%add3A_32, %dma_start3A_41] : memref<12800x128xi32, #tpu.memory_space<hbm>> -> memref<8x128xi32, #tpu.memory_space<hbm>>
    tpu.enqueue_dma source(%dma_start3A_42 : memref<8x128xi32, #tpu.memory_space<hbm>>) target(%dma_start3A_40 : memref<8x128xi32, #tpu.memory_space<vmem>>) target_semaphore(%arg13 : memref<!tpu.dma_semaphore, #tpu.memory_space<semaphore_mem>>)
    %add3A_43 = arith.constant 8 : i32
    %add3A_44 = arith.addi %mul3A_0, %add3A_43 : i32
    %dma_start3A_45 = arith.constant 8 : i32
    %dma_start3A_46 = arith.constant 0 : i32
    %dma_start3A_47 = tpu.memref_slice %arg8[%dma_start3A_45, %dma_start3A_46] : memref<24x128xi32, #tpu.memory_space<vmem>> -> memref<8x128xi32, #tpu.memory_space<vmem>>
    %dma_start3A_48 = arith.constant 0 : i32
    %dma_start3A_49 = tpu.memref_slice %arg4[%add3A_44, %dma_start3A_48] : memref<6400x128xi32, #tpu.memory_space<hbm>> -> memref<8x128xi32, #tpu.memory_space<hbm>>
    %dma_start3A_50 = arith.constant 8 : i32
    %dma_start3A_51 = arith.constant 0 : i32
    %dma_start3A_52 = tpu.memref_slice %arg8[%dma_start3A_50, %dma_start3A_51] : memref<24x128xi32, #tpu.memory_space<vmem>> -> memref<8x128xi32, #tpu.memory_space<vmem>>
    %dma_start3A_53 = arith.constant 0 : i32
    %dma_start3A_54 = tpu.memref_slice %arg4[%add3A_44, %dma_start3A_53] : memref<6400x128xi32, #tpu.memory_space<hbm>> -> memref<8x128xi32, #tpu.memory_space<hbm>>
    tpu.enqueue_dma source(%dma_start3A_54 : memref<8x128xi32, #tpu.memory_space<hbm>>) target(%dma_start3A_52 : memref<8x128xi32, #tpu.memory_space<vmem>>) target_semaphore(%arg14 : memref<!tpu.dma_semaphore, #tpu.memory_space<semaphore_mem>>)
    %dma_wait3A = arith.constant 0 : i32
    %dma_wait3A_55 = arith.constant 0 : i32
    %dma_wait3A_56 = tpu.memref_slice %arg7[%dma_wait3A, %dma_wait3A_55] : memref<24x128xi32, #tpu.memory_space<vmem>> -> memref<8x128xi32, #tpu.memory_space<vmem>>
    %dma_wait3A_57 = arith.constant 0 : i32
    %dma_wait3A_58 = tpu.memref_slice %arg3[%mul3A_0, %dma_wait3A_57] : memref<12800x128xi32, #tpu.memory_space<hbm>> -> memref<8x128xi32, #tpu.memory_space<hbm>>
    %dma_wait3A_59 = arith.constant 0 : i32
    %dma_wait3A_60 = arith.constant 0 : i32
    %dma_wait3A_61 = tpu.memref_slice %arg7[%dma_wait3A_59, %dma_wait3A_60] : memref<24x128xi32, #tpu.memory_space<vmem>> -> memref<8x128xi32, #tpu.memory_space<vmem>>
    %dma_wait3A_62 = arith.constant 0 : i32
    %dma_wait3A_63 = tpu.memref_slice %arg3[%mul3A_0, %dma_wait3A_62] : memref<12800x128xi32, #tpu.memory_space<hbm>> -> memref<8x128xi32, #tpu.memory_space<hbm>>
    tpu.wait_dma2 semaphore(%arg13 : memref<!tpu.dma_semaphore, #tpu.memory_space<semaphore_mem>>) src(%dma_wait3A_63 : memref<8x128xi32, #tpu.memory_space<hbm>>) dst(%dma_wait3A_61 : memref<8x128xi32, #tpu.memory_space<vmem>>)
    %dma_wait3A_64 = arith.constant 0 : i32
    %dma_wait3A_65 = arith.constant 0 : i32
    %dma_wait3A_66 = tpu.memref_slice %arg8[%dma_wait3A_64, %dma_wait3A_65] : memref<24x128xi32, #tpu.memory_space<vmem>> -> memref<8x128xi32, #tpu.memory_space<vmem>>
    %dma_wait3A_67 = arith.constant 0 : i32
    %dma_wait3A_68 = tpu.memref_slice %arg4[%mul3A_0, %dma_wait3A_67] : memref<6400x128xi32, #tpu.memory_space<hbm>> -> memref<8x128xi32, #tpu.memory_space<hbm>>
    %dma_wait3A_69 = arith.constant 0 : i32
    %dma_wait3A_70 = arith.constant 0 : i32
    %dma_wait3A_71 = tpu.memref_slice %arg8[%dma_wait3A_69, %dma_wait3A_70] : memref<24x128xi32, #tpu.memory_space<vmem>> -> memref<8x128xi32, #tpu.memory_space<vmem>>
    %dma_wait3A_72 = arith.constant 0 : i32
    %dma_wait3A_73 = tpu.memref_slice %arg4[%mul3A_0, %dma_wait3A_72] : memref<6400x128xi32, #tpu.memory_space<hbm>> -> memref<8x128xi32, #tpu.memory_space<hbm>>
    tpu.wait_dma2 semaphore(%arg14 : memref<!tpu.dma_semaphore, #tpu.memory_space<semaphore_mem>>) src(%dma_wait3A_73 : memref<8x128xi32, #tpu.memory_space<hbm>>) dst(%dma_wait3A_71 : memref<8x128xi32, #tpu.memory_space<vmem>>)
    %barrier3A = arith.constant 0 : index
    tpu.barrier barrier_id(%barrier3A)
    %rem3A = arith.constant 0 : i32
    %rem3A_74 = arith.constant 24 : i32
    %rem3A_75 = arith.remsi %rem3A, %rem3A_74 : i32
    %rem3A_76 = arith.constant 0 : i32
    %rem3A_77 = arith.constant 4 : i32
    %rem3A_78 = arith.remsi %rem3A_76, %rem3A_77 : i32
    %mul3A_79 = arith.constant 128 : i32
    %mul3A_80 = arith.muli %rem3A_78, %mul3A_79 : i32
    %dma_start3A_81 = arith.constant 0 : i32
    %dma_start3A_82 = tpu.memref_slice %arg9[%mul3A_80, %dma_start3A_81] : memref<512x32xf32, #tpu.memory_space<vmem>> -> memref<128x32xf32, #tpu.memory_space<vmem>>
    %dma_start3A_83 = arith.constant 0 : i32
    %dma_start3A_84 = tpu.memref_slice %arg7[%rem3A_75, %dma_start3A_83] : memref<24x128xi32, #tpu.memory_space<vmem>> -> memref<1x128xi32, #tpu.memory_space<vmem>>
    %dma_start3A_85 = tpu.memref_squeeze %dma_start3A_84 : memref<1x128xi32, #tpu.memory_space<vmem>> -> memref<128xi32, #tpu.memory_space<vmem>>
    %dma_start3A_86 = arith.constant 0 : i32
    %dma_start3A_87 = arith.constant 0 : i32
    %dma_start3A_88 = tpu.memref_slice %arg2[%dma_start3A_86, %dma_start3A_87] : memref<100096x32xf32, #tpu.memory_space<hbm>> -> memref<100096x32xf32, #tpu.memory_space<hbm>>
    tpu.enqueue_indirect_dma source(%dma_start3A_88 : memref<100096x32xf32, #tpu.memory_space<hbm>>) target(%dma_start3A_82 : memref<128x32xf32, #tpu.memory_space<vmem>>) offsets(%dma_start3A_85 : memref<128xi32, #tpu.memory_space<vmem>>) semaphore(%arg11 : memref<!tpu.dma_semaphore, #tpu.memory_space<semaphore_mem>>)
    %rem3A_89 = arith.constant 1 : i32
    %rem3A_90 = arith.constant 24 : i32
    %rem3A_91 = arith.remsi %rem3A_89, %rem3A_90 : i32
    %rem3A_92 = arith.constant 1 : i32
    %rem3A_93 = arith.constant 4 : i32
    %rem3A_94 = arith.remsi %rem3A_92, %rem3A_93 : i32
    %mul3A_95 = arith.constant 128 : i32
    %mul3A_96 = arith.muli %rem3A_94, %mul3A_95 : i32
    %dma_start3A_97 = arith.constant 0 : i32
    %dma_start3A_98 = tpu.memref_slice %arg9[%mul3A_96, %dma_start3A_97] : memref<512x32xf32, #tpu.memory_space<vmem>> -> memref<128x32xf32, #tpu.memory_space<vmem>>
    %dma_start3A_99 = arith.constant 0 : i32
    %dma_start3A_100 = tpu.memref_slice %arg7[%rem3A_91, %dma_start3A_99] : memref<24x128xi32, #tpu.memory_space<vmem>> -> memref<1x128xi32, #tpu.memory_space<vmem>>
    %dma_start3A_101 = tpu.memref_squeeze %dma_start3A_100 : memref<1x128xi32, #tpu.memory_space<vmem>> -> memref<128xi32, #tpu.memory_space<vmem>>
    %dma_start3A_102 = arith.constant 0 : i32
    %dma_start3A_103 = arith.constant 0 : i32
    %dma_start3A_104 = tpu.memref_slice %arg2[%dma_start3A_102, %dma_start3A_103] : memref<100096x32xf32, #tpu.memory_space<hbm>> -> memref<100096x32xf32, #tpu.memory_space<hbm>>
    tpu.enqueue_indirect_dma source(%dma_start3A_104 : memref<100096x32xf32, #tpu.memory_space<hbm>>) target(%dma_start3A_98 : memref<128x32xf32, #tpu.memory_space<vmem>>) offsets(%dma_start3A_101 : memref<128xi32, #tpu.memory_space<vmem>>) semaphore(%arg11 : memref<!tpu.dma_semaphore, #tpu.memory_space<semaphore_mem>>)
    %rem3A_105 = arith.constant 2 : i32
    %rem3A_106 = arith.constant 24 : i32
    %rem3A_107 = arith.remsi %rem3A_105, %rem3A_106 : i32
    %rem3A_108 = arith.constant 2 : i32
    %rem3A_109 = arith.constant 4 : i32
    %rem3A_110 = arith.remsi %rem3A_108, %rem3A_109 : i32
    %mul3A_111 = arith.constant 128 : i32
    %mul3A_112 = arith.muli %rem3A_110, %mul3A_111 : i32
    %dma_start3A_113 = arith.constant 0 : i32
    %dma_start3A_114 = tpu.memref_slice %arg9[%mul3A_112, %dma_start3A_113] : memref<512x32xf32, #tpu.memory_space<vmem>> -> memref<128x32xf32, #tpu.memory_space<vmem>>
    %dma_start3A_115 = arith.constant 0 : i32
    %dma_start3A_116 = tpu.memref_slice %arg7[%rem3A_107, %dma_start3A_115] : memref<24x128xi32, #tpu.memory_space<vmem>> -> memref<1x128xi32, #tpu.memory_space<vmem>>
    %dma_start3A_117 = tpu.memref_squeeze %dma_start3A_116 : memref<1x128xi32, #tpu.memory_space<vmem>> -> memref<128xi32, #tpu.memory_space<vmem>>
    %dma_start3A_118 = arith.constant 0 : i32
    %dma_start3A_119 = arith.constant 0 : i32
    %dma_start3A_120 = tpu.memref_slice %arg2[%dma_start3A_118, %dma_start3A_119] : memref<100096x32xf32, #tpu.memory_space<hbm>> -> memref<100096x32xf32, #tpu.memory_space<hbm>>
    tpu.enqueue_indirect_dma source(%dma_start3A_120 : memref<100096x32xf32, #tpu.memory_space<hbm>>) target(%dma_start3A_114 : memref<128x32xf32, #tpu.memory_space<vmem>>) offsets(%dma_start3A_117 : memref<128xi32, #tpu.memory_space<vmem>>) semaphore(%arg11 : memref<!tpu.dma_semaphore, #tpu.memory_space<semaphore_mem>>)
    %scan3A = arith.constant 0 : i32
    %scan3A_121 = arith.constant 0 : i32
    %scan3A_122 = arith.constant 400 : i32
    %scan3A_123 = arith.addi %scan3A_121, %scan3A_122 : i32
    %scan3A_124 = arith.constant 1 : i32
    scf.for %scan3A_150 = %scan3A_121 to %scan3A_123 step %scan3A_124  : i32 {
      %rem3A_151 = arith.constant 24 : i32
      %rem3A_152 = arith.remsi %scan3A_150, %rem3A_151 : i32
      %rem3A_153 = arith.constant 4 : i32
      %rem3A_154 = arith.remsi %scan3A_150, %rem3A_153 : i32
      %mul3A_155 = arith.constant 128 : i32
      %mul3A_156 = arith.muli %rem3A_154, %mul3A_155 : i32
      %dma_wait3A_157 = arith.constant 0 : i32
      %dma_wait3A_158 = tpu.memref_slice %arg9[%mul3A_156, %dma_wait3A_157] : memref<512x32xf32, #tpu.memory_space<vmem>> -> memref<128x32xf32, #tpu.memory_space<vmem>>
      %dma_wait3A_159 = arith.constant 0 : i32
      %dma_wait3A_160 = tpu.memref_slice %arg7[%rem3A_152, %dma_wait3A_159] : memref<24x128xi32, #tpu.memory_space<vmem>> -> memref<1x128xi32, #tpu.memory_space<vmem>>
      %dma_wait3A_161 = tpu.memref_squeeze %dma_wait3A_160 : memref<1x128xi32, #tpu.memory_space<vmem>> -> memref<128xi32, #tpu.memory_space<vmem>>
      %dma_wait3A_162 = arith.constant 0 : i32
      %dma_wait3A_163 = arith.constant 0 : i32
      %dma_wait3A_164 = tpu.memref_slice %arg2[%dma_wait3A_162, %dma_wait3A_163] : memref<100096x32xf32, #tpu.memory_space<hbm>> -> memref<100096x32xf32, #tpu.memory_space<hbm>>
      tpu.wait_indirect_dma semaphore(%arg11 : memref<!tpu.dma_semaphore, #tpu.memory_space<semaphore_mem>>) src(%dma_wait3A_164 : memref<100096x32xf32, #tpu.memory_space<hbm>>) dst(%dma_wait3A_158 : memref<128x32xf32, #tpu.memory_space<vmem>>)
      %rem3A_165 = arith.constant 4 : i32
      %rem3A_166 = arith.remsi %scan3A_150, %rem3A_165 : i32
      %mul3A_167 = arith.constant 128 : i32
      %mul3A_168 = arith.muli %rem3A_166, %mul3A_167 : i32
      %rem3A_169 = arith.constant 24 : i32
      %rem3A_170 = arith.remsi %scan3A_150, %rem3A_169 : i32
      %dma_start3A_171 = arith.constant 0 : i32
      %dma_start3A_172 = tpu.memref_slice %arg9[%mul3A_168, %dma_start3A_171] : memref<512x32xf32, #tpu.memory_space<vmem>> -> memref<128x32xf32, #tpu.memory_space<vmem>>
      %dma_start3A_173 = arith.constant 0 : i32
      %dma_start3A_174 = tpu.memref_slice %arg8[%rem3A_170, %dma_start3A_173] : memref<24x128xi32, #tpu.memory_space<vmem>> -> memref<1x128xi32, #tpu.memory_space<vmem>>
      %dma_start3A_175 = tpu.memref_squeeze %dma_start3A_174 : memref<1x128xi32, #tpu.memory_space<vmem>> -> memref<128xi32, #tpu.memory_space<vmem>>
      %dma_start3A_176 = arith.constant 0 : i32
      %dma_start3A_177 = arith.constant 0 : i32
      %dma_start3A_178 = tpu.memref_slice %arg10[%dma_start3A_176, %dma_start3A_177] : memref<26624x32xf32, #tpu.memory_space<vmem_shared>> -> memref<26624x32xf32, #tpu.memory_space<vmem_shared>>
      tpu.enqueue_indirect_dma source(%dma_start3A_172 : memref<128x32xf32, #tpu.memory_space<vmem>>) target(%dma_start3A_178 : memref<26624x32xf32, #tpu.memory_space<vmem_shared>>) offsets(%dma_start3A_175 : memref<128xi32, #tpu.memory_space<vmem>>) semaphore(%arg12 : memref<!tpu.dma_semaphore, #tpu.memory_space<semaphore_mem>>) {add = true}
      %ge3A = arith.constant 1 : i32
      %ge3A_179 = arith.cmpi sge, %scan3A_150, %ge3A : i32
      %convert_element_type3A = arith.extui %ge3A_179 : i1 to i32
      %cond3A = arith.constant 0 : i32
      %cond3A_180 = arith.cmpi ne, %convert_element_type3A, %cond3A : i32
      scf.if %cond3A_180 {
        %sub3A = arith.constant 1 : i32
        %sub3A_193 = arith.subi %scan3A_150, %sub3A : i32
        %rem3A_194 = arith.constant 4 : i32
        %rem3A_195 = arith.remsi %sub3A_193, %rem3A_194 : i32
        %mul3A_196 = arith.constant 128 : i32
        %mul3A_197 = arith.muli %rem3A_195, %mul3A_196 : i32
        %rem3A_198 = arith.constant 24 : i32
        %rem3A_199 = arith.remsi %sub3A_193, %rem3A_198 : i32
        %dma_wait3A_200 = arith.constant 0 : i32
        %dma_wait3A_201 = tpu.memref_slice %arg9[%mul3A_197, %dma_wait3A_200] : memref<512x32xf32, #tpu.memory_space<vmem>> -> memref<128x32xf32, #tpu.memory_space<vmem>>
        %dma_wait3A_202 = arith.constant 0 : i32
        %dma_wait3A_203 = tpu.memref_slice %arg8[%rem3A_199, %dma_wait3A_202] : memref<24x128xi32, #tpu.memory_space<vmem>> -> memref<1x128xi32, #tpu.memory_space<vmem>>
        %dma_wait3A_204 = tpu.memref_squeeze %dma_wait3A_203 : memref<1x128xi32, #tpu.memory_space<vmem>> -> memref<128xi32, #tpu.memory_space<vmem>>
        %dma_wait3A_205 = arith.constant 0 : i32
        %dma_wait3A_206 = arith.constant 0 : i32
        %dma_wait3A_207 = tpu.memref_slice %arg10[%dma_wait3A_205, %dma_wait3A_206] : memref<26624x32xf32, #tpu.memory_space<vmem_shared>> -> memref<26624x32xf32, #tpu.memory_space<vmem_shared>>
        tpu.wait_indirect_dma semaphore(%arg12 : memref<!tpu.dma_semaphore, #tpu.memory_space<semaphore_mem>>) src(%dma_wait3A_201 : memref<128x32xf32, #tpu.memory_space<vmem>>) dst(%dma_wait3A_207 : memref<26624x32xf32, #tpu.memory_space<vmem_shared>>)
      } else {
      }
      %rem3A_181 = arith.constant 8 : i32
      %rem3A_182 = arith.remsi %scan3A_150, %rem3A_181 : i32
      %eq3A = arith.constant 0 : i32
      %eq3A_183 = arith.cmpi eq, %rem3A_182, %eq3A : i32
      %convert_element_type3A_184 = arith.extui %eq3A_183 : i1 to i32
      %cond3A_185 = arith.constant 0 : i32
      %cond3A_186 = arith.cmpi ne, %convert_element_type3A_184, %cond3A_185 : i32
      scf.if %cond3A_186 {
        %jit3A = arith.constant 8 : i32
        %div3A = arith.divsi %scan3A_150, %jit3A : i32
        %sign3A = arith.constant 0 : i32
        %sign3A_193 = arith.cmpi sgt, %scan3A_150, %sign3A : i32
        %sign3A_194 = arith.extui %sign3A_193 : i1 to i32
        %sign3A_195 = arith.constant 0 : i32
        %sign3A_196 = arith.cmpi slt, %scan3A_150, %sign3A_195 : i32
        %sign3A_197 = arith.extui %sign3A_196 : i1 to i32
        %sign3A_198 = arith.subi %sign3A_194, %sign3A_197 : i32
        %sign3A_199 = arith.constant 0 : i32
        %sign3A_200 = arith.cmpi sgt, %jit3A, %sign3A_199 : i32
        %sign3A_201 = arith.extui %sign3A_200 : i1 to i32
        %sign3A_202 = arith.constant 0 : i32
        %sign3A_203 = arith.cmpi slt, %jit3A, %sign3A_202 : i32
        %sign3A_204 = arith.extui %sign3A_203 : i1 to i32
        %sign3A_205 = arith.subi %sign3A_201, %sign3A_204 : i32
        %ne3A = arith.cmpi ne, %sign3A_198, %sign3A_205 : i32
        %rem3A_206 = arith.remsi %scan3A_150, %jit3A : i32
        %ne3A_207 = arith.constant 0 : i32
        %ne3A_208 = arith.cmpi ne, %rem3A_206, %ne3A_207 : i32
        %and3A = arith.andi %ne3A, %ne3A_208 : i1
        %sub3A = arith.constant 1 : i32
        %sub3A_209 = arith.subi %div3A, %sub3A : i32
        %select_n3A = arith.select %and3A, %sub3A_209, %div3A : i32
        %add3A_210 = arith.constant 1 : i32
        %add3A_211 = arith.addi %select_n3A, %add3A_210 : i32
        %le3A_212 = arith.constant 49 : i32
        %le3A_213 = arith.cmpi sle, %add3A_211, %le3A_212 : i32
        %convert_element_type3A_214 = arith.extui %le3A_213 : i1 to i32
        %cond3A_215 = arith.constant 0 : i32
        %cond3A_216 = arith.cmpi ne, %convert_element_type3A_214, %cond3A_215 : i32
        scf.if %cond3A_216 {
          %dma_wait3A_224 = arith.constant 0 : i32
          %dma_wait3A_225 = arith.constant 0 : i32
          %dma_wait3A_226 = tpu.memref_slice %arg7[%dma_wait3A_224, %dma_wait3A_225] : memref<24x128xi32, #tpu.memory_space<vmem>> -> memref<8x128xi32, #tpu.memory_space<vmem>>
          %dma_wait3A_227 = arith.constant 0 : i32
          %dma_wait3A_228 = tpu.memref_slice %arg3[%mul3A_0, %dma_wait3A_227] : memref<12800x128xi32, #tpu.memory_space<hbm>> -> memref<8x128xi32, #tpu.memory_space<hbm>>
          %dma_wait3A_229 = arith.constant 0 : i32
          %dma_wait3A_230 = arith.constant 0 : i32
          %dma_wait3A_231 = tpu.memref_slice %arg7[%dma_wait3A_229, %dma_wait3A_230] : memref<24x128xi32, #tpu.memory_space<vmem>> -> memref<8x128xi32, #tpu.memory_space<vmem>>
          %dma_wait3A_232 = arith.constant 0 : i32
          %dma_wait3A_233 = tpu.memref_slice %arg3[%mul3A_0, %dma_wait3A_232] : memref<12800x128xi32, #tpu.memory_space<hbm>> -> memref<8x128xi32, #tpu.memory_space<hbm>>
          tpu.wait_dma2 semaphore(%arg13 : memref<!tpu.dma_semaphore, #tpu.memory_space<semaphore_mem>>) src(%dma_wait3A_233 : memref<8x128xi32, #tpu.memory_space<hbm>>) dst(%dma_wait3A_231 : memref<8x128xi32, #tpu.memory_space<vmem>>)
          %dma_wait3A_234 = arith.constant 0 : i32
          %dma_wait3A_235 = arith.constant 0 : i32
          %dma_wait3A_236 = tpu.memref_slice %arg8[%dma_wait3A_234, %dma_wait3A_235] : memref<24x128xi32, #tpu.memory_space<vmem>> -> memref<8x128xi32, #tpu.memory_space<vmem>>
          %dma_wait3A_237 = arith.constant 0 : i32
          %dma_wait3A_238 = tpu.memref_slice %arg4[%mul3A_0, %dma_wait3A_237] : memref<6400x128xi32, #tpu.memory_space<hbm>> -> memref<8x128xi32, #tpu.memory_space<hbm>>
          %dma_wait3A_239 = arith.constant 0 : i32
          %dma_wait3A_240 = arith.constant 0 : i32
          %dma_wait3A_241 = tpu.memref_slice %arg8[%dma_wait3A_239, %dma_wait3A_240] : memref<24x128xi32, #tpu.memory_space<vmem>> -> memref<8x128xi32, #tpu.memory_space<vmem>>
          %dma_wait3A_242 = arith.constant 0 : i32
          %dma_wait3A_243 = tpu.memref_slice %arg4[%mul3A_0, %dma_wait3A_242] : memref<6400x128xi32, #tpu.memory_space<hbm>> -> memref<8x128xi32, #tpu.memory_space<hbm>>
          tpu.wait_dma2 semaphore(%arg14 : memref<!tpu.dma_semaphore, #tpu.memory_space<semaphore_mem>>) src(%dma_wait3A_243 : memref<8x128xi32, #tpu.memory_space<hbm>>) dst(%dma_wait3A_241 : memref<8x128xi32, #tpu.memory_space<vmem>>)
        } else {
        }
        %add3A_217 = arith.constant 2 : i32
        %add3A_218 = arith.addi %select_n3A, %add3A_217 : i32
        %le3A_219 = arith.constant 49 : i32
        %le3A_220 = arith.cmpi sle, %add3A_218, %le3A_219 : i32
        %convert_element_type3A_221 = arith.extui %le3A_220 : i1 to i32
        %cond3A_222 = arith.constant 0 : i32
        %cond3A_223 = arith.cmpi ne, %convert_element_type3A_221, %cond3A_222 : i32
        scf.if %cond3A_223 {
          %add3A_224 = arith.constant 2 : i32
          %add3A_225 = arith.addi %select_n3A, %add3A_224 : i32
          %add3A_226 = arith.constant 2 : i32
          %add3A_227 = arith.addi %select_n3A, %add3A_226 : i32
          %rem3A_228 = arith.constant 3 : i32
          %rem3A_229 = arith.remsi %add3A_227, %rem3A_228 : i32
          %mul3A_230 = arith.constant 6400 : i32
          %mul3A_231 = arith.muli %arg0, %mul3A_230 : i32
          %add3A_232 = arith.addi %mul3A_231, %mul3A_0 : i32
          %mul3A_233 = arith.constant 8 : i32
          %mul3A_234 = arith.muli %add3A_225, %mul3A_233 : i32
          %add3A_235 = arith.addi %add3A_232, %mul3A_234 : i32
          %mul3A_236 = arith.constant 8 : i32
          %mul3A_237 = arith.muli %rem3A_229, %mul3A_236 : i32
          %dma_start3A_238 = arith.constant 0 : i32
          %dma_start3A_239 = tpu.memref_slice %arg7[%mul3A_237, %dma_start3A_238] : memref<24x128xi32, #tpu.memory_space<vmem>> -> memref<8x128xi32, #tpu.memory_space<vmem>>
          %dma_start3A_240 = arith.constant 0 : i32
          %dma_start3A_241 = tpu.memref_slice %arg3[%add3A_235, %dma_start3A_240] : memref<12800x128xi32, #tpu.memory_space<hbm>> -> memref<8x128xi32, #tpu.memory_space<hbm>>
          %dma_start3A_242 = arith.constant 0 : i32
          %dma_start3A_243 = tpu.memref_slice %arg7[%mul3A_237, %dma_start3A_242] : memref<24x128xi32, #tpu.memory_space<vmem>> -> memref<8x128xi32, #tpu.memory_space<vmem>>
          %dma_start3A_244 = arith.constant 0 : i32
          %dma_start3A_245 = tpu.memref_slice %arg3[%add3A_235, %dma_start3A_244] : memref<12800x128xi32, #tpu.memory_space<hbm>> -> memref<8x128xi32, #tpu.memory_space<hbm>>
          tpu.enqueue_dma source(%dma_start3A_245 : memref<8x128xi32, #tpu.memory_space<hbm>>) target(%dma_start3A_243 : memref<8x128xi32, #tpu.memory_space<vmem>>) target_semaphore(%arg13 : memref<!tpu.dma_semaphore, #tpu.memory_space<semaphore_mem>>)
          %mul3A_246 = arith.constant 8 : i32
          %mul3A_247 = arith.muli %add3A_225, %mul3A_246 : i32
          %add3A_248 = arith.addi %mul3A_0, %mul3A_247 : i32
          %mul3A_249 = arith.constant 8 : i32
          %mul3A_250 = arith.muli %rem3A_229, %mul3A_249 : i32
          %dma_start3A_251 = arith.constant 0 : i32
          %dma_start3A_252 = tpu.memref_slice %arg8[%mul3A_250, %dma_start3A_251] : memref<24x128xi32, #tpu.memory_space<vmem>> -> memref<8x128xi32, #tpu.memory_space<vmem>>
          %dma_start3A_253 = arith.constant 0 : i32
          %dma_start3A_254 = tpu.memref_slice %arg4[%add3A_248, %dma_start3A_253] : memref<6400x128xi32, #tpu.memory_space<hbm>> -> memref<8x128xi32, #tpu.memory_space<hbm>>
          %dma_start3A_255 = arith.constant 0 : i32
          %dma_start3A_256 = tpu.memref_slice %arg8[%mul3A_250, %dma_start3A_255] : memref<24x128xi32, #tpu.memory_space<vmem>> -> memref<8x128xi32, #tpu.memory_space<vmem>>
          %dma_start3A_257 = arith.constant 0 : i32
          %dma_start3A_258 = tpu.memref_slice %arg4[%add3A_248, %dma_start3A_257] : memref<6400x128xi32, #tpu.memory_space<hbm>> -> memref<8x128xi32, #tpu.memory_space<hbm>>
          tpu.enqueue_dma source(%dma_start3A_258 : memref<8x128xi32, #tpu.memory_space<hbm>>) target(%dma_start3A_256 : memref<8x128xi32, #tpu.memory_space<vmem>>) target_semaphore(%arg14 : memref<!tpu.dma_semaphore, #tpu.memory_space<semaphore_mem>>)
        } else {
        }
      } else {
      }
      %add3A_187 = arith.constant 3 : i32
      %add3A_188 = arith.addi %scan3A_150, %add3A_187 : i32
      %le3A = arith.constant 399 : i32
      %le3A_189 = arith.cmpi sle, %add3A_188, %le3A : i32
      %convert_element_type3A_190 = arith.extui %le3A_189 : i1 to i32
      %cond3A_191 = arith.constant 0 : i32
      %cond3A_192 = arith.cmpi ne, %convert_element_type3A_190, %cond3A_191 : i32
      scf.if %cond3A_192 {
        %add3A_193 = arith.constant 3 : i32
        %add3A_194 = arith.addi %scan3A_150, %add3A_193 : i32
        %rem3A_195 = arith.constant 24 : i32
        %rem3A_196 = arith.remsi %add3A_194, %rem3A_195 : i32
        %rem3A_197 = arith.constant 4 : i32
        %rem3A_198 = arith.remsi %add3A_194, %rem3A_197 : i32
        %mul3A_199 = arith.constant 128 : i32
        %mul3A_200 = arith.muli %rem3A_198, %mul3A_199 : i32
        %dma_start3A_201 = arith.constant 0 : i32
        %dma_start3A_202 = tpu.memref_slice %arg9[%mul3A_200, %dma_start3A_201] : memref<512x32xf32, #tpu.memory_space<vmem>> -> memref<128x32xf32, #tpu.memory_space<vmem>>
        %dma_start3A_203 = arith.constant 0 : i32
        %dma_start3A_204 = tpu.memref_slice %arg7[%rem3A_196, %dma_start3A_203] : memref<24x128xi32, #tpu.memory_space<vmem>> -> memref<1x128xi32, #tpu.memory_space<vmem>>
        %dma_start3A_205 = tpu.memref_squeeze %dma_start3A_204 : memref<1x128xi32, #tpu.memory_space<vmem>> -> memref<128xi32, #tpu.memory_space<vmem>>
        %dma_start3A_206 = arith.constant 0 : i32
        %dma_start3A_207 = arith.constant 0 : i32
        %dma_start3A_208 = tpu.memref_slice %arg2[%dma_start3A_206, %dma_start3A_207] : memref<100096x32xf32, #tpu.memory_space<hbm>> -> memref<100096x32xf32, #tpu.memory_space<hbm>>
        tpu.enqueue_indirect_dma source(%dma_start3A_208 : memref<100096x32xf32, #tpu.memory_space<hbm>>) target(%dma_start3A_202 : memref<128x32xf32, #tpu.memory_space<vmem>>) offsets(%dma_start3A_205 : memref<128xi32, #tpu.memory_space<vmem>>) semaphore(%arg11 : memref<!tpu.dma_semaphore, #tpu.memory_space<semaphore_mem>>)
      } else {
      }
    }
    %scan3A_125 = arith.constant 400 : i32
    %rem3A_126 = arith.constant 399 : i32
    %rem3A_127 = arith.constant 4 : i32
    %rem3A_128 = arith.remsi %rem3A_126, %rem3A_127 : i32
    %mul3A_129 = arith.constant 128 : i32
    %mul3A_130 = arith.muli %rem3A_128, %mul3A_129 : i32
    %rem3A_131 = arith.constant 399 : i32
    %rem3A_132 = arith.constant 24 : i32
    %rem3A_133 = arith.remsi %rem3A_131, %rem3A_132 : i32
    %dma_wait3A_134 = arith.constant 0 : i32
    %dma_wait3A_135 = tpu.memref_slice %arg9[%mul3A_130, %dma_wait3A_134] : memref<512x32xf32, #tpu.memory_space<vmem>> -> memref<128x32xf32, #tpu.memory_space<vmem>>
    %dma_wait3A_136 = arith.constant 0 : i32
    %dma_wait3A_137 = tpu.memref_slice %arg8[%rem3A_133, %dma_wait3A_136] : memref<24x128xi32, #tpu.memory_space<vmem>> -> memref<1x128xi32, #tpu.memory_space<vmem>>
    %dma_wait3A_138 = tpu.memref_squeeze %dma_wait3A_137 : memref<1x128xi32, #tpu.memory_space<vmem>> -> memref<128xi32, #tpu.memory_space<vmem>>
    %dma_wait3A_139 = arith.constant 0 : i32
    %dma_wait3A_140 = arith.constant 0 : i32
    %dma_wait3A_141 = tpu.memref_slice %arg10[%dma_wait3A_139, %dma_wait3A_140] : memref<26624x32xf32, #tpu.memory_space<vmem_shared>> -> memref<26624x32xf32, #tpu.memory_space<vmem_shared>>
    tpu.wait_indirect_dma semaphore(%arg12 : memref<!tpu.dma_semaphore, #tpu.memory_space<semaphore_mem>>) src(%dma_wait3A_135 : memref<128x32xf32, #tpu.memory_space<vmem>>) dst(%dma_wait3A_141 : memref<26624x32xf32, #tpu.memory_space<vmem_shared>>)
    %barrier3A_142 = arith.constant 0 : index
    tpu.barrier barrier_id(%barrier3A_142)
    %mul3A_143 = arith.constant 1568 : i32
    %mul3A_144 = arith.muli %arg1, %mul3A_143 : i32
    %mul3A_145 = arith.constant 25088 : i32
    %mul3A_146 = arith.muli %arg0, %mul3A_145 : i32
    %mul3A_147 = arith.constant 1568 : i32
    %mul3A_148 = arith.muli %arg1, %mul3A_147 : i32
    %add3A_149 = arith.addi %mul3A_146, %mul3A_148 : i32
    "tpu.region"() ({
      %run_scoped3A = tpu.sem_alloc : memref<!tpu.dma_semaphore, #tpu.memory_space<semaphore_mem>>
      %dma_start3A_150 = arith.constant 0 : i32
      %dma_start3A_151 = tpu.memref_slice %arg6[%add3A_149, %dma_start3A_150] : memref<50176x32xf32, #tpu.memory_space<hbm>> -> memref<1568x32xf32, #tpu.memory_space<hbm>>
      %dma_start3A_152 = arith.constant 0 : i32
      %dma_start3A_153 = tpu.memref_slice %arg10[%mul3A_144, %dma_start3A_152] : memref<26624x32xf32, #tpu.memory_space<vmem_shared>> -> memref<1568x32xf32, #tpu.memory_space<vmem_shared>>
      tpu.enqueue_dma source(%dma_start3A_153 : memref<1568x32xf32, #tpu.memory_space<vmem_shared>>) target(%dma_start3A_151 : memref<1568x32xf32, #tpu.memory_space<hbm>>) target_semaphore(%run_scoped3A : memref<!tpu.dma_semaphore, #tpu.memory_space<semaphore_mem>>)
      %dma_wait3A_154 = arith.constant 0 : i32
      %dma_wait3A_155 = tpu.memref_slice %arg6[%add3A_149, %dma_wait3A_154] : memref<50176x32xf32, #tpu.memory_space<hbm>> -> memref<1568x32xf32, #tpu.memory_space<hbm>>
      %dma_wait3A_156 = arith.constant 0 : i32
      %dma_wait3A_157 = tpu.memref_slice %arg10[%mul3A_144, %dma_wait3A_156] : memref<26624x32xf32, #tpu.memory_space<vmem_shared>> -> memref<1568x32xf32, #tpu.memory_space<vmem_shared>>
      tpu.wait_dma2 semaphore(%run_scoped3A : memref<!tpu.dma_semaphore, #tpu.memory_space<semaphore_mem>>) src(%dma_wait3A_157 : memref<1568x32xf32, #tpu.memory_space<vmem_shared>>) dst(%dma_wait3A_155 : memref<1568x32xf32, #tpu.memory_space<hbm>>)
      tpu.yield
    }) : () -> ()
    return
  }
}

#map = affine_map<(d0, d1) -> (0, 0)>
module attributes {stable_mosaic.version = 14 : i64} {
  func.func @spmm(%arg0: i32, %arg1: i32, %arg2: memref<50176x32xf32, #tpu.memory_space<hbm>>, %arg3: memref<12800x128xi32, #tpu.memory_space<hbm>>, %arg4: memref<6400x128xi32, #tpu.memory_space<hbm>>, %arg5: memref<3200x32xf32, #tpu.memory_space<hbm>>, %arg6: memref<100096x32xf32, #tpu.memory_space<hbm>>, %arg7: memref<24x128xi32, #tpu.memory_space<vmem>>, %arg8: memref<24x128xi32, #tpu.memory_space<vmem>>, %arg9: memref<512x32xf32, #tpu.memory_space<vmem>>, %arg10: memref<51200x32xf32, #tpu.memory_space<vmem_shared>>, %arg11: memref<!tpu.dma_semaphore, #tpu.memory_space<semaphore_mem>>, %arg12: memref<!tpu.dma_semaphore, #tpu.memory_space<semaphore_mem>>, %arg13: memref<!tpu.dma_semaphore, #tpu.memory_space<semaphore_mem>>, %arg14: memref<!tpu.dma_semaphore, #tpu.memory_space<semaphore_mem>>) attributes {dimension_semantics = [#tpu.dimension_semantics<core_parallel>, #tpu.dimension_semantics<subcore_parallel>], iteration_bounds = array<i64: 2, 16>, scalar_prefetch = 0 : i64, scratch_operands = 8 : i64, tpu.core_type = #tpu.core_type<sc_vector_subcore>, window_params = [{transform_indices = #map}, {transform_indices = #map}, {transform_indices = #map}, {transform_indices = #map}, {transform_indices = #map}]} {
    %mul3A = arith.constant 400 : i32
    %mul3A_0 = arith.muli %arg1, %mul3A : i32
    %mul3A_1 = arith.constant 3200 : i32
    %mul3A_2 = arith.muli %arg1, %mul3A_1 : i32
    "tpu.region"() ({
      %run_scoped3A = tpu.sem_alloc : memref<!tpu.dma_semaphore, #tpu.memory_space<semaphore_mem>>
      %dma_start3A_150 = arith.constant 0 : i32
      %dma_start3A_151 = tpu.memref_slice %arg10[%mul3A_2, %dma_start3A_150] : memref<51200x32xf32, #tpu.memory_space<vmem_shared>> -> memref<3200x32xf32, #tpu.memory_space<vmem_shared>>
      %dma_start3A_152 = arith.constant 0 : i32
      %dma_start3A_153 = arith.constant 0 : i32
      %dma_start3A_154 = tpu.memref_slice %arg5[%dma_start3A_152, %dma_start3A_153] : memref<3200x32xf32, #tpu.memory_space<hbm>> -> memref<3200x32xf32, #tpu.memory_space<hbm>>
      tpu.enqueue_dma source(%dma_start3A_154 : memref<3200x32xf32, #tpu.memory_space<hbm>>) target(%dma_start3A_151 : memref<3200x32xf32, #tpu.memory_space<vmem_shared>>) target_semaphore(%run_scoped3A : memref<!tpu.dma_semaphore, #tpu.memory_space<semaphore_mem>>)
      %dma_wait3A_155 = arith.constant 0 : i32
      %dma_wait3A_156 = tpu.memref_slice %arg10[%mul3A_2, %dma_wait3A_155] : memref<51200x32xf32, #tpu.memory_space<vmem_shared>> -> memref<3200x32xf32, #tpu.memory_space<vmem_shared>>
      %dma_wait3A_157 = arith.constant 0 : i32
      %dma_wait3A_158 = arith.constant 0 : i32
      %dma_wait3A_159 = tpu.memref_slice %arg5[%dma_wait3A_157, %dma_wait3A_158] : memref<3200x32xf32, #tpu.memory_space<hbm>> -> memref<3200x32xf32, #tpu.memory_space<hbm>>
      tpu.wait_dma2 semaphore(%run_scoped3A : memref<!tpu.dma_semaphore, #tpu.memory_space<semaphore_mem>>) src(%dma_wait3A_159 : memref<3200x32xf32, #tpu.memory_space<hbm>>) dst(%dma_wait3A_156 : memref<3200x32xf32, #tpu.memory_space<vmem_shared>>)
      tpu.yield
    }) : () -> ()
    %mul3A_3 = arith.constant 6400 : i32
    %mul3A_4 = arith.muli %arg0, %mul3A_3 : i32
    %add3A = arith.addi %mul3A_4, %mul3A_0 : i32
    %add3A_5 = arith.constant 0 : i32
    %add3A_6 = arith.addi %add3A, %add3A_5 : i32
    %dma_start3A = arith.constant 0 : i32
    %dma_start3A_7 = arith.constant 0 : i32
    %dma_start3A_8 = tpu.memref_slice %arg7[%dma_start3A, %dma_start3A_7] : memref<24x128xi32, #tpu.memory_space<vmem>> -> memref<8x128xi32, #tpu.memory_space<vmem>>
    %dma_start3A_9 = arith.constant 0 : i32
    %dma_start3A_10 = tpu.memref_slice %arg3[%add3A_6, %dma_start3A_9] : memref<12800x128xi32, #tpu.memory_space<hbm>> -> memref<8x128xi32, #tpu.memory_space<hbm>>
    %dma_start3A_11 = arith.constant 0 : i32
    %dma_start3A_12 = arith.constant 0 : i32
    %dma_start3A_13 = tpu.memref_slice %arg7[%dma_start3A_11, %dma_start3A_12] : memref<24x128xi32, #tpu.memory_space<vmem>> -> memref<8x128xi32, #tpu.memory_space<vmem>>
    %dma_start3A_14 = arith.constant 0 : i32
    %dma_start3A_15 = tpu.memref_slice %arg3[%add3A_6, %dma_start3A_14] : memref<12800x128xi32, #tpu.memory_space<hbm>> -> memref<8x128xi32, #tpu.memory_space<hbm>>
    tpu.enqueue_dma source(%dma_start3A_15 : memref<8x128xi32, #tpu.memory_space<hbm>>) target(%dma_start3A_13 : memref<8x128xi32, #tpu.memory_space<vmem>>) target_semaphore(%arg13 : memref<!tpu.dma_semaphore, #tpu.memory_space<semaphore_mem>>)
    %add3A_16 = arith.constant 0 : i32
    %add3A_17 = arith.addi %mul3A_0, %add3A_16 : i32
    %dma_start3A_18 = arith.constant 0 : i32
    %dma_start3A_19 = arith.constant 0 : i32
    %dma_start3A_20 = tpu.memref_slice %arg8[%dma_start3A_18, %dma_start3A_19] : memref<24x128xi32, #tpu.memory_space<vmem>> -> memref<8x128xi32, #tpu.memory_space<vmem>>
    %dma_start3A_21 = arith.constant 0 : i32
    %dma_start3A_22 = tpu.memref_slice %arg4[%add3A_17, %dma_start3A_21] : memref<6400x128xi32, #tpu.memory_space<hbm>> -> memref<8x128xi32, #tpu.memory_space<hbm>>
    %dma_start3A_23 = arith.constant 0 : i32
    %dma_start3A_24 = arith.constant 0 : i32
    %dma_start3A_25 = tpu.memref_slice %arg8[%dma_start3A_23, %dma_start3A_24] : memref<24x128xi32, #tpu.memory_space<vmem>> -> memref<8x128xi32, #tpu.memory_space<vmem>>
    %dma_start3A_26 = arith.constant 0 : i32
    %dma_start3A_27 = tpu.memref_slice %arg4[%add3A_17, %dma_start3A_26] : memref<6400x128xi32, #tpu.memory_space<hbm>> -> memref<8x128xi32, #tpu.memory_space<hbm>>
    tpu.enqueue_dma source(%dma_start3A_27 : memref<8x128xi32, #tpu.memory_space<hbm>>) target(%dma_start3A_25 : memref<8x128xi32, #tpu.memory_space<vmem>>) target_semaphore(%arg14 : memref<!tpu.dma_semaphore, #tpu.memory_space<semaphore_mem>>)
    %mul3A_28 = arith.constant 6400 : i32
    %mul3A_29 = arith.muli %arg0, %mul3A_28 : i32
    %add3A_30 = arith.addi %mul3A_29, %mul3A_0 : i32
    %add3A_31 = arith.constant 8 : i32
    %add3A_32 = arith.addi %add3A_30, %add3A_31 : i32
    %dma_start3A_33 = arith.constant 8 : i32
    %dma_start3A_34 = arith.constant 0 : i32
    %dma_start3A_35 = tpu.memref_slice %arg7[%dma_start3A_33, %dma_start3A_34] : memref<24x128xi32, #tpu.memory_space<vmem>> -> memref<8x128xi32, #tpu.memory_space<vmem>>
    %dma_start3A_36 = arith.constant 0 : i32
    %dma_start3A_37 = tpu.memref_slice %arg3[%add3A_32, %dma_start3A_36] : memref<12800x128xi32, #tpu.memory_space<hbm>> -> memref<8x128xi32, #tpu.memory_space<hbm>>
    %dma_start3A_38 = arith.constant 8 : i32
    %dma_start3A_39 = arith.constant 0 : i32
    %dma_start3A_40 = tpu.memref_slice %arg7[%dma_start3A_38, %dma_start3A_39] : memref<24x128xi32, #tpu.memory_space<vmem>> -> memref<8x128xi32, #tpu.memory_space<vmem>>
    %dma_start3A_41 = arith.constant 0 : i32
    %dma_start3A_42 = tpu.memref_slice %arg3[%add3A_32, %dma_start3A_41] : memref<12800x128xi32, #tpu.memory_space<hbm>> -> memref<8x128xi32, #tpu.memory_space<hbm>>
    tpu.enqueue_dma source(%dma_start3A_42 : memref<8x128xi32, #tpu.memory_space<hbm>>) target(%dma_start3A_40 : memref<8x128xi32, #tpu.memory_space<vmem>>) target_semaphore(%arg13 : memref<!tpu.dma_semaphore, #tpu.memory_space<semaphore_mem>>)
    %add3A_43 = arith.constant 8 : i32
    %add3A_44 = arith.addi %mul3A_0, %add3A_43 : i32
    %dma_start3A_45 = arith.constant 8 : i32
    %dma_start3A_46 = arith.constant 0 : i32
    %dma_start3A_47 = tpu.memref_slice %arg8[%dma_start3A_45, %dma_start3A_46] : memref<24x128xi32, #tpu.memory_space<vmem>> -> memref<8x128xi32, #tpu.memory_space<vmem>>
    %dma_start3A_48 = arith.constant 0 : i32
    %dma_start3A_49 = tpu.memref_slice %arg4[%add3A_44, %dma_start3A_48] : memref<6400x128xi32, #tpu.memory_space<hbm>> -> memref<8x128xi32, #tpu.memory_space<hbm>>
    %dma_start3A_50 = arith.constant 8 : i32
    %dma_start3A_51 = arith.constant 0 : i32
    %dma_start3A_52 = tpu.memref_slice %arg8[%dma_start3A_50, %dma_start3A_51] : memref<24x128xi32, #tpu.memory_space<vmem>> -> memref<8x128xi32, #tpu.memory_space<vmem>>
    %dma_start3A_53 = arith.constant 0 : i32
    %dma_start3A_54 = tpu.memref_slice %arg4[%add3A_44, %dma_start3A_53] : memref<6400x128xi32, #tpu.memory_space<hbm>> -> memref<8x128xi32, #tpu.memory_space<hbm>>
    tpu.enqueue_dma source(%dma_start3A_54 : memref<8x128xi32, #tpu.memory_space<hbm>>) target(%dma_start3A_52 : memref<8x128xi32, #tpu.memory_space<vmem>>) target_semaphore(%arg14 : memref<!tpu.dma_semaphore, #tpu.memory_space<semaphore_mem>>)
    %dma_wait3A = arith.constant 0 : i32
    %dma_wait3A_55 = arith.constant 0 : i32
    %dma_wait3A_56 = tpu.memref_slice %arg7[%dma_wait3A, %dma_wait3A_55] : memref<24x128xi32, #tpu.memory_space<vmem>> -> memref<8x128xi32, #tpu.memory_space<vmem>>
    %dma_wait3A_57 = arith.constant 0 : i32
    %dma_wait3A_58 = tpu.memref_slice %arg3[%mul3A_0, %dma_wait3A_57] : memref<12800x128xi32, #tpu.memory_space<hbm>> -> memref<8x128xi32, #tpu.memory_space<hbm>>
    %dma_wait3A_59 = arith.constant 0 : i32
    %dma_wait3A_60 = arith.constant 0 : i32
    %dma_wait3A_61 = tpu.memref_slice %arg7[%dma_wait3A_59, %dma_wait3A_60] : memref<24x128xi32, #tpu.memory_space<vmem>> -> memref<8x128xi32, #tpu.memory_space<vmem>>
    %dma_wait3A_62 = arith.constant 0 : i32
    %dma_wait3A_63 = tpu.memref_slice %arg3[%mul3A_0, %dma_wait3A_62] : memref<12800x128xi32, #tpu.memory_space<hbm>> -> memref<8x128xi32, #tpu.memory_space<hbm>>
    tpu.wait_dma2 semaphore(%arg13 : memref<!tpu.dma_semaphore, #tpu.memory_space<semaphore_mem>>) src(%dma_wait3A_63 : memref<8x128xi32, #tpu.memory_space<hbm>>) dst(%dma_wait3A_61 : memref<8x128xi32, #tpu.memory_space<vmem>>)
    %dma_wait3A_64 = arith.constant 0 : i32
    %dma_wait3A_65 = arith.constant 0 : i32
    %dma_wait3A_66 = tpu.memref_slice %arg8[%dma_wait3A_64, %dma_wait3A_65] : memref<24x128xi32, #tpu.memory_space<vmem>> -> memref<8x128xi32, #tpu.memory_space<vmem>>
    %dma_wait3A_67 = arith.constant 0 : i32
    %dma_wait3A_68 = tpu.memref_slice %arg4[%mul3A_0, %dma_wait3A_67] : memref<6400x128xi32, #tpu.memory_space<hbm>> -> memref<8x128xi32, #tpu.memory_space<hbm>>
    %dma_wait3A_69 = arith.constant 0 : i32
    %dma_wait3A_70 = arith.constant 0 : i32
    %dma_wait3A_71 = tpu.memref_slice %arg8[%dma_wait3A_69, %dma_wait3A_70] : memref<24x128xi32, #tpu.memory_space<vmem>> -> memref<8x128xi32, #tpu.memory_space<vmem>>
    %dma_wait3A_72 = arith.constant 0 : i32
    %dma_wait3A_73 = tpu.memref_slice %arg4[%mul3A_0, %dma_wait3A_72] : memref<6400x128xi32, #tpu.memory_space<hbm>> -> memref<8x128xi32, #tpu.memory_space<hbm>>
    tpu.wait_dma2 semaphore(%arg14 : memref<!tpu.dma_semaphore, #tpu.memory_space<semaphore_mem>>) src(%dma_wait3A_73 : memref<8x128xi32, #tpu.memory_space<hbm>>) dst(%dma_wait3A_71 : memref<8x128xi32, #tpu.memory_space<vmem>>)
    %barrier3A = arith.constant 0 : index
    tpu.barrier barrier_id(%barrier3A)
    %rem3A = arith.constant 0 : i32
    %rem3A_74 = arith.constant 24 : i32
    %rem3A_75 = arith.remsi %rem3A, %rem3A_74 : i32
    %rem3A_76 = arith.constant 0 : i32
    %rem3A_77 = arith.constant 4 : i32
    %rem3A_78 = arith.remsi %rem3A_76, %rem3A_77 : i32
    %mul3A_79 = arith.constant 128 : i32
    %mul3A_80 = arith.muli %rem3A_78, %mul3A_79 : i32
    %dma_start3A_81 = arith.constant 0 : i32
    %dma_start3A_82 = tpu.memref_slice %arg9[%mul3A_80, %dma_start3A_81] : memref<512x32xf32, #tpu.memory_space<vmem>> -> memref<128x32xf32, #tpu.memory_space<vmem>>
    %dma_start3A_83 = arith.constant 0 : i32
    %dma_start3A_84 = tpu.memref_slice %arg7[%rem3A_75, %dma_start3A_83] : memref<24x128xi32, #tpu.memory_space<vmem>> -> memref<1x128xi32, #tpu.memory_space<vmem>>
    %dma_start3A_85 = tpu.memref_squeeze %dma_start3A_84 : memref<1x128xi32, #tpu.memory_space<vmem>> -> memref<128xi32, #tpu.memory_space<vmem>>
    %dma_start3A_86 = arith.constant 0 : i32
    %dma_start3A_87 = arith.constant 0 : i32
    %dma_start3A_88 = tpu.memref_slice %arg2[%dma_start3A_86, %dma_start3A_87] : memref<50176x32xf32, #tpu.memory_space<hbm>> -> memref<50176x32xf32, #tpu.memory_space<hbm>>
    tpu.enqueue_indirect_dma source(%dma_start3A_88 : memref<50176x32xf32, #tpu.memory_space<hbm>>) target(%dma_start3A_82 : memref<128x32xf32, #tpu.memory_space<vmem>>) offsets(%dma_start3A_85 : memref<128xi32, #tpu.memory_space<vmem>>) semaphore(%arg11 : memref<!tpu.dma_semaphore, #tpu.memory_space<semaphore_mem>>)
    %rem3A_89 = arith.constant 1 : i32
    %rem3A_90 = arith.constant 24 : i32
    %rem3A_91 = arith.remsi %rem3A_89, %rem3A_90 : i32
    %rem3A_92 = arith.constant 1 : i32
    %rem3A_93 = arith.constant 4 : i32
    %rem3A_94 = arith.remsi %rem3A_92, %rem3A_93 : i32
    %mul3A_95 = arith.constant 128 : i32
    %mul3A_96 = arith.muli %rem3A_94, %mul3A_95 : i32
    %dma_start3A_97 = arith.constant 0 : i32
    %dma_start3A_98 = tpu.memref_slice %arg9[%mul3A_96, %dma_start3A_97] : memref<512x32xf32, #tpu.memory_space<vmem>> -> memref<128x32xf32, #tpu.memory_space<vmem>>
    %dma_start3A_99 = arith.constant 0 : i32
    %dma_start3A_100 = tpu.memref_slice %arg7[%rem3A_91, %dma_start3A_99] : memref<24x128xi32, #tpu.memory_space<vmem>> -> memref<1x128xi32, #tpu.memory_space<vmem>>
    %dma_start3A_101 = tpu.memref_squeeze %dma_start3A_100 : memref<1x128xi32, #tpu.memory_space<vmem>> -> memref<128xi32, #tpu.memory_space<vmem>>
    %dma_start3A_102 = arith.constant 0 : i32
    %dma_start3A_103 = arith.constant 0 : i32
    %dma_start3A_104 = tpu.memref_slice %arg2[%dma_start3A_102, %dma_start3A_103] : memref<50176x32xf32, #tpu.memory_space<hbm>> -> memref<50176x32xf32, #tpu.memory_space<hbm>>
    tpu.enqueue_indirect_dma source(%dma_start3A_104 : memref<50176x32xf32, #tpu.memory_space<hbm>>) target(%dma_start3A_98 : memref<128x32xf32, #tpu.memory_space<vmem>>) offsets(%dma_start3A_101 : memref<128xi32, #tpu.memory_space<vmem>>) semaphore(%arg11 : memref<!tpu.dma_semaphore, #tpu.memory_space<semaphore_mem>>)
    %rem3A_105 = arith.constant 2 : i32
    %rem3A_106 = arith.constant 24 : i32
    %rem3A_107 = arith.remsi %rem3A_105, %rem3A_106 : i32
    %rem3A_108 = arith.constant 2 : i32
    %rem3A_109 = arith.constant 4 : i32
    %rem3A_110 = arith.remsi %rem3A_108, %rem3A_109 : i32
    %mul3A_111 = arith.constant 128 : i32
    %mul3A_112 = arith.muli %rem3A_110, %mul3A_111 : i32
    %dma_start3A_113 = arith.constant 0 : i32
    %dma_start3A_114 = tpu.memref_slice %arg9[%mul3A_112, %dma_start3A_113] : memref<512x32xf32, #tpu.memory_space<vmem>> -> memref<128x32xf32, #tpu.memory_space<vmem>>
    %dma_start3A_115 = arith.constant 0 : i32
    %dma_start3A_116 = tpu.memref_slice %arg7[%rem3A_107, %dma_start3A_115] : memref<24x128xi32, #tpu.memory_space<vmem>> -> memref<1x128xi32, #tpu.memory_space<vmem>>
    %dma_start3A_117 = tpu.memref_squeeze %dma_start3A_116 : memref<1x128xi32, #tpu.memory_space<vmem>> -> memref<128xi32, #tpu.memory_space<vmem>>
    %dma_start3A_118 = arith.constant 0 : i32
    %dma_start3A_119 = arith.constant 0 : i32
    %dma_start3A_120 = tpu.memref_slice %arg2[%dma_start3A_118, %dma_start3A_119] : memref<50176x32xf32, #tpu.memory_space<hbm>> -> memref<50176x32xf32, #tpu.memory_space<hbm>>
    tpu.enqueue_indirect_dma source(%dma_start3A_120 : memref<50176x32xf32, #tpu.memory_space<hbm>>) target(%dma_start3A_114 : memref<128x32xf32, #tpu.memory_space<vmem>>) offsets(%dma_start3A_117 : memref<128xi32, #tpu.memory_space<vmem>>) semaphore(%arg11 : memref<!tpu.dma_semaphore, #tpu.memory_space<semaphore_mem>>)
    %scan3A = arith.constant 0 : i32
    %scan3A_121 = arith.constant 0 : i32
    %scan3A_122 = arith.constant 400 : i32
    %scan3A_123 = arith.addi %scan3A_121, %scan3A_122 : i32
    %scan3A_124 = arith.constant 1 : i32
    scf.for %scan3A_150 = %scan3A_121 to %scan3A_123 step %scan3A_124  : i32 {
      %rem3A_151 = arith.constant 24 : i32
      %rem3A_152 = arith.remsi %scan3A_150, %rem3A_151 : i32
      %rem3A_153 = arith.constant 4 : i32
      %rem3A_154 = arith.remsi %scan3A_150, %rem3A_153 : i32
      %mul3A_155 = arith.constant 128 : i32
      %mul3A_156 = arith.muli %rem3A_154, %mul3A_155 : i32
      %dma_wait3A_157 = arith.constant 0 : i32
      %dma_wait3A_158 = tpu.memref_slice %arg9[%mul3A_156, %dma_wait3A_157] : memref<512x32xf32, #tpu.memory_space<vmem>> -> memref<128x32xf32, #tpu.memory_space<vmem>>
      %dma_wait3A_159 = arith.constant 0 : i32
      %dma_wait3A_160 = tpu.memref_slice %arg7[%rem3A_152, %dma_wait3A_159] : memref<24x128xi32, #tpu.memory_space<vmem>> -> memref<1x128xi32, #tpu.memory_space<vmem>>
      %dma_wait3A_161 = tpu.memref_squeeze %dma_wait3A_160 : memref<1x128xi32, #tpu.memory_space<vmem>> -> memref<128xi32, #tpu.memory_space<vmem>>
      %dma_wait3A_162 = arith.constant 0 : i32
      %dma_wait3A_163 = arith.constant 0 : i32
      %dma_wait3A_164 = tpu.memref_slice %arg2[%dma_wait3A_162, %dma_wait3A_163] : memref<50176x32xf32, #tpu.memory_space<hbm>> -> memref<50176x32xf32, #tpu.memory_space<hbm>>
      tpu.wait_indirect_dma semaphore(%arg11 : memref<!tpu.dma_semaphore, #tpu.memory_space<semaphore_mem>>) src(%dma_wait3A_164 : memref<50176x32xf32, #tpu.memory_space<hbm>>) dst(%dma_wait3A_158 : memref<128x32xf32, #tpu.memory_space<vmem>>)
      %rem3A_165 = arith.constant 4 : i32
      %rem3A_166 = arith.remsi %scan3A_150, %rem3A_165 : i32
      %mul3A_167 = arith.constant 128 : i32
      %mul3A_168 = arith.muli %rem3A_166, %mul3A_167 : i32
      %rem3A_169 = arith.constant 24 : i32
      %rem3A_170 = arith.remsi %scan3A_150, %rem3A_169 : i32
      %dma_start3A_171 = arith.constant 0 : i32
      %dma_start3A_172 = tpu.memref_slice %arg9[%mul3A_168, %dma_start3A_171] : memref<512x32xf32, #tpu.memory_space<vmem>> -> memref<128x32xf32, #tpu.memory_space<vmem>>
      %dma_start3A_173 = arith.constant 0 : i32
      %dma_start3A_174 = tpu.memref_slice %arg8[%rem3A_170, %dma_start3A_173] : memref<24x128xi32, #tpu.memory_space<vmem>> -> memref<1x128xi32, #tpu.memory_space<vmem>>
      %dma_start3A_175 = tpu.memref_squeeze %dma_start3A_174 : memref<1x128xi32, #tpu.memory_space<vmem>> -> memref<128xi32, #tpu.memory_space<vmem>>
      %dma_start3A_176 = arith.constant 0 : i32
      %dma_start3A_177 = arith.constant 0 : i32
      %dma_start3A_178 = tpu.memref_slice %arg10[%dma_start3A_176, %dma_start3A_177] : memref<51200x32xf32, #tpu.memory_space<vmem_shared>> -> memref<51200x32xf32, #tpu.memory_space<vmem_shared>>
      tpu.enqueue_indirect_dma source(%dma_start3A_172 : memref<128x32xf32, #tpu.memory_space<vmem>>) target(%dma_start3A_178 : memref<51200x32xf32, #tpu.memory_space<vmem_shared>>) offsets(%dma_start3A_175 : memref<128xi32, #tpu.memory_space<vmem>>) semaphore(%arg12 : memref<!tpu.dma_semaphore, #tpu.memory_space<semaphore_mem>>) {add = true}
      %ge3A = arith.constant 1 : i32
      %ge3A_179 = arith.cmpi sge, %scan3A_150, %ge3A : i32
      %convert_element_type3A = arith.extui %ge3A_179 : i1 to i32
      %cond3A = arith.constant 0 : i32
      %cond3A_180 = arith.cmpi ne, %convert_element_type3A, %cond3A : i32
      scf.if %cond3A_180 {
        %sub3A = arith.constant 1 : i32
        %sub3A_193 = arith.subi %scan3A_150, %sub3A : i32
        %rem3A_194 = arith.constant 4 : i32
        %rem3A_195 = arith.remsi %sub3A_193, %rem3A_194 : i32
        %mul3A_196 = arith.constant 128 : i32
        %mul3A_197 = arith.muli %rem3A_195, %mul3A_196 : i32
        %rem3A_198 = arith.constant 24 : i32
        %rem3A_199 = arith.remsi %sub3A_193, %rem3A_198 : i32
        %dma_wait3A_200 = arith.constant 0 : i32
        %dma_wait3A_201 = tpu.memref_slice %arg9[%mul3A_197, %dma_wait3A_200] : memref<512x32xf32, #tpu.memory_space<vmem>> -> memref<128x32xf32, #tpu.memory_space<vmem>>
        %dma_wait3A_202 = arith.constant 0 : i32
        %dma_wait3A_203 = tpu.memref_slice %arg8[%rem3A_199, %dma_wait3A_202] : memref<24x128xi32, #tpu.memory_space<vmem>> -> memref<1x128xi32, #tpu.memory_space<vmem>>
        %dma_wait3A_204 = tpu.memref_squeeze %dma_wait3A_203 : memref<1x128xi32, #tpu.memory_space<vmem>> -> memref<128xi32, #tpu.memory_space<vmem>>
        %dma_wait3A_205 = arith.constant 0 : i32
        %dma_wait3A_206 = arith.constant 0 : i32
        %dma_wait3A_207 = tpu.memref_slice %arg10[%dma_wait3A_205, %dma_wait3A_206] : memref<51200x32xf32, #tpu.memory_space<vmem_shared>> -> memref<51200x32xf32, #tpu.memory_space<vmem_shared>>
        tpu.wait_indirect_dma semaphore(%arg12 : memref<!tpu.dma_semaphore, #tpu.memory_space<semaphore_mem>>) src(%dma_wait3A_201 : memref<128x32xf32, #tpu.memory_space<vmem>>) dst(%dma_wait3A_207 : memref<51200x32xf32, #tpu.memory_space<vmem_shared>>)
      } else {
      }
      %rem3A_181 = arith.constant 8 : i32
      %rem3A_182 = arith.remsi %scan3A_150, %rem3A_181 : i32
      %eq3A = arith.constant 0 : i32
      %eq3A_183 = arith.cmpi eq, %rem3A_182, %eq3A : i32
      %convert_element_type3A_184 = arith.extui %eq3A_183 : i1 to i32
      %cond3A_185 = arith.constant 0 : i32
      %cond3A_186 = arith.cmpi ne, %convert_element_type3A_184, %cond3A_185 : i32
      scf.if %cond3A_186 {
        %jit3A = arith.constant 8 : i32
        %div3A = arith.divsi %scan3A_150, %jit3A : i32
        %sign3A = arith.constant 0 : i32
        %sign3A_193 = arith.cmpi sgt, %scan3A_150, %sign3A : i32
        %sign3A_194 = arith.extui %sign3A_193 : i1 to i32
        %sign3A_195 = arith.constant 0 : i32
        %sign3A_196 = arith.cmpi slt, %scan3A_150, %sign3A_195 : i32
        %sign3A_197 = arith.extui %sign3A_196 : i1 to i32
        %sign3A_198 = arith.subi %sign3A_194, %sign3A_197 : i32
        %sign3A_199 = arith.constant 0 : i32
        %sign3A_200 = arith.cmpi sgt, %jit3A, %sign3A_199 : i32
        %sign3A_201 = arith.extui %sign3A_200 : i1 to i32
        %sign3A_202 = arith.constant 0 : i32
        %sign3A_203 = arith.cmpi slt, %jit3A, %sign3A_202 : i32
        %sign3A_204 = arith.extui %sign3A_203 : i1 to i32
        %sign3A_205 = arith.subi %sign3A_201, %sign3A_204 : i32
        %ne3A = arith.cmpi ne, %sign3A_198, %sign3A_205 : i32
        %rem3A_206 = arith.remsi %scan3A_150, %jit3A : i32
        %ne3A_207 = arith.constant 0 : i32
        %ne3A_208 = arith.cmpi ne, %rem3A_206, %ne3A_207 : i32
        %and3A = arith.andi %ne3A, %ne3A_208 : i1
        %sub3A = arith.constant 1 : i32
        %sub3A_209 = arith.subi %div3A, %sub3A : i32
        %select_n3A = arith.select %and3A, %sub3A_209, %div3A : i32
        %add3A_210 = arith.constant 1 : i32
        %add3A_211 = arith.addi %select_n3A, %add3A_210 : i32
        %le3A_212 = arith.constant 49 : i32
        %le3A_213 = arith.cmpi sle, %add3A_211, %le3A_212 : i32
        %convert_element_type3A_214 = arith.extui %le3A_213 : i1 to i32
        %cond3A_215 = arith.constant 0 : i32
        %cond3A_216 = arith.cmpi ne, %convert_element_type3A_214, %cond3A_215 : i32
        scf.if %cond3A_216 {
          %dma_wait3A_224 = arith.constant 0 : i32
          %dma_wait3A_225 = arith.constant 0 : i32
          %dma_wait3A_226 = tpu.memref_slice %arg7[%dma_wait3A_224, %dma_wait3A_225] : memref<24x128xi32, #tpu.memory_space<vmem>> -> memref<8x128xi32, #tpu.memory_space<vmem>>
          %dma_wait3A_227 = arith.constant 0 : i32
          %dma_wait3A_228 = tpu.memref_slice %arg3[%mul3A_0, %dma_wait3A_227] : memref<12800x128xi32, #tpu.memory_space<hbm>> -> memref<8x128xi32, #tpu.memory_space<hbm>>
          %dma_wait3A_229 = arith.constant 0 : i32
          %dma_wait3A_230 = arith.constant 0 : i32
          %dma_wait3A_231 = tpu.memref_slice %arg7[%dma_wait3A_229, %dma_wait3A_230] : memref<24x128xi32, #tpu.memory_space<vmem>> -> memref<8x128xi32, #tpu.memory_space<vmem>>
          %dma_wait3A_232 = arith.constant 0 : i32
          %dma_wait3A_233 = tpu.memref_slice %arg3[%mul3A_0, %dma_wait3A_232] : memref<12800x128xi32, #tpu.memory_space<hbm>> -> memref<8x128xi32, #tpu.memory_space<hbm>>
          tpu.wait_dma2 semaphore(%arg13 : memref<!tpu.dma_semaphore, #tpu.memory_space<semaphore_mem>>) src(%dma_wait3A_233 : memref<8x128xi32, #tpu.memory_space<hbm>>) dst(%dma_wait3A_231 : memref<8x128xi32, #tpu.memory_space<vmem>>)
          %dma_wait3A_234 = arith.constant 0 : i32
          %dma_wait3A_235 = arith.constant 0 : i32
          %dma_wait3A_236 = tpu.memref_slice %arg8[%dma_wait3A_234, %dma_wait3A_235] : memref<24x128xi32, #tpu.memory_space<vmem>> -> memref<8x128xi32, #tpu.memory_space<vmem>>
          %dma_wait3A_237 = arith.constant 0 : i32
          %dma_wait3A_238 = tpu.memref_slice %arg4[%mul3A_0, %dma_wait3A_237] : memref<6400x128xi32, #tpu.memory_space<hbm>> -> memref<8x128xi32, #tpu.memory_space<hbm>>
          %dma_wait3A_239 = arith.constant 0 : i32
          %dma_wait3A_240 = arith.constant 0 : i32
          %dma_wait3A_241 = tpu.memref_slice %arg8[%dma_wait3A_239, %dma_wait3A_240] : memref<24x128xi32, #tpu.memory_space<vmem>> -> memref<8x128xi32, #tpu.memory_space<vmem>>
          %dma_wait3A_242 = arith.constant 0 : i32
          %dma_wait3A_243 = tpu.memref_slice %arg4[%mul3A_0, %dma_wait3A_242] : memref<6400x128xi32, #tpu.memory_space<hbm>> -> memref<8x128xi32, #tpu.memory_space<hbm>>
          tpu.wait_dma2 semaphore(%arg14 : memref<!tpu.dma_semaphore, #tpu.memory_space<semaphore_mem>>) src(%dma_wait3A_243 : memref<8x128xi32, #tpu.memory_space<hbm>>) dst(%dma_wait3A_241 : memref<8x128xi32, #tpu.memory_space<vmem>>)
        } else {
        }
        %add3A_217 = arith.constant 2 : i32
        %add3A_218 = arith.addi %select_n3A, %add3A_217 : i32
        %le3A_219 = arith.constant 49 : i32
        %le3A_220 = arith.cmpi sle, %add3A_218, %le3A_219 : i32
        %convert_element_type3A_221 = arith.extui %le3A_220 : i1 to i32
        %cond3A_222 = arith.constant 0 : i32
        %cond3A_223 = arith.cmpi ne, %convert_element_type3A_221, %cond3A_222 : i32
        scf.if %cond3A_223 {
          %add3A_224 = arith.constant 2 : i32
          %add3A_225 = arith.addi %select_n3A, %add3A_224 : i32
          %add3A_226 = arith.constant 2 : i32
          %add3A_227 = arith.addi %select_n3A, %add3A_226 : i32
          %rem3A_228 = arith.constant 3 : i32
          %rem3A_229 = arith.remsi %add3A_227, %rem3A_228 : i32
          %mul3A_230 = arith.constant 6400 : i32
          %mul3A_231 = arith.muli %arg0, %mul3A_230 : i32
          %add3A_232 = arith.addi %mul3A_231, %mul3A_0 : i32
          %mul3A_233 = arith.constant 8 : i32
          %mul3A_234 = arith.muli %add3A_225, %mul3A_233 : i32
          %add3A_235 = arith.addi %add3A_232, %mul3A_234 : i32
          %mul3A_236 = arith.constant 8 : i32
          %mul3A_237 = arith.muli %rem3A_229, %mul3A_236 : i32
          %dma_start3A_238 = arith.constant 0 : i32
          %dma_start3A_239 = tpu.memref_slice %arg7[%mul3A_237, %dma_start3A_238] : memref<24x128xi32, #tpu.memory_space<vmem>> -> memref<8x128xi32, #tpu.memory_space<vmem>>
          %dma_start3A_240 = arith.constant 0 : i32
          %dma_start3A_241 = tpu.memref_slice %arg3[%add3A_235, %dma_start3A_240] : memref<12800x128xi32, #tpu.memory_space<hbm>> -> memref<8x128xi32, #tpu.memory_space<hbm>>
          %dma_start3A_242 = arith.constant 0 : i32
          %dma_start3A_243 = tpu.memref_slice %arg7[%mul3A_237, %dma_start3A_242] : memref<24x128xi32, #tpu.memory_space<vmem>> -> memref<8x128xi32, #tpu.memory_space<vmem>>
          %dma_start3A_244 = arith.constant 0 : i32
          %dma_start3A_245 = tpu.memref_slice %arg3[%add3A_235, %dma_start3A_244] : memref<12800x128xi32, #tpu.memory_space<hbm>> -> memref<8x128xi32, #tpu.memory_space<hbm>>
          tpu.enqueue_dma source(%dma_start3A_245 : memref<8x128xi32, #tpu.memory_space<hbm>>) target(%dma_start3A_243 : memref<8x128xi32, #tpu.memory_space<vmem>>) target_semaphore(%arg13 : memref<!tpu.dma_semaphore, #tpu.memory_space<semaphore_mem>>)
          %mul3A_246 = arith.constant 8 : i32
          %mul3A_247 = arith.muli %add3A_225, %mul3A_246 : i32
          %add3A_248 = arith.addi %mul3A_0, %mul3A_247 : i32
          %mul3A_249 = arith.constant 8 : i32
          %mul3A_250 = arith.muli %rem3A_229, %mul3A_249 : i32
          %dma_start3A_251 = arith.constant 0 : i32
          %dma_start3A_252 = tpu.memref_slice %arg8[%mul3A_250, %dma_start3A_251] : memref<24x128xi32, #tpu.memory_space<vmem>> -> memref<8x128xi32, #tpu.memory_space<vmem>>
          %dma_start3A_253 = arith.constant 0 : i32
          %dma_start3A_254 = tpu.memref_slice %arg4[%add3A_248, %dma_start3A_253] : memref<6400x128xi32, #tpu.memory_space<hbm>> -> memref<8x128xi32, #tpu.memory_space<hbm>>
          %dma_start3A_255 = arith.constant 0 : i32
          %dma_start3A_256 = tpu.memref_slice %arg8[%mul3A_250, %dma_start3A_255] : memref<24x128xi32, #tpu.memory_space<vmem>> -> memref<8x128xi32, #tpu.memory_space<vmem>>
          %dma_start3A_257 = arith.constant 0 : i32
          %dma_start3A_258 = tpu.memref_slice %arg4[%add3A_248, %dma_start3A_257] : memref<6400x128xi32, #tpu.memory_space<hbm>> -> memref<8x128xi32, #tpu.memory_space<hbm>>
          tpu.enqueue_dma source(%dma_start3A_258 : memref<8x128xi32, #tpu.memory_space<hbm>>) target(%dma_start3A_256 : memref<8x128xi32, #tpu.memory_space<vmem>>) target_semaphore(%arg14 : memref<!tpu.dma_semaphore, #tpu.memory_space<semaphore_mem>>)
        } else {
        }
      } else {
      }
      %add3A_187 = arith.constant 3 : i32
      %add3A_188 = arith.addi %scan3A_150, %add3A_187 : i32
      %le3A = arith.constant 399 : i32
      %le3A_189 = arith.cmpi sle, %add3A_188, %le3A : i32
      %convert_element_type3A_190 = arith.extui %le3A_189 : i1 to i32
      %cond3A_191 = arith.constant 0 : i32
      %cond3A_192 = arith.cmpi ne, %convert_element_type3A_190, %cond3A_191 : i32
      scf.if %cond3A_192 {
        %add3A_193 = arith.constant 3 : i32
        %add3A_194 = arith.addi %scan3A_150, %add3A_193 : i32
        %rem3A_195 = arith.constant 24 : i32
        %rem3A_196 = arith.remsi %add3A_194, %rem3A_195 : i32
        %rem3A_197 = arith.constant 4 : i32
        %rem3A_198 = arith.remsi %add3A_194, %rem3A_197 : i32
        %mul3A_199 = arith.constant 128 : i32
        %mul3A_200 = arith.muli %rem3A_198, %mul3A_199 : i32
        %dma_start3A_201 = arith.constant 0 : i32
        %dma_start3A_202 = tpu.memref_slice %arg9[%mul3A_200, %dma_start3A_201] : memref<512x32xf32, #tpu.memory_space<vmem>> -> memref<128x32xf32, #tpu.memory_space<vmem>>
        %dma_start3A_203 = arith.constant 0 : i32
        %dma_start3A_204 = tpu.memref_slice %arg7[%rem3A_196, %dma_start3A_203] : memref<24x128xi32, #tpu.memory_space<vmem>> -> memref<1x128xi32, #tpu.memory_space<vmem>>
        %dma_start3A_205 = tpu.memref_squeeze %dma_start3A_204 : memref<1x128xi32, #tpu.memory_space<vmem>> -> memref<128xi32, #tpu.memory_space<vmem>>
        %dma_start3A_206 = arith.constant 0 : i32
        %dma_start3A_207 = arith.constant 0 : i32
        %dma_start3A_208 = tpu.memref_slice %arg2[%dma_start3A_206, %dma_start3A_207] : memref<50176x32xf32, #tpu.memory_space<hbm>> -> memref<50176x32xf32, #tpu.memory_space<hbm>>
        tpu.enqueue_indirect_dma source(%dma_start3A_208 : memref<50176x32xf32, #tpu.memory_space<hbm>>) target(%dma_start3A_202 : memref<128x32xf32, #tpu.memory_space<vmem>>) offsets(%dma_start3A_205 : memref<128xi32, #tpu.memory_space<vmem>>) semaphore(%arg11 : memref<!tpu.dma_semaphore, #tpu.memory_space<semaphore_mem>>)
      } else {
      }
    }
    %scan3A_125 = arith.constant 400 : i32
    %rem3A_126 = arith.constant 399 : i32
    %rem3A_127 = arith.constant 4 : i32
    %rem3A_128 = arith.remsi %rem3A_126, %rem3A_127 : i32
    %mul3A_129 = arith.constant 128 : i32
    %mul3A_130 = arith.muli %rem3A_128, %mul3A_129 : i32
    %rem3A_131 = arith.constant 399 : i32
    %rem3A_132 = arith.constant 24 : i32
    %rem3A_133 = arith.remsi %rem3A_131, %rem3A_132 : i32
    %dma_wait3A_134 = arith.constant 0 : i32
    %dma_wait3A_135 = tpu.memref_slice %arg9[%mul3A_130, %dma_wait3A_134] : memref<512x32xf32, #tpu.memory_space<vmem>> -> memref<128x32xf32, #tpu.memory_space<vmem>>
    %dma_wait3A_136 = arith.constant 0 : i32
    %dma_wait3A_137 = tpu.memref_slice %arg8[%rem3A_133, %dma_wait3A_136] : memref<24x128xi32, #tpu.memory_space<vmem>> -> memref<1x128xi32, #tpu.memory_space<vmem>>
    %dma_wait3A_138 = tpu.memref_squeeze %dma_wait3A_137 : memref<1x128xi32, #tpu.memory_space<vmem>> -> memref<128xi32, #tpu.memory_space<vmem>>
    %dma_wait3A_139 = arith.constant 0 : i32
    %dma_wait3A_140 = arith.constant 0 : i32
    %dma_wait3A_141 = tpu.memref_slice %arg10[%dma_wait3A_139, %dma_wait3A_140] : memref<51200x32xf32, #tpu.memory_space<vmem_shared>> -> memref<51200x32xf32, #tpu.memory_space<vmem_shared>>
    tpu.wait_indirect_dma semaphore(%arg12 : memref<!tpu.dma_semaphore, #tpu.memory_space<semaphore_mem>>) src(%dma_wait3A_135 : memref<128x32xf32, #tpu.memory_space<vmem>>) dst(%dma_wait3A_141 : memref<51200x32xf32, #tpu.memory_space<vmem_shared>>)
    %barrier3A_142 = arith.constant 0 : index
    tpu.barrier barrier_id(%barrier3A_142)
    %mul3A_143 = arith.constant 3128 : i32
    %mul3A_144 = arith.muli %arg1, %mul3A_143 : i32
    %mul3A_145 = arith.constant 50048 : i32
    %mul3A_146 = arith.muli %arg0, %mul3A_145 : i32
    %mul3A_147 = arith.constant 3128 : i32
    %mul3A_148 = arith.muli %arg1, %mul3A_147 : i32
    %add3A_149 = arith.addi %mul3A_146, %mul3A_148 : i32
    "tpu.region"() ({
      %run_scoped3A = tpu.sem_alloc : memref<!tpu.dma_semaphore, #tpu.memory_space<semaphore_mem>>
      %dma_start3A_150 = arith.constant 0 : i32
      %dma_start3A_151 = tpu.memref_slice %arg6[%add3A_149, %dma_start3A_150] : memref<100096x32xf32, #tpu.memory_space<hbm>> -> memref<3128x32xf32, #tpu.memory_space<hbm>>
      %dma_start3A_152 = arith.constant 0 : i32
      %dma_start3A_153 = tpu.memref_slice %arg10[%mul3A_144, %dma_start3A_152] : memref<51200x32xf32, #tpu.memory_space<vmem_shared>> -> memref<3128x32xf32, #tpu.memory_space<vmem_shared>>
      tpu.enqueue_dma source(%dma_start3A_153 : memref<3128x32xf32, #tpu.memory_space<vmem_shared>>) target(%dma_start3A_151 : memref<3128x32xf32, #tpu.memory_space<hbm>>) target_semaphore(%run_scoped3A : memref<!tpu.dma_semaphore, #tpu.memory_space<semaphore_mem>>)
      %dma_wait3A_154 = arith.constant 0 : i32
      %dma_wait3A_155 = tpu.memref_slice %arg6[%add3A_149, %dma_wait3A_154] : memref<100096x32xf32, #tpu.memory_space<hbm>> -> memref<3128x32xf32, #tpu.memory_space<hbm>>
      %dma_wait3A_156 = arith.constant 0 : i32
      %dma_wait3A_157 = tpu.memref_slice %arg10[%mul3A_144, %dma_wait3A_156] : memref<51200x32xf32, #tpu.memory_space<vmem_shared>> -> memref<3128x32xf32, #tpu.memory_space<vmem_shared>>
      tpu.wait_dma2 semaphore(%run_scoped3A : memref<!tpu.dma_semaphore, #tpu.memory_space<semaphore_mem>>) src(%dma_wait3A_157 : memref<3128x32xf32, #tpu.memory_space<vmem_shared>>) dst(%dma_wait3A_155 : memref<3128x32xf32, #tpu.memory_space<hbm>>)
      tpu.yield
    }) : () -> ()
    return
  }
}

#map = affine_map<(d0, d1) -> (0, 0)>
module attributes {stable_mosaic.version = 14 : i64} {
  func.func @spmm(%arg0: i32, %arg1: i32, %arg2: memref<100096x32xf32, #tpu.memory_space<hbm>>, %arg3: memref<12800x128xi32, #tpu.memory_space<hbm>>, %arg4: memref<6400x128xi32, #tpu.memory_space<hbm>>, %arg5: memref<3200x32xf32, #tpu.memory_space<hbm>>, %arg6: memref<50176x32xf32, #tpu.memory_space<hbm>>, %arg7: memref<24x128xi32, #tpu.memory_space<vmem>>, %arg8: memref<24x128xi32, #tpu.memory_space<vmem>>, %arg9: memref<512x32xf32, #tpu.memory_space<vmem>>, %arg10: memref<26624x32xf32, #tpu.memory_space<vmem_shared>>, %arg11: memref<!tpu.dma_semaphore, #tpu.memory_space<semaphore_mem>>, %arg12: memref<!tpu.dma_semaphore, #tpu.memory_space<semaphore_mem>>, %arg13: memref<!tpu.dma_semaphore, #tpu.memory_space<semaphore_mem>>, %arg14: memref<!tpu.dma_semaphore, #tpu.memory_space<semaphore_mem>>) attributes {dimension_semantics = [#tpu.dimension_semantics<core_parallel>, #tpu.dimension_semantics<subcore_parallel>], iteration_bounds = array<i64: 2, 16>, scalar_prefetch = 0 : i64, scratch_operands = 8 : i64, tpu.core_type = #tpu.core_type<sc_vector_subcore>, window_params = [{transform_indices = #map}, {transform_indices = #map}, {transform_indices = #map}, {transform_indices = #map}, {transform_indices = #map}]} {
    %mul3A = arith.constant 400 : i32
    %mul3A_0 = arith.muli %arg1, %mul3A : i32
    %mul3A_1 = arith.constant 1664 : i32
    %mul3A_2 = arith.muli %arg1, %mul3A_1 : i32
    "tpu.region"() ({
      %run_scoped3A = tpu.sem_alloc : memref<!tpu.dma_semaphore, #tpu.memory_space<semaphore_mem>>
      %dma_start3A_150 = arith.constant 0 : i32
      %dma_start3A_151 = tpu.memref_slice %arg10[%mul3A_2, %dma_start3A_150] : memref<26624x32xf32, #tpu.memory_space<vmem_shared>> -> memref<1664x32xf32, #tpu.memory_space<vmem_shared>>
      %dma_start3A_152 = arith.constant 0 : i32
      %dma_start3A_153 = arith.constant 0 : i32
      %dma_start3A_154 = tpu.memref_slice %arg5[%dma_start3A_152, %dma_start3A_153] : memref<3200x32xf32, #tpu.memory_space<hbm>> -> memref<1664x32xf32, #tpu.memory_space<hbm>>
      tpu.enqueue_dma source(%dma_start3A_154 : memref<1664x32xf32, #tpu.memory_space<hbm>>) target(%dma_start3A_151 : memref<1664x32xf32, #tpu.memory_space<vmem_shared>>) target_semaphore(%run_scoped3A : memref<!tpu.dma_semaphore, #tpu.memory_space<semaphore_mem>>)
      %dma_wait3A_155 = arith.constant 0 : i32
      %dma_wait3A_156 = tpu.memref_slice %arg10[%mul3A_2, %dma_wait3A_155] : memref<26624x32xf32, #tpu.memory_space<vmem_shared>> -> memref<1664x32xf32, #tpu.memory_space<vmem_shared>>
      %dma_wait3A_157 = arith.constant 0 : i32
      %dma_wait3A_158 = arith.constant 0 : i32
      %dma_wait3A_159 = tpu.memref_slice %arg5[%dma_wait3A_157, %dma_wait3A_158] : memref<3200x32xf32, #tpu.memory_space<hbm>> -> memref<1664x32xf32, #tpu.memory_space<hbm>>
      tpu.wait_dma2 semaphore(%run_scoped3A : memref<!tpu.dma_semaphore, #tpu.memory_space<semaphore_mem>>) src(%dma_wait3A_159 : memref<1664x32xf32, #tpu.memory_space<hbm>>) dst(%dma_wait3A_156 : memref<1664x32xf32, #tpu.memory_space<vmem_shared>>)
      tpu.yield
    }) : () -> ()
    %mul3A_3 = arith.constant 6400 : i32
    %mul3A_4 = arith.muli %arg0, %mul3A_3 : i32
    %add3A = arith.addi %mul3A_4, %mul3A_0 : i32
    %add3A_5 = arith.constant 0 : i32
    %add3A_6 = arith.addi %add3A, %add3A_5 : i32
    %dma_start3A = arith.constant 0 : i32
    %dma_start3A_7 = arith.constant 0 : i32
    %dma_start3A_8 = tpu.memref_slice %arg7[%dma_start3A, %dma_start3A_7] : memref<24x128xi32, #tpu.memory_space<vmem>> -> memref<8x128xi32, #tpu.memory_space<vmem>>
    %dma_start3A_9 = arith.constant 0 : i32
    %dma_start3A_10 = tpu.memref_slice %arg3[%add3A_6, %dma_start3A_9] : memref<12800x128xi32, #tpu.memory_space<hbm>> -> memref<8x128xi32, #tpu.memory_space<hbm>>
    %dma_start3A_11 = arith.constant 0 : i32
    %dma_start3A_12 = arith.constant 0 : i32
    %dma_start3A_13 = tpu.memref_slice %arg7[%dma_start3A_11, %dma_start3A_12] : memref<24x128xi32, #tpu.memory_space<vmem>> -> memref<8x128xi32, #tpu.memory_space<vmem>>
    %dma_start3A_14 = arith.constant 0 : i32
    %dma_start3A_15 = tpu.memref_slice %arg3[%add3A_6, %dma_start3A_14] : memref<12800x128xi32, #tpu.memory_space<hbm>> -> memref<8x128xi32, #tpu.memory_space<hbm>>
    tpu.enqueue_dma source(%dma_start3A_15 : memref<8x128xi32, #tpu.memory_space<hbm>>) target(%dma_start3A_13 : memref<8x128xi32, #tpu.memory_space<vmem>>) target_semaphore(%arg13 : memref<!tpu.dma_semaphore, #tpu.memory_space<semaphore_mem>>)
    %add3A_16 = arith.constant 0 : i32
    %add3A_17 = arith.addi %mul3A_0, %add3A_16 : i32
    %dma_start3A_18 = arith.constant 0 : i32
    %dma_start3A_19 = arith.constant 0 : i32
    %dma_start3A_20 = tpu.memref_slice %arg8[%dma_start3A_18, %dma_start3A_19] : memref<24x128xi32, #tpu.memory_space<vmem>> -> memref<8x128xi32, #tpu.memory_space<vmem>>
    %dma_start3A_21 = arith.constant 0 : i32
    %dma_start3A_22 = tpu.memref_slice %arg4[%add3A_17, %dma_start3A_21] : memref<6400x128xi32, #tpu.memory_space<hbm>> -> memref<8x128xi32, #tpu.memory_space<hbm>>
    %dma_start3A_23 = arith.constant 0 : i32
    %dma_start3A_24 = arith.constant 0 : i32
    %dma_start3A_25 = tpu.memref_slice %arg8[%dma_start3A_23, %dma_start3A_24] : memref<24x128xi32, #tpu.memory_space<vmem>> -> memref<8x128xi32, #tpu.memory_space<vmem>>
    %dma_start3A_26 = arith.constant 0 : i32
    %dma_start3A_27 = tpu.memref_slice %arg4[%add3A_17, %dma_start3A_26] : memref<6400x128xi32, #tpu.memory_space<hbm>> -> memref<8x128xi32, #tpu.memory_space<hbm>>
    tpu.enqueue_dma source(%dma_start3A_27 : memref<8x128xi32, #tpu.memory_space<hbm>>) target(%dma_start3A_25 : memref<8x128xi32, #tpu.memory_space<vmem>>) target_semaphore(%arg14 : memref<!tpu.dma_semaphore, #tpu.memory_space<semaphore_mem>>)
    %mul3A_28 = arith.constant 6400 : i32
    %mul3A_29 = arith.muli %arg0, %mul3A_28 : i32
    %add3A_30 = arith.addi %mul3A_29, %mul3A_0 : i32
    %add3A_31 = arith.constant 8 : i32
    %add3A_32 = arith.addi %add3A_30, %add3A_31 : i32
    %dma_start3A_33 = arith.constant 8 : i32
    %dma_start3A_34 = arith.constant 0 : i32
    %dma_start3A_35 = tpu.memref_slice %arg7[%dma_start3A_33, %dma_start3A_34] : memref<24x128xi32, #tpu.memory_space<vmem>> -> memref<8x128xi32, #tpu.memory_space<vmem>>
    %dma_start3A_36 = arith.constant 0 : i32
    %dma_start3A_37 = tpu.memref_slice %arg3[%add3A_32, %dma_start3A_36] : memref<12800x128xi32, #tpu.memory_space<hbm>> -> memref<8x128xi32, #tpu.memory_space<hbm>>
    %dma_start3A_38 = arith.constant 8 : i32
    %dma_start3A_39 = arith.constant 0 : i32
    %dma_start3A_40 = tpu.memref_slice %arg7[%dma_start3A_38, %dma_start3A_39] : memref<24x128xi32, #tpu.memory_space<vmem>> -> memref<8x128xi32, #tpu.memory_space<vmem>>
    %dma_start3A_41 = arith.constant 0 : i32
    %dma_start3A_42 = tpu.memref_slice %arg3[%add3A_32, %dma_start3A_41] : memref<12800x128xi32, #tpu.memory_space<hbm>> -> memref<8x128xi32, #tpu.memory_space<hbm>>
    tpu.enqueue_dma source(%dma_start3A_42 : memref<8x128xi32, #tpu.memory_space<hbm>>) target(%dma_start3A_40 : memref<8x128xi32, #tpu.memory_space<vmem>>) target_semaphore(%arg13 : memref<!tpu.dma_semaphore, #tpu.memory_space<semaphore_mem>>)
    %add3A_43 = arith.constant 8 : i32
    %add3A_44 = arith.addi %mul3A_0, %add3A_43 : i32
    %dma_start3A_45 = arith.constant 8 : i32
    %dma_start3A_46 = arith.constant 0 : i32
    %dma_start3A_47 = tpu.memref_slice %arg8[%dma_start3A_45, %dma_start3A_46] : memref<24x128xi32, #tpu.memory_space<vmem>> -> memref<8x128xi32, #tpu.memory_space<vmem>>
    %dma_start3A_48 = arith.constant 0 : i32
    %dma_start3A_49 = tpu.memref_slice %arg4[%add3A_44, %dma_start3A_48] : memref<6400x128xi32, #tpu.memory_space<hbm>> -> memref<8x128xi32, #tpu.memory_space<hbm>>
    %dma_start3A_50 = arith.constant 8 : i32
    %dma_start3A_51 = arith.constant 0 : i32
    %dma_start3A_52 = tpu.memref_slice %arg8[%dma_start3A_50, %dma_start3A_51] : memref<24x128xi32, #tpu.memory_space<vmem>> -> memref<8x128xi32, #tpu.memory_space<vmem>>
    %dma_start3A_53 = arith.constant 0 : i32
    %dma_start3A_54 = tpu.memref_slice %arg4[%add3A_44, %dma_start3A_53] : memref<6400x128xi32, #tpu.memory_space<hbm>> -> memref<8x128xi32, #tpu.memory_space<hbm>>
    tpu.enqueue_dma source(%dma_start3A_54 : memref<8x128xi32, #tpu.memory_space<hbm>>) target(%dma_start3A_52 : memref<8x128xi32, #tpu.memory_space<vmem>>) target_semaphore(%arg14 : memref<!tpu.dma_semaphore, #tpu.memory_space<semaphore_mem>>)
    %dma_wait3A = arith.constant 0 : i32
    %dma_wait3A_55 = arith.constant 0 : i32
    %dma_wait3A_56 = tpu.memref_slice %arg7[%dma_wait3A, %dma_wait3A_55] : memref<24x128xi32, #tpu.memory_space<vmem>> -> memref<8x128xi32, #tpu.memory_space<vmem>>
    %dma_wait3A_57 = arith.constant 0 : i32
    %dma_wait3A_58 = tpu.memref_slice %arg3[%mul3A_0, %dma_wait3A_57] : memref<12800x128xi32, #tpu.memory_space<hbm>> -> memref<8x128xi32, #tpu.memory_space<hbm>>
    %dma_wait3A_59 = arith.constant 0 : i32
    %dma_wait3A_60 = arith.constant 0 : i32
    %dma_wait3A_61 = tpu.memref_slice %arg7[%dma_wait3A_59, %dma_wait3A_60] : memref<24x128xi32, #tpu.memory_space<vmem>> -> memref<8x128xi32, #tpu.memory_space<vmem>>
    %dma_wait3A_62 = arith.constant 0 : i32
    %dma_wait3A_63 = tpu.memref_slice %arg3[%mul3A_0, %dma_wait3A_62] : memref<12800x128xi32, #tpu.memory_space<hbm>> -> memref<8x128xi32, #tpu.memory_space<hbm>>
    tpu.wait_dma2 semaphore(%arg13 : memref<!tpu.dma_semaphore, #tpu.memory_space<semaphore_mem>>) src(%dma_wait3A_63 : memref<8x128xi32, #tpu.memory_space<hbm>>) dst(%dma_wait3A_61 : memref<8x128xi32, #tpu.memory_space<vmem>>)
    %dma_wait3A_64 = arith.constant 0 : i32
    %dma_wait3A_65 = arith.constant 0 : i32
    %dma_wait3A_66 = tpu.memref_slice %arg8[%dma_wait3A_64, %dma_wait3A_65] : memref<24x128xi32, #tpu.memory_space<vmem>> -> memref<8x128xi32, #tpu.memory_space<vmem>>
    %dma_wait3A_67 = arith.constant 0 : i32
    %dma_wait3A_68 = tpu.memref_slice %arg4[%mul3A_0, %dma_wait3A_67] : memref<6400x128xi32, #tpu.memory_space<hbm>> -> memref<8x128xi32, #tpu.memory_space<hbm>>
    %dma_wait3A_69 = arith.constant 0 : i32
    %dma_wait3A_70 = arith.constant 0 : i32
    %dma_wait3A_71 = tpu.memref_slice %arg8[%dma_wait3A_69, %dma_wait3A_70] : memref<24x128xi32, #tpu.memory_space<vmem>> -> memref<8x128xi32, #tpu.memory_space<vmem>>
    %dma_wait3A_72 = arith.constant 0 : i32
    %dma_wait3A_73 = tpu.memref_slice %arg4[%mul3A_0, %dma_wait3A_72] : memref<6400x128xi32, #tpu.memory_space<hbm>> -> memref<8x128xi32, #tpu.memory_space<hbm>>
    tpu.wait_dma2 semaphore(%arg14 : memref<!tpu.dma_semaphore, #tpu.memory_space<semaphore_mem>>) src(%dma_wait3A_73 : memref<8x128xi32, #tpu.memory_space<hbm>>) dst(%dma_wait3A_71 : memref<8x128xi32, #tpu.memory_space<vmem>>)
    %barrier3A = arith.constant 0 : index
    tpu.barrier barrier_id(%barrier3A)
    %rem3A = arith.constant 0 : i32
    %rem3A_74 = arith.constant 24 : i32
    %rem3A_75 = arith.remsi %rem3A, %rem3A_74 : i32
    %rem3A_76 = arith.constant 0 : i32
    %rem3A_77 = arith.constant 4 : i32
    %rem3A_78 = arith.remsi %rem3A_76, %rem3A_77 : i32
    %mul3A_79 = arith.constant 128 : i32
    %mul3A_80 = arith.muli %rem3A_78, %mul3A_79 : i32
    %dma_start3A_81 = arith.constant 0 : i32
    %dma_start3A_82 = tpu.memref_slice %arg9[%mul3A_80, %dma_start3A_81] : memref<512x32xf32, #tpu.memory_space<vmem>> -> memref<128x32xf32, #tpu.memory_space<vmem>>
    %dma_start3A_83 = arith.constant 0 : i32
    %dma_start3A_84 = tpu.memref_slice %arg7[%rem3A_75, %dma_start3A_83] : memref<24x128xi32, #tpu.memory_space<vmem>> -> memref<1x128xi32, #tpu.memory_space<vmem>>
    %dma_start3A_85 = tpu.memref_squeeze %dma_start3A_84 : memref<1x128xi32, #tpu.memory_space<vmem>> -> memref<128xi32, #tpu.memory_space<vmem>>
    %dma_start3A_86 = arith.constant 0 : i32
    %dma_start3A_87 = arith.constant 0 : i32
    %dma_start3A_88 = tpu.memref_slice %arg2[%dma_start3A_86, %dma_start3A_87] : memref<100096x32xf32, #tpu.memory_space<hbm>> -> memref<100096x32xf32, #tpu.memory_space<hbm>>
    tpu.enqueue_indirect_dma source(%dma_start3A_88 : memref<100096x32xf32, #tpu.memory_space<hbm>>) target(%dma_start3A_82 : memref<128x32xf32, #tpu.memory_space<vmem>>) offsets(%dma_start3A_85 : memref<128xi32, #tpu.memory_space<vmem>>) semaphore(%arg11 : memref<!tpu.dma_semaphore, #tpu.memory_space<semaphore_mem>>)
    %rem3A_89 = arith.constant 1 : i32
    %rem3A_90 = arith.constant 24 : i32
    %rem3A_91 = arith.remsi %rem3A_89, %rem3A_90 : i32
    %rem3A_92 = arith.constant 1 : i32
    %rem3A_93 = arith.constant 4 : i32
    %rem3A_94 = arith.remsi %rem3A_92, %rem3A_93 : i32
    %mul3A_95 = arith.constant 128 : i32
    %mul3A_96 = arith.muli %rem3A_94, %mul3A_95 : i32
    %dma_start3A_97 = arith.constant 0 : i32
    %dma_start3A_98 = tpu.memref_slice %arg9[%mul3A_96, %dma_start3A_97] : memref<512x32xf32, #tpu.memory_space<vmem>> -> memref<128x32xf32, #tpu.memory_space<vmem>>
    %dma_start3A_99 = arith.constant 0 : i32
    %dma_start3A_100 = tpu.memref_slice %arg7[%rem3A_91, %dma_start3A_99] : memref<24x128xi32, #tpu.memory_space<vmem>> -> memref<1x128xi32, #tpu.memory_space<vmem>>
    %dma_start3A_101 = tpu.memref_squeeze %dma_start3A_100 : memref<1x128xi32, #tpu.memory_space<vmem>> -> memref<128xi32, #tpu.memory_space<vmem>>
    %dma_start3A_102 = arith.constant 0 : i32
    %dma_start3A_103 = arith.constant 0 : i32
    %dma_start3A_104 = tpu.memref_slice %arg2[%dma_start3A_102, %dma_start3A_103] : memref<100096x32xf32, #tpu.memory_space<hbm>> -> memref<100096x32xf32, #tpu.memory_space<hbm>>
    tpu.enqueue_indirect_dma source(%dma_start3A_104 : memref<100096x32xf32, #tpu.memory_space<hbm>>) target(%dma_start3A_98 : memref<128x32xf32, #tpu.memory_space<vmem>>) offsets(%dma_start3A_101 : memref<128xi32, #tpu.memory_space<vmem>>) semaphore(%arg11 : memref<!tpu.dma_semaphore, #tpu.memory_space<semaphore_mem>>)
    %rem3A_105 = arith.constant 2 : i32
    %rem3A_106 = arith.constant 24 : i32
    %rem3A_107 = arith.remsi %rem3A_105, %rem3A_106 : i32
    %rem3A_108 = arith.constant 2 : i32
    %rem3A_109 = arith.constant 4 : i32
    %rem3A_110 = arith.remsi %rem3A_108, %rem3A_109 : i32
    %mul3A_111 = arith.constant 128 : i32
    %mul3A_112 = arith.muli %rem3A_110, %mul3A_111 : i32
    %dma_start3A_113 = arith.constant 0 : i32
    %dma_start3A_114 = tpu.memref_slice %arg9[%mul3A_112, %dma_start3A_113] : memref<512x32xf32, #tpu.memory_space<vmem>> -> memref<128x32xf32, #tpu.memory_space<vmem>>
    %dma_start3A_115 = arith.constant 0 : i32
    %dma_start3A_116 = tpu.memref_slice %arg7[%rem3A_107, %dma_start3A_115] : memref<24x128xi32, #tpu.memory_space<vmem>> -> memref<1x128xi32, #tpu.memory_space<vmem>>
    %dma_start3A_117 = tpu.memref_squeeze %dma_start3A_116 : memref<1x128xi32, #tpu.memory_space<vmem>> -> memref<128xi32, #tpu.memory_space<vmem>>
    %dma_start3A_118 = arith.constant 0 : i32
    %dma_start3A_119 = arith.constant 0 : i32
    %dma_start3A_120 = tpu.memref_slice %arg2[%dma_start3A_118, %dma_start3A_119] : memref<100096x32xf32, #tpu.memory_space<hbm>> -> memref<100096x32xf32, #tpu.memory_space<hbm>>
    tpu.enqueue_indirect_dma source(%dma_start3A_120 : memref<100096x32xf32, #tpu.memory_space<hbm>>) target(%dma_start3A_114 : memref<128x32xf32, #tpu.memory_space<vmem>>) offsets(%dma_start3A_117 : memref<128xi32, #tpu.memory_space<vmem>>) semaphore(%arg11 : memref<!tpu.dma_semaphore, #tpu.memory_space<semaphore_mem>>)
    %scan3A = arith.constant 0 : i32
    %scan3A_121 = arith.constant 0 : i32
    %scan3A_122 = arith.constant 400 : i32
    %scan3A_123 = arith.addi %scan3A_121, %scan3A_122 : i32
    %scan3A_124 = arith.constant 1 : i32
    scf.for %scan3A_150 = %scan3A_121 to %scan3A_123 step %scan3A_124  : i32 {
      %rem3A_151 = arith.constant 24 : i32
      %rem3A_152 = arith.remsi %scan3A_150, %rem3A_151 : i32
      %rem3A_153 = arith.constant 4 : i32
      %rem3A_154 = arith.remsi %scan3A_150, %rem3A_153 : i32
      %mul3A_155 = arith.constant 128 : i32
      %mul3A_156 = arith.muli %rem3A_154, %mul3A_155 : i32
      %dma_wait3A_157 = arith.constant 0 : i32
      %dma_wait3A_158 = tpu.memref_slice %arg9[%mul3A_156, %dma_wait3A_157] : memref<512x32xf32, #tpu.memory_space<vmem>> -> memref<128x32xf32, #tpu.memory_space<vmem>>
      %dma_wait3A_159 = arith.constant 0 : i32
      %dma_wait3A_160 = tpu.memref_slice %arg7[%rem3A_152, %dma_wait3A_159] : memref<24x128xi32, #tpu.memory_space<vmem>> -> memref<1x128xi32, #tpu.memory_space<vmem>>
      %dma_wait3A_161 = tpu.memref_squeeze %dma_wait3A_160 : memref<1x128xi32, #tpu.memory_space<vmem>> -> memref<128xi32, #tpu.memory_space<vmem>>
      %dma_wait3A_162 = arith.constant 0 : i32
      %dma_wait3A_163 = arith.constant 0 : i32
      %dma_wait3A_164 = tpu.memref_slice %arg2[%dma_wait3A_162, %dma_wait3A_163] : memref<100096x32xf32, #tpu.memory_space<hbm>> -> memref<100096x32xf32, #tpu.memory_space<hbm>>
      tpu.wait_indirect_dma semaphore(%arg11 : memref<!tpu.dma_semaphore, #tpu.memory_space<semaphore_mem>>) src(%dma_wait3A_164 : memref<100096x32xf32, #tpu.memory_space<hbm>>) dst(%dma_wait3A_158 : memref<128x32xf32, #tpu.memory_space<vmem>>)
      %rem3A_165 = arith.constant 4 : i32
      %rem3A_166 = arith.remsi %scan3A_150, %rem3A_165 : i32
      %mul3A_167 = arith.constant 128 : i32
      %mul3A_168 = arith.muli %rem3A_166, %mul3A_167 : i32
      %rem3A_169 = arith.constant 24 : i32
      %rem3A_170 = arith.remsi %scan3A_150, %rem3A_169 : i32
      %dma_start3A_171 = arith.constant 0 : i32
      %dma_start3A_172 = tpu.memref_slice %arg9[%mul3A_168, %dma_start3A_171] : memref<512x32xf32, #tpu.memory_space<vmem>> -> memref<128x32xf32, #tpu.memory_space<vmem>>
      %dma_start3A_173 = arith.constant 0 : i32
      %dma_start3A_174 = tpu.memref_slice %arg8[%rem3A_170, %dma_start3A_173] : memref<24x128xi32, #tpu.memory_space<vmem>> -> memref<1x128xi32, #tpu.memory_space<vmem>>
      %dma_start3A_175 = tpu.memref_squeeze %dma_start3A_174 : memref<1x128xi32, #tpu.memory_space<vmem>> -> memref<128xi32, #tpu.memory_space<vmem>>
      %dma_start3A_176 = arith.constant 0 : i32
      %dma_start3A_177 = arith.constant 0 : i32
      %dma_start3A_178 = tpu.memref_slice %arg10[%dma_start3A_176, %dma_start3A_177] : memref<26624x32xf32, #tpu.memory_space<vmem_shared>> -> memref<26624x32xf32, #tpu.memory_space<vmem_shared>>
      tpu.enqueue_indirect_dma source(%dma_start3A_172 : memref<128x32xf32, #tpu.memory_space<vmem>>) target(%dma_start3A_178 : memref<26624x32xf32, #tpu.memory_space<vmem_shared>>) offsets(%dma_start3A_175 : memref<128xi32, #tpu.memory_space<vmem>>) semaphore(%arg12 : memref<!tpu.dma_semaphore, #tpu.memory_space<semaphore_mem>>) {add = true}
      %ge3A = arith.constant 1 : i32
      %ge3A_179 = arith.cmpi sge, %scan3A_150, %ge3A : i32
      %convert_element_type3A = arith.extui %ge3A_179 : i1 to i32
      %cond3A = arith.constant 0 : i32
      %cond3A_180 = arith.cmpi ne, %convert_element_type3A, %cond3A : i32
      scf.if %cond3A_180 {
        %sub3A = arith.constant 1 : i32
        %sub3A_193 = arith.subi %scan3A_150, %sub3A : i32
        %rem3A_194 = arith.constant 4 : i32
        %rem3A_195 = arith.remsi %sub3A_193, %rem3A_194 : i32
        %mul3A_196 = arith.constant 128 : i32
        %mul3A_197 = arith.muli %rem3A_195, %mul3A_196 : i32
        %rem3A_198 = arith.constant 24 : i32
        %rem3A_199 = arith.remsi %sub3A_193, %rem3A_198 : i32
        %dma_wait3A_200 = arith.constant 0 : i32
        %dma_wait3A_201 = tpu.memref_slice %arg9[%mul3A_197, %dma_wait3A_200] : memref<512x32xf32, #tpu.memory_space<vmem>> -> memref<128x32xf32, #tpu.memory_space<vmem>>
        %dma_wait3A_202 = arith.constant 0 : i32
        %dma_wait3A_203 = tpu.memref_slice %arg8[%rem3A_199, %dma_wait3A_202] : memref<24x128xi32, #tpu.memory_space<vmem>> -> memref<1x128xi32, #tpu.memory_space<vmem>>
        %dma_wait3A_204 = tpu.memref_squeeze %dma_wait3A_203 : memref<1x128xi32, #tpu.memory_space<vmem>> -> memref<128xi32, #tpu.memory_space<vmem>>
        %dma_wait3A_205 = arith.constant 0 : i32
        %dma_wait3A_206 = arith.constant 0 : i32
        %dma_wait3A_207 = tpu.memref_slice %arg10[%dma_wait3A_205, %dma_wait3A_206] : memref<26624x32xf32, #tpu.memory_space<vmem_shared>> -> memref<26624x32xf32, #tpu.memory_space<vmem_shared>>
        tpu.wait_indirect_dma semaphore(%arg12 : memref<!tpu.dma_semaphore, #tpu.memory_space<semaphore_mem>>) src(%dma_wait3A_201 : memref<128x32xf32, #tpu.memory_space<vmem>>) dst(%dma_wait3A_207 : memref<26624x32xf32, #tpu.memory_space<vmem_shared>>)
      } else {
      }
      %rem3A_181 = arith.constant 8 : i32
      %rem3A_182 = arith.remsi %scan3A_150, %rem3A_181 : i32
      %eq3A = arith.constant 0 : i32
      %eq3A_183 = arith.cmpi eq, %rem3A_182, %eq3A : i32
      %convert_element_type3A_184 = arith.extui %eq3A_183 : i1 to i32
      %cond3A_185 = arith.constant 0 : i32
      %cond3A_186 = arith.cmpi ne, %convert_element_type3A_184, %cond3A_185 : i32
      scf.if %cond3A_186 {
        %jit3A = arith.constant 8 : i32
        %div3A = arith.divsi %scan3A_150, %jit3A : i32
        %sign3A = arith.constant 0 : i32
        %sign3A_193 = arith.cmpi sgt, %scan3A_150, %sign3A : i32
        %sign3A_194 = arith.extui %sign3A_193 : i1 to i32
        %sign3A_195 = arith.constant 0 : i32
        %sign3A_196 = arith.cmpi slt, %scan3A_150, %sign3A_195 : i32
        %sign3A_197 = arith.extui %sign3A_196 : i1 to i32
        %sign3A_198 = arith.subi %sign3A_194, %sign3A_197 : i32
        %sign3A_199 = arith.constant 0 : i32
        %sign3A_200 = arith.cmpi sgt, %jit3A, %sign3A_199 : i32
        %sign3A_201 = arith.extui %sign3A_200 : i1 to i32
        %sign3A_202 = arith.constant 0 : i32
        %sign3A_203 = arith.cmpi slt, %jit3A, %sign3A_202 : i32
        %sign3A_204 = arith.extui %sign3A_203 : i1 to i32
        %sign3A_205 = arith.subi %sign3A_201, %sign3A_204 : i32
        %ne3A = arith.cmpi ne, %sign3A_198, %sign3A_205 : i32
        %rem3A_206 = arith.remsi %scan3A_150, %jit3A : i32
        %ne3A_207 = arith.constant 0 : i32
        %ne3A_208 = arith.cmpi ne, %rem3A_206, %ne3A_207 : i32
        %and3A = arith.andi %ne3A, %ne3A_208 : i1
        %sub3A = arith.constant 1 : i32
        %sub3A_209 = arith.subi %div3A, %sub3A : i32
        %select_n3A = arith.select %and3A, %sub3A_209, %div3A : i32
        %add3A_210 = arith.constant 1 : i32
        %add3A_211 = arith.addi %select_n3A, %add3A_210 : i32
        %le3A_212 = arith.constant 49 : i32
        %le3A_213 = arith.cmpi sle, %add3A_211, %le3A_212 : i32
        %convert_element_type3A_214 = arith.extui %le3A_213 : i1 to i32
        %cond3A_215 = arith.constant 0 : i32
        %cond3A_216 = arith.cmpi ne, %convert_element_type3A_214, %cond3A_215 : i32
        scf.if %cond3A_216 {
          %dma_wait3A_224 = arith.constant 0 : i32
          %dma_wait3A_225 = arith.constant 0 : i32
          %dma_wait3A_226 = tpu.memref_slice %arg7[%dma_wait3A_224, %dma_wait3A_225] : memref<24x128xi32, #tpu.memory_space<vmem>> -> memref<8x128xi32, #tpu.memory_space<vmem>>
          %dma_wait3A_227 = arith.constant 0 : i32
          %dma_wait3A_228 = tpu.memref_slice %arg3[%mul3A_0, %dma_wait3A_227] : memref<12800x128xi32, #tpu.memory_space<hbm>> -> memref<8x128xi32, #tpu.memory_space<hbm>>
          %dma_wait3A_229 = arith.constant 0 : i32
          %dma_wait3A_230 = arith.constant 0 : i32
          %dma_wait3A_231 = tpu.memref_slice %arg7[%dma_wait3A_229, %dma_wait3A_230] : memref<24x128xi32, #tpu.memory_space<vmem>> -> memref<8x128xi32, #tpu.memory_space<vmem>>
          %dma_wait3A_232 = arith.constant 0 : i32
          %dma_wait3A_233 = tpu.memref_slice %arg3[%mul3A_0, %dma_wait3A_232] : memref<12800x128xi32, #tpu.memory_space<hbm>> -> memref<8x128xi32, #tpu.memory_space<hbm>>
          tpu.wait_dma2 semaphore(%arg13 : memref<!tpu.dma_semaphore, #tpu.memory_space<semaphore_mem>>) src(%dma_wait3A_233 : memref<8x128xi32, #tpu.memory_space<hbm>>) dst(%dma_wait3A_231 : memref<8x128xi32, #tpu.memory_space<vmem>>)
          %dma_wait3A_234 = arith.constant 0 : i32
          %dma_wait3A_235 = arith.constant 0 : i32
          %dma_wait3A_236 = tpu.memref_slice %arg8[%dma_wait3A_234, %dma_wait3A_235] : memref<24x128xi32, #tpu.memory_space<vmem>> -> memref<8x128xi32, #tpu.memory_space<vmem>>
          %dma_wait3A_237 = arith.constant 0 : i32
          %dma_wait3A_238 = tpu.memref_slice %arg4[%mul3A_0, %dma_wait3A_237] : memref<6400x128xi32, #tpu.memory_space<hbm>> -> memref<8x128xi32, #tpu.memory_space<hbm>>
          %dma_wait3A_239 = arith.constant 0 : i32
          %dma_wait3A_240 = arith.constant 0 : i32
          %dma_wait3A_241 = tpu.memref_slice %arg8[%dma_wait3A_239, %dma_wait3A_240] : memref<24x128xi32, #tpu.memory_space<vmem>> -> memref<8x128xi32, #tpu.memory_space<vmem>>
          %dma_wait3A_242 = arith.constant 0 : i32
          %dma_wait3A_243 = tpu.memref_slice %arg4[%mul3A_0, %dma_wait3A_242] : memref<6400x128xi32, #tpu.memory_space<hbm>> -> memref<8x128xi32, #tpu.memory_space<hbm>>
          tpu.wait_dma2 semaphore(%arg14 : memref<!tpu.dma_semaphore, #tpu.memory_space<semaphore_mem>>) src(%dma_wait3A_243 : memref<8x128xi32, #tpu.memory_space<hbm>>) dst(%dma_wait3A_241 : memref<8x128xi32, #tpu.memory_space<vmem>>)
        } else {
        }
        %add3A_217 = arith.constant 2 : i32
        %add3A_218 = arith.addi %select_n3A, %add3A_217 : i32
        %le3A_219 = arith.constant 49 : i32
        %le3A_220 = arith.cmpi sle, %add3A_218, %le3A_219 : i32
        %convert_element_type3A_221 = arith.extui %le3A_220 : i1 to i32
        %cond3A_222 = arith.constant 0 : i32
        %cond3A_223 = arith.cmpi ne, %convert_element_type3A_221, %cond3A_222 : i32
        scf.if %cond3A_223 {
          %add3A_224 = arith.constant 2 : i32
          %add3A_225 = arith.addi %select_n3A, %add3A_224 : i32
          %add3A_226 = arith.constant 2 : i32
          %add3A_227 = arith.addi %select_n3A, %add3A_226 : i32
          %rem3A_228 = arith.constant 3 : i32
          %rem3A_229 = arith.remsi %add3A_227, %rem3A_228 : i32
          %mul3A_230 = arith.constant 6400 : i32
          %mul3A_231 = arith.muli %arg0, %mul3A_230 : i32
          %add3A_232 = arith.addi %mul3A_231, %mul3A_0 : i32
          %mul3A_233 = arith.constant 8 : i32
          %mul3A_234 = arith.muli %add3A_225, %mul3A_233 : i32
          %add3A_235 = arith.addi %add3A_232, %mul3A_234 : i32
          %mul3A_236 = arith.constant 8 : i32
          %mul3A_237 = arith.muli %rem3A_229, %mul3A_236 : i32
          %dma_start3A_238 = arith.constant 0 : i32
          %dma_start3A_239 = tpu.memref_slice %arg7[%mul3A_237, %dma_start3A_238] : memref<24x128xi32, #tpu.memory_space<vmem>> -> memref<8x128xi32, #tpu.memory_space<vmem>>
          %dma_start3A_240 = arith.constant 0 : i32
          %dma_start3A_241 = tpu.memref_slice %arg3[%add3A_235, %dma_start3A_240] : memref<12800x128xi32, #tpu.memory_space<hbm>> -> memref<8x128xi32, #tpu.memory_space<hbm>>
          %dma_start3A_242 = arith.constant 0 : i32
          %dma_start3A_243 = tpu.memref_slice %arg7[%mul3A_237, %dma_start3A_242] : memref<24x128xi32, #tpu.memory_space<vmem>> -> memref<8x128xi32, #tpu.memory_space<vmem>>
          %dma_start3A_244 = arith.constant 0 : i32
          %dma_start3A_245 = tpu.memref_slice %arg3[%add3A_235, %dma_start3A_244] : memref<12800x128xi32, #tpu.memory_space<hbm>> -> memref<8x128xi32, #tpu.memory_space<hbm>>
          tpu.enqueue_dma source(%dma_start3A_245 : memref<8x128xi32, #tpu.memory_space<hbm>>) target(%dma_start3A_243 : memref<8x128xi32, #tpu.memory_space<vmem>>) target_semaphore(%arg13 : memref<!tpu.dma_semaphore, #tpu.memory_space<semaphore_mem>>)
          %mul3A_246 = arith.constant 8 : i32
          %mul3A_247 = arith.muli %add3A_225, %mul3A_246 : i32
          %add3A_248 = arith.addi %mul3A_0, %mul3A_247 : i32
          %mul3A_249 = arith.constant 8 : i32
          %mul3A_250 = arith.muli %rem3A_229, %mul3A_249 : i32
          %dma_start3A_251 = arith.constant 0 : i32
          %dma_start3A_252 = tpu.memref_slice %arg8[%mul3A_250, %dma_start3A_251] : memref<24x128xi32, #tpu.memory_space<vmem>> -> memref<8x128xi32, #tpu.memory_space<vmem>>
          %dma_start3A_253 = arith.constant 0 : i32
          %dma_start3A_254 = tpu.memref_slice %arg4[%add3A_248, %dma_start3A_253] : memref<6400x128xi32, #tpu.memory_space<hbm>> -> memref<8x128xi32, #tpu.memory_space<hbm>>
          %dma_start3A_255 = arith.constant 0 : i32
          %dma_start3A_256 = tpu.memref_slice %arg8[%mul3A_250, %dma_start3A_255] : memref<24x128xi32, #tpu.memory_space<vmem>> -> memref<8x128xi32, #tpu.memory_space<vmem>>
          %dma_start3A_257 = arith.constant 0 : i32
          %dma_start3A_258 = tpu.memref_slice %arg4[%add3A_248, %dma_start3A_257] : memref<6400x128xi32, #tpu.memory_space<hbm>> -> memref<8x128xi32, #tpu.memory_space<hbm>>
          tpu.enqueue_dma source(%dma_start3A_258 : memref<8x128xi32, #tpu.memory_space<hbm>>) target(%dma_start3A_256 : memref<8x128xi32, #tpu.memory_space<vmem>>) target_semaphore(%arg14 : memref<!tpu.dma_semaphore, #tpu.memory_space<semaphore_mem>>)
        } else {
        }
      } else {
      }
      %add3A_187 = arith.constant 3 : i32
      %add3A_188 = arith.addi %scan3A_150, %add3A_187 : i32
      %le3A = arith.constant 399 : i32
      %le3A_189 = arith.cmpi sle, %add3A_188, %le3A : i32
      %convert_element_type3A_190 = arith.extui %le3A_189 : i1 to i32
      %cond3A_191 = arith.constant 0 : i32
      %cond3A_192 = arith.cmpi ne, %convert_element_type3A_190, %cond3A_191 : i32
      scf.if %cond3A_192 {
        %add3A_193 = arith.constant 3 : i32
        %add3A_194 = arith.addi %scan3A_150, %add3A_193 : i32
        %rem3A_195 = arith.constant 24 : i32
        %rem3A_196 = arith.remsi %add3A_194, %rem3A_195 : i32
        %rem3A_197 = arith.constant 4 : i32
        %rem3A_198 = arith.remsi %add3A_194, %rem3A_197 : i32
        %mul3A_199 = arith.constant 128 : i32
        %mul3A_200 = arith.muli %rem3A_198, %mul3A_199 : i32
        %dma_start3A_201 = arith.constant 0 : i32
        %dma_start3A_202 = tpu.memref_slice %arg9[%mul3A_200, %dma_start3A_201] : memref<512x32xf32, #tpu.memory_space<vmem>> -> memref<128x32xf32, #tpu.memory_space<vmem>>
        %dma_start3A_203 = arith.constant 0 : i32
        %dma_start3A_204 = tpu.memref_slice %arg7[%rem3A_196, %dma_start3A_203] : memref<24x128xi32, #tpu.memory_space<vmem>> -> memref<1x128xi32, #tpu.memory_space<vmem>>
        %dma_start3A_205 = tpu.memref_squeeze %dma_start3A_204 : memref<1x128xi32, #tpu.memory_space<vmem>> -> memref<128xi32, #tpu.memory_space<vmem>>
        %dma_start3A_206 = arith.constant 0 : i32
        %dma_start3A_207 = arith.constant 0 : i32
        %dma_start3A_208 = tpu.memref_slice %arg2[%dma_start3A_206, %dma_start3A_207] : memref<100096x32xf32, #tpu.memory_space<hbm>> -> memref<100096x32xf32, #tpu.memory_space<hbm>>
        tpu.enqueue_indirect_dma source(%dma_start3A_208 : memref<100096x32xf32, #tpu.memory_space<hbm>>) target(%dma_start3A_202 : memref<128x32xf32, #tpu.memory_space<vmem>>) offsets(%dma_start3A_205 : memref<128xi32, #tpu.memory_space<vmem>>) semaphore(%arg11 : memref<!tpu.dma_semaphore, #tpu.memory_space<semaphore_mem>>)
      } else {
      }
    }
    %scan3A_125 = arith.constant 400 : i32
    %rem3A_126 = arith.constant 399 : i32
    %rem3A_127 = arith.constant 4 : i32
    %rem3A_128 = arith.remsi %rem3A_126, %rem3A_127 : i32
    %mul3A_129 = arith.constant 128 : i32
    %mul3A_130 = arith.muli %rem3A_128, %mul3A_129 : i32
    %rem3A_131 = arith.constant 399 : i32
    %rem3A_132 = arith.constant 24 : i32
    %rem3A_133 = arith.remsi %rem3A_131, %rem3A_132 : i32
    %dma_wait3A_134 = arith.constant 0 : i32
    %dma_wait3A_135 = tpu.memref_slice %arg9[%mul3A_130, %dma_wait3A_134] : memref<512x32xf32, #tpu.memory_space<vmem>> -> memref<128x32xf32, #tpu.memory_space<vmem>>
    %dma_wait3A_136 = arith.constant 0 : i32
    %dma_wait3A_137 = tpu.memref_slice %arg8[%rem3A_133, %dma_wait3A_136] : memref<24x128xi32, #tpu.memory_space<vmem>> -> memref<1x128xi32, #tpu.memory_space<vmem>>
    %dma_wait3A_138 = tpu.memref_squeeze %dma_wait3A_137 : memref<1x128xi32, #tpu.memory_space<vmem>> -> memref<128xi32, #tpu.memory_space<vmem>>
    %dma_wait3A_139 = arith.constant 0 : i32
    %dma_wait3A_140 = arith.constant 0 : i32
    %dma_wait3A_141 = tpu.memref_slice %arg10[%dma_wait3A_139, %dma_wait3A_140] : memref<26624x32xf32, #tpu.memory_space<vmem_shared>> -> memref<26624x32xf32, #tpu.memory_space<vmem_shared>>
    tpu.wait_indirect_dma semaphore(%arg12 : memref<!tpu.dma_semaphore, #tpu.memory_space<semaphore_mem>>) src(%dma_wait3A_135 : memref<128x32xf32, #tpu.memory_space<vmem>>) dst(%dma_wait3A_141 : memref<26624x32xf32, #tpu.memory_space<vmem_shared>>)
    %barrier3A_142 = arith.constant 0 : index
    tpu.barrier barrier_id(%barrier3A_142)
    %mul3A_143 = arith.constant 1568 : i32
    %mul3A_144 = arith.muli %arg1, %mul3A_143 : i32
    %mul3A_145 = arith.constant 25088 : i32
    %mul3A_146 = arith.muli %arg0, %mul3A_145 : i32
    %mul3A_147 = arith.constant 1568 : i32
    %mul3A_148 = arith.muli %arg1, %mul3A_147 : i32
    %add3A_149 = arith.addi %mul3A_146, %mul3A_148 : i32
    "tpu.region"() ({
      %run_scoped3A = tpu.sem_alloc : memref<!tpu.dma_semaphore, #tpu.memory_space<semaphore_mem>>
      %dma_start3A_150 = arith.constant 0 : i32
      %dma_start3A_151 = tpu.memref_slice %arg6[%add3A_149, %dma_start3A_150] : memref<50176x32xf32, #tpu.memory_space<hbm>> -> memref<1568x32xf32, #tpu.memory_space<hbm>>
      %dma_start3A_152 = arith.constant 0 : i32
      %dma_start3A_153 = tpu.memref_slice %arg10[%mul3A_144, %dma_start3A_152] : memref<26624x32xf32, #tpu.memory_space<vmem_shared>> -> memref<1568x32xf32, #tpu.memory_space<vmem_shared>>
      tpu.enqueue_dma source(%dma_start3A_153 : memref<1568x32xf32, #tpu.memory_space<vmem_shared>>) target(%dma_start3A_151 : memref<1568x32xf32, #tpu.memory_space<hbm>>) target_semaphore(%run_scoped3A : memref<!tpu.dma_semaphore, #tpu.memory_space<semaphore_mem>>)
      %dma_wait3A_154 = arith.constant 0 : i32
      %dma_wait3A_155 = tpu.memref_slice %arg6[%add3A_149, %dma_wait3A_154] : memref<50176x32xf32, #tpu.memory_space<hbm>> -> memref<1568x32xf32, #tpu.memory_space<hbm>>
      %dma_wait3A_156 = arith.constant 0 : i32
      %dma_wait3A_157 = tpu.memref_slice %arg10[%mul3A_144, %dma_wait3A_156] : memref<26624x32xf32, #tpu.memory_space<vmem_shared>> -> memref<1568x32xf32, #tpu.memory_space<vmem_shared>>
      tpu.wait_dma2 semaphore(%run_scoped3A : memref<!tpu.dma_semaphore, #tpu.memory_space<semaphore_mem>>) src(%dma_wait3A_157 : memref<1568x32xf32, #tpu.memory_space<vmem_shared>>) dst(%dma_wait3A_155 : memref<1568x32xf32, #tpu.memory_space<hbm>>)
      tpu.yield
    }) : () -> ()
    return
  }
}

</mosaic_0001>

<sc_bundles>
// kernel: kernel.11.cloned.1.call-start
scs
__scs_entry_jumppad:
0x0: {  	(pc) =	sbr.rel $0x88, $3  }
0x1: {  	(tag) =	ssettag $0x0;
	lr =	simm.s32 $0x1  }
0x2: {  	[smem:$0x3F9D] =	sst lr;
	_ =	strace $0xD0000000  }
0x3: {  	_ = 	snop  }
0x4: {  	_ = 	snop  }
0x5: {  	_ = 	snop  }
0x6: {  	_ = 	snop  }
0x7: {  	_ = 	snop  }
__scs_overlays_trampoline_lowered:
0x8: {  	[smem:$0x3FAC] =	sst s0  }
0x9: {  	[smem:$0x3FAD] =	sst s1  }
0xa: {  	[smem:$0x3FAE] =	sst s2  }
0xb: {  	[smem:$0x3FAF] =	sst s3  }
0xc: {  	[smem:$0x3FB0] =	sst s4  }
0xd: {  	[smem:$0x3FB1] =	sst s5  }
0xe: {  	[smem:$0x3FB2] =	sst s6  }
0xf: {  	[smem:$0x3FB3] =	sst s7  }
0x10: {  	[smem:$0x3FB4] =	sst s8  }
0x11: {  	[smem:$0x3FB5] =	sst s9;
	s0 =	simm.s32 @!p0 $0x0  }
0x12: {  	s1 =	sld [smem:$0x3F9B];
	s0 =	simm.s32 @p0 $0x1  }
0x13: {  	[smem:$0x3FB6] =	sst s0;
	s0 =	simm.s32 @!p1 $0x0  }
0x14: {  	s2 =	sld [smem:$0x3F9A];
	s0 =	simm.s32 @p1 $0x1  }
0x15: {  	[smem:$0x3FB7] =	sst s0;
	s0 =	simm.s32 @!p2 $0x0  }
0x16: {  	s3 =	sld [smem:$0x3FDB];
	s0 =	simm.s32 @p2 $0x1  }
0x17: {  	s4 =	simm.s32 $0x1BF5;
	[smem:$0x3FB9] =	sst s0  }
0x18: {  	s0 =	sld [smem:$0x3F9C];
	_ =	swait.ge [sflag:s4], $0x0  }
0x19: {  	s7 =	sld [smem:$0x3F9D]  }
0x1a: {  	s8 =	sadd.s32 $0xFFFFE003, lr  }
0x1b: {  	s9 =	sadd.s32 $0xFFFFFEF7, lr;
	s5 =	simm.s32 $0xFFFFFFFF;
	p2 =	slt.u32 s8, $0xFFFFF086  }
0x1c: {  	p1 =	slt.u32 s9, $0xF7A;
	s5 =	simm.s32 @!p2 $0x0  }
0x1d: {  	s5 =	simm.s32 @p1 $0x1;
	p0 =	seq.s32 s7, s2  }
0x1e: {  	s7 =	smul.u32 @!p0 $0xF7A, s2;
	p2 =	seq.s32 @!p0 s5, $0x0  }
0x1f: {  	s9 =	smul.u32 $0xF7A, s1;
	s8 =	simm.s32 @!p0 $0x1BF5;
	p2 =	por !p2, p0  }
0x20: {  	[sflag:s8] =	ssyncset.s32 @!p0 $0xFFFFF086;
	s6 =	sadd.s32 @!p0 s3, s7;
	s7 =	simm.s32 @!p0 $0x108  }
0x21: {  	s3 =	sadd.s32 s3, s9;
	s6 =	sadd.s32 @!p0 $0x88, s6;
	s7 =	simm.s32 @p2 $0x1082  }
0x22: {  	[simem:s7], [sflag:s8] =	dma.local @!p0 [hbm:s6], $0xF7A  }
0x23: {  	s9 =	sor.u32 $0xD0000000, s2;
	s6 =	simm.s32 $0x108;
	_ =	swait.ge @!p0 [sflag:s8], $0x0  }
0x24: {  	s3 =	sadd.s32 $0x88, s3;
	s6 =	simm.s32 @!p1 $0x1082;
	[sflag:s4] =	ssyncset.s32 $0xFFFFF086  }
0x25: {  	[simem:s6], [sflag:s4] =	dma.local [hbm:s3], $0xF7A  }
0x26: {  	[smem:$0x3F9D] =	sst s1;
	(tag) =	ssettag s2;
	_ =	strace s9  }
0x27: {  	s1 =	sld [smem:$0x3FAD]  }
0x28: {  	s2 =	sld [smem:$0x3FAE]  }
0x29: {  	s4 =	sld [smem:$0x3FB0]  }
0x2a: {  	p0 =	seq.s32 s5, $0x0;
	s5 =	sld [smem:$0x3FB1]  }
0x2b: {  	s6 =	sld [smem:$0x3FB2]  }
0x2c: {  	s7 =	sld [smem:$0x3FB3]  }
0x2d: {  	s3 =	simm.s32 $0x108;
	s8 =	sld [smem:$0x3FB4]  }
0x2e: {  	s3 =	simm.s32 @!p0 $0x1082;
	s9 =	sld [smem:$0x3FB5]  }
0x2f: {  	lr =	sadd.s32 s0, s3;
	s0 =	sld [smem:$0x3FAC]  }
0x30: {  	s3 =	sld [smem:$0x3FAF]  }
0x31: {  	[smem:$0x3FB8] =	sst s10  }
0x32: {  	s10 =	sld [smem:$0x3FB6];
	_ =	sdelay $0x3  }
0x33: {  	p0 =	seq.s32 s10, $0x1;
	s10 =	sld [smem:$0x3FB8];
	_ =	sdelay $0x3  }
0x34: {  	[smem:$0x3FB8] =	sst s10  }
0x35: {  	s10 =	sld [smem:$0x3FB7];
	_ =	sdelay $0x3  }
0x36: {  	p1 =	seq.s32 s10, $0x1;
	s10 =	sld [smem:$0x3FB8];
	_ =	sdelay $0x3  }
0x37: {  	[smem:$0x3FB8] =	sst s10  }
0x38: {  	s10 =	sld [smem:$0x3FB9]  }
0x39: {  	_ = 	snop;
	(pc) =	sbr.ind lr, $3  }
0x3a: {  	_ = 	snop  }
0x3b: {  	_ = 	snop  }
0x3c: {  	p2 =	seq.s32 s10, $0x1;
	s10 =	sld [smem:$0x3FB8]  }
0x3d: {  	_ =	shalt  }
0x3e: {  	_ =	shalt  }
0x3f: {  	_ =	shalt  }
0x40: {  	_ =	shalt  }
0x41: {  	_ =	shalt  }
0x42: {  	_ =	shalt  }
0x43: {  	_ =	shalt  }
0x44: {  	_ =	shalt  }
0x45: {  	_ =	shalt  }
0x46: {  	_ =	shalt  }
0x47: {  	_ =	shalt  }
0x48: {  	_ =	shalt  }
0x49: {  	_ =	shalt  }
0x4a: {  	_ =	shalt  }
0x4b: {  	_ =	shalt  }
0x4c: {  	_ =	shalt  }
0x4d: {  	_ =	shalt  }
0x4e: {  	_ =	shalt  }
0x4f: {  	_ =	shalt  }
0x50: {  	_ =	shalt  }
0x51: {  	_ =	shalt  }
0x52: {  	_ =	shalt  }
0x53: {  	_ =	shalt  }
0x54: {  	_ =	shalt  }
0x55: {  	_ =	shalt  }
0x56: {  	_ =	shalt  }
0x57: {  	_ =	shalt  }
0x58: {  	_ =	shalt  }
0x59: {  	_ =	shalt  }
0x5a: {  	_ =	shalt  }
0x5b: {  	_ =	shalt  }
0x5c: {  	_ =	shalt  }
0x5d: {  	_ =	shalt  }
0x5e: {  	_ =	shalt  }
0x5f: {  	_ =	shalt  }
0x60: {  	_ =	shalt  }
0x61: {  	_ =	shalt  }
0x62: {  	_ =	shalt  }
0x63: {  	_ =	shalt  }
0x64: {  	_ =	shalt  }
0x65: {  	_ =	shalt  }
0x66: {  	_ =	shalt  }
0x67: {  	_ =	shalt  }
0x68: {  	_ =	shalt  }
0x69: {  	_ =	shalt  }
0x6a: {  	_ =	shalt  }
0x6b: {  	_ =	shalt  }
0x6c: {  	_ =	shalt  }
0x6d: {  	_ =	shalt  }
0x6e: {  	_ =	shalt  }
0x6f: {  	_ =	shalt  }
0x70: {  	_ =	shalt  }
0x71: {  	_ =	shalt  }
0x72: {  	_ =	shalt  }
0x73: {  	_ =	shalt  }
0x74: {  	_ =	shalt  }
0x75: {  	_ =	shalt  }
0x76: {  	_ =	shalt  }
0x77: {  	_ =	shalt  }
0x78: {  	_ =	shalt  }
0x79: {  	_ =	shalt  }
0x7a: {  	_ =	shalt  }
0x7b: {  	_ =	shalt  }
0x7c: {  	_ =	shalt  }
0x7d: {  	_ =	shalt  }
0x7e: {  	_ =	shalt  }
0x7f: {  	_ =	shalt  }
0x80: {  	_ =	shalt  }
0x81: {  	_ =	shalt  }
0x82: {  	_ =	shalt  }
0x83: {  	_ =	shalt  }
0x84: {  	_ =	shalt  }
0x85: {  	_ =	shalt  }
0x86: {  	_ =	shalt  }
0x87: {  	_ =	shalt  }
.Lfunc_end0:
.L_simem_size_0:
called_computation_lowered:
.L_overlay_start_0:
0x88: {  	s2 =	sld [smem:$0x3FD9]  }
0x89: {  	s3 =	sld [smem:$0x3FFE];
	_ =	sdelay $0x1  }
0x8a: {  	s1 =	srdreg.scid  }
0x8b: {  	s0 =	sand.u32 $0x1, s1  }
0x8c: {  	s14 =	sshll.u32 s0, $0xA;
	s2 =	sadd.s32 s3, s2  }
0x8d: {  	s2 =	sadd.s32 s2, s14  }
0x8e: {  	[smem:$0x3FC4] =	sst s2  }
0x8f: {  	_ = 	snop  }
0x90: {  	s2 =	sld [smem:$0x3FD0];
	_ =	sdelay $0x2  }
0x91: {  	s15 =	simm.s32 $0xB;
	s4 =	simm.s32 $0x10  }
0x92: {  	[smem:s4], [sflag:s15] =	dma.local [hbm:s2], $0x1  }
0x93: {  	_ =	swait.eq [sflag:s15], $0x1  }
0x94: {  	[sflag:s15] =	ssyncset.done $0x0  }
0x95: {  	s16 =	sld [smem:$0x10];
	[sflag:s15] =	ssyncadd.s32 $0xFFFFFFFF  }
0x96: {  	s17 =	sld [smem:$0x11];
	(tm) =	ssettm $0x1  }
0x97: {  	s18 =	sld [smem:$0x3FFB];
	_ =	sdelay $0x3  }
0x98: {  	_ =	strace s18  }
0x99: {  	s4 =	sld [smem:$0x3FFC];
	_ =	sdelay $0x3  }
0x9a: {  	_ =	strace s4  }
0x9b: {  	s4 =	sld [smem:$0x3FFD];
	_ =	sdelay $0x3  }
0x9c: {  	_ =	strace s4  }
0x9d: {  	_ =	strace $0x8FFFFFFF  }
0x9e: {  	s19 =	sld [smem:$0x3FDB];
	_ =	sdelay $0x1  }
0x9f: {  	s5 =	simm.s32 $_scs_section_size  }
0xa0: {  	s6 =	simm.s32 $_size__tile_overlayer_lowered;
	s7 =	simm.s32 $_tile_overlayer_lowered  }
0xa1: {  	s22 =	simm.s32 $0x1BFF;
	s21 =	sshll.u32 s7, $0x1;
	s4 =	sadd.s32 s5, s19  }
0xa2: {  	s8 =	simm.s32 $0x0;
	s20 =	sshll.u32 s6, $0x1;
	s6 =	sadd.s32 s21, s4  }
0xa3: {  	[timem:s8], [sflag:s22] =	dma.local [hbm:s6], s20  }
0xa4: {  	_ =	swait.ge [sflag:s22], s20  }
0xa5: {  	s5 =	ssub.s32 $0x0, s20;
	[sflag:s22] =	ssyncset.done $0x0  }
0xa6: {  	[sflag:s22] =	ssyncadd.s32 s5;
	_ =	sdelay $0x1  }
0xa7: {  	s23 =	simm.s32 $0x1B8B  }
0xa8: {  	_ =	swait.ge [sflag:s23], $0x1  }
0xa9: {  	[sflag:s23] =	ssyncset.done $0x0  }
0xaa: {  	s25 =	simm.s32 $0x1B8E;
	s24 =	sld [smem:$0x3FFE];
	[sflag:s23] =	ssyncadd.s32 $0xFFFFFFFF  }
0xab: {  	s26 =	simm.s32 $execute0_lowered;
	[smem:$0x3FD2] =	sst s25  }
0xac: {  	s6 =	sshll.u32 s26, $0x1;
	_ =	strace $0x80000046;
	[dreg:$0x1] =	wrdreg $0xFFFFFFFF  }
0xad: {  	s28 =	simm.s32 $_size_execute0_lowered;
	s4 =	sadd.s32 s4, s6;
	[dreg:$0x0] =	wrdreg $0x0  }
0xae: {  	s6 =	sshll.u32 s28, $0x1;
	[dreg:$0x2] =	wrdreg s4  }
0xaf: {  	[dreg:$0x3] =	wrdreg s6  }
0xb0: {  	[dreg:$0x4] =	wrdreg $0xC0  }
0xb1: {  	_ =	task [dreg:s8], $0x5FFFF  }
0xb2: {  	[dreg:$0x1] =	wrdreg $0xFFFFFFFF  }
0xb3: {  	[dreg:$0x0] =	wrdreg $0x60  }
0xb4: {  	[dreg:$0x2] =	wrdreg s16  }
0xb5: {  	[dreg:$0x3] =	wrdreg s24  }
0xb6: {  	[dreg:$0x4] =	wrdreg s17  }
0xb7: {  	[dreg:$0x5] =	wrdreg $0xCC000  }
0xb8: {  	[dreg:$0x6] =	wrdreg $0x9  }
0xb9: {  	_ =	task.clear_ibuf [dreg:s8], $0x7FFFF;
	_ =	strace $0x90000046  }
0xba: {  	s29 =	simm.s32 $0x9;
	_ =	strace $0x80000048  }
0xbb: {  	_ =	swait.ge [sflag:s29], $0x1  }
0xbc: {  	[sflag:s29] =	ssyncadd.s32 $0xFFFFFFFF  }
0xbd: {  	_ =	strace $0x90000048  }
0xbe: {  	_ =	sfence  }
0xbf: {  	s30 =	sld [smem:$0x0];
	_ =	sdelay $0x2  }
0xc0: {  	s31 =	sshll.u32 s1, $0xD;
	s1 =	sshrl.u32 s1, $0x2  }
0xc1: {  	s3 =	sand.u32 $0x4000, s31;
	s1 =	sadd.s32 s1, s30  }
0xc2: {  	s0 =	sor.u32 s3, s0;
	s1 =	sshll.u32 s1, $0x11  }
0xc3: {  	s0 =	sor.u32 s1, s0  }
0xc4: {  	s0 =	sadd.s32 $0x8F2B, s0  }
0xc5: {  	[sflag:s0] =	ssyncadd.remote.s32 $0x1  }
0xc6: {  	_ =	sfence.sel $0xFFFF  }
0xc7: {  	[dreg:$0x0] =	wrdreg $0xFFFFFFFF;
	(pc) =	sbr.abs _section_cstart, $3  }
0xc8: {  	[dreg:$0x1] =	wrdreg $0xFFFFFFFF  }
0xc9: {  	_ =	task.clear_ibuf [dreg:s8], $0x2FFFF;
	_ =	strace $0x9FFFFFFF  }
0xca: {  	(tm) =	ssettm $0x7FFFFFFF  }
0xcb: {  	_ =	shalt  }
tec
execute0_lowered:
.L_overlay_start_1:
0x0: {  	(tag) =	ssettag $0x1  }
0x1: {  	s6 =	rddreg [dreg:$0x0]  }
0x2: {  	s5 =	rddreg [dreg:$0x1]  }
0x3: {  	s7 =	rddreg [dreg:$0x2]  }
0x4: {  	s2 =	rddreg [dreg:$0x3];
	s1 =	stileid.u32  }
0x5: {  	s0 =	rddreg [dreg:$0x4];
	s9 =	smul.u32 $0x19000, s1  }
0x6: {  	s3 =	simm.s32 $0x0;
	s4 =	srdreg.scid;
	s12 =	smul.u32 $0x1900, s1  }
0x7: {  	[smem:$0x7FF] =	sst s3;
	s8 =	sand.u32 $0x1, s4;
	s14 =	smul.u32 $0xC38, s1  }
0x8: {  	s4 =	sadd.s32 $0x20000, s5;
	s5 =	sadd.s32 $0x20E00, s5;
	s28 =	smul.u32 $0x18700, s1  }
0x9: {  	s31 =	sshll.u32 s1, $0x6;
	s10 =	smul.u32 $0x19000, s8;
	s11 =	ssub.s32 $0x2, s8  }
0xa: {  	_ =	strace $0x80000047;
	s8 =	smul.u32 $0xC380, s8;
	s13 =	sshrl.u32 s11, $0x1  }
0xb: {  	s9 =	sshrl.u32 s9, $0x2;
	s7 =	sadd.s32 s7, s14;
	s30 =	sshrl.u32 s28, $0x2  }
0xc: {  	s14 =	simm.s32 $0x1;
	s11 =	ssub.s32 s11, s13;
	s15 =	sadd.s32 s9, s2  }
0xd: {  	s29 =	sadd.s32 s12, s10;
	s7 =	sadd.s32 s8, s7;
	s16 =	sadd.s32 s30, s2  }
0xe: {  	s9 =	simm.s32 $0xC800;
	s10 =	simm.s32 $0x2;
	s13 =	simm.s32 $0x80  }
0xf: {  	s6 =	sadd.s32 s6, s29;
	s8 =	smax.u32 s11, $0x1;
	s11 =	sor.u32 $0x1C02, s31  }
0x10: {  	s12 =	sshrl.u32 s15, $0x3;
	s15 =	sshrl.u32 s16, $0x3;
	s16 =	simm.s32 $0x0  }
.LBB2_1:
0x11: {  	[tilespmem:s9], [sflag:$0x2] =	stream.linear.gather [hbm4b:s5+s3], $0x400, $0x38;
	[tilespmem:$0xD880] =	vst v63  }
0x12: {  	_ =	swait.ge [sflag:s10], $0x400  }
0x13: {  	[sflag:s10] =	ssyncset.done $0x0  }
0x14: {  	[sflag:s10] =	ssyncadd.s32 $0xFFFFFC00  }
0x15: {  	[spmem:s12], [sflag:s11] =	dma.local [hbm:s4], $0xC80  }
0x16: {  	_ =	swait.ge [sflag:s10], $0xC80  }
0x17: {  	[sflag:s10] =	ssyncset.done $0x0  }
0x18: {  	[sflag:s10] =	ssyncadd.s32 $0xFFFFF380  }
0x19: {  	[tilespmem:s3], [sflag:$0x2] =	stream.linear.gather [hbm4b:s6+s3], $0xC800, $0x38;
	[tilespmem:$0xD880] =	vst v63  }
0x1a: {  	_ =	swait.ge [sflag:s10], $0xC800  }
0x1b: {  	[sflag:s10] =	ssyncset.done $0x0  }
0x1c: {  	[sflag:s10] =	ssyncadd.s32 $0xFFFF3800  }
0x1d: {  	s17 =	simm.s32 $0x0;
	[bflag:$0x0] =	sbarrier.arrive $0xFFFF  }
0x1e: {  	[spmem:s2] =	stream.indirect.scatter.add.f32 [tilespmem:s9], [sflag:$0x1], $0x1, s17, s13, $0xb8;
	[tilespmem:$0xD880] =	vst v63  }
0x1f: {  	s24 =	simm.s32 $0x80  }
0x20: {  	[spmem:s2] =	stream.indirect.scatter.add.f32 [tilespmem:s9], [sflag:$0x1], $0x1, s24, s13, $0xb8;
	[tilespmem:$0xD880] =	vst v63  }
0x21: {  	s25 =	simm.s32 $0x100  }
0x22: {  	[spmem:s2] =	stream.indirect.scatter.add.f32 [tilespmem:s9], [sflag:$0x1], $0x1, s25, s13, $0xb8;
	[tilespmem:$0xD880] =	vst v63  }
0x23: {  	s26 =	simm.s32 $0x180  }
0x24: {  	[spmem:s2] =	stream.indirect.scatter.add.f32 [tilespmem:s9], [sflag:$0x1], $0x1, s26, s13, $0xb8;
	[tilespmem:$0xD880] =	vst v63  }
0x25: {  	s28 =	simm.s32 $0x200  }
0x26: {  	[spmem:s2] =	stream.indirect.scatter.add.f32 [tilespmem:s9], [sflag:$0x1], $0x1, s28, s13, $0xb8;
	[tilespmem:$0xD880] =	vst v63  }
0x27: {  	s29 =	simm.s32 $0x280  }
0x28: {  	[spmem:s2] =	stream.indirect.scatter.add.f32 [tilespmem:s9], [sflag:$0x1], $0x1, s29, s13, $0xb8;
	[tilespmem:$0xD880] =	vst v63  }
0x29: {  	s30 =	simm.s32 $0x300  }
0x2a: {  	[spmem:s2] =	stream.indirect.scatter.add.f32 [tilespmem:s9], [sflag:$0x1], $0x1, s30, s13, $0xb8;
	[tilespmem:$0xD880] =	vst v63  }
0x2b: {  	s31 =	simm.s32 $0x380  }
0x2c: {  	[spmem:s2] =	stream.indirect.scatter.add.f32 [tilespmem:s9], [sflag:$0x1], $0x1, s31, s13, $0xb8;
	[tilespmem:$0xD880] =	vst v63  }
0x2d: {  	_ =	swait.ge [sflag:s14], $0x80  }
0x2e: {  	[sflag:s14] =	ssyncset.done $0x0  }
0x2f: {  	[sflag:s14] =	ssyncadd.s32 $0xFFFFFF80  }
0x30: {  	_ =	swait.ge [sflag:s14], $0x80  }
0x31: {  	[sflag:s14] =	ssyncset.done $0x0  }
0x32: {  	[sflag:s14] =	ssyncadd.s32 $0xFFFFFF80  }
0x33: {  	_ =	swait.ge [sflag:s14], $0x80  }
0x34: {  	[sflag:s14] =	ssyncset.done $0x0  }
0x35: {  	[sflag:s14] =	ssyncadd.s32 $0xFFFFFF80  }
0x36: {  	_ =	swait.ge [sflag:s14], $0x80  }
0x37: {  	[sflag:s14] =	ssyncset.done $0x0  }
0x38: {  	[sflag:s14] =	ssyncadd.s32 $0xFFFFFF80  }
0x39: {  	_ =	swait.ge [sflag:s14], $0x80  }
0x3a: {  	[sflag:s14] =	ssyncset.done $0x0  }
0x3b: {  	[sflag:s14] =	ssyncadd.s32 $0xFFFFFF80  }
0x3c: {  	_ =	swait.ge [sflag:s14], $0x80  }
0x3d: {  	[sflag:s14] =	ssyncset.done $0x0  }
0x3e: {  	[sflag:s14] =	ssyncadd.s32 $0xFFFFFF80  }
0x3f: {  	_ =	swait.ge [sflag:s14], $0x80  }
0x40: {  	[sflag:s14] =	ssyncset.done $0x0  }
0x41: {  	[sflag:s14] =	ssyncadd.s32 $0xFFFFFF80  }
0x42: {  	_ =	swait.ge [sflag:s14], $0x80  }
0x43: {  	s19 =	simm.s32 $0x2000;
	s17 =	simm.s32 $0x1000;
	[sflag:s14] =	ssyncset.done $0x0  }
.LBB2_2:
0x44: {  	s20 =	sshra.s32 s17, $0x2  }
0x45: {  	[sflag:s14] =	ssyncadd.s32 $0xFFFFFF80;
	s17 =	smov.u32 s19;
	s18 =	sadd.s32 $0x1000, s19  }
0x46: {  	[spmem:s2] =	stream.indirect.scatter.add.f32 [tilespmem:s9], [sflag:$0x1], $0x1, s20, s13, $0xb8;
	[tilespmem:$0xD880] =	vst v63  }
0x47: {  	p0 =	sne.s32 s19, $0x31000;
	s19 =	sadd.s32 $0x80, s20  }
0x48: {  	[spmem:s2] =	stream.indirect.scatter.add.f32 [tilespmem:s9], [sflag:$0x1], $0x1, s19, s13, $0xb8;
	[tilespmem:$0xD880] =	vst v63  }
0x49: {  	s19 =	sadd.s32 $0x100, s20  }
0x4a: {  	[spmem:s2] =	stream.indirect.scatter.add.f32 [tilespmem:s9], [sflag:$0x1], $0x1, s19, s13, $0xb8;
	[tilespmem:$0xD880] =	vst v63  }
0x4b: {  	s19 =	sadd.s32 $0x180, s20  }
0x4c: {  	[spmem:s2] =	stream.indirect.scatter.add.f32 [tilespmem:s9], [sflag:$0x1], $0x1, s19, s13, $0xb8;
	[tilespmem:$0xD880] =	vst v63  }
0x4d: {  	s19 =	sadd.s32 $0x200, s20  }
0x4e: {  	[spmem:s2] =	stream.indirect.scatter.add.f32 [tilespmem:s9], [sflag:$0x1], $0x1, s19, s13, $0xb8;
	[tilespmem:$0xD880] =	vst v63  }
0x4f: {  	s19 =	sadd.s32 $0x280, s20  }
0x50: {  	[spmem:s2] =	stream.indirect.scatter.add.f32 [tilespmem:s9], [sflag:$0x1], $0x1, s19, s13, $0xb8;
	[tilespmem:$0xD880] =	vst v63  }
0x51: {  	s19 =	sadd.s32 $0x300, s20  }
0x52: {  	[spmem:s2] =	stream.indirect.scatter.add.f32 [tilespmem:s9], [sflag:$0x1], $0x1, s19, s13, $0xb8;
	[tilespmem:$0xD880] =	vst v63  }
0x53: {  	s19 =	sadd.s32 $0x380, s20  }
0x54: {  	[spmem:s2] =	stream.indirect.scatter.add.f32 [tilespmem:s9], [sflag:$0x1], $0x1, s19, s13, $0xb8;
	[tilespmem:$0xD880] =	vst v63  }
0x55: {  	_ =	swait.ge [sflag:s14], $0x80  }
0x56: {  	[sflag:s14] =	ssyncset.done $0x0  }
0x57: {  	[sflag:s14] =	ssyncadd.s32 $0xFFFFFF80  }
0x58: {  	_ =	swait.ge [sflag:s14], $0x80  }
0x59: {  	[sflag:s14] =	ssyncset.done $0x0  }
0x5a: {  	[sflag:s14] =	ssyncadd.s32 $0xFFFFFF80  }
0x5b: {  	_ =	swait.ge [sflag:s14], $0x80  }
0x5c: {  	[sflag:s14] =	ssyncset.done $0x0  }
0x5d: {  	[sflag:s14] =	ssyncadd.s32 $0xFFFFFF80  }
0x5e: {  	_ =	swait.ge [sflag:s14], $0x80  }
0x5f: {  	[sflag:s14] =	ssyncset.done $0x0  }
0x60: {  	[sflag:s14] =	ssyncadd.s32 $0xFFFFFF80  }
0x61: {  	_ =	swait.ge [sflag:s14], $0x80  }
0x62: {  	[sflag:s14] =	ssyncset.done $0x0  }
0x63: {  	[sflag:s14] =	ssyncadd.s32 $0xFFFFFF80  }
0x64: {  	_ =	swait.ge [sflag:s14], $0x80  }
0x65: {  	[sflag:s14] =	ssyncset.done $0x0  }
0x66: {  	[sflag:s14] =	ssyncadd.s32 $0xFFFFFF80  }
.Ltmp0:
0x67: {  	_ =	swait.ge [sflag:s14], $0x80;
	(pc) =	sbr.rel @p0 .LBB2_2-.Ltmp0, $4  }
0x68: {  	[sflag:s14] =	ssyncset.done $0x0  }
0x69: {  	[sflag:s14] =	ssyncadd.s32 $0xFFFFFF80  }
0x6a: {  	_ =	swait.ge [sflag:s14], $0x80  }
0x6b: {  	s19 =	smov.u32 s18;
	[sflag:s14] =	ssyncset.done $0x0  }
0x6c: {  	s17 =	sshra.s32 s17, $0x2;
	[sflag:s14] =	ssyncadd.s32 $0xFFFFFF80  }
0x6d: {  	[spmem:s2] =	stream.indirect.scatter.add.f32 [tilespmem:s9], [sflag:$0x1], $0x1, s17, s13, $0xb8;
	[tilespmem:$0xD880] =	vst v63  }
0x6e: {  	s18 =	sadd.s32 $0x80, s17  }
0x6f: {  	[spmem:s2] =	stream.indirect.scatter.add.f32 [tilespmem:s9], [sflag:$0x1], $0x1, s18, s13, $0xb8;
	[tilespmem:$0xD880] =	vst v63  }
0x70: {  	s26 =	sadd.s32 $0x100, s17  }
0x71: {  	[spmem:s2] =	stream.indirect.scatter.add.f32 [tilespmem:s9], [sflag:$0x1], $0x1, s26, s13, $0xb8;
	[tilespmem:$0xD880] =	vst v63  }
0x72: {  	s28 =	sadd.s32 $0x180, s17  }
0x73: {  	[spmem:s2] =	stream.indirect.scatter.add.f32 [tilespmem:s9], [sflag:$0x1], $0x1, s28, s13, $0xb8;
	[tilespmem:$0xD880] =	vst v63  }
0x74: {  	s29 =	sadd.s32 $0x200, s17  }
0x75: {  	[spmem:s2] =	stream.indirect.scatter.add.f32 [tilespmem:s9], [sflag:$0x1], $0x1, s29, s13, $0xb8;
	[tilespmem:$0xD880] =	vst v63  }
0x76: {  	s30 =	sadd.s32 $0x280, s17  }
0x77: {  	[spmem:s2] =	stream.indirect.scatter.add.f32 [tilespmem:s9], [sflag:$0x1], $0x1, s30, s13, $0xb8;
	[tilespmem:$0xD880] =	vst v63  }
0x78: {  	s31 =	sadd.s32 $0x300, s17  }
0x79: {  	[spmem:s2] =	stream.indirect.scatter.add.f32 [tilespmem:s9], [sflag:$0x1], $0x1, s31, s13, $0xb8;
	[tilespmem:$0xD880] =	vst v63  }
0x7a: {  	s17 =	sadd.s32 $0x380, s17  }
0x7b: {  	[spmem:s2] =	stream.indirect.scatter.add.f32 [tilespmem:s9], [sflag:$0x1], $0x1, s17, s13, $0xb8;
	[tilespmem:$0xD880] =	vst v63  }
0x7c: {  	_ =	swait.ge [sflag:s14], $0x80  }
0x7d: {  	[sflag:s14] =	ssyncset.done $0x0  }
0x7e: {  	[sflag:s14] =	ssyncadd.s32 $0xFFFFFF80  }
0x7f: {  	_ =	swait.ge [sflag:s14], $0x80  }
0x80: {  	[sflag:s14] =	ssyncset.done $0x0  }
0x81: {  	[sflag:s14] =	ssyncadd.s32 $0xFFFFFF80  }
0x82: {  	_ =	swait.ge [sflag:s14], $0x80  }
0x83: {  	[sflag:s14] =	ssyncset.done $0x0  }
0x84: {  	[sflag:s14] =	ssyncadd.s32 $0xFFFFFF80  }
0x85: {  	_ =	swait.ge [sflag:s14], $0x80  }
0x86: {  	[sflag:s14] =	ssyncset.done $0x0  }
0x87: {  	[sflag:s14] =	ssyncadd.s32 $0xFFFFFF80  }
0x88: {  	_ =	swait.ge [sflag:s14], $0x80  }
0x89: {  	[sflag:s14] =	ssyncset.done $0x0  }
0x8a: {  	[sflag:s14] =	ssyncadd.s32 $0xFFFFFF80  }
0x8b: {  	_ =	swait.ge [sflag:s14], $0x80  }
0x8c: {  	[sflag:s14] =	ssyncset.done $0x0  }
0x8d: {  	[sflag:s14] =	ssyncadd.s32 $0xFFFFFF80  }
0x8e: {  	_ =	swait.ge [sflag:s14], $0x80  }
0x8f: {  	[sflag:s14] =	ssyncset.done $0x0  }
0x90: {  	[sflag:s14] =	ssyncadd.s32 $0xFFFFFF80  }
0x91: {  	_ =	swait.ge [sflag:s14], $0x80  }
0x92: {  	s16 =	sadd.s32 $0x1, s16;
	[sflag:s14] =	ssyncset.done $0x0  }
0x93: {  	p0 =	sne.s32 s16, s8;
	[sflag:s14] =	ssyncadd.s32 $0xFFFFFF80  }
.Ltmp1:
0x94: {  	[bflag:$0x0] =	sbarrier.arrive $0xFFFF;
	(pc) =	sbr.rel @p0 .LBB2_1-.Ltmp1, $4  }
0x95: {  	[hbm:s7], [sflag:s11] =	dma.local [spmem:s15], $0xC38  }
0x96: {  	_ =	swait.ge [sflag:s10], $0xC38  }
0x97: {  	[sflag:s10] =	ssyncset.done $0x0  }
0x98: {  	[sflag:s10] =	ssyncadd.s32 $0xFFFFF3C8  }
0x99: {  	_ =	sfence.sel $0x180000  }
0x9a: {  	[bflag:$0x0] =	sbarrier.arrive $0xFFFF  }
0x9b: {  	p0 =	sne.s32 s1, $0x0;
	_ =	strace $0x90000047  }
0x9c: {  	s0 =	sadd.s32 @!p0 $0x100000, s0;
	[bflag:$0x2] =	sbarrier.arrive $0xFFFF  }
0x9d: {  	[sflag:s0] =	ssyncadd.tile.s32 @!p0 $0x1;
	_ =	shalt  }
.Lfunc_end2:
_tile_overlayer_lowered:
.L_overlay_start_2:
0x9e: {  	(tag) =	ssettag $0x2  }
0x9f: {  	s0 =	rddreg [dreg:$0x0];
	s2 =	stileid.u32  }
0xa0: {  	s1 =	rddreg [dreg:$0x1];
	p0 =	sne.s32 s2, $0x0  }
0xa1: {  	s3 =	rddreg [dreg:$0x2];
	[bflag:$0x3] =	sbarrier.arrive $0xFFFF;
	s2 =	simm.s32 @!p0 $0x1C02  }
0xa2: {  	[timem:s3], [sflag:s2] =	dma.local @!p0 [hbm:s0], s1  }
0xa3: {  	s0 =	simm.s32 @!p0 $0x2  }
0xa4: {  	_ =	swait.ge @!p0 [sflag:s0], s1  }
0xa5: {  	s1 =	ssub.s32 @!p0 $0x0, s1;
	[sflag:s0] =	ssyncset.done @!p0 $0x0  }
0xa6: {  	[sflag:s0] =	ssyncadd.s32 @!p0 s1  }
0xa7: {  	[bflag:$0x3] =	sbarrier.arrive $0xFFFF  }
0xa8: {  	_ =	shalt  }

// kernel: kernel.14.cloned.1.call-start
scs
__scs_entry_jumppad:
0x0: {  	(pc) =	sbr.rel $0x88, $3  }
0x1: {  	(tag) =	ssettag $0x0;
	lr =	simm.s32 $0x1  }
0x2: {  	[smem:$0x3F9D] =	sst lr;
	_ =	strace $0xD0000000  }
0x3: {  	_ = 	snop  }
0x4: {  	_ = 	snop  }
0x5: {  	_ = 	snop  }
0x6: {  	_ = 	snop  }
0x7: {  	_ = 	snop  }
__scs_overlays_trampoline_lowered:
0x8: {  	[smem:$0x3FAC] =	sst s0  }
0x9: {  	[smem:$0x3FAD] =	sst s1  }
0xa: {  	[smem:$0x3FAE] =	sst s2  }
0xb: {  	[smem:$0x3FAF] =	sst s3  }
0xc: {  	[smem:$0x3FB0] =	sst s4  }
0xd: {  	[smem:$0x3FB1] =	sst s5  }
0xe: {  	[smem:$0x3FB2] =	sst s6  }
0xf: {  	[smem:$0x3FB3] =	sst s7  }
0x10: {  	[smem:$0x3FB4] =	sst s8  }
0x11: {  	[smem:$0x3FB5] =	sst s9;
	s0 =	simm.s32 @!p0 $0x0  }
0x12: {  	s1 =	sld [smem:$0x3F9B];
	s0 =	simm.s32 @p0 $0x1  }
0x13: {  	[smem:$0x3FB6] =	sst s0;
	s0 =	simm.s32 @!p1 $0x0  }
0x14: {  	s2 =	sld [smem:$0x3F9A];
	s0 =	simm.s32 @p1 $0x1  }
0x15: {  	[smem:$0x3FB7] =	sst s0;
	s0 =	simm.s32 @!p2 $0x0  }
0x16: {  	s3 =	sld [smem:$0x3FDB];
	s0 =	simm.s32 @p2 $0x1  }
0x17: {  	s4 =	simm.s32 $0x1BF5;
	[smem:$0x3FB9] =	sst s0  }
0x18: {  	s0 =	sld [smem:$0x3F9C];
	_ =	swait.ge [sflag:s4], $0x0  }
0x19: {  	s7 =	sld [smem:$0x3F9D]  }
0x1a: {  	s8 =	sadd.s32 $0xFFFFE003, lr  }
0x1b: {  	s9 =	sadd.s32 $0xFFFFFEF7, lr;
	s5 =	simm.s32 $0xFFFFFFFF;
	p2 =	slt.u32 s8, $0xFFFFF086  }
0x1c: {  	p1 =	slt.u32 s9, $0xF7A;
	s5 =	simm.s32 @!p2 $0x0  }
0x1d: {  	s5 =	simm.s32 @p1 $0x1;
	p0 =	seq.s32 s7, s2  }
0x1e: {  	s7 =	smul.u32 @!p0 $0xF7A, s2;
	p2 =	seq.s32 @!p0 s5, $0x0  }
0x1f: {  	s9 =	smul.u32 $0xF7A, s1;
	s8 =	simm.s32 @!p0 $0x1BF5;
	p2 =	por !p2, p0  }
0x20: {  	[sflag:s8] =	ssyncset.s32 @!p0 $0xFFFFF086;
	s6 =	sadd.s32 @!p0 s3, s7;
	s7 =	simm.s32 @!p0 $0x108  }
0x21: {  	s3 =	sadd.s32 s3, s9;
	s6 =	sadd.s32 @!p0 $0x88, s6;
	s7 =	simm.s32 @p2 $0x1082  }
0x22: {  	[simem:s7], [sflag:s8] =	dma.local @!p0 [hbm:s6], $0xF7A  }
0x23: {  	s9 =	sor.u32 $0xD0000000, s2;
	s6 =	simm.s32 $0x108;
	_ =	swait.ge @!p0 [sflag:s8], $0x0  }
0x24: {  	s3 =	sadd.s32 $0x88, s3;
	s6 =	simm.s32 @!p1 $0x1082;
	[sflag:s4] =	ssyncset.s32 $0xFFFFF086  }
0x25: {  	[simem:s6], [sflag:s4] =	dma.local [hbm:s3], $0xF7A  }
0x26: {  	[smem:$0x3F9D] =	sst s1;
	(tag) =	ssettag s2;
	_ =	strace s9  }
0x27: {  	s1 =	sld [smem:$0x3FAD]  }
0x28: {  	s2 =	sld [smem:$0x3FAE]  }
0x29: {  	s4 =	sld [smem:$0x3FB0]  }
0x2a: {  	p0 =	seq.s32 s5, $0x0;
	s5 =	sld [smem:$0x3FB1]  }
0x2b: {  	s6 =	sld [smem:$0x3FB2]  }
0x2c: {  	s7 =	sld [smem:$0x3FB3]  }
0x2d: {  	s3 =	simm.s32 $0x108;
	s8 =	sld [smem:$0x3FB4]  }
0x2e: {  	s3 =	simm.s32 @!p0 $0x1082;
	s9 =	sld [smem:$0x3FB5]  }
0x2f: {  	lr =	sadd.s32 s0, s3;
	s0 =	sld [smem:$0x3FAC]  }
0x30: {  	s3 =	sld [smem:$0x3FAF]  }
0x31: {  	[smem:$0x3FB8] =	sst s10  }
0x32: {  	s10 =	sld [smem:$0x3FB6];
	_ =	sdelay $0x3  }
0x33: {  	p0 =	seq.s32 s10, $0x1;
	s10 =	sld [smem:$0x3FB8];
	_ =	sdelay $0x3  }
0x34: {  	[smem:$0x3FB8] =	sst s10  }
0x35: {  	s10 =	sld [smem:$0x3FB7];
	_ =	sdelay $0x3  }
0x36: {  	p1 =	seq.s32 s10, $0x1;
	s10 =	sld [smem:$0x3FB8];
	_ =	sdelay $0x3  }
0x37: {  	[smem:$0x3FB8] =	sst s10  }
0x38: {  	s10 =	sld [smem:$0x3FB9]  }
0x39: {  	_ = 	snop;
	(pc) =	sbr.ind lr, $3  }
0x3a: {  	_ = 	snop  }
0x3b: {  	_ = 	snop  }
0x3c: {  	p2 =	seq.s32 s10, $0x1;
	s10 =	sld [smem:$0x3FB8]  }
0x3d: {  	_ =	shalt  }
0x3e: {  	_ =	shalt  }
0x3f: {  	_ =	shalt  }
0x40: {  	_ =	shalt  }
0x41: {  	_ =	shalt  }
0x42: {  	_ =	shalt  }
0x43: {  	_ =	shalt  }
0x44: {  	_ =	shalt  }
0x45: {  	_ =	shalt  }
0x46: {  	_ =	shalt  }
0x47: {  	_ =	shalt  }
0x48: {  	_ =	shalt  }
0x49: {  	_ =	shalt  }
0x4a: {  	_ =	shalt  }
0x4b: {  	_ =	shalt  }
0x4c: {  	_ =	shalt  }
0x4d: {  	_ =	shalt  }
0x4e: {  	_ =	shalt  }
0x4f: {  	_ =	shalt  }
0x50: {  	_ =	shalt  }
0x51: {  	_ =	shalt  }
0x52: {  	_ =	shalt  }
0x53: {  	_ =	shalt  }
0x54: {  	_ =	shalt  }
0x55: {  	_ =	shalt  }
0x56: {  	_ =	shalt  }
0x57: {  	_ =	shalt  }
0x58: {  	_ =	shalt  }
0x59: {  	_ =	shalt  }
0x5a: {  	_ =	shalt  }
0x5b: {  	_ =	shalt  }
0x5c: {  	_ =	shalt  }
0x5d: {  	_ =	shalt  }
0x5e: {  	_ =	shalt  }
0x5f: {  	_ =	shalt  }
0x60: {  	_ =	shalt  }
0x61: {  	_ =	shalt  }
0x62: {  	_ =	shalt  }
0x63: {  	_ =	shalt  }
0x64: {  	_ =	shalt  }
0x65: {  	_ =	shalt  }
0x66: {  	_ =	shalt  }
0x67: {  	_ =	shalt  }
0x68: {  	_ =	shalt  }
0x69: {  	_ =	shalt  }
0x6a: {  	_ =	shalt  }
0x6b: {  	_ =	shalt  }
0x6c: {  	_ =	shalt  }
0x6d: {  	_ =	shalt  }
0x6e: {  	_ =	shalt  }
0x6f: {  	_ =	shalt  }
0x70: {  	_ =	shalt  }
0x71: {  	_ =	shalt  }
0x72: {  	_ =	shalt  }
0x73: {  	_ =	shalt  }
0x74: {  	_ =	shalt  }
0x75: {  	_ =	shalt  }
0x76: {  	_ =	shalt  }
0x77: {  	_ =	shalt  }
0x78: {  	_ =	shalt  }
0x79: {  	_ =	shalt  }
0x7a: {  	_ =	shalt  }
0x7b: {  	_ =	shalt  }
0x7c: {  	_ =	shalt  }
0x7d: {  	_ =	shalt  }
0x7e: {  	_ =	shalt  }
0x7f: {  	_ =	shalt  }
0x80: {  	_ =	shalt  }
0x81: {  	_ =	shalt  }
0x82: {  	_ =	shalt  }
0x83: {  	_ =	shalt  }
0x84: {  	_ =	shalt  }
0x85: {  	_ =	shalt  }
0x86: {  	_ =	shalt  }
0x87: {  	_ =	shalt  }
.Lfunc_end0:
.L_simem_size_0:
called_computation.1_lowered:
.L_overlay_start_0:
0x88: {  	s2 =	sld [smem:$0x3FD9]  }
0x89: {  	s3 =	sld [smem:$0x3FFE];
	_ =	sdelay $0x1  }
0x8a: {  	s1 =	srdreg.scid  }
0x8b: {  	s0 =	sand.u32 $0x1, s1  }
0x8c: {  	s14 =	sshll.u32 s0, $0xA;
	s2 =	sadd.s32 s3, s2  }
0x8d: {  	s2 =	sadd.s32 s2, s14  }
0x8e: {  	[smem:$0x3FC4] =	sst s2  }
0x8f: {  	_ = 	snop  }
0x90: {  	s2 =	sld [smem:$0x3FD0];
	_ =	sdelay $0x2  }
0x91: {  	s15 =	simm.s32 $0xB;
	s4 =	simm.s32 $0x10  }
0x92: {  	[smem:s4], [sflag:s15] =	dma.local [hbm:s2], $0x1  }
0x93: {  	_ =	swait.eq [sflag:s15], $0x1  }
0x94: {  	[sflag:s15] =	ssyncset.done $0x0  }
0x95: {  	s16 =	sld [smem:$0x10];
	[sflag:s15] =	ssyncadd.s32 $0xFFFFFFFF  }
0x96: {  	s17 =	sld [smem:$0x11];
	(tm) =	ssettm $0x1  }
0x97: {  	s18 =	sld [smem:$0x3FFB];
	_ =	sdelay $0x3  }
0x98: {  	_ =	strace s18  }
0x99: {  	s4 =	sld [smem:$0x3FFC];
	_ =	sdelay $0x3  }
0x9a: {  	_ =	strace s4  }
0x9b: {  	s4 =	sld [smem:$0x3FFD];
	_ =	sdelay $0x3  }
0x9c: {  	_ =	strace s4  }
0x9d: {  	_ =	strace $0x8FFFFFFF  }
0x9e: {  	s19 =	sld [smem:$0x3FDB];
	_ =	sdelay $0x1  }
0x9f: {  	s5 =	simm.s32 $_scs_section_size  }
0xa0: {  	s6 =	simm.s32 $_size__tile_overlayer_lowered;
	s7 =	simm.s32 $_tile_overlayer_lowered  }
0xa1: {  	s22 =	simm.s32 $0x1BFF;
	s21 =	sshll.u32 s7, $0x1;
	s4 =	sadd.s32 s5, s19  }
0xa2: {  	s8 =	simm.s32 $0x0;
	s20 =	sshll.u32 s6, $0x1;
	s6 =	sadd.s32 s21, s4  }
0xa3: {  	[timem:s8], [sflag:s22] =	dma.local [hbm:s6], s20  }
0xa4: {  	_ =	swait.ge [sflag:s22], s20  }
0xa5: {  	s5 =	ssub.s32 $0x0, s20;
	[sflag:s22] =	ssyncset.done $0x0  }
0xa6: {  	[sflag:s22] =	ssyncadd.s32 s5;
	_ =	sdelay $0x1  }
0xa7: {  	s23 =	simm.s32 $0x1B8B  }
0xa8: {  	_ =	swait.ge [sflag:s23], $0x1  }
0xa9: {  	[sflag:s23] =	ssyncset.done $0x0  }
0xaa: {  	s25 =	simm.s32 $0x1B8E;
	s24 =	sld [smem:$0x3FFE];
	[sflag:s23] =	ssyncadd.s32 $0xFFFFFFFF  }
0xab: {  	s26 =	simm.s32 $execute0_lowered;
	[smem:$0x3FD2] =	sst s25  }
0xac: {  	s6 =	sshll.u32 s26, $0x1;
	_ =	strace $0x80000049;
	[dreg:$0x1] =	wrdreg $0xFFFFFFFF  }
0xad: {  	s28 =	simm.s32 $_size_execute0_lowered;
	s4 =	sadd.s32 s4, s6;
	[dreg:$0x0] =	wrdreg $0x0  }
0xae: {  	s6 =	sshll.u32 s28, $0x1;
	[dreg:$0x2] =	wrdreg s4  }
0xaf: {  	[dreg:$0x3] =	wrdreg s6  }
0xb0: {  	[dreg:$0x4] =	wrdreg $0xC0  }
0xb1: {  	_ =	task [dreg:s8], $0x5FFFF  }
0xb2: {  	[dreg:$0x1] =	wrdreg $0xFFFFFFFF  }
0xb3: {  	[dreg:$0x0] =	wrdreg $0x60  }
0xb4: {  	[dreg:$0x2] =	wrdreg s16  }
0xb5: {  	[dreg:$0x3] =	wrdreg s24  }
0xb6: {  	[dreg:$0x4] =	wrdreg s17  }
0xb7: {  	[dreg:$0x5] =	wrdreg $0x58000  }
0xb8: {  	[dreg:$0x6] =	wrdreg $0x9  }
0xb9: {  	_ =	task.clear_ibuf [dreg:s8], $0x7FFFF;
	_ =	strace $0x90000049  }
0xba: {  	s29 =	simm.s32 $0x9;
	_ =	strace $0x8000004B  }
0xbb: {  	_ =	swait.ge [sflag:s29], $0x1  }
0xbc: {  	[sflag:s29] =	ssyncadd.s32 $0xFFFFFFFF  }
0xbd: {  	_ =	strace $0x9000004B  }
0xbe: {  	_ =	sfence  }
0xbf: {  	s30 =	sld [smem:$0x0];
	_ =	sdelay $0x2  }
0xc0: {  	s31 =	sshll.u32 s1, $0xD;
	s1 =	sshrl.u32 s1, $0x2  }
0xc1: {  	s3 =	sand.u32 $0x4000, s31;
	s1 =	sadd.s32 s1, s30  }
0xc2: {  	s0 =	sor.u32 s3, s0;
	s1 =	sshll.u32 s1, $0x11  }
0xc3: {  	s0 =	sor.u32 s1, s0  }
0xc4: {  	s0 =	sadd.s32 $0x8F2B, s0  }
0xc5: {  	[sflag:s0] =	ssyncadd.remote.s32 $0x1  }
0xc6: {  	_ =	sfence.sel $0xFFFF  }
0xc7: {  	[dreg:$0x0] =	wrdreg $0xFFFFFFFF;
	(pc) =	sbr.abs _section_cstart, $3  }
0xc8: {  	[dreg:$0x1] =	wrdreg $0xFFFFFFFF  }
0xc9: {  	_ =	task.clear_ibuf [dreg:s8], $0x2FFFF;
	_ =	strace $0x9FFFFFFF  }
0xca: {  	(tm) =	ssettm $0x7FFFFFFF  }
0xcb: {  	_ =	shalt  }
tec
execute0_lowered:
.L_overlay_start_1:
0x0: {  	(tag) =	ssettag $0x1  }
0x1: {  	s1 =	rddreg [dreg:$0x0]  }
0x2: {  	s0 =	rddreg [dreg:$0x1]  }
0x3: {  	s3 =	rddreg [dreg:$0x2]  }
0x4: {  	s2 =	rddreg [dreg:$0x3]  }
0x5: {  	s4 =	simm.s32 $0x0;
	s6 =	srdreg.scid;
	s16 =	stileid.u32  }
0x6: {  	s18 =	simm.s32 $0x5;
	s10 =	sand.u32 $0x1, s6;
	s6 =	smul.u32 $0x190, s16  }
0x7: {  	s22 =	simm.s32 $0x3;
	s23 =	simm.s32 $0x4;
	s11 =	smul.u32 $0x34000, s16  }
0x8: {  	s30 =	simm.s32 $0x3800;
	s31 =	simm.s32 $0x1;
	s13 =	smul.u32 $0x1900, s16  }
0x9: {  	[smem:$0x7FF] =	sst s4;
	s5 =	sadd.s32 $0x53000, s0;
	s15 =	smul.u32 $0x1880, s16  }
0xa: {  	s7 =	sadd.s32 $0x85000, s0;
	s26 =	sshll.u32 s16, $0x6;
	s16 =	smul.u32 $0x31000, s16  }
0xb: {  	s8 =	sadd.s32 $0xA2C00, s0;
	_ =	strace $0x8000004A;
	s12 =	smul.u32 $0x1900, s10  }
0xc: {  	s9 =	ssub.s32 $0x2, s10;
	s14 =	smul.u32 $0x18800, s10;
	s10 =	sor.u32 $0x1C05, s26  }
0xd: {  	s24 =	sshrl.u32 s9, $0x1;
	s25 =	sshrl.u32 s11, $0x2;
	s29 =	sshrl.u32 s16, $0x2  }
0xe: {  	s0 =	ssub.s32 s9, s24;
	s17 =	sadd.s32 s25, s2;
	s9 =	sadd.s32 s6, s12  }
.Ltmp0:
0xf: {  	s12 =	sadd.s32 s7, s13;
	s15 =	sadd.s32 s15, s14;
	(pc) =	sbr.rel .LBB2_1-.Ltmp0, $4  }
0x10: {  	s24 =	simm.s32 $0x80;
	s28 =	sshll.u32 s9, $0x4;
	s14 =	sadd.s32 $0x80, s12  }
0x11: {  	s15 =	sadd.s32 s3, s15;
	s3 =	sadd.s32 s29, s2;
	s16 =	smax.u32 s0, $0x1  }
0x12: {  	s17 =	sshrl.u32 s17, $0x3;
	s0 =	simm.s32 $0x2;
	s11 =	sadd.s32 s5, s28  }
0x13: {  	s25 =	sshrl.u32 s3, $0x3;
	s3 =	simm.s32 $0x0;
	s13 =	sadd.s32 $0x80, s11  }
.LBB2_7:
0x14: {  	_ =	swait.ge [sflag:s0], $0x1000  }
0x15: {  	s3 =	sadd.s32 $0x1, s3;
	[sflag:s0] =	ssyncset.done $0x0  }
0x16: {  	p0 =	sne.s32 s3, s16;
	[sflag:s0] =	ssyncadd.s32 $0xFFFFF000  }
.Ltmp1:
0x17: {  	[bflag:$0x0] =	sbarrier.arrive $0xFFFF;
	(pc) =	sbr.rel @!p0 .LBB2_8-.Ltmp1, $4  }
0x18: {  	[hbm:s15], [sflag:s10] =	dma.local [spmem:s25], $0x1880  }
0x19: {  	_ =	swait.ge [sflag:s18], $0x1880  }
0x1a: {  	[sflag:s18] =	ssyncset.done $0x0  }
0x1b: {  	[sflag:s18] =	ssyncadd.s32 $0xFFFFE780  }
.LBB2_1:
0x1c: {  	[spmem:s17], [sflag:s10] =	dma.local [hbm:s8], $0x1A00  }
0x1d: {  	_ =	swait.ge [sflag:s18], $0x1A00  }
0x1e: {  	[sflag:s18] =	ssyncset.done $0x0  }
0x1f: {  	[sflag:s18] =	ssyncadd.s32 $0xFFFFE600  }
0x20: {  	[tilespmem:s4], [sflag:$0x3] =	stream.linear.gather [hbm4b:s11+s4], $0x400, $0x38;
	[tilespmem:$0x12800] =	vst v63  }
0x21: {  	s19 =	simm.s32 $0xC00  }
0x22: {  	[tilespmem:s19], [sflag:$0x4] =	stream.linear.gather [hbm4b:s12+s4], $0x400, $0x38;
	[tilespmem:$0x12800] =	vst v63  }
0x23: {  	s20 =	simm.s32 $0x400  }
0x24: {  	[tilespmem:s20], [sflag:$0x3] =	stream.linear.gather [hbm4b:s13+s4], $0x400, $0x38;
	[tilespmem:$0x12800] =	vst v63  }
0x25: {  	s21 =	simm.s32 $0x1000  }
0x26: {  	[tilespmem:s21], [sflag:$0x4] =	stream.linear.gather [hbm4b:s14+s4], $0x400, $0x38;
	[tilespmem:$0x12800] =	vst v63  }
0x27: {  	_ =	swait.ge [sflag:s22], $0x400  }
0x28: {  	[sflag:s22] =	ssyncset.done $0x0  }
0x29: {  	[sflag:s22] =	ssyncadd.s32 $0xFFFFFC00  }
0x2a: {  	_ =	swait.ge [sflag:s23], $0x400  }
0x2b: {  	[sflag:s23] =	ssyncset.done $0x0  }
0x2c: {  	[sflag:s23] =	ssyncadd.s32 $0xFFFFFC00  }
0x2d: {  	s26 =	simm.s32 $0x1800;
	[bflag:$0x0] =	sbarrier.arrive $0xFFFF  }
0x2e: {  	[tilespmem:s26], [sflag:$0x1] =	stream.indirect.gather [hbm4b:s1+s24], $0x20, s4, s24, $0xb8;
	[tilespmem:$0x12800] =	vst v63  }
.Ltmp2:
0x2f: {  	_ = 	snop;
	(pc) =	sbr.rel .LBB2_2-.Ltmp2, $4  }
0x30: {  	s28 =	simm.s32 $0x2800  }
0x31: {  	[tilespmem:s28], [sflag:$0x1] =	stream.indirect.gather [hbm4b:s1+s24], $0x20, s24, s24, $0xb8;
	[tilespmem:$0x12800] =	vst v63  }
0x32: {  	s29 =	simm.s32 $0x100;
	s19 =	simm.s32 $0xC000;
	s20 =	simm.s32 $0x0  }
0x33: {  	[tilespmem:s30], [sflag:$0x1] =	stream.indirect.gather [hbm4b:s1+s24], $0x20, s29, s24, $0xb8;
	[tilespmem:$0x12800] =	vst v63  }
.LBB2_3:
0x34: {  	s21 =	sshrl.u32 @!p0 s20, $0x3  }
0x35: {  	s21 =	simm.s32 @p0 $0x0;
	p0 =	sgt.u32 s20, $0x17F  }
0x36: {  	s21 =	sadd.s32 @!p0 $0x2, s21  }
0x37: {  	s26 =	sand.u32 @!p0 $0xFF, s21  }
0x38: {  	s26 =	smul.u32 @!p0 $0xAB, s26  }
0x39: {  	_ =	swait.ge [sflag:s22], $0x400  }
0x3a: {  	[sflag:s22] =	ssyncset.done $0x0;
	s26 =	sshrl.u32 @!p0 s26, $0x9  }
0x3b: {  	[sflag:s22] =	ssyncadd.s32 $0xFFFFFC00;
	s28 =	sshll.u32 @!p0 s21, $0x3;
	s26 =	smul.u32 @!p0 $0x3, s26  }
0x3c: {  	_ =	swait.ge [sflag:s23], $0x400;
	s29 =	sadd.s32 @!p0 s9, s28  }
0x3d: {  	[sflag:s23] =	ssyncset.done $0x0;
	s21 =	ssub.s32 @!p0 s21, s26;
	s26 =	sshll.u32 @!p0 s29, $0x4  }
0x3e: {  	[sflag:s23] =	ssyncadd.s32 $0xFFFFFC00;
	s21 =	sand.u32 @!p0 $0xFF, s21;
	s26 =	sand.u32 @!p0 $0x1FFFFF80, s26  }
0x3f: {  	s29 =	simm.s32 @!p0 $0x0;
	s21 =	sshll.u32 @!p0 s21, $0xA;
	s26 =	sadd.s32 @!p0 s5, s26  }
0x40: {  	[tilespmem:s21], [sflag:$0x3] =	stream.linear.gather @!p0 [hbm4b:s26+s29], $0x400, $0x38;
	[tilespmem:$0x12800] =	vst v63  }
0x41: {  	s26 =	sadd.s32 @!p0 s6, s28  }
0x42: {  	s26 =	sshll.u32 @!p0 s26, $0x4  }
0x43: {  	s26 =	sand.u32 @!p0 $0x1FFFFF80, s26  }
0x44: {  	s21 =	sadd.s32 @!p0 $0xC00, s21;
	s26 =	sadd.s32 @!p0 s7, s26  }
0x45: {  	[tilespmem:s21], [sflag:$0x4] =	stream.linear.gather @!p0 [hbm4b:s26+s29], $0x400, $0x38;
	[tilespmem:$0x12800] =	vst v63  }
.LBB2_5:
0x46: {  	s21 =	sadd.s32 $0x3, s20  }
0x47: {  	s26 =	smul.u32 $0xAAAB, s21;
	_ =	sdelay $0x1  }
0x48: {  	s26 =	sshrl.u32 s26, $0x14  }
0x49: {  	s26 =	smul.u32 $0x18, s26;
	_ =	sdelay $0x1  }
0x4a: {  	s29 =	sand.u32 $0xC000, s19;
	s21 =	ssub.s32 s21, s26  }
0x4b: {  	s26 =	sshrl.u32 s29, $0x2;
	s21 =	sshll.u32 s21, $0x7  }
0x4c: {  	s26 =	sadd.s32 $0x1800, s26;
	s21 =	sand.u32 $0x3F80, s21  }
0x4d: {  	[tilespmem:s26], [sflag:$0x1] =	stream.indirect.gather [hbm4b:s1+s24], $0x20, s21, s24, $0xb8;
	[tilespmem:$0x12800] =	vst v63  }
.LBB2_6:
0x4e: {  	s20 =	sadd.s32 $0x1, s20  }
0x4f: {  	p0 =	sne.s32 s20, $0x190  }
.Ltmp3:
0x50: {  	_ = 	snop;
	(pc) =	sbr.rel @!p0 .LBB2_7-.Ltmp3, $2  }
0x51: {  	_ =	sdelay $0x2  }
0x52: {  	s19 =	sadd.s32 $0x4000, s19  }
.LBB2_2:
0x53: {  	s21 =	smul.u32 $0xAAAB, s20;
	_ =	sdelay $0x1  }
0x54: {  	s21 =	sshrl.u32 s21, $0x14  }
0x55: {  	s21 =	smul.u32 $0x18, s21;
	_ =	sdelay $0x1  }
0x56: {  	s26 =	sadd.s32 $0xFFFF4000, s19;
	_ =	swait.ge [sflag:s31], $0x1000;
	s21 =	ssub.s32 s20, s21  }
0x57: {  	p0 =	seq.s32 s20, $0x0;
	s26 =	sand.u32 $0xC000, s26;
	s21 =	sshll.u32 s21, $0x7  }
0x58: {  	[sflag:s31] =	ssyncset.done $0x0;
	s26 =	sshrl.u32 s26, $0x2;
	s21 =	sand.u32 $0x3F80, s21  }
0x59: {  	[sflag:s31] =	ssyncadd.s32 $0xFFFFF000;
	s26 =	sadd.s32 $0x1800, s26;
	s21 =	sadd.s32 $0xC00, s21  }
0x5a: {  	[spmem:s2] =	stream.indirect.scatter.add.f32 [tilespmem:s26], [sflag:$0x2], $0x20, s21, s24, $0xb8;
	[tilespmem:$0x12800] =	vst v63  }
0x5b: {  	s21 =	sand.u32 @!p0 $0x7, s20  }
0x5c: {  	p1 =	sne.s32 @!p0 s21, $0x0  }
0x5d: {  	p2 =	por p1, p0  }
0x5e: {  	p2 =	sgt.u32 @!p2 s20, $0x187  }
0x5f: {  	p1 =	por @!p0 p1, p2  }
0x60: {  	p1 =	por p0, !p1  }
.Ltmp4:
0x61: {  	_ = 	snop;
	(pc) =	sbr.rel @p1 .LBB2_3-.Ltmp4, $4  }
0x62: {  	s21 =	simm.s32 @!p0 $0x2  }
0x63: {  	_ =	swait.ge @!p0 [sflag:s21], $0x1000  }
0x64: {  	[sflag:s21] =	ssyncset.done @!p0 $0x0  }
0x65: {  	[sflag:s21] =	ssyncadd.s32 @!p0 $0xFFFFF000  }
0x66: {  	p0 =	sgt.u32 s20, $0x18C  }
.Ltmp5:
0x67: {  	_ = 	snop;
	(pc) =	sbr.rel @p0 .LBB2_6-.Ltmp5, $4  }
.Ltmp6:
0x68: {  	_ = 	snop;
	(pc) =	sbr.rel @!p0 .LBB2_5-.Ltmp6, $4  }
0x69: {  	_ = 	snop  }
0x6a: {  	_ = 	snop  }
0x6b: {  	_ = 	snop  }
0x6c: {  	_ = 	snop  }
.LBB2_8:
0x6d: {  	_ =	sfence.sel $0x180000  }
0x6e: {  	[bflag:$0x0] =	sbarrier.arrive $0xFFFF  }
0x6f: {  	_ =	strace $0x9000004A  }
0x70: {  	s0 =	stileid.u32;
	[bflag:$0x2] =	sbarrier.arrive $0xFFFF  }
0x71: {  	p0 =	sne.s32 s0, $0x0;
	s0 =	rddreg [dreg:$0x4]  }
0x72: {  	s0 =	sadd.s32 @!p0 $0x100000, s0  }
0x73: {  	[sflag:s0] =	ssyncadd.tile.s32 @!p0 $0x1;
	_ =	shalt  }
.Lfunc_end2:
_tile_overlayer_lowered:
.L_overlay_start_2:
0x74: {  	(tag) =	ssettag $0x2  }
0x75: {  	s0 =	rddreg [dreg:$0x0];
	s2 =	stileid.u32  }
0x76: {  	s1 =	rddreg [dreg:$0x1];
	p0 =	sne.s32 s2, $0x0  }
0x77: {  	s3 =	rddreg [dreg:$0x2];
	[bflag:$0x3] =	sbarrier.arrive $0xFFFF;
	s2 =	simm.s32 @!p0 $0x1C05  }
0x78: {  	[timem:s3], [sflag:s2] =	dma.local @!p0 [hbm:s0], s1  }
0x79: {  	s0 =	simm.s32 @!p0 $0x5  }
0x7a: {  	_ =	swait.ge @!p0 [sflag:s0], s1  }
0x7b: {  	s1 =	ssub.s32 @!p0 $0x0, s1;
	[sflag:s0] =	ssyncset.done @!p0 $0x0  }
0x7c: {  	[sflag:s0] =	ssyncadd.s32 @!p0 s1  }
0x7d: {  	[bflag:$0x3] =	sbarrier.arrive $0xFFFF  }
0x7e: {  	_ =	shalt  }

// kernel: kernel.17.cloned.1.call-start
scs
__scs_entry_jumppad:
0x0: {  	(pc) =	sbr.rel $0x88, $3  }
0x1: {  	(tag) =	ssettag $0x0;
	lr =	simm.s32 $0x1  }
0x2: {  	[smem:$0x3F9D] =	sst lr;
	_ =	strace $0xD0000000  }
0x3: {  	_ = 	snop  }
0x4: {  	_ = 	snop  }
0x5: {  	_ = 	snop  }
0x6: {  	_ = 	snop  }
0x7: {  	_ = 	snop  }
__scs_overlays_trampoline_lowered:
0x8: {  	[smem:$0x3FAC] =	sst s0  }
0x9: {  	[smem:$0x3FAD] =	sst s1  }
0xa: {  	[smem:$0x3FAE] =	sst s2  }
0xb: {  	[smem:$0x3FAF] =	sst s3  }
0xc: {  	[smem:$0x3FB0] =	sst s4  }
0xd: {  	[smem:$0x3FB1] =	sst s5  }
0xe: {  	[smem:$0x3FB2] =	sst s6  }
0xf: {  	[smem:$0x3FB3] =	sst s7  }
0x10: {  	[smem:$0x3FB4] =	sst s8  }
0x11: {  	[smem:$0x3FB5] =	sst s9;
	s0 =	simm.s32 @!p0 $0x0  }
0x12: {  	s1 =	sld [smem:$0x3F9B];
	s0 =	simm.s32 @p0 $0x1  }
0x13: {  	[smem:$0x3FB6] =	sst s0;
	s0 =	simm.s32 @!p1 $0x0  }
0x14: {  	s2 =	sld [smem:$0x3F9A];
	s0 =	simm.s32 @p1 $0x1  }
0x15: {  	[smem:$0x3FB7] =	sst s0;
	s0 =	simm.s32 @!p2 $0x0  }
0x16: {  	s3 =	sld [smem:$0x3FDB];
	s0 =	simm.s32 @p2 $0x1  }
0x17: {  	s4 =	simm.s32 $0x1BF5;
	[smem:$0x3FB9] =	sst s0  }
0x18: {  	s0 =	sld [smem:$0x3F9C];
	_ =	swait.ge [sflag:s4], $0x0  }
0x19: {  	s7 =	sld [smem:$0x3F9D]  }
0x1a: {  	s8 =	sadd.s32 $0xFFFFE003, lr  }
0x1b: {  	s9 =	sadd.s32 $0xFFFFFEF7, lr;
	s5 =	simm.s32 $0xFFFFFFFF;
	p2 =	slt.u32 s8, $0xFFFFF086  }
0x1c: {  	p1 =	slt.u32 s9, $0xF7A;
	s5 =	simm.s32 @!p2 $0x0  }
0x1d: {  	s5 =	simm.s32 @p1 $0x1;
	p0 =	seq.s32 s7, s2  }
0x1e: {  	s7 =	smul.u32 @!p0 $0xF7A, s2;
	p2 =	seq.s32 @!p0 s5, $0x0  }
0x1f: {  	s9 =	smul.u32 $0xF7A, s1;
	s8 =	simm.s32 @!p0 $0x1BF5;
	p2 =	por !p2, p0  }
0x20: {  	[sflag:s8] =	ssyncset.s32 @!p0 $0xFFFFF086;
	s6 =	sadd.s32 @!p0 s3, s7;
	s7 =	simm.s32 @!p0 $0x108  }
0x21: {  	s3 =	sadd.s32 s3, s9;
	s6 =	sadd.s32 @!p0 $0x88, s6;
	s7 =	simm.s32 @p2 $0x1082  }
0x22: {  	[simem:s7], [sflag:s8] =	dma.local @!p0 [hbm:s6], $0xF7A  }
0x23: {  	s9 =	sor.u32 $0xD0000000, s2;
	s6 =	simm.s32 $0x108;
	_ =	swait.ge @!p0 [sflag:s8], $0x0  }
0x24: {  	s3 =	sadd.s32 $0x88, s3;
	s6 =	simm.s32 @!p1 $0x1082;
	[sflag:s4] =	ssyncset.s32 $0xFFFFF086  }
0x25: {  	[simem:s6], [sflag:s4] =	dma.local [hbm:s3], $0xF7A  }
0x26: {  	[smem:$0x3F9D] =	sst s1;
	(tag) =	ssettag s2;
	_ =	strace s9  }
0x27: {  	s1 =	sld [smem:$0x3FAD]  }
0x28: {  	s2 =	sld [smem:$0x3FAE]  }
0x29: {  	s4 =	sld [smem:$0x3FB0]  }
0x2a: {  	p0 =	seq.s32 s5, $0x0;
	s5 =	sld [smem:$0x3FB1]  }
0x2b: {  	s6 =	sld [smem:$0x3FB2]  }
0x2c: {  	s7 =	sld [smem:$0x3FB3]  }
0x2d: {  	s3 =	simm.s32 $0x108;
	s8 =	sld [smem:$0x3FB4]  }
0x2e: {  	s3 =	simm.s32 @!p0 $0x1082;
	s9 =	sld [smem:$0x3FB5]  }
0x2f: {  	lr =	sadd.s32 s0, s3;
	s0 =	sld [smem:$0x3FAC]  }
0x30: {  	s3 =	sld [smem:$0x3FAF]  }
0x31: {  	[smem:$0x3FB8] =	sst s10  }
0x32: {  	s10 =	sld [smem:$0x3FB6];
	_ =	sdelay $0x3  }
0x33: {  	p0 =	seq.s32 s10, $0x1;
	s10 =	sld [smem:$0x3FB8];
	_ =	sdelay $0x3  }
0x34: {  	[smem:$0x3FB8] =	sst s10  }
0x35: {  	s10 =	sld [smem:$0x3FB7];
	_ =	sdelay $0x3  }
0x36: {  	p1 =	seq.s32 s10, $0x1;
	s10 =	sld [smem:$0x3FB8];
	_ =	sdelay $0x3  }
0x37: {  	[smem:$0x3FB8] =	sst s10  }
0x38: {  	s10 =	sld [smem:$0x3FB9]  }
0x39: {  	_ = 	snop;
	(pc) =	sbr.ind lr, $3  }
0x3a: {  	_ = 	snop  }
0x3b: {  	_ = 	snop  }
0x3c: {  	p2 =	seq.s32 s10, $0x1;
	s10 =	sld [smem:$0x3FB8]  }
0x3d: {  	_ =	shalt  }
0x3e: {  	_ =	shalt  }
0x3f: {  	_ =	shalt  }
0x40: {  	_ =	shalt  }
0x41: {  	_ =	shalt  }
0x42: {  	_ =	shalt  }
0x43: {  	_ =	shalt  }
0x44: {  	_ =	shalt  }
0x45: {  	_ =	shalt  }
0x46: {  	_ =	shalt  }
0x47: {  	_ =	shalt  }
0x48: {  	_ =	shalt  }
0x49: {  	_ =	shalt  }
0x4a: {  	_ =	shalt  }
0x4b: {  	_ =	shalt  }
0x4c: {  	_ =	shalt  }
0x4d: {  	_ =	shalt  }
0x4e: {  	_ =	shalt  }
0x4f: {  	_ =	shalt  }
0x50: {  	_ =	shalt  }
0x51: {  	_ =	shalt  }
0x52: {  	_ =	shalt  }
0x53: {  	_ =	shalt  }
0x54: {  	_ =	shalt  }
0x55: {  	_ =	shalt  }
0x56: {  	_ =	shalt  }
0x57: {  	_ =	shalt  }
0x58: {  	_ =	shalt  }
0x59: {  	_ =	shalt  }
0x5a: {  	_ =	shalt  }
0x5b: {  	_ =	shalt  }
0x5c: {  	_ =	shalt  }
0x5d: {  	_ =	shalt  }
0x5e: {  	_ =	shalt  }
0x5f: {  	_ =	shalt  }
0x60: {  	_ =	shalt  }
0x61: {  	_ =	shalt  }
0x62: {  	_ =	shalt  }
0x63: {  	_ =	shalt  }
0x64: {  	_ =	shalt  }
0x65: {  	_ =	shalt  }
0x66: {  	_ =	shalt  }
0x67: {  	_ =	shalt  }
0x68: {  	_ =	shalt  }
0x69: {  	_ =	shalt  }
0x6a: {  	_ =	shalt  }
0x6b: {  	_ =	shalt  }
0x6c: {  	_ =	shalt  }
0x6d: {  	_ =	shalt  }
0x6e: {  	_ =	shalt  }
0x6f: {  	_ =	shalt  }
0x70: {  	_ =	shalt  }
0x71: {  	_ =	shalt  }
0x72: {  	_ =	shalt  }
0x73: {  	_ =	shalt  }
0x74: {  	_ =	shalt  }
0x75: {  	_ =	shalt  }
0x76: {  	_ =	shalt  }
0x77: {  	_ =	shalt  }
0x78: {  	_ =	shalt  }
0x79: {  	_ =	shalt  }
0x7a: {  	_ =	shalt  }
0x7b: {  	_ =	shalt  }
0x7c: {  	_ =	shalt  }
0x7d: {  	_ =	shalt  }
0x7e: {  	_ =	shalt  }
0x7f: {  	_ =	shalt  }
0x80: {  	_ =	shalt  }
0x81: {  	_ =	shalt  }
0x82: {  	_ =	shalt  }
0x83: {  	_ =	shalt  }
0x84: {  	_ =	shalt  }
0x85: {  	_ =	shalt  }
0x86: {  	_ =	shalt  }
0x87: {  	_ =	shalt  }
.Lfunc_end0:
.L_simem_size_0:
called_computation.2_lowered:
.L_overlay_start_0:
0x88: {  	s2 =	sld [smem:$0x3FD9]  }
0x89: {  	s3 =	sld [smem:$0x3FFE];
	_ =	sdelay $0x1  }
0x8a: {  	s1 =	srdreg.scid  }
0x8b: {  	s0 =	sand.u32 $0x1, s1  }
0x8c: {  	s15 =	sshll.u32 s0, $0xA;
	s2 =	sadd.s32 s3, s2  }
0x8d: {  	s2 =	sadd.s32 s2, s15  }
0x8e: {  	[smem:$0x3FC4] =	sst s2  }
0x8f: {  	_ = 	snop  }
0x90: {  	s2 =	sld [smem:$0x3FD0];
	_ =	sdelay $0x2  }
0x91: {  	s4 =	simm.s32 $0xB;
	s16 =	simm.s32 $0x10  }
0x92: {  	[smem:s16], [sflag:s4] =	dma.local [hbm:s2], $0x1  }
0x93: {  	_ =	swait.eq [sflag:s4], $0x1  }
0x94: {  	[sflag:s4] =	ssyncset.done $0x0  }
0x95: {  	s17 =	sld [smem:$0x10];
	[sflag:s4] =	ssyncadd.s32 $0xFFFFFFFF  }
0x96: {  	s18 =	sld [smem:$0x11];
	(tm) =	ssettm $0x1  }
0x97: {  	s19 =	sld [smem:$0x3FFB];
	_ =	sdelay $0x3  }
0x98: {  	_ =	strace s19  }
0x99: {  	s2 =	sld [smem:$0x3FFC];
	_ =	sdelay $0x3  }
0x9a: {  	_ =	strace s2  }
0x9b: {  	s2 =	sld [smem:$0x3FFD];
	_ =	sdelay $0x3  }
0x9c: {  	_ =	strace s2  }
0x9d: {  	_ =	strace $0x8FFFFFFF  }
0x9e: {  	s20 =	sld [smem:$0x3FDB];
	_ =	sdelay $0x1  }
0x9f: {  	s5 =	simm.s32 $_scs_section_size  }
0xa0: {  	s6 =	simm.s32 $_size__tile_overlayer_lowered;
	s7 =	simm.s32 $_tile_overlayer_lowered  }
0xa1: {  	s8 =	simm.s32 $0x1BFF;
	s21 =	sshll.u32 s7, $0x1;
	s5 =	sadd.s32 s5, s20  }
0xa2: {  	s22 =	simm.s32 $0x0;
	s6 =	sshll.u32 s6, $0x1;
	s7 =	sadd.s32 s21, s5  }
0xa3: {  	[timem:s22], [sflag:s8] =	dma.local [hbm:s7], s6  }
0xa4: {  	_ =	swait.ge [sflag:s8], s6  }
0xa5: {  	s6 =	ssub.s32 $0x0, s6;
	[sflag:s8] =	ssyncset.done $0x0  }
0xa6: {  	[sflag:s8] =	ssyncadd.s32 s6;
	_ =	sdelay $0x1  }
0xa7: {  	s23 =	simm.s32 $0x1B8B  }
0xa8: {  	_ =	swait.ge [sflag:s23], $0x1  }
0xa9: {  	[sflag:s23] =	ssyncset.done $0x0  }
0xaa: {  	[sflag:s23] =	ssyncadd.s32 $0xFFFFFFFF  }
0xab: {  	s6 =	sld [smem:$0x0]  }
0xac: {  	s7 =	sand.u32 $0xFFFFFFFE, s1  }
0xad: {  	p0 =	sne.s32 s1, s7  }
0xae: {  	s7 =	sshll.u32 @p0 s7, $0xE  }
0xaf: {  	s7 =	sadd.s32 @p0 $0x11B8D, s7;
	s8 =	sshll.u32 @p0 s6, $0x11  }
0xb0: {  	s7 =	sor.u32 @p0 s8, s7  }
0xb1: {  	[sflag:s7] =	ssyncadd.remote.s32 @p0 $0x1;
	_ =	sdelay $0x1  }
0xb2: {  	s7 =	simm.s32 @p0 $0x1B8D  }
0xb3: {  	_ =	swait.eq @p0 [sflag:s7], $0x1  }
0xb4: {  	[sflag:s7] =	ssyncadd.s32 @p0 $0xFFFFFFFF  }
0xb5: {  	s8 =	sshll.u32 @!p0 s1, $0xE  }
0xb6: {  	s8 =	sor.u32 @!p0 $0x4000, s8;
	s7 =	simm.s32 @!p0 $0x1B8D  }
0xb7: {  	s6 =	sshll.u32 @!p0 s6, $0x11;
	s8 =	sadd.s32 @!p0 $0x11B8D, s8;
	_ =	swait.eq @!p0 [sflag:s7], $0x1  }
0xb8: {  	s6 =	sor.u32 @!p0 s6, s8;
	[sflag:s7] =	ssyncadd.s32 @!p0 $0xFFFFFFFF  }
0xb9: {  	s25 =	simm.s32 $0x1B8E;
	s24 =	sld [smem:$0x3FFE];
	[sflag:s6] =	ssyncadd.remote.s32 @!p0 $0x1  }
0xba: {  	s26 =	simm.s32 $execute0_lowered;
	[smem:$0x3FD2] =	sst s25  }
0xbb: {  	s7 =	sshll.u32 s26, $0x1;
	_ =	strace $0x8000004F;
	[dreg:$0x1] =	wrdreg $0xFFFFFFFF  }
0xbc: {  	s28 =	simm.s32 $_size_execute0_lowered;
	s5 =	sadd.s32 s5, s7;
	[dreg:$0x0] =	wrdreg $0x0  }
0xbd: {  	s7 =	sshll.u32 s28, $0x1;
	[dreg:$0x2] =	wrdreg s5  }
0xbe: {  	[dreg:$0x3] =	wrdreg s7  }
0xbf: {  	[dreg:$0x4] =	wrdreg $0xC0  }
0xc0: {  	_ =	task [dreg:s22], $0x5FFFF  }
0xc1: {  	[dreg:$0x1] =	wrdreg $0xFFFFFFFF  }
0xc2: {  	[dreg:$0x0] =	wrdreg $0x60  }
0xc3: {  	[dreg:$0x2] =	wrdreg s18  }
0xc4: {  	[dreg:$0x3] =	wrdreg s24  }
0xc5: {  	[dreg:$0x4] =	wrdreg s17  }
0xc6: {  	[dreg:$0x5] =	wrdreg $0x58000  }
0xc7: {  	[dreg:$0x6] =	wrdreg $0x9  }
0xc8: {  	_ =	task.clear_ibuf [dreg:s22], $0x7FFFF;
	_ =	strace $0x9000004F  }
0xc9: {  	s29 =	simm.s32 $0x9;
	_ =	strace $0x80000051  }
0xca: {  	_ =	swait.ge [sflag:s29], $0x1  }
0xcb: {  	[sflag:s29] =	ssyncadd.s32 $0xFFFFFFFF  }
0xcc: {  	_ =	strace $0x90000051  }
0xcd: {  	_ =	sfence  }
0xce: {  	s30 =	sld [smem:$0x0];
	_ =	sdelay $0x2  }
0xcf: {  	s31 =	sshll.u32 s1, $0xD;
	s1 =	sshrl.u32 s1, $0x2  }
0xd0: {  	s4 =	sand.u32 $0x4000, s31;
	s1 =	sadd.s32 s1, s30  }
0xd1: {  	s0 =	sor.u32 s4, s0;
	s1 =	sshll.u32 s1, $0x11  }
0xd2: {  	s0 =	sor.u32 s1, s0  }
0xd3: {  	s0 =	sadd.s32 $0x8F2B, s0  }
0xd4: {  	[sflag:s0] =	ssyncadd.remote.s32 $0x1  }
0xd5: {  	_ =	sfence.sel $0xFFFF  }
0xd6: {  	[dreg:$0x0] =	wrdreg $0xFFFFFFFF;
	(pc) =	sbr.abs _section_cstart, $3  }
0xd7: {  	[dreg:$0x1] =	wrdreg $0xFFFFFFFF  }
0xd8: {  	_ =	task.clear_ibuf [dreg:s22], $0x2FFFF;
	_ =	strace $0x9FFFFFFF  }
0xd9: {  	(tm) =	ssettm $0x7FFFFFFF  }
tec
execute0_lowered:
.L_overlay_start_1:
0x0: {  	(tag) =	ssettag $0x1  }
0x1: {  	s1 =	rddreg [dreg:$0x0]  }
0x2: {  	s0 =	rddreg [dreg:$0x1]  }
0x3: {  	s3 =	rddreg [dreg:$0x2]  }
0x4: {  	s2 =	rddreg [dreg:$0x3]  }
0x5: {  	s4 =	simm.s32 $0x0;
	s6 =	srdreg.scid;
	s16 =	stileid.u32  }
0x6: {  	s18 =	simm.s32 $0x5;
	s10 =	sand.u32 $0x1, s6;
	s6 =	smul.u32 $0x190, s16  }
0x7: {  	s22 =	simm.s32 $0x3;
	s23 =	simm.s32 $0x4;
	s11 =	smul.u32 $0x64000, s16  }
0x8: {  	s30 =	simm.s32 $0x3800;
	s31 =	simm.s32 $0x1;
	s13 =	smul.u32 $0x1900, s16  }
0x9: {  	[smem:$0x7FF] =	sst s4;
	s5 =	sadd.s32 $0x21000, s0;
	s15 =	smul.u32 $0x30E0, s16  }
0xa: {  	s7 =	sadd.s32 $0x7000, s0;
	s26 =	sshll.u32 s16, $0x6;
	s16 =	smul.u32 $0x61C00, s16  }
0xb: {  	s8 =	sadd.s32 $0xA2C00, s0;
	_ =	strace $0x80000050;
	s12 =	smul.u32 $0x1900, s10  }
0xc: {  	s9 =	ssub.s32 $0x2, s10;
	s14 =	smul.u32 $0x30E00, s10;
	s10 =	sor.u32 $0x1C05, s26  }
0xd: {  	s24 =	sshrl.u32 s9, $0x1;
	s25 =	sshrl.u32 s11, $0x2;
	s29 =	sshrl.u32 s16, $0x2  }
0xe: {  	s0 =	ssub.s32 s9, s24;
	s17 =	sadd.s32 s25, s2;
	s9 =	sadd.s32 s6, s12  }
.Ltmp0:
0xf: {  	s12 =	sadd.s32 s7, s13;
	s15 =	sadd.s32 s15, s14;
	(pc) =	sbr.rel .LBB2_1-.Ltmp0, $4  }
0x10: {  	s24 =	simm.s32 $0x80;
	s28 =	sshll.u32 s9, $0x4;
	s14 =	sadd.s32 $0x80, s12  }
0x11: {  	s15 =	sadd.s32 s3, s15;
	s3 =	sadd.s32 s29, s2;
	s16 =	smax.u32 s0, $0x1  }
0x12: {  	s17 =	sshrl.u32 s17, $0x3;
	s0 =	simm.s32 $0x2;
	s11 =	sadd.s32 s5, s28  }
0x13: {  	s25 =	sshrl.u32 s3, $0x3;
	s3 =	simm.s32 $0x0;
	s13 =	sadd.s32 $0x80, s11  }
.LBB2_7:
0x14: {  	_ =	swait.ge [sflag:s0], $0x1000  }
0x15: {  	s3 =	sadd.s32 $0x1, s3;
	[sflag:s0] =	ssyncset.done $0x0  }
0x16: {  	p0 =	sne.s32 s3, s16;
	[sflag:s0] =	ssyncadd.s32 $0xFFFFF000  }
.Ltmp1:
0x17: {  	[bflag:$0x0] =	sbarrier.arrive $0xFFFF;
	(pc) =	sbr.rel @!p0 .LBB2_8-.Ltmp1, $4  }
0x18: {  	[hbm:s15], [sflag:s10] =	dma.local [spmem:s25], $0x30E0  }
0x19: {  	_ =	swait.ge [sflag:s18], $0x30E0  }
0x1a: {  	[sflag:s18] =	ssyncset.done $0x0  }
0x1b: {  	[sflag:s18] =	ssyncadd.s32 $0xFFFFCF20  }
.LBB2_1:
0x1c: {  	[spmem:s17], [sflag:s10] =	dma.local [hbm:s8], $0x3200  }
0x1d: {  	_ =	swait.ge [sflag:s18], $0x3200  }
0x1e: {  	[sflag:s18] =	ssyncset.done $0x0  }
0x1f: {  	[sflag:s18] =	ssyncadd.s32 $0xFFFFCE00  }
0x20: {  	[tilespmem:s4], [sflag:$0x3] =	stream.linear.gather [hbm4b:s11+s4], $0x400, $0x38;
	[tilespmem:$0x1E800] =	vst v63  }
0x21: {  	s19 =	simm.s32 $0xC00  }
0x22: {  	[tilespmem:s19], [sflag:$0x4] =	stream.linear.gather [hbm4b:s12+s4], $0x400, $0x38;
	[tilespmem:$0x1E800] =	vst v63  }
0x23: {  	s20 =	simm.s32 $0x400  }
0x24: {  	[tilespmem:s20], [sflag:$0x3] =	stream.linear.gather [hbm4b:s13+s4], $0x400, $0x38;
	[tilespmem:$0x1E800] =	vst v63  }
0x25: {  	s21 =	simm.s32 $0x1000  }
0x26: {  	[tilespmem:s21], [sflag:$0x4] =	stream.linear.gather [hbm4b:s14+s4], $0x400, $0x38;
	[tilespmem:$0x1E800] =	vst v63  }
0x27: {  	_ =	swait.ge [sflag:s22], $0x400  }
0x28: {  	[sflag:s22] =	ssyncset.done $0x0  }
0x29: {  	[sflag:s22] =	ssyncadd.s32 $0xFFFFFC00  }
0x2a: {  	_ =	swait.ge [sflag:s23], $0x400  }
0x2b: {  	[sflag:s23] =	ssyncset.done $0x0  }
0x2c: {  	[sflag:s23] =	ssyncadd.s32 $0xFFFFFC00  }
0x2d: {  	s26 =	simm.s32 $0x1800;
	[bflag:$0x0] =	sbarrier.arrive $0xFFFF  }
0x2e: {  	[tilespmem:s26], [sflag:$0x1] =	stream.indirect.gather [hbm4b:s1+s24], $0x20, s4, s24, $0xb8;
	[tilespmem:$0x1E800] =	vst v63  }
.Ltmp2:
0x2f: {  	_ = 	snop;
	(pc) =	sbr.rel .LBB2_2-.Ltmp2, $4  }
0x30: {  	s28 =	simm.s32 $0x2800  }
0x31: {  	[tilespmem:s28], [sflag:$0x1] =	stream.indirect.gather [hbm4b:s1+s24], $0x20, s24, s24, $0xb8;
	[tilespmem:$0x1E800] =	vst v63  }
0x32: {  	s29 =	simm.s32 $0x100;
	s19 =	simm.s32 $0xC000;
	s20 =	simm.s32 $0x0  }
0x33: {  	[tilespmem:s30], [sflag:$0x1] =	stream.indirect.gather [hbm4b:s1+s24], $0x20, s29, s24, $0xb8;
	[tilespmem:$0x1E800] =	vst v63  }
.LBB2_3:
0x34: {  	s21 =	sshrl.u32 @!p0 s20, $0x3  }
0x35: {  	s21 =	simm.s32 @p0 $0x0;
	p0 =	sgt.u32 s20, $0x17F  }
0x36: {  	s21 =	sadd.s32 @!p0 $0x2, s21  }
0x37: {  	s26 =	sand.u32 @!p0 $0xFF, s21  }
0x38: {  	s26 =	smul.u32 @!p0 $0xAB, s26  }
0x39: {  	_ =	swait.ge [sflag:s22], $0x400  }
0x3a: {  	[sflag:s22] =	ssyncset.done $0x0;
	s26 =	sshrl.u32 @!p0 s26, $0x9  }
0x3b: {  	[sflag:s22] =	ssyncadd.s32 $0xFFFFFC00;
	s28 =	sshll.u32 @!p0 s21, $0x3;
	s26 =	smul.u32 @!p0 $0x3, s26  }
0x3c: {  	_ =	swait.ge [sflag:s23], $0x400;
	s29 =	sadd.s32 @!p0 s9, s28  }
0x3d: {  	[sflag:s23] =	ssyncset.done $0x0;
	s21 =	ssub.s32 @!p0 s21, s26;
	s26 =	sshll.u32 @!p0 s29, $0x4  }
0x3e: {  	[sflag:s23] =	ssyncadd.s32 $0xFFFFFC00;
	s21 =	sand.u32 @!p0 $0xFF, s21;
	s26 =	sand.u32 @!p0 $0x1FFFFF80, s26  }
0x3f: {  	s29 =	simm.s32 @!p0 $0x0;
	s21 =	sshll.u32 @!p0 s21, $0xA;
	s26 =	sadd.s32 @!p0 s5, s26  }
0x40: {  	[tilespmem:s21], [sflag:$0x3] =	stream.linear.gather @!p0 [hbm4b:s26+s29], $0x400, $0x38;
	[tilespmem:$0x1E800] =	vst v63  }
0x41: {  	s26 =	sadd.s32 @!p0 s6, s28  }
0x42: {  	s26 =	sshll.u32 @!p0 s26, $0x4  }
0x43: {  	s26 =	sand.u32 @!p0 $0x1FFFFF80, s26  }
0x44: {  	s21 =	sadd.s32 @!p0 $0xC00, s21;
	s26 =	sadd.s32 @!p0 s7, s26  }
0x45: {  	[tilespmem:s21], [sflag:$0x4] =	stream.linear.gather @!p0 [hbm4b:s26+s29], $0x400, $0x38;
	[tilespmem:$0x1E800] =	vst v63  }
.LBB2_5:
0x46: {  	s21 =	sadd.s32 $0x3, s20  }
0x47: {  	s26 =	smul.u32 $0xAAAB, s21;
	_ =	sdelay $0x1  }
0x48: {  	s26 =	sshrl.u32 s26, $0x14  }
0x49: {  	s26 =	smul.u32 $0x18, s26;
	_ =	sdelay $0x1  }
0x4a: {  	s29 =	sand.u32 $0xC000, s19;
	s21 =	ssub.s32 s21, s26  }
0x4b: {  	s26 =	sshrl.u32 s29, $0x2;
	s21 =	sshll.u32 s21, $0x7  }
0x4c: {  	s26 =	sadd.s32 $0x1800, s26;
	s21 =	sand.u32 $0x3F80, s21  }
0x4d: {  	[tilespmem:s26], [sflag:$0x1] =	stream.indirect.gather [hbm4b:s1+s24], $0x20, s21, s24, $0xb8;
	[tilespmem:$0x1E800] =	vst v63  }
.LBB2_6:
0x4e: {  	s20 =	sadd.s32 $0x1, s20  }
0x4f: {  	p0 =	sne.s32 s20, $0x190  }
.Ltmp3:
0x50: {  	_ = 	snop;
	(pc) =	sbr.rel @!p0 .LBB2_7-.Ltmp3, $2  }
0x51: {  	_ =	sdelay $0x2  }
0x52: {  	s19 =	sadd.s32 $0x4000, s19  }
.LBB2_2:
0x53: {  	s21 =	smul.u32 $0xAAAB, s20;
	_ =	sdelay $0x1  }
0x54: {  	s21 =	sshrl.u32 s21, $0x14  }
0x55: {  	s21 =	smul.u32 $0x18, s21;
	_ =	sdelay $0x1  }
0x56: {  	s26 =	sadd.s32 $0xFFFF4000, s19;
	_ =	swait.ge [sflag:s31], $0x1000;
	s21 =	ssub.s32 s20, s21  }
0x57: {  	p0 =	seq.s32 s20, $0x0;
	s26 =	sand.u32 $0xC000, s26;
	s21 =	sshll.u32 s21, $0x7  }
0x58: {  	[sflag:s31] =	ssyncset.done $0x0;
	s26 =	sshrl.u32 s26, $0x2;
	s21 =	sand.u32 $0x3F80, s21  }
0x59: {  	[sflag:s31] =	ssyncadd.s32 $0xFFFFF000;
	s26 =	sadd.s32 $0x1800, s26;
	s21 =	sadd.s32 $0xC00, s21  }
0x5a: {  	[spmem:s2] =	stream.indirect.scatter.add.f32 [tilespmem:s26], [sflag:$0x2], $0x20, s21, s24, $0xb8;
	[tilespmem:$0x1E800] =	vst v63  }
0x5b: {  	s21 =	sand.u32 @!p0 $0x7, s20  }
0x5c: {  	p1 =	sne.s32 @!p0 s21, $0x0  }
0x5d: {  	p2 =	por p1, p0  }
0x5e: {  	p2 =	sgt.u32 @!p2 s20, $0x187  }
0x5f: {  	p1 =	por @!p0 p1, p2  }
0x60: {  	p1 =	por p0, !p1  }
.Ltmp4:
0x61: {  	_ = 	snop;
	(pc) =	sbr.rel @p1 .LBB2_3-.Ltmp4, $4  }
0x62: {  	s21 =	simm.s32 @!p0 $0x2  }
0x63: {  	_ =	swait.ge @!p0 [sflag:s21], $0x1000  }
0x64: {  	[sflag:s21] =	ssyncset.done @!p0 $0x0  }
0x65: {  	[sflag:s21] =	ssyncadd.s32 @!p0 $0xFFFFF000  }
0x66: {  	p0 =	sgt.u32 s20, $0x18C  }
.Ltmp5:
0x67: {  	_ = 	snop;
	(pc) =	sbr.rel @p0 .LBB2_6-.Ltmp5, $4  }
.Ltmp6:
0x68: {  	_ = 	snop;
	(pc) =	sbr.rel @!p0 .LBB2_5-.Ltmp6, $4  }
0x69: {  	_ = 	snop  }
0x6a: {  	_ = 	snop  }
0x6b: {  	_ = 	snop  }
0x6c: {  	_ = 	snop  }
.LBB2_8:
0x6d: {  	_ =	sfence.sel $0x180000  }
0x6e: {  	[bflag:$0x0] =	sbarrier.arrive $0xFFFF  }
0x6f: {  	_ =	strace $0x90000050  }
0x70: {  	s0 =	stileid.u32;
	[bflag:$0x2] =	sbarrier.arrive $0xFFFF  }
0x71: {  	p0 =	sne.s32 s0, $0x0;
	s0 =	rddreg [dreg:$0x4]  }
0x72: {  	s0 =	sadd.s32 @!p0 $0x100000, s0  }
0x73: {  	[sflag:s0] =	ssyncadd.tile.s32 @!p0 $0x1;
	_ =	shalt  }
.Lfunc_end2:
_tile_overlayer_lowered:
.L_overlay_start_2:
0x74: {  	(tag) =	ssettag $0x2  }
0x75: {  	s0 =	rddreg [dreg:$0x0];
	s2 =	stileid.u32  }
0x76: {  	s1 =	rddreg [dreg:$0x1];
	p0 =	sne.s32 s2, $0x0  }
0x77: {  	s3 =	rddreg [dreg:$0x2];
	[bflag:$0x3] =	sbarrier.arrive $0xFFFF;
	s2 =	simm.s32 @!p0 $0x1C05  }
0x78: {  	[timem:s3], [sflag:s2] =	dma.local @!p0 [hbm:s0], s1  }
0x79: {  	s0 =	simm.s32 @!p0 $0x5  }
0x7a: {  	_ =	swait.ge @!p0 [sflag:s0], s1  }
0x7b: {  	s1 =	ssub.s32 @!p0 $0x0, s1;
	[sflag:s0] =	ssyncset.done @!p0 $0x0  }
0x7c: {  	[sflag:s0] =	ssyncadd.s32 @!p0 s1  }
0x7d: {  	[bflag:$0x3] =	sbarrier.arrive $0xFFFF  }
0x7e: {  	_ =	shalt  }

// kernel: kernel.20.cloned.1.call-start
scs
__scs_entry_jumppad:
0x0: {  	(pc) =	sbr.rel $0x88, $3  }
0x1: {  	(tag) =	ssettag $0x0;
	lr =	simm.s32 $0x1  }
0x2: {  	[smem:$0x3F9D] =	sst lr;
	_ =	strace $0xD0000000  }
0x3: {  	_ = 	snop  }
0x4: {  	_ = 	snop  }
0x5: {  	_ = 	snop  }
0x6: {  	_ = 	snop  }
0x7: {  	_ = 	snop  }
__scs_overlays_trampoline_lowered:
0x8: {  	[smem:$0x3FAC] =	sst s0  }
0x9: {  	[smem:$0x3FAD] =	sst s1  }
0xa: {  	[smem:$0x3FAE] =	sst s2  }
0xb: {  	[smem:$0x3FAF] =	sst s3  }
0xc: {  	[smem:$0x3FB0] =	sst s4  }
0xd: {  	[smem:$0x3FB1] =	sst s5  }
0xe: {  	[smem:$0x3FB2] =	sst s6  }
0xf: {  	[smem:$0x3FB3] =	sst s7  }
0x10: {  	[smem:$0x3FB4] =	sst s8  }
0x11: {  	[smem:$0x3FB5] =	sst s9;
	s0 =	simm.s32 @!p0 $0x0  }
0x12: {  	s1 =	sld [smem:$0x3F9B];
	s0 =	simm.s32 @p0 $0x1  }
0x13: {  	[smem:$0x3FB6] =	sst s0;
	s0 =	simm.s32 @!p1 $0x0  }
0x14: {  	s2 =	sld [smem:$0x3F9A];
	s0 =	simm.s32 @p1 $0x1  }
0x15: {  	[smem:$0x3FB7] =	sst s0;
	s0 =	simm.s32 @!p2 $0x0  }
0x16: {  	s3 =	sld [smem:$0x3FDB];
	s0 =	simm.s32 @p2 $0x1  }
0x17: {  	s4 =	simm.s32 $0x1BF5;
	[smem:$0x3FB9] =	sst s0  }
0x18: {  	s0 =	sld [smem:$0x3F9C];
	_ =	swait.ge [sflag:s4], $0x0  }
0x19: {  	s7 =	sld [smem:$0x3F9D]  }
0x1a: {  	s8 =	sadd.s32 $0xFFFFE003, lr  }
0x1b: {  	s9 =	sadd.s32 $0xFFFFFEF7, lr;
	s5 =	simm.s32 $0xFFFFFFFF;
	p2 =	slt.u32 s8, $0xFFFFF086  }
0x1c: {  	p1 =	slt.u32 s9, $0xF7A;
	s5 =	simm.s32 @!p2 $0x0  }
0x1d: {  	s5 =	simm.s32 @p1 $0x1;
	p0 =	seq.s32 s7, s2  }
0x1e: {  	s7 =	smul.u32 @!p0 $0xF7A, s2;
	p2 =	seq.s32 @!p0 s5, $0x0  }
0x1f: {  	s9 =	smul.u32 $0xF7A, s1;
	s8 =	simm.s32 @!p0 $0x1BF5;
	p2 =	por !p2, p0  }
0x20: {  	[sflag:s8] =	ssyncset.s32 @!p0 $0xFFFFF086;
	s6 =	sadd.s32 @!p0 s3, s7;
	s7 =	simm.s32 @!p0 $0x108  }
0x21: {  	s3 =	sadd.s32 s3, s9;
	s6 =	sadd.s32 @!p0 $0x88, s6;
	s7 =	simm.s32 @p2 $0x1082  }
0x22: {  	[simem:s7], [sflag:s8] =	dma.local @!p0 [hbm:s6], $0xF7A  }
0x23: {  	s9 =	sor.u32 $0xD0000000, s2;
	s6 =	simm.s32 $0x108;
	_ =	swait.ge @!p0 [sflag:s8], $0x0  }
0x24: {  	s3 =	sadd.s32 $0x88, s3;
	s6 =	simm.s32 @!p1 $0x1082;
	[sflag:s4] =	ssyncset.s32 $0xFFFFF086  }
0x25: {  	[simem:s6], [sflag:s4] =	dma.local [hbm:s3], $0xF7A  }
0x26: {  	[smem:$0x3F9D] =	sst s1;
	(tag) =	ssettag s2;
	_ =	strace s9  }
0x27: {  	s1 =	sld [smem:$0x3FAD]  }
0x28: {  	s2 =	sld [smem:$0x3FAE]  }
0x29: {  	s4 =	sld [smem:$0x3FB0]  }
0x2a: {  	p0 =	seq.s32 s5, $0x0;
	s5 =	sld [smem:$0x3FB1]  }
0x2b: {  	s6 =	sld [smem:$0x3FB2]  }
0x2c: {  	s7 =	sld [smem:$0x3FB3]  }
0x2d: {  	s3 =	simm.s32 $0x108;
	s8 =	sld [smem:$0x3FB4]  }
0x2e: {  	s3 =	simm.s32 @!p0 $0x1082;
	s9 =	sld [smem:$0x3FB5]  }
0x2f: {  	lr =	sadd.s32 s0, s3;
	s0 =	sld [smem:$0x3FAC]  }
0x30: {  	s3 =	sld [smem:$0x3FAF]  }
0x31: {  	[smem:$0x3FB8] =	sst s10  }
0x32: {  	s10 =	sld [smem:$0x3FB6];
	_ =	sdelay $0x3  }
0x33: {  	p0 =	seq.s32 s10, $0x1;
	s10 =	sld [smem:$0x3FB8];
	_ =	sdelay $0x3  }
0x34: {  	[smem:$0x3FB8] =	sst s10  }
0x35: {  	s10 =	sld [smem:$0x3FB7];
	_ =	sdelay $0x3  }
0x36: {  	p1 =	seq.s32 s10, $0x1;
	s10 =	sld [smem:$0x3FB8];
	_ =	sdelay $0x3  }
0x37: {  	[smem:$0x3FB8] =	sst s10  }
0x38: {  	s10 =	sld [smem:$0x3FB9]  }
0x39: {  	_ = 	snop;
	(pc) =	sbr.ind lr, $3  }
0x3a: {  	_ = 	snop  }
0x3b: {  	_ = 	snop  }
0x3c: {  	p2 =	seq.s32 s10, $0x1;
	s10 =	sld [smem:$0x3FB8]  }
0x3d: {  	_ =	shalt  }
0x3e: {  	_ =	shalt  }
0x3f: {  	_ =	shalt  }
0x40: {  	_ =	shalt  }
0x41: {  	_ =	shalt  }
0x42: {  	_ =	shalt  }
0x43: {  	_ =	shalt  }
0x44: {  	_ =	shalt  }
0x45: {  	_ =	shalt  }
0x46: {  	_ =	shalt  }
0x47: {  	_ =	shalt  }
0x48: {  	_ =	shalt  }
0x49: {  	_ =	shalt  }
0x4a: {  	_ =	shalt  }
0x4b: {  	_ =	shalt  }
0x4c: {  	_ =	shalt  }
0x4d: {  	_ =	shalt  }
0x4e: {  	_ =	shalt  }
0x4f: {  	_ =	shalt  }
0x50: {  	_ =	shalt  }
0x51: {  	_ =	shalt  }
0x52: {  	_ =	shalt  }
0x53: {  	_ =	shalt  }
0x54: {  	_ =	shalt  }
0x55: {  	_ =	shalt  }
0x56: {  	_ =	shalt  }
0x57: {  	_ =	shalt  }
0x58: {  	_ =	shalt  }
0x59: {  	_ =	shalt  }
0x5a: {  	_ =	shalt  }
0x5b: {  	_ =	shalt  }
0x5c: {  	_ =	shalt  }
0x5d: {  	_ =	shalt  }
0x5e: {  	_ =	shalt  }
0x5f: {  	_ =	shalt  }
0x60: {  	_ =	shalt  }
0x61: {  	_ =	shalt  }
0x62: {  	_ =	shalt  }
0x63: {  	_ =	shalt  }
0x64: {  	_ =	shalt  }
0x65: {  	_ =	shalt  }
0x66: {  	_ =	shalt  }
0x67: {  	_ =	shalt  }
0x68: {  	_ =	shalt  }
0x69: {  	_ =	shalt  }
0x6a: {  	_ =	shalt  }
0x6b: {  	_ =	shalt  }
0x6c: {  	_ =	shalt  }
0x6d: {  	_ =	shalt  }
0x6e: {  	_ =	shalt  }
0x6f: {  	_ =	shalt  }
0x70: {  	_ =	shalt  }
0x71: {  	_ =	shalt  }
0x72: {  	_ =	shalt  }
0x73: {  	_ =	shalt  }
0x74: {  	_ =	shalt  }
0x75: {  	_ =	shalt  }
0x76: {  	_ =	shalt  }
0x77: {  	_ =	shalt  }
0x78: {  	_ =	shalt  }
0x79: {  	_ =	shalt  }
0x7a: {  	_ =	shalt  }
0x7b: {  	_ =	shalt  }
0x7c: {  	_ =	shalt  }
0x7d: {  	_ =	shalt  }
0x7e: {  	_ =	shalt  }
0x7f: {  	_ =	shalt  }
0x80: {  	_ =	shalt  }
0x81: {  	_ =	shalt  }
0x82: {  	_ =	shalt  }
0x83: {  	_ =	shalt  }
0x84: {  	_ =	shalt  }
0x85: {  	_ =	shalt  }
0x86: {  	_ =	shalt  }
0x87: {  	_ =	shalt  }
.Lfunc_end0:
.L_simem_size_0:
called_computation.3_lowered:
.L_overlay_start_0:
0x88: {  	s2 =	sld [smem:$0x3FD9]  }
0x89: {  	s3 =	sld [smem:$0x3FFE];
	_ =	sdelay $0x1  }
0x8a: {  	s1 =	srdreg.scid  }
0x8b: {  	s0 =	sand.u32 $0x1, s1  }
0x8c: {  	s17 =	sshll.u32 s0, $0xA;
	s2 =	sadd.s32 s3, s2  }
0x8d: {  	s2 =	sadd.s32 s2, s17  }
0x8e: {  	[smem:$0x3FC4] =	sst s2  }
0x8f: {  	_ = 	snop  }
0x90: {  	(tm) =	ssettm $0x1  }
0x91: {  	s18 =	sld [smem:$0x3FFB];
	_ =	sdelay $0x3  }
0x92: {  	_ =	strace s18  }
0x93: {  	s2 =	sld [smem:$0x3FFC];
	_ =	sdelay $0x3  }
0x94: {  	_ =	strace s2  }
0x95: {  	s2 =	sld [smem:$0x3FFD];
	_ =	sdelay $0x3  }
0x96: {  	_ =	strace s2  }
0x97: {  	_ =	strace $0x8FFFFFFF  }
0x98: {  	s19 =	sld [smem:$0x3FDB];
	_ =	sdelay $0x1  }
0x99: {  	s20 =	simm.s32 $_scs_section_size  }
0x9a: {  	s4 =	simm.s32 $_size__tile_overlayer_lowered;
	s5 =	simm.s32 $_tile_overlayer_lowered  }
0x9b: {  	s6 =	simm.s32 $0x1BFF;
	s21 =	sshll.u32 s5, $0x1;
	s3 =	sadd.s32 s20, s19  }
0x9c: {  	s22 =	simm.s32 $0x0;
	s4 =	sshll.u32 s4, $0x1;
	s5 =	sadd.s32 s21, s3  }
0x9d: {  	[timem:s22], [sflag:s6] =	dma.local [hbm:s5], s4  }
0x9e: {  	_ =	swait.ge [sflag:s6], s4  }
0x9f: {  	s4 =	ssub.s32 $0x0, s4;
	[sflag:s6] =	ssyncset.done $0x0  }
0xa0: {  	[sflag:s6] =	ssyncadd.s32 s4;
	_ =	sdelay $0x1  }
0xa1: {  	s23 =	simm.s32 $0x1B8B  }
0xa2: {  	_ =	swait.ge [sflag:s23], $0x1  }
0xa3: {  	[sflag:s23] =	ssyncset.done $0x0  }
0xa4: {  	[sflag:s23] =	ssyncadd.s32 $0xFFFFFFFF  }
0xa5: {  	s4 =	sld [smem:$0x0]  }
0xa6: {  	s5 =	sand.u32 $0xFFFFFFFE, s1  }
0xa7: {  	p0 =	sne.s32 s1, s5  }
0xa8: {  	s5 =	sshll.u32 @p0 s5, $0xE  }
0xa9: {  	s5 =	sadd.s32 @p0 $0x11B8D, s5;
	s6 =	sshll.u32 @p0 s4, $0x11  }
0xaa: {  	s5 =	sor.u32 @p0 s6, s5  }
0xab: {  	[sflag:s5] =	ssyncadd.remote.s32 @p0 $0x1;
	_ =	sdelay $0x1  }
0xac: {  	s5 =	simm.s32 @p0 $0x1B8D  }
0xad: {  	_ =	swait.eq @p0 [sflag:s5], $0x1  }
0xae: {  	[sflag:s5] =	ssyncadd.s32 @p0 $0xFFFFFFFF  }
0xaf: {  	s6 =	sshll.u32 @!p0 s1, $0xE  }
0xb0: {  	s6 =	sor.u32 @!p0 $0x4000, s6;
	s5 =	simm.s32 @!p0 $0x1B8D  }
0xb1: {  	s4 =	sshll.u32 @!p0 s4, $0x11;
	s6 =	sadd.s32 @!p0 $0x11B8D, s6;
	_ =	swait.eq @!p0 [sflag:s5], $0x1  }
0xb2: {  	s4 =	sor.u32 @!p0 s4, s6;
	[sflag:s5] =	ssyncadd.s32 @!p0 $0xFFFFFFFF  }
0xb3: {  	s25 =	simm.s32 $0x1B8E;
	s24 =	sld [smem:$0x3FFE];
	[sflag:s4] =	ssyncadd.remote.s32 @!p0 $0x1  }
0xb4: {  	s26 =	simm.s32 $execute0_lowered;
	[smem:$0x3FD2] =	sst s25  }
0xb5: {  	s5 =	sshll.u32 s26, $0x1;
	_ =	strace $0x8000004C;
	[dreg:$0x1] =	wrdreg $0xFFFFFFFF  }
0xb6: {  	s28 =	simm.s32 $_size_execute0_lowered;
	s3 =	sadd.s32 s3, s5;
	[dreg:$0x0] =	wrdreg $0x0  }
0xb7: {  	s5 =	sshll.u32 s28, $0x1;
	[dreg:$0x2] =	wrdreg s3  }
0xb8: {  	[dreg:$0x3] =	wrdreg s5  }
0xb9: {  	[dreg:$0x4] =	wrdreg $0xC0  }
0xba: {  	_ =	task [dreg:s22], $0x5FFFF  }
0xbb: {  	[dreg:$0x1] =	wrdreg $0xFFFFFFFF  }
0xbc: {  	[dreg:$0x0] =	wrdreg $0x60  }
0xbd: {  	[dreg:$0x2] =	wrdreg s24  }
0xbe: {  	[dreg:$0x3] =	wrdreg $0x58000  }
0xbf: {  	[dreg:$0x4] =	wrdreg $0xA  }
0xc0: {  	_ =	task.clear_ibuf [dreg:s22], $0x5FFFF;
	_ =	strace $0x9000004C  }
0xc1: {  	s29 =	simm.s32 $0xA;
	_ =	strace $0x8000004E  }
0xc2: {  	_ =	swait.ge [sflag:s29], $0x1  }
0xc3: {  	[sflag:s29] =	ssyncadd.s32 $0xFFFFFFFF  }
0xc4: {  	_ =	strace $0x9000004E  }
0xc5: {  	_ =	sfence  }
0xc6: {  	s30 =	sld [smem:$0x0];
	_ =	sdelay $0x2  }
0xc7: {  	s31 =	sshll.u32 s1, $0xD;
	s1 =	sshrl.u32 s1, $0x2  }
0xc8: {  	s4 =	sand.u32 $0x4000, s31;
	s1 =	sadd.s32 s1, s30  }
0xc9: {  	s0 =	sor.u32 s4, s0;
	s1 =	sshll.u32 s1, $0x11  }
0xca: {  	s0 =	sor.u32 s1, s0  }
0xcb: {  	s0 =	sadd.s32 $0x8F2B, s0  }
0xcc: {  	[sflag:s0] =	ssyncadd.remote.s32 $0x1  }
0xcd: {  	_ =	sfence.sel $0xFFFF  }
0xce: {  	[dreg:$0x0] =	wrdreg $0xFFFFFFFF;
	(pc) =	sbr.abs _section_cstart, $3  }
0xcf: {  	[dreg:$0x1] =	wrdreg $0xFFFFFFFF  }
0xd0: {  	_ =	task.clear_ibuf [dreg:s22], $0x2FFFF;
	_ =	strace $0x9FFFFFFF  }
0xd1: {  	(tm) =	ssettm $0x7FFFFFFF  }
tec
execute0_lowered:
.L_overlay_start_1:
0x0: {  	(tag) =	ssettag $0x1  }
0x1: {  	s0 =	rddreg [dreg:$0x0]  }
0x2: {  	s1 =	rddreg [dreg:$0x1];
	s3 =	simm.s32 $0x0;
	s13 =	stileid.u32  }
0x3: {  	s2 =	srdreg.scid;
	s18 =	simm.s32 $0x5;
	s9 =	smul.u32 $0x30E0, s13  }
0x4: {  	s22 =	simm.s32 $0x3;
	s23 =	simm.s32 $0x4;
	s5 =	smul.u32 $0x190, s13  }
0x5: {  	s30 =	simm.s32 $0x3800;
	s31 =	simm.s32 $0x1;
	s10 =	smul.u32 $0x64000, s13  }
0x6: {  	[smem:$0x7FF] =	sst s3;
	s2 =	sand.u32 $0x1, s2;
	s12 =	smul.u32 $0x1900, s13  }
0x7: {  	s4 =	sadd.s32 $0x16B800, s0;
	s6 =	sadd.s32 $0x21000, s0;
	s17 =	smul.u32 $0x61C00, s13  }
0x8: {  	s7 =	sadd.s32 $0x7000, s0;
	s28 =	sshll.u32 s13, $0x6;
	s8 =	smul.u32 $0x30E00, s2  }
0x9: {  	_ =	strace $0x8000004D;
	s11 =	ssub.s32 $0x2, s2;
	s2 =	smul.u32 $0x1900, s2  }
0xa: {  	s24 =	sshrl.u32 s11, $0x1;
	s10 =	sshrl.u32 s10, $0x2;
	s12 =	sadd.s32 s7, s12  }
0xb: {  	s29 =	sshrl.u32 s17, $0x2;
	s9 =	sadd.s32 s9, s8;
	s8 =	sadd.s32 $0xA2C00, s0  }
0xc: {  	s16 =	ssub.s32 s11, s24;
	s25 =	sadd.s32 s10, s1;
	s11 =	sor.u32 $0x1C05, s28  }
.Ltmp0:
0xd: {  	s14 =	sadd.s32 $0x80, s12;
	s24 =	simm.s32 $0x80;
	(pc) =	sbr.rel .LBB2_1-.Ltmp0, $4  }
0xe: {  	s0 =	sadd.s32 s9, s0;
	s9 =	sadd.s32 s5, s2;
	s16 =	smax.u32 s16, $0x1  }
0xf: {  	s17 =	sshrl.u32 s25, $0x3;
	s2 =	simm.s32 $0x0;
	s26 =	sshll.u32 s9, $0x4  }
0x10: {  	s15 =	sadd.s32 $0x19C800, s0;
	s0 =	sadd.s32 s29, s1;
	s10 =	sadd.s32 s6, s26  }
0x11: {  	s25 =	sshrl.u32 s0, $0x3;
	s0 =	simm.s32 $0x2;
	s13 =	sadd.s32 $0x80, s10  }
.LBB2_7:
0x12: {  	_ =	swait.ge [sflag:s0], $0x1000  }
0x13: {  	s2 =	sadd.s32 $0x1, s2;
	[sflag:s0] =	ssyncset.done $0x0  }
0x14: {  	p0 =	sne.s32 s2, s16;
	[sflag:s0] =	ssyncadd.s32 $0xFFFFF000  }
.Ltmp1:
0x15: {  	[bflag:$0x0] =	sbarrier.arrive $0xFFFF;
	(pc) =	sbr.rel @!p0 .LBB2_8-.Ltmp1, $4  }
0x16: {  	[hbm:s15], [sflag:s11] =	dma.local [spmem:s25], $0x30E0  }
0x17: {  	_ =	swait.ge [sflag:s18], $0x30E0  }
0x18: {  	[sflag:s18] =	ssyncset.done $0x0  }
0x19: {  	[sflag:s18] =	ssyncadd.s32 $0xFFFFCF20  }
.LBB2_1:
0x1a: {  	[spmem:s17], [sflag:s11] =	dma.local [hbm:s8], $0x3200  }
0x1b: {  	_ =	swait.ge [sflag:s18], $0x3200  }
0x1c: {  	[sflag:s18] =	ssyncset.done $0x0  }
0x1d: {  	[sflag:s18] =	ssyncadd.s32 $0xFFFFCE00  }
0x1e: {  	[tilespmem:s3], [sflag:$0x3] =	stream.linear.gather [hbm4b:s10+s3], $0x400, $0x38;
	[tilespmem:$0x1E800] =	vst v63  }
0x1f: {  	s19 =	simm.s32 $0xC00  }
0x20: {  	[tilespmem:s19], [sflag:$0x4] =	stream.linear.gather [hbm4b:s12+s3], $0x400, $0x38;
	[tilespmem:$0x1E800] =	vst v63  }
0x21: {  	s20 =	simm.s32 $0x400  }
0x22: {  	[tilespmem:s20], [sflag:$0x3] =	stream.linear.gather [hbm4b:s13+s3], $0x400, $0x38;
	[tilespmem:$0x1E800] =	vst v63  }
0x23: {  	s21 =	simm.s32 $0x1000  }
0x24: {  	[tilespmem:s21], [sflag:$0x4] =	stream.linear.gather [hbm4b:s14+s3], $0x400, $0x38;
	[tilespmem:$0x1E800] =	vst v63  }
0x25: {  	_ =	swait.ge [sflag:s22], $0x400  }
0x26: {  	[sflag:s22] =	ssyncset.done $0x0  }
0x27: {  	[sflag:s22] =	ssyncadd.s32 $0xFFFFFC00  }
0x28: {  	_ =	swait.ge [sflag:s23], $0x400  }
0x29: {  	[sflag:s23] =	ssyncset.done $0x0  }
0x2a: {  	[sflag:s23] =	ssyncadd.s32 $0xFFFFFC00  }
0x2b: {  	s26 =	simm.s32 $0x1800;
	[bflag:$0x0] =	sbarrier.arrive $0xFFFF  }
0x2c: {  	[tilespmem:s26], [sflag:$0x1] =	stream.indirect.gather [hbm4b:s4+s24], $0x20, s3, s24, $0xb8;
	[tilespmem:$0x1E800] =	vst v63  }
.Ltmp2:
0x2d: {  	_ = 	snop;
	(pc) =	sbr.rel .LBB2_2-.Ltmp2, $4  }
0x2e: {  	s28 =	simm.s32 $0x2800  }
0x2f: {  	[tilespmem:s28], [sflag:$0x1] =	stream.indirect.gather [hbm4b:s4+s24], $0x20, s24, s24, $0xb8;
	[tilespmem:$0x1E800] =	vst v63  }
0x30: {  	s29 =	simm.s32 $0x100;
	s19 =	simm.s32 $0xC000;
	s20 =	simm.s32 $0x0  }
0x31: {  	[tilespmem:s30], [sflag:$0x1] =	stream.indirect.gather [hbm4b:s4+s24], $0x20, s29, s24, $0xb8;
	[tilespmem:$0x1E800] =	vst v63  }
.LBB2_3:
0x32: {  	s21 =	sshrl.u32 @!p0 s20, $0x3  }
0x33: {  	s21 =	simm.s32 @p0 $0x0;
	p0 =	sgt.u32 s20, $0x17F  }
0x34: {  	s21 =	sadd.s32 @!p0 $0x2, s21  }
0x35: {  	s26 =	sand.u32 @!p0 $0xFF, s21  }
0x36: {  	s26 =	smul.u32 @!p0 $0xAB, s26  }
0x37: {  	_ =	swait.ge [sflag:s22], $0x400  }
0x38: {  	[sflag:s22] =	ssyncset.done $0x0;
	s26 =	sshrl.u32 @!p0 s26, $0x9  }
0x39: {  	[sflag:s22] =	ssyncadd.s32 $0xFFFFFC00;
	s28 =	sshll.u32 @!p0 s21, $0x3;
	s26 =	smul.u32 @!p0 $0x3, s26  }
0x3a: {  	_ =	swait.ge [sflag:s23], $0x400;
	s29 =	sadd.s32 @!p0 s9, s28  }
0x3b: {  	[sflag:s23] =	ssyncset.done $0x0;
	s21 =	ssub.s32 @!p0 s21, s26;
	s26 =	sshll.u32 @!p0 s29, $0x4  }
0x3c: {  	[sflag:s23] =	ssyncadd.s32 $0xFFFFFC00;
	s21 =	sand.u32 @!p0 $0xFF, s21;
	s26 =	sand.u32 @!p0 $0x1FFFFF80, s26  }
0x3d: {  	s29 =	simm.s32 @!p0 $0x0;
	s21 =	sshll.u32 @!p0 s21, $0xA;
	s26 =	sadd.s32 @!p0 s6, s26  }
0x3e: {  	[tilespmem:s21], [sflag:$0x3] =	stream.linear.gather @!p0 [hbm4b:s26+s29], $0x400, $0x38;
	[tilespmem:$0x1E800] =	vst v63  }
0x3f: {  	s26 =	sadd.s32 @!p0 s5, s28  }
0x40: {  	s26 =	sshll.u32 @!p0 s26, $0x4  }
0x41: {  	s26 =	sand.u32 @!p0 $0x1FFFFF80, s26  }
0x42: {  	s21 =	sadd.s32 @!p0 $0xC00, s21;
	s26 =	sadd.s32 @!p0 s7, s26  }
0x43: {  	[tilespmem:s21], [sflag:$0x4] =	stream.linear.gather @!p0 [hbm4b:s26+s29], $0x400, $0x38;
	[tilespmem:$0x1E800] =	vst v63  }
.LBB2_5:
0x44: {  	s21 =	sadd.s32 $0x3, s20  }
0x45: {  	s26 =	smul.u32 $0xAAAB, s21;
	_ =	sdelay $0x1  }
0x46: {  	s26 =	sshrl.u32 s26, $0x14  }
0x47: {  	s26 =	smul.u32 $0x18, s26;
	_ =	sdelay $0x1  }
0x48: {  	s29 =	sand.u32 $0xC000, s19;
	s21 =	ssub.s32 s21, s26  }
0x49: {  	s26 =	sshrl.u32 s29, $0x2;
	s21 =	sshll.u32 s21, $0x7  }
0x4a: {  	s26 =	sadd.s32 $0x1800, s26;
	s21 =	sand.u32 $0x3F80, s21  }
0x4b: {  	[tilespmem:s26], [sflag:$0x1] =	stream.indirect.gather [hbm4b:s4+s24], $0x20, s21, s24, $0xb8;
	[tilespmem:$0x1E800] =	vst v63  }
.LBB2_6:
0x4c: {  	s20 =	sadd.s32 $0x1, s20  }
0x4d: {  	p0 =	sne.s32 s20, $0x190  }
.Ltmp3:
0x4e: {  	_ = 	snop;
	(pc) =	sbr.rel @!p0 .LBB2_7-.Ltmp3, $2  }
0x4f: {  	_ =	sdelay $0x2  }
0x50: {  	s19 =	sadd.s32 $0x4000, s19  }
.LBB2_2:
0x51: {  	s21 =	smul.u32 $0xAAAB, s20;
	_ =	sdelay $0x1  }
0x52: {  	s21 =	sshrl.u32 s21, $0x14  }
0x53: {  	s21 =	smul.u32 $0x18, s21;
	_ =	sdelay $0x1  }
0x54: {  	s26 =	sadd.s32 $0xFFFF4000, s19;
	_ =	swait.ge [sflag:s31], $0x1000;
	s21 =	ssub.s32 s20, s21  }
0x55: {  	p0 =	seq.s32 s20, $0x0;
	s26 =	sand.u32 $0xC000, s26;
	s21 =	sshll.u32 s21, $0x7  }
0x56: {  	[sflag:s31] =	ssyncset.done $0x0;
	s26 =	sshrl.u32 s26, $0x2;
	s21 =	sand.u32 $0x3F80, s21  }
0x57: {  	[sflag:s31] =	ssyncadd.s32 $0xFFFFF000;
	s26 =	sadd.s32 $0x1800, s26;
	s21 =	sadd.s32 $0xC00, s21  }
0x58: {  	[spmem:s1] =	stream.indirect.scatter.add.f32 [tilespmem:s26], [sflag:$0x2], $0x20, s21, s24, $0xb8;
	[tilespmem:$0x1E800] =	vst v63  }
0x59: {  	s21 =	sand.u32 @!p0 $0x7, s20  }
0x5a: {  	p1 =	sne.s32 @!p0 s21, $0x0  }
0x5b: {  	p2 =	por p1, p0  }
0x5c: {  	p2 =	sgt.u32 @!p2 s20, $0x187  }
0x5d: {  	p1 =	por @!p0 p1, p2  }
0x5e: {  	p1 =	por p0, !p1  }
.Ltmp4:
0x5f: {  	_ = 	snop;
	(pc) =	sbr.rel @p1 .LBB2_3-.Ltmp4, $4  }
0x60: {  	s21 =	simm.s32 @!p0 $0x2  }
0x61: {  	_ =	swait.ge @!p0 [sflag:s21], $0x1000  }
0x62: {  	[sflag:s21] =	ssyncset.done @!p0 $0x0  }
0x63: {  	[sflag:s21] =	ssyncadd.s32 @!p0 $0xFFFFF000  }
0x64: {  	p0 =	sgt.u32 s20, $0x18C  }
.Ltmp5:
0x65: {  	_ = 	snop;
	(pc) =	sbr.rel @p0 .LBB2_6-.Ltmp5, $4  }
.Ltmp6:
0x66: {  	_ = 	snop;
	(pc) =	sbr.rel @!p0 .LBB2_5-.Ltmp6, $4  }
0x67: {  	_ = 	snop  }
0x68: {  	_ = 	snop  }
0x69: {  	_ = 	snop  }
0x6a: {  	_ = 	snop  }
.LBB2_8:
0x6b: {  	_ =	sfence.sel $0x180000  }
0x6c: {  	[bflag:$0x0] =	sbarrier.arrive $0xFFFF  }
0x6d: {  	_ =	strace $0x9000004D  }
0x6e: {  	s0 =	stileid.u32;
	[bflag:$0x2] =	sbarrier.arrive $0xFFFF  }
0x6f: {  	p0 =	sne.s32 s0, $0x0;
	s0 =	rddreg [dreg:$0x2]  }
0x70: {  	s0 =	sadd.s32 @!p0 $0x100000, s0  }
0x71: {  	[sflag:s0] =	ssyncadd.tile.s32 @!p0 $0x1;
	_ =	shalt  }
.Lfunc_end2:
_tile_overlayer_lowered:
.L_overlay_start_2:
0x72: {  	(tag) =	ssettag $0x2  }
0x73: {  	s0 =	rddreg [dreg:$0x0];
	s2 =	stileid.u32  }
0x74: {  	s1 =	rddreg [dreg:$0x1];
	p0 =	sne.s32 s2, $0x0  }
0x75: {  	s3 =	rddreg [dreg:$0x2];
	[bflag:$0x3] =	sbarrier.arrive $0xFFFF;
	s2 =	simm.s32 @!p0 $0x1C05  }
0x76: {  	[timem:s3], [sflag:s2] =	dma.local @!p0 [hbm:s0], s1  }
0x77: {  	s0 =	simm.s32 @!p0 $0x5  }
0x78: {  	_ =	swait.ge @!p0 [sflag:s0], s1  }
0x79: {  	s1 =	ssub.s32 @!p0 $0x0, s1;
	[sflag:s0] =	ssyncset.done @!p0 $0x0  }
0x7a: {  	[sflag:s0] =	ssyncadd.s32 @!p0 s1  }
0x7b: {  	[bflag:$0x3] =	sbarrier.arrive $0xFFFF  }
0x7c: {  	_ =	shalt  }

// kernel: kernel.23.cloned.1.call-start
scs
__scs_entry_jumppad:
0x0: {  	(pc) =	sbr.rel $0x88, $3  }
0x1: {  	(tag) =	ssettag $0x0;
	lr =	simm.s32 $0x1  }
0x2: {  	[smem:$0x3F9D] =	sst lr;
	_ =	strace $0xD0000000  }
0x3: {  	_ = 	snop  }
0x4: {  	_ = 	snop  }
0x5: {  	_ = 	snop  }
0x6: {  	_ = 	snop  }
0x7: {  	_ = 	snop  }
__scs_overlays_trampoline_lowered:
0x8: {  	[smem:$0x3FAC] =	sst s0  }
0x9: {  	[smem:$0x3FAD] =	sst s1  }
0xa: {  	[smem:$0x3FAE] =	sst s2  }
0xb: {  	[smem:$0x3FAF] =	sst s3  }
0xc: {  	[smem:$0x3FB0] =	sst s4  }
0xd: {  	[smem:$0x3FB1] =	sst s5  }
0xe: {  	[smem:$0x3FB2] =	sst s6  }
0xf: {  	[smem:$0x3FB3] =	sst s7  }
0x10: {  	[smem:$0x3FB4] =	sst s8  }
0x11: {  	[smem:$0x3FB5] =	sst s9;
	s0 =	simm.s32 @!p0 $0x0  }
0x12: {  	s1 =	sld [smem:$0x3F9B];
	s0 =	simm.s32 @p0 $0x1  }
0x13: {  	[smem:$0x3FB6] =	sst s0;
	s0 =	simm.s32 @!p1 $0x0  }
0x14: {  	s2 =	sld [smem:$0x3F9A];
	s0 =	simm.s32 @p1 $0x1  }
0x15: {  	[smem:$0x3FB7] =	sst s0;
	s0 =	simm.s32 @!p2 $0x0  }
0x16: {  	s3 =	sld [smem:$0x3FDB];
	s0 =	simm.s32 @p2 $0x1  }
0x17: {  	s4 =	simm.s32 $0x1BF5;
	[smem:$0x3FB9] =	sst s0  }
0x18: {  	s0 =	sld [smem:$0x3F9C];
	_ =	swait.ge [sflag:s4], $0x0  }
0x19: {  	s7 =	sld [smem:$0x3F9D]  }
0x1a: {  	s8 =	sadd.s32 $0xFFFFE003, lr  }
0x1b: {  	s9 =	sadd.s32 $0xFFFFFEF7, lr;
	s5 =	simm.s32 $0xFFFFFFFF;
	p2 =	slt.u32 s8, $0xFFFFF086  }
0x1c: {  	p1 =	slt.u32 s9, $0xF7A;
	s5 =	simm.s32 @!p2 $0x0  }
0x1d: {  	s5 =	simm.s32 @p1 $0x1;
	p0 =	seq.s32 s7, s2  }
0x1e: {  	s7 =	smul.u32 @!p0 $0xF7A, s2;
	p2 =	seq.s32 @!p0 s5, $0x0  }
0x1f: {  	s9 =	smul.u32 $0xF7A, s1;
	s8 =	simm.s32 @!p0 $0x1BF5;
	p2 =	por !p2, p0  }
0x20: {  	[sflag:s8] =	ssyncset.s32 @!p0 $0xFFFFF086;
	s6 =	sadd.s32 @!p0 s3, s7;
	s7 =	simm.s32 @!p0 $0x108  }
0x21: {  	s3 =	sadd.s32 s3, s9;
	s6 =	sadd.s32 @!p0 $0x88, s6;
	s7 =	simm.s32 @p2 $0x1082  }
0x22: {  	[simem:s7], [sflag:s8] =	dma.local @!p0 [hbm:s6], $0xF7A  }
0x23: {  	s9 =	sor.u32 $0xD0000000, s2;
	s6 =	simm.s32 $0x108;
	_ =	swait.ge @!p0 [sflag:s8], $0x0  }
0x24: {  	s3 =	sadd.s32 $0x88, s3;
	s6 =	simm.s32 @!p1 $0x1082;
	[sflag:s4] =	ssyncset.s32 $0xFFFFF086  }
0x25: {  	[simem:s6], [sflag:s4] =	dma.local [hbm:s3], $0xF7A  }
0x26: {  	[smem:$0x3F9D] =	sst s1;
	(tag) =	ssettag s2;
	_ =	strace s9  }
0x27: {  	s1 =	sld [smem:$0x3FAD]  }
0x28: {  	s2 =	sld [smem:$0x3FAE]  }
0x29: {  	s4 =	sld [smem:$0x3FB0]  }
0x2a: {  	p0 =	seq.s32 s5, $0x0;
	s5 =	sld [smem:$0x3FB1]  }
0x2b: {  	s6 =	sld [smem:$0x3FB2]  }
0x2c: {  	s7 =	sld [smem:$0x3FB3]  }
0x2d: {  	s3 =	simm.s32 $0x108;
	s8 =	sld [smem:$0x3FB4]  }
0x2e: {  	s3 =	simm.s32 @!p0 $0x1082;
	s9 =	sld [smem:$0x3FB5]  }
0x2f: {  	lr =	sadd.s32 s0, s3;
	s0 =	sld [smem:$0x3FAC]  }
0x30: {  	s3 =	sld [smem:$0x3FAF]  }
0x31: {  	[smem:$0x3FB8] =	sst s10  }
0x32: {  	s10 =	sld [smem:$0x3FB6];
	_ =	sdelay $0x3  }
0x33: {  	p0 =	seq.s32 s10, $0x1;
	s10 =	sld [smem:$0x3FB8];
	_ =	sdelay $0x3  }
0x34: {  	[smem:$0x3FB8] =	sst s10  }
0x35: {  	s10 =	sld [smem:$0x3FB7];
	_ =	sdelay $0x3  }
0x36: {  	p1 =	seq.s32 s10, $0x1;
	s10 =	sld [smem:$0x3FB8];
	_ =	sdelay $0x3  }
0x37: {  	[smem:$0x3FB8] =	sst s10  }
0x38: {  	s10 =	sld [smem:$0x3FB9]  }
0x39: {  	_ = 	snop;
	(pc) =	sbr.ind lr, $3  }
0x3a: {  	_ = 	snop  }
0x3b: {  	_ = 	snop  }
0x3c: {  	p2 =	seq.s32 s10, $0x1;
	s10 =	sld [smem:$0x3FB8]  }
0x3d: {  	_ =	shalt  }
0x3e: {  	_ =	shalt  }
0x3f: {  	_ =	shalt  }
0x40: {  	_ =	shalt  }
0x41: {  	_ =	shalt  }
0x42: {  	_ =	shalt  }
0x43: {  	_ =	shalt  }
0x44: {  	_ =	shalt  }
0x45: {  	_ =	shalt  }
0x46: {  	_ =	shalt  }
0x47: {  	_ =	shalt  }
0x48: {  	_ =	shalt  }
0x49: {  	_ =	shalt  }
0x4a: {  	_ =	shalt  }
0x4b: {  	_ =	shalt  }
0x4c: {  	_ =	shalt  }
0x4d: {  	_ =	shalt  }
0x4e: {  	_ =	shalt  }
0x4f: {  	_ =	shalt  }
0x50: {  	_ =	shalt  }
0x51: {  	_ =	shalt  }
0x52: {  	_ =	shalt  }
0x53: {  	_ =	shalt  }
0x54: {  	_ =	shalt  }
0x55: {  	_ =	shalt  }
0x56: {  	_ =	shalt  }
0x57: {  	_ =	shalt  }
0x58: {  	_ =	shalt  }
0x59: {  	_ =	shalt  }
0x5a: {  	_ =	shalt  }
0x5b: {  	_ =	shalt  }
0x5c: {  	_ =	shalt  }
0x5d: {  	_ =	shalt  }
0x5e: {  	_ =	shalt  }
0x5f: {  	_ =	shalt  }
0x60: {  	_ =	shalt  }
0x61: {  	_ =	shalt  }
0x62: {  	_ =	shalt  }
0x63: {  	_ =	shalt  }
0x64: {  	_ =	shalt  }
0x65: {  	_ =	shalt  }
0x66: {  	_ =	shalt  }
0x67: {  	_ =	shalt  }
0x68: {  	_ =	shalt  }
0x69: {  	_ =	shalt  }
0x6a: {  	_ =	shalt  }
0x6b: {  	_ =	shalt  }
0x6c: {  	_ =	shalt  }
0x6d: {  	_ =	shalt  }
0x6e: {  	_ =	shalt  }
0x6f: {  	_ =	shalt  }
0x70: {  	_ =	shalt  }
0x71: {  	_ =	shalt  }
0x72: {  	_ =	shalt  }
0x73: {  	_ =	shalt  }
0x74: {  	_ =	shalt  }
0x75: {  	_ =	shalt  }
0x76: {  	_ =	shalt  }
0x77: {  	_ =	shalt  }
0x78: {  	_ =	shalt  }
0x79: {  	_ =	shalt  }
0x7a: {  	_ =	shalt  }
0x7b: {  	_ =	shalt  }
0x7c: {  	_ =	shalt  }
0x7d: {  	_ =	shalt  }
0x7e: {  	_ =	shalt  }
0x7f: {  	_ =	shalt  }
0x80: {  	_ =	shalt  }
0x81: {  	_ =	shalt  }
0x82: {  	_ =	shalt  }
0x83: {  	_ =	shalt  }
0x84: {  	_ =	shalt  }
0x85: {  	_ =	shalt  }
0x86: {  	_ =	shalt  }
0x87: {  	_ =	shalt  }
.Lfunc_end0:
.L_simem_size_0:
called_computation.4_lowered:
.L_overlay_start_0:
0x88: {  	s2 =	sld [smem:$0x3FD9]  }
0x89: {  	s3 =	sld [smem:$0x3FFE];
	_ =	sdelay $0x1  }
0x8a: {  	s1 =	srdreg.scid  }
0x8b: {  	s0 =	sand.u32 $0x1, s1  }
0x8c: {  	s17 =	sshll.u32 s0, $0xA;
	s2 =	sadd.s32 s3, s2  }
0x8d: {  	s2 =	sadd.s32 s2, s17  }
0x8e: {  	[smem:$0x3FC4] =	sst s2  }
0x8f: {  	_ = 	snop  }
0x90: {  	(tm) =	ssettm $0x1  }
0x91: {  	s18 =	sld [smem:$0x3FFB];
	_ =	sdelay $0x3  }
0x92: {  	_ =	strace s18  }
0x93: {  	s2 =	sld [smem:$0x3FFC];
	_ =	sdelay $0x3  }
0x94: {  	_ =	strace s2  }
0x95: {  	s2 =	sld [smem:$0x3FFD];
	_ =	sdelay $0x3  }
0x96: {  	_ =	strace s2  }
0x97: {  	_ =	strace $0x8FFFFFFF  }
0x98: {  	s19 =	sld [smem:$0x3FDB];
	_ =	sdelay $0x1  }
0x99: {  	s20 =	simm.s32 $_scs_section_size  }
0x9a: {  	s4 =	simm.s32 $_size__tile_overlayer_lowered;
	s5 =	simm.s32 $_tile_overlayer_lowered  }
0x9b: {  	s6 =	simm.s32 $0x1BFF;
	s21 =	sshll.u32 s5, $0x1;
	s3 =	sadd.s32 s20, s19  }
0x9c: {  	s22 =	simm.s32 $0x0;
	s4 =	sshll.u32 s4, $0x1;
	s5 =	sadd.s32 s21, s3  }
0x9d: {  	[timem:s22], [sflag:s6] =	dma.local [hbm:s5], s4  }
0x9e: {  	_ =	swait.ge [sflag:s6], s4  }
0x9f: {  	s4 =	ssub.s32 $0x0, s4;
	[sflag:s6] =	ssyncset.done $0x0  }
0xa0: {  	[sflag:s6] =	ssyncadd.s32 s4;
	_ =	sdelay $0x1  }
0xa1: {  	s23 =	simm.s32 $0x1B8B  }
0xa2: {  	_ =	swait.ge [sflag:s23], $0x1  }
0xa3: {  	[sflag:s23] =	ssyncset.done $0x0  }
0xa4: {  	[sflag:s23] =	ssyncadd.s32 $0xFFFFFFFF  }
0xa5: {  	s4 =	sld [smem:$0x0]  }
0xa6: {  	s5 =	sand.u32 $0xFFFFFFFE, s1  }
0xa7: {  	p0 =	sne.s32 s1, s5  }
0xa8: {  	s5 =	sshll.u32 @p0 s5, $0xE  }
0xa9: {  	s5 =	sadd.s32 @p0 $0x11B8D, s5;
	s6 =	sshll.u32 @p0 s4, $0x11  }
0xaa: {  	s5 =	sor.u32 @p0 s6, s5  }
0xab: {  	[sflag:s5] =	ssyncadd.remote.s32 @p0 $0x1;
	_ =	sdelay $0x1  }
0xac: {  	s5 =	simm.s32 @p0 $0x1B8D  }
0xad: {  	_ =	swait.eq @p0 [sflag:s5], $0x1  }
0xae: {  	[sflag:s5] =	ssyncadd.s32 @p0 $0xFFFFFFFF  }
0xaf: {  	s6 =	sshll.u32 @!p0 s1, $0xE  }
0xb0: {  	s6 =	sor.u32 @!p0 $0x4000, s6;
	s5 =	simm.s32 @!p0 $0x1B8D  }
0xb1: {  	s4 =	sshll.u32 @!p0 s4, $0x11;
	s6 =	sadd.s32 @!p0 $0x11B8D, s6;
	_ =	swait.eq @!p0 [sflag:s5], $0x1  }
0xb2: {  	s4 =	sor.u32 @!p0 s4, s6;
	[sflag:s5] =	ssyncadd.s32 @!p0 $0xFFFFFFFF  }
0xb3: {  	s25 =	simm.s32 $0x1B8E;
	s24 =	sld [smem:$0x3FFE];
	[sflag:s4] =	ssyncadd.remote.s32 @!p0 $0x1  }
0xb4: {  	s26 =	simm.s32 $execute0_lowered;
	[smem:$0x3FD2] =	sst s25  }
0xb5: {  	s5 =	sshll.u32 s26, $0x1;
	_ =	strace $0x80000052;
	[dreg:$0x1] =	wrdreg $0xFFFFFFFF  }
0xb6: {  	s28 =	simm.s32 $_size_execute0_lowered;
	s3 =	sadd.s32 s3, s5;
	[dreg:$0x0] =	wrdreg $0x0  }
0xb7: {  	s5 =	sshll.u32 s28, $0x1;
	[dreg:$0x2] =	wrdreg s3  }
0xb8: {  	[dreg:$0x3] =	wrdreg s5  }
0xb9: {  	[dreg:$0x4] =	wrdreg $0xC0  }
0xba: {  	_ =	task [dreg:s22], $0x5FFFF  }
0xbb: {  	[dreg:$0x1] =	wrdreg $0xFFFFFFFF  }
0xbc: {  	[dreg:$0x0] =	wrdreg $0x60  }
0xbd: {  	[dreg:$0x2] =	wrdreg s24  }
0xbe: {  	[dreg:$0x3] =	wrdreg $0x58000  }
0xbf: {  	[dreg:$0x4] =	wrdreg $0xA  }
0xc0: {  	_ =	task.clear_ibuf [dreg:s22], $0x5FFFF;
	_ =	strace $0x90000052  }
0xc1: {  	s29 =	simm.s32 $0xA;
	_ =	strace $0x80000054  }
0xc2: {  	_ =	swait.ge [sflag:s29], $0x1  }
0xc3: {  	[sflag:s29] =	ssyncadd.s32 $0xFFFFFFFF  }
0xc4: {  	_ =	strace $0x90000054  }
0xc5: {  	_ =	sfence  }
0xc6: {  	s30 =	sld [smem:$0x0];
	_ =	sdelay $0x2  }
0xc7: {  	s31 =	sshll.u32 s1, $0xD;
	s1 =	sshrl.u32 s1, $0x2  }
0xc8: {  	s4 =	sand.u32 $0x4000, s31;
	s1 =	sadd.s32 s1, s30  }
0xc9: {  	s0 =	sor.u32 s4, s0;
	s1 =	sshll.u32 s1, $0x11  }
0xca: {  	s0 =	sor.u32 s1, s0  }
0xcb: {  	s0 =	sadd.s32 $0x8F2B, s0  }
0xcc: {  	[sflag:s0] =	ssyncadd.remote.s32 $0x1  }
0xcd: {  	_ =	sfence.sel $0xFFFF  }
0xce: {  	[dreg:$0x0] =	wrdreg $0xFFFFFFFF;
	(pc) =	sbr.abs _section_cstart, $3  }
0xcf: {  	[dreg:$0x1] =	wrdreg $0xFFFFFFFF  }
0xd0: {  	_ =	task.clear_ibuf [dreg:s22], $0x2FFFF;
	_ =	strace $0x9FFFFFFF  }
0xd1: {  	(tm) =	ssettm $0x7FFFFFFF  }
tec
execute0_lowered:
.L_overlay_start_1:
0x0: {  	(tag) =	ssettag $0x1  }
0x1: {  	s0 =	rddreg [dreg:$0x0]  }
0x2: {  	s1 =	rddreg [dreg:$0x1];
	s3 =	simm.s32 $0x0;
	s13 =	stileid.u32  }
0x3: {  	s2 =	srdreg.scid;
	s18 =	simm.s32 $0x5;
	s9 =	smul.u32 $0x1880, s13  }
0x4: {  	s22 =	simm.s32 $0x3;
	s23 =	simm.s32 $0x4;
	s5 =	smul.u32 $0x190, s13  }
0x5: {  	s30 =	simm.s32 $0x3800;
	s31 =	simm.s32 $0x1;
	s10 =	smul.u32 $0x34000, s13  }
0x6: {  	[smem:$0x7FF] =	sst s3;
	s2 =	sand.u32 $0x1, s2;
	s12 =	smul.u32 $0x1900, s13  }
0x7: {  	s4 =	sadd.s32 $0x16B800, s0;
	s6 =	sadd.s32 $0x53000, s0;
	s17 =	smul.u32 $0x31000, s13  }
0x8: {  	s7 =	sadd.s32 $0x85000, s0;
	s28 =	sshll.u32 s13, $0x6;
	s8 =	smul.u32 $0x18800, s2  }
0x9: {  	_ =	strace $0x80000053;
	s11 =	ssub.s32 $0x2, s2;
	s2 =	smul.u32 $0x1900, s2  }
0xa: {  	s24 =	sshrl.u32 s11, $0x1;
	s10 =	sshrl.u32 s10, $0x2;
	s12 =	sadd.s32 s7, s12  }
0xb: {  	s29 =	sshrl.u32 s17, $0x2;
	s9 =	sadd.s32 s9, s8;
	s8 =	sadd.s32 $0xA2C00, s0  }
0xc: {  	s16 =	ssub.s32 s11, s24;
	s25 =	sadd.s32 s10, s1;
	s11 =	sor.u32 $0x1C05, s28  }
.Ltmp0:
0xd: {  	s14 =	sadd.s32 $0x80, s12;
	s24 =	simm.s32 $0x80;
	(pc) =	sbr.rel .LBB2_1-.Ltmp0, $4  }
0xe: {  	s0 =	sadd.s32 s9, s0;
	s9 =	sadd.s32 s5, s2;
	s16 =	smax.u32 s16, $0x1  }
0xf: {  	s17 =	sshrl.u32 s25, $0x3;
	s2 =	simm.s32 $0x0;
	s26 =	sshll.u32 s9, $0x4  }
0x10: {  	s15 =	sadd.s32 $0x1CD400, s0;
	s0 =	sadd.s32 s29, s1;
	s10 =	sadd.s32 s6, s26  }
0x11: {  	s25 =	sshrl.u32 s0, $0x3;
	s0 =	simm.s32 $0x2;
	s13 =	sadd.s32 $0x80, s10  }
.LBB2_7:
0x12: {  	_ =	swait.ge [sflag:s0], $0x1000  }
0x13: {  	s2 =	sadd.s32 $0x1, s2;
	[sflag:s0] =	ssyncset.done $0x0  }
0x14: {  	p0 =	sne.s32 s2, s16;
	[sflag:s0] =	ssyncadd.s32 $0xFFFFF000  }
.Ltmp1:
0x15: {  	[bflag:$0x0] =	sbarrier.arrive $0xFFFF;
	(pc) =	sbr.rel @!p0 .LBB2_8-.Ltmp1, $4  }
0x16: {  	[hbm:s15], [sflag:s11] =	dma.local [spmem:s25], $0x1880  }
0x17: {  	_ =	swait.ge [sflag:s18], $0x1880  }
0x18: {  	[sflag:s18] =	ssyncset.done $0x0  }
0x19: {  	[sflag:s18] =	ssyncadd.s32 $0xFFFFE780  }
.LBB2_1:
0x1a: {  	[spmem:s17], [sflag:s11] =	dma.local [hbm:s8], $0x1A00  }
0x1b: {  	_ =	swait.ge [sflag:s18], $0x1A00  }
0x1c: {  	[sflag:s18] =	ssyncset.done $0x0  }
0x1d: {  	[sflag:s18] =	ssyncadd.s32 $0xFFFFE600  }
0x1e: {  	[tilespmem:s3], [sflag:$0x3] =	stream.linear.gather [hbm4b:s10+s3], $0x400, $0x38;
	[tilespmem:$0x12800] =	vst v63  }
0x1f: {  	s19 =	simm.s32 $0xC00  }
0x20: {  	[tilespmem:s19], [sflag:$0x4] =	stream.linear.gather [hbm4b:s12+s3], $0x400, $0x38;
	[tilespmem:$0x12800] =	vst v63  }
0x21: {  	s20 =	simm.s32 $0x400  }
0x22: {  	[tilespmem:s20], [sflag:$0x3] =	stream.linear.gather [hbm4b:s13+s3], $0x400, $0x38;
	[tilespmem:$0x12800] =	vst v63  }
0x23: {  	s21 =	simm.s32 $0x1000  }
0x24: {  	[tilespmem:s21], [sflag:$0x4] =	stream.linear.gather [hbm4b:s14+s3], $0x400, $0x38;
	[tilespmem:$0x12800] =	vst v63  }
0x25: {  	_ =	swait.ge [sflag:s22], $0x400  }
0x26: {  	[sflag:s22] =	ssyncset.done $0x0  }
0x27: {  	[sflag:s22] =	ssyncadd.s32 $0xFFFFFC00  }
0x28: {  	_ =	swait.ge [sflag:s23], $0x400  }
0x29: {  	[sflag:s23] =	ssyncset.done $0x0  }
0x2a: {  	[sflag:s23] =	ssyncadd.s32 $0xFFFFFC00  }
0x2b: {  	s26 =	simm.s32 $0x1800;
	[bflag:$0x0] =	sbarrier.arrive $0xFFFF  }
0x2c: {  	[tilespmem:s26], [sflag:$0x1] =	stream.indirect.gather [hbm4b:s4+s24], $0x20, s3, s24, $0xb8;
	[tilespmem:$0x12800] =	vst v63  }
.Ltmp2:
0x2d: {  	_ = 	snop;
	(pc) =	sbr.rel .LBB2_2-.Ltmp2, $4  }
0x2e: {  	s28 =	simm.s32 $0x2800  }
0x2f: {  	[tilespmem:s28], [sflag:$0x1] =	stream.indirect.gather [hbm4b:s4+s24], $0x20, s24, s24, $0xb8;
	[tilespmem:$0x12800] =	vst v63  }
0x30: {  	s29 =	simm.s32 $0x100;
	s19 =	simm.s32 $0xC000;
	s20 =	simm.s32 $0x0  }
0x31: {  	[tilespmem:s30], [sflag:$0x1] =	stream.indirect.gather [hbm4b:s4+s24], $0x20, s29, s24, $0xb8;
	[tilespmem:$0x12800] =	vst v63  }
.LBB2_3:
0x32: {  	s21 =	sshrl.u32 @!p0 s20, $0x3  }
0x33: {  	s21 =	simm.s32 @p0 $0x0;
	p0 =	sgt.u32 s20, $0x17F  }
0x34: {  	s21 =	sadd.s32 @!p0 $0x2, s21  }
0x35: {  	s26 =	sand.u32 @!p0 $0xFF, s21  }
0x36: {  	s26 =	smul.u32 @!p0 $0xAB, s26  }
0x37: {  	_ =	swait.ge [sflag:s22], $0x400  }
0x38: {  	[sflag:s22] =	ssyncset.done $0x0;
	s26 =	sshrl.u32 @!p0 s26, $0x9  }
0x39: {  	[sflag:s22] =	ssyncadd.s32 $0xFFFFFC00;
	s28 =	sshll.u32 @!p0 s21, $0x3;
	s26 =	smul.u32 @!p0 $0x3, s26  }
0x3a: {  	_ =	swait.ge [sflag:s23], $0x400;
	s29 =	sadd.s32 @!p0 s9, s28  }
0x3b: {  	[sflag:s23] =	ssyncset.done $0x0;
	s21 =	ssub.s32 @!p0 s21, s26;
	s26 =	sshll.u32 @!p0 s29, $0x4  }
0x3c: {  	[sflag:s23] =	ssyncadd.s32 $0xFFFFFC00;
	s21 =	sand.u32 @!p0 $0xFF, s21;
	s26 =	sand.u32 @!p0 $0x1FFFFF80, s26  }
0x3d: {  	s29 =	simm.s32 @!p0 $0x0;
	s21 =	sshll.u32 @!p0 s21, $0xA;
	s26 =	sadd.s32 @!p0 s6, s26  }
0x3e: {  	[tilespmem:s21], [sflag:$0x3] =	stream.linear.gather @!p0 [hbm4b:s26+s29], $0x400, $0x38;
	[tilespmem:$0x12800] =	vst v63  }
0x3f: {  	s26 =	sadd.s32 @!p0 s5, s28  }
0x40: {  	s26 =	sshll.u32 @!p0 s26, $0x4  }
0x41: {  	s26 =	sand.u32 @!p0 $0x1FFFFF80, s26  }
0x42: {  	s21 =	sadd.s32 @!p0 $0xC00, s21;
	s26 =	sadd.s32 @!p0 s7, s26  }
0x43: {  	[tilespmem:s21], [sflag:$0x4] =	stream.linear.gather @!p0 [hbm4b:s26+s29], $0x400, $0x38;
	[tilespmem:$0x12800] =	vst v63  }
.LBB2_5:
0x44: {  	s21 =	sadd.s32 $0x3, s20  }
0x45: {  	s26 =	smul.u32 $0xAAAB, s21;
	_ =	sdelay $0x1  }
0x46: {  	s26 =	sshrl.u32 s26, $0x14  }
0x47: {  	s26 =	smul.u32 $0x18, s26;
	_ =	sdelay $0x1  }
0x48: {  	s29 =	sand.u32 $0xC000, s19;
	s21 =	ssub.s32 s21, s26  }
0x49: {  	s26 =	sshrl.u32 s29, $0x2;
	s21 =	sshll.u32 s21, $0x7  }
0x4a: {  	s26 =	sadd.s32 $0x1800, s26;
	s21 =	sand.u32 $0x3F80, s21  }
0x4b: {  	[tilespmem:s26], [sflag:$0x1] =	stream.indirect.gather [hbm4b:s4+s24], $0x20, s21, s24, $0xb8;
	[tilespmem:$0x12800] =	vst v63  }
.LBB2_6:
0x4c: {  	s20 =	sadd.s32 $0x1, s20  }
0x4d: {  	p0 =	sne.s32 s20, $0x190  }
.Ltmp3:
0x4e: {  	_ = 	snop;
	(pc) =	sbr.rel @!p0 .LBB2_7-.Ltmp3, $2  }
0x4f: {  	_ =	sdelay $0x2  }
0x50: {  	s19 =	sadd.s32 $0x4000, s19  }
.LBB2_2:
0x51: {  	s21 =	smul.u32 $0xAAAB, s20;
	_ =	sdelay $0x1  }
0x52: {  	s21 =	sshrl.u32 s21, $0x14  }
0x53: {  	s21 =	smul.u32 $0x18, s21;
	_ =	sdelay $0x1  }
0x54: {  	s26 =	sadd.s32 $0xFFFF4000, s19;
	_ =	swait.ge [sflag:s31], $0x1000;
	s21 =	ssub.s32 s20, s21  }
0x55: {  	p0 =	seq.s32 s20, $0x0;
	s26 =	sand.u32 $0xC000, s26;
	s21 =	sshll.u32 s21, $0x7  }
0x56: {  	[sflag:s31] =	ssyncset.done $0x0;
	s26 =	sshrl.u32 s26, $0x2;
	s21 =	sand.u32 $0x3F80, s21  }
0x57: {  	[sflag:s31] =	ssyncadd.s32 $0xFFFFF000;
	s26 =	sadd.s32 $0x1800, s26;
	s21 =	sadd.s32 $0xC00, s21  }
0x58: {  	[spmem:s1] =	stream.indirect.scatter.add.f32 [tilespmem:s26], [sflag:$0x2], $0x20, s21, s24, $0xb8;
	[tilespmem:$0x12800] =	vst v63  }
0x59: {  	s21 =	sand.u32 @!p0 $0x7, s20  }
0x5a: {  	p1 =	sne.s32 @!p0 s21, $0x0  }
0x5b: {  	p2 =	por p1, p0  }
0x5c: {  	p2 =	sgt.u32 @!p2 s20, $0x187  }
0x5d: {  	p1 =	por @!p0 p1, p2  }
0x5e: {  	p1 =	por p0, !p1  }
.Ltmp4:
0x5f: {  	_ = 	snop;
	(pc) =	sbr.rel @p1 .LBB2_3-.Ltmp4, $4  }
0x60: {  	s21 =	simm.s32 @!p0 $0x2  }
0x61: {  	_ =	swait.ge @!p0 [sflag:s21], $0x1000  }
0x62: {  	[sflag:s21] =	ssyncset.done @!p0 $0x0  }
0x63: {  	[sflag:s21] =	ssyncadd.s32 @!p0 $0xFFFFF000  }
0x64: {  	p0 =	sgt.u32 s20, $0x18C  }
.Ltmp5:
0x65: {  	_ = 	snop;
	(pc) =	sbr.rel @p0 .LBB2_6-.Ltmp5, $4  }
.Ltmp6:
0x66: {  	_ = 	snop;
	(pc) =	sbr.rel @!p0 .LBB2_5-.Ltmp6, $4  }
0x67: {  	_ = 	snop  }
0x68: {  	_ = 	snop  }
0x69: {  	_ = 	snop  }
0x6a: {  	_ = 	snop  }
.LBB2_8:
0x6b: {  	_ =	sfence.sel $0x180000  }
0x6c: {  	[bflag:$0x0] =	sbarrier.arrive $0xFFFF  }
0x6d: {  	_ =	strace $0x90000053  }
0x6e: {  	s0 =	stileid.u32;
	[bflag:$0x2] =	sbarrier.arrive $0xFFFF  }
0x6f: {  	p0 =	sne.s32 s0, $0x0;
	s0 =	rddreg [dreg:$0x2]  }
0x70: {  	s0 =	sadd.s32 @!p0 $0x100000, s0  }
0x71: {  	[sflag:s0] =	ssyncadd.tile.s32 @!p0 $0x1;
	_ =	shalt  }
.Lfunc_end2:
_tile_overlayer_lowered:
.L_overlay_start_2:
0x72: {  	(tag) =	ssettag $0x2  }
0x73: {  	s0 =	rddreg [dreg:$0x0];
	s2 =	stileid.u32  }
0x74: {  	s1 =	rddreg [dreg:$0x1];
	p0 =	sne.s32 s2, $0x0  }
0x75: {  	s3 =	rddreg [dreg:$0x2];
	[bflag:$0x3] =	sbarrier.arrive $0xFFFF;
	s2 =	simm.s32 @!p0 $0x1C05  }
0x76: {  	[timem:s3], [sflag:s2] =	dma.local @!p0 [hbm:s0], s1  }
0x77: {  	s0 =	simm.s32 @!p0 $0x5  }
0x78: {  	_ =	swait.ge @!p0 [sflag:s0], s1  }
0x79: {  	s1 =	ssub.s32 @!p0 $0x0, s1;
	[sflag:s0] =	ssyncset.done @!p0 $0x0  }
0x7a: {  	[sflag:s0] =	ssyncadd.s32 @!p0 s1  }
0x7b: {  	[bflag:$0x3] =	sbarrier.arrive $0xFFFF  }
0x7c: {  	_ =	shalt  }

// kernel: kernel.26.cloned.1.call-start
scs
__scs_entry_jumppad:
0x0: {  	(pc) =	sbr.rel $0x88, $3  }
0x1: {  	(tag) =	ssettag $0x0;
	lr =	simm.s32 $0x1  }
0x2: {  	[smem:$0x3F9D] =	sst lr;
	_ =	strace $0xD0000000  }
0x3: {  	_ = 	snop  }
0x4: {  	_ = 	snop  }
0x5: {  	_ = 	snop  }
0x6: {  	_ = 	snop  }
0x7: {  	_ = 	snop  }
__scs_overlays_trampoline_lowered:
0x8: {  	[smem:$0x3FAC] =	sst s0  }
0x9: {  	[smem:$0x3FAD] =	sst s1  }
0xa: {  	[smem:$0x3FAE] =	sst s2  }
0xb: {  	[smem:$0x3FAF] =	sst s3  }
0xc: {  	[smem:$0x3FB0] =	sst s4  }
0xd: {  	[smem:$0x3FB1] =	sst s5  }
0xe: {  	[smem:$0x3FB2] =	sst s6  }
0xf: {  	[smem:$0x3FB3] =	sst s7  }
0x10: {  	[smem:$0x3FB4] =	sst s8  }
0x11: {  	[smem:$0x3FB5] =	sst s9;
	s0 =	simm.s32 @!p0 $0x0  }
0x12: {  	s1 =	sld [smem:$0x3F9B];
	s0 =	simm.s32 @p0 $0x1  }
0x13: {  	[smem:$0x3FB6] =	sst s0;
	s0 =	simm.s32 @!p1 $0x0  }
0x14: {  	s2 =	sld [smem:$0x3F9A];
	s0 =	simm.s32 @p1 $0x1  }
0x15: {  	[smem:$0x3FB7] =	sst s0;
	s0 =	simm.s32 @!p2 $0x0  }
0x16: {  	s3 =	sld [smem:$0x3FDB];
	s0 =	simm.s32 @p2 $0x1  }
0x17: {  	s4 =	simm.s32 $0x1BF5;
	[smem:$0x3FB9] =	sst s0  }
0x18: {  	s0 =	sld [smem:$0x3F9C];
	_ =	swait.ge [sflag:s4], $0x0  }
0x19: {  	s7 =	sld [smem:$0x3F9D]  }
0x1a: {  	s8 =	sadd.s32 $0xFFFFE003, lr  }
0x1b: {  	s9 =	sadd.s32 $0xFFFFFEF7, lr;
	s5 =	simm.s32 $0xFFFFFFFF;
	p2 =	slt.u32 s8, $0xFFFFF086  }
0x1c: {  	p1 =	slt.u32 s9, $0xF7A;
	s5 =	simm.s32 @!p2 $0x0  }
0x1d: {  	s5 =	simm.s32 @p1 $0x1;
	p0 =	seq.s32 s7, s2  }
0x1e: {  	s7 =	smul.u32 @!p0 $0xF7A, s2;
	p2 =	seq.s32 @!p0 s5, $0x0  }
0x1f: {  	s9 =	smul.u32 $0xF7A, s1;
	s8 =	simm.s32 @!p0 $0x1BF5;
	p2 =	por !p2, p0  }
0x20: {  	[sflag:s8] =	ssyncset.s32 @!p0 $0xFFFFF086;
	s6 =	sadd.s32 @!p0 s3, s7;
	s7 =	simm.s32 @!p0 $0x108  }
0x21: {  	s3 =	sadd.s32 s3, s9;
	s6 =	sadd.s32 @!p0 $0x88, s6;
	s7 =	simm.s32 @p2 $0x1082  }
0x22: {  	[simem:s7], [sflag:s8] =	dma.local @!p0 [hbm:s6], $0xF7A  }
0x23: {  	s9 =	sor.u32 $0xD0000000, s2;
	s6 =	simm.s32 $0x108;
	_ =	swait.ge @!p0 [sflag:s8], $0x0  }
0x24: {  	s3 =	sadd.s32 $0x88, s3;
	s6 =	simm.s32 @!p1 $0x1082;
	[sflag:s4] =	ssyncset.s32 $0xFFFFF086  }
0x25: {  	[simem:s6], [sflag:s4] =	dma.local [hbm:s3], $0xF7A  }
0x26: {  	[smem:$0x3F9D] =	sst s1;
	(tag) =	ssettag s2;
	_ =	strace s9  }
0x27: {  	s1 =	sld [smem:$0x3FAD]  }
0x28: {  	s2 =	sld [smem:$0x3FAE]  }
0x29: {  	s4 =	sld [smem:$0x3FB0]  }
0x2a: {  	p0 =	seq.s32 s5, $0x0;
	s5 =	sld [smem:$0x3FB1]  }
0x2b: {  	s6 =	sld [smem:$0x3FB2]  }
0x2c: {  	s7 =	sld [smem:$0x3FB3]  }
0x2d: {  	s3 =	simm.s32 $0x108;
	s8 =	sld [smem:$0x3FB4]  }
0x2e: {  	s3 =	simm.s32 @!p0 $0x1082;
	s9 =	sld [smem:$0x3FB5]  }
0x2f: {  	lr =	sadd.s32 s0, s3;
	s0 =	sld [smem:$0x3FAC]  }
0x30: {  	s3 =	sld [smem:$0x3FAF]  }
0x31: {  	[smem:$0x3FB8] =	sst s10  }
0x32: {  	s10 =	sld [smem:$0x3FB6];
	_ =	sdelay $0x3  }
0x33: {  	p0 =	seq.s32 s10, $0x1;
	s10 =	sld [smem:$0x3FB8];
	_ =	sdelay $0x3  }
0x34: {  	[smem:$0x3FB8] =	sst s10  }
0x35: {  	s10 =	sld [smem:$0x3FB7];
	_ =	sdelay $0x3  }
0x36: {  	p1 =	seq.s32 s10, $0x1;
	s10 =	sld [smem:$0x3FB8];
	_ =	sdelay $0x3  }
0x37: {  	[smem:$0x3FB8] =	sst s10  }
0x38: {  	s10 =	sld [smem:$0x3FB9]  }
0x39: {  	_ = 	snop;
	(pc) =	sbr.ind lr, $3  }
0x3a: {  	_ = 	snop  }
0x3b: {  	_ = 	snop  }
0x3c: {  	p2 =	seq.s32 s10, $0x1;
	s10 =	sld [smem:$0x3FB8]  }
0x3d: {  	_ =	shalt  }
0x3e: {  	_ =	shalt  }
0x3f: {  	_ =	shalt  }
0x40: {  	_ =	shalt  }
0x41: {  	_ =	shalt  }
0x42: {  	_ =	shalt  }
0x43: {  	_ =	shalt  }
0x44: {  	_ =	shalt  }
0x45: {  	_ =	shalt  }
0x46: {  	_ =	shalt  }
0x47: {  	_ =	shalt  }
0x48: {  	_ =	shalt  }
0x49: {  	_ =	shalt  }
0x4a: {  	_ =	shalt  }
0x4b: {  	_ =	shalt  }
0x4c: {  	_ =	shalt  }
0x4d: {  	_ =	shalt  }
0x4e: {  	_ =	shalt  }
0x4f: {  	_ =	shalt  }
0x50: {  	_ =	shalt  }
0x51: {  	_ =	shalt  }
0x52: {  	_ =	shalt  }
0x53: {  	_ =	shalt  }
0x54: {  	_ =	shalt  }
0x55: {  	_ =	shalt  }
0x56: {  	_ =	shalt  }
0x57: {  	_ =	shalt  }
0x58: {  	_ =	shalt  }
0x59: {  	_ =	shalt  }
0x5a: {  	_ =	shalt  }
0x5b: {  	_ =	shalt  }
0x5c: {  	_ =	shalt  }
0x5d: {  	_ =	shalt  }
0x5e: {  	_ =	shalt  }
0x5f: {  	_ =	shalt  }
0x60: {  	_ =	shalt  }
0x61: {  	_ =	shalt  }
0x62: {  	_ =	shalt  }
0x63: {  	_ =	shalt  }
0x64: {  	_ =	shalt  }
0x65: {  	_ =	shalt  }
0x66: {  	_ =	shalt  }
0x67: {  	_ =	shalt  }
0x68: {  	_ =	shalt  }
0x69: {  	_ =	shalt  }
0x6a: {  	_ =	shalt  }
0x6b: {  	_ =	shalt  }
0x6c: {  	_ =	shalt  }
0x6d: {  	_ =	shalt  }
0x6e: {  	_ =	shalt  }
0x6f: {  	_ =	shalt  }
0x70: {  	_ =	shalt  }
0x71: {  	_ =	shalt  }
0x72: {  	_ =	shalt  }
0x73: {  	_ =	shalt  }
0x74: {  	_ =	shalt  }
0x75: {  	_ =	shalt  }
0x76: {  	_ =	shalt  }
0x77: {  	_ =	shalt  }
0x78: {  	_ =	shalt  }
0x79: {  	_ =	shalt  }
0x7a: {  	_ =	shalt  }
0x7b: {  	_ =	shalt  }
0x7c: {  	_ =	shalt  }
0x7d: {  	_ =	shalt  }
0x7e: {  	_ =	shalt  }
0x7f: {  	_ =	shalt  }
0x80: {  	_ =	shalt  }
0x81: {  	_ =	shalt  }
0x82: {  	_ =	shalt  }
0x83: {  	_ =	shalt  }
0x84: {  	_ =	shalt  }
0x85: {  	_ =	shalt  }
0x86: {  	_ =	shalt  }
0x87: {  	_ =	shalt  }
.Lfunc_end0:
.L_simem_size_0:
called_computation.5_lowered:
.L_overlay_start_0:
0x88: {  	s2 =	sld [smem:$0x3FD9]  }
0x89: {  	s3 =	sld [smem:$0x3FFE];
	_ =	sdelay $0x1  }
0x8a: {  	s1 =	srdreg.scid  }
0x8b: {  	s0 =	sand.u32 $0x1, s1  }
0x8c: {  	s15 =	sshll.u32 s0, $0xA;
	s2 =	sadd.s32 s3, s2  }
0x8d: {  	s2 =	sadd.s32 s2, s15  }
0x8e: {  	[smem:$0x3FC4] =	sst s2  }
0x8f: {  	_ = 	snop  }
0x90: {  	s2 =	sld [smem:$0x3FD0];
	_ =	sdelay $0x2  }
0x91: {  	s4 =	simm.s32 $0xB;
	s16 =	simm.s32 $0x10  }
0x92: {  	[smem:s16], [sflag:s4] =	dma.local [hbm:s2], $0x1  }
0x93: {  	_ =	swait.eq [sflag:s4], $0x1  }
0x94: {  	[sflag:s4] =	ssyncset.done $0x0  }
0x95: {  	s17 =	sld [smem:$0x10];
	[sflag:s4] =	ssyncadd.s32 $0xFFFFFFFF  }
0x96: {  	s18 =	sld [smem:$0x11];
	(tm) =	ssettm $0x1  }
0x97: {  	s19 =	sld [smem:$0x3FFB];
	_ =	sdelay $0x3  }
0x98: {  	_ =	strace s19  }
0x99: {  	s2 =	sld [smem:$0x3FFC];
	_ =	sdelay $0x3  }
0x9a: {  	_ =	strace s2  }
0x9b: {  	s2 =	sld [smem:$0x3FFD];
	_ =	sdelay $0x3  }
0x9c: {  	_ =	strace s2  }
0x9d: {  	_ =	strace $0x8FFFFFFF  }
0x9e: {  	s20 =	sld [smem:$0x3FDB];
	_ =	sdelay $0x1  }
0x9f: {  	s5 =	simm.s32 $_scs_section_size  }
0xa0: {  	s6 =	simm.s32 $_size__tile_overlayer_lowered;
	s7 =	simm.s32 $_tile_overlayer_lowered  }
0xa1: {  	s8 =	simm.s32 $0x1BFF;
	s21 =	sshll.u32 s7, $0x1;
	s5 =	sadd.s32 s5, s20  }
0xa2: {  	s22 =	simm.s32 $0x0;
	s6 =	sshll.u32 s6, $0x1;
	s7 =	sadd.s32 s21, s5  }
0xa3: {  	[timem:s22], [sflag:s8] =	dma.local [hbm:s7], s6  }
0xa4: {  	_ =	swait.ge [sflag:s8], s6  }
0xa5: {  	s6 =	ssub.s32 $0x0, s6;
	[sflag:s8] =	ssyncset.done $0x0  }
0xa6: {  	[sflag:s8] =	ssyncadd.s32 s6;
	_ =	sdelay $0x1  }
0xa7: {  	s23 =	simm.s32 $0x1B8B  }
0xa8: {  	_ =	swait.ge [sflag:s23], $0x1  }
0xa9: {  	[sflag:s23] =	ssyncset.done $0x0  }
0xaa: {  	[sflag:s23] =	ssyncadd.s32 $0xFFFFFFFF  }
0xab: {  	s6 =	sld [smem:$0x0]  }
0xac: {  	s7 =	sand.u32 $0xFFFFFFFE, s1  }
0xad: {  	p0 =	sne.s32 s1, s7  }
0xae: {  	s7 =	sshll.u32 @p0 s7, $0xE  }
0xaf: {  	s7 =	sadd.s32 @p0 $0x11B8D, s7;
	s8 =	sshll.u32 @p0 s6, $0x11  }
0xb0: {  	s7 =	sor.u32 @p0 s8, s7  }
0xb1: {  	[sflag:s7] =	ssyncadd.remote.s32 @p0 $0x1;
	_ =	sdelay $0x1  }
0xb2: {  	s7 =	simm.s32 @p0 $0x1B8D  }
0xb3: {  	_ =	swait.eq @p0 [sflag:s7], $0x1  }
0xb4: {  	[sflag:s7] =	ssyncadd.s32 @p0 $0xFFFFFFFF  }
0xb5: {  	s8 =	sshll.u32 @!p0 s1, $0xE  }
0xb6: {  	s8 =	sor.u32 @!p0 $0x4000, s8;
	s7 =	simm.s32 @!p0 $0x1B8D  }
0xb7: {  	s6 =	sshll.u32 @!p0 s6, $0x11;
	s8 =	sadd.s32 @!p0 $0x11B8D, s8;
	_ =	swait.eq @!p0 [sflag:s7], $0x1  }
0xb8: {  	s6 =	sor.u32 @!p0 s6, s8;
	[sflag:s7] =	ssyncadd.s32 @!p0 $0xFFFFFFFF  }
0xb9: {  	s25 =	simm.s32 $0x1B8E;
	s24 =	sld [smem:$0x3FFE];
	[sflag:s6] =	ssyncadd.remote.s32 @!p0 $0x1  }
0xba: {  	s26 =	simm.s32 $execute0_lowered;
	[smem:$0x3FD2] =	sst s25  }
0xbb: {  	s7 =	sshll.u32 s26, $0x1;
	_ =	strace $0x80000055;
	[dreg:$0x1] =	wrdreg $0xFFFFFFFF  }
0xbc: {  	s28 =	simm.s32 $_size_execute0_lowered;
	s5 =	sadd.s32 s5, s7;
	[dreg:$0x0] =	wrdreg $0x0  }
0xbd: {  	s7 =	sshll.u32 s28, $0x1;
	[dreg:$0x2] =	wrdreg s5  }
0xbe: {  	[dreg:$0x3] =	wrdreg s7  }
0xbf: {  	[dreg:$0x4] =	wrdreg $0xC0  }
0xc0: {  	_ =	task [dreg:s22], $0x5FFFF  }
0xc1: {  	[dreg:$0x1] =	wrdreg $0xFFFFFFFF  }
0xc2: {  	[dreg:$0x0] =	wrdreg $0x60  }
0xc3: {  	[dreg:$0x2] =	wrdreg s17  }
0xc4: {  	[dreg:$0x3] =	wrdreg s24  }
0xc5: {  	[dreg:$0x4] =	wrdreg s18  }
0xc6: {  	[dreg:$0x5] =	wrdreg $0x58000  }
0xc7: {  	[dreg:$0x6] =	wrdreg $0x9  }
0xc8: {  	_ =	task.clear_ibuf [dreg:s22], $0x7FFFF;
	_ =	strace $0x90000055  }
0xc9: {  	s29 =	simm.s32 $0x9;
	_ =	strace $0x80000057  }
0xca: {  	_ =	swait.ge [sflag:s29], $0x1  }
0xcb: {  	[sflag:s29] =	ssyncadd.s32 $0xFFFFFFFF  }
0xcc: {  	_ =	strace $0x90000057  }
0xcd: {  	_ =	sfence  }
0xce: {  	s30 =	sld [smem:$0x0];
	_ =	sdelay $0x2  }
0xcf: {  	s31 =	sshll.u32 s1, $0xD;
	s1 =	sshrl.u32 s1, $0x2  }
0xd0: {  	s4 =	sand.u32 $0x4000, s31;
	s1 =	sadd.s32 s1, s30  }
0xd1: {  	s0 =	sor.u32 s4, s0;
	s1 =	sshll.u32 s1, $0x11  }
0xd2: {  	s0 =	sor.u32 s1, s0  }
0xd3: {  	s0 =	sadd.s32 $0x8F2B, s0  }
0xd4: {  	[sflag:s0] =	ssyncadd.remote.s32 $0x1  }
0xd5: {  	_ =	sfence.sel $0xFFFF  }
0xd6: {  	[dreg:$0x0] =	wrdreg $0xFFFFFFFF;
	(pc) =	sbr.abs _section_cstart, $3  }
0xd7: {  	[dreg:$0x1] =	wrdreg $0xFFFFFFFF  }
0xd8: {  	_ =	task.clear_ibuf [dreg:s22], $0x2FFFF;
	_ =	strace $0x9FFFFFFF  }
0xd9: {  	(tm) =	ssettm $0x7FFFFFFF  }
tec
execute0_lowered:
.L_overlay_start_1:
0x0: {  	(tag) =	ssettag $0x1  }
0x1: {  	s1 =	rddreg [dreg:$0x0]  }
0x2: {  	s0 =	rddreg [dreg:$0x1]  }
0x3: {  	s3 =	rddreg [dreg:$0x2]  }
0x4: {  	s2 =	rddreg [dreg:$0x3]  }
0x5: {  	s4 =	simm.s32 $0x0;
	s6 =	srdreg.scid;
	s16 =	stileid.u32  }
0x6: {  	s18 =	simm.s32 $0x5;
	s10 =	sand.u32 $0x1, s6;
	s6 =	smul.u32 $0x190, s16  }
0x7: {  	s22 =	simm.s32 $0x3;
	s23 =	simm.s32 $0x4;
	s11 =	smul.u32 $0x34000, s16  }
0x8: {  	s30 =	simm.s32 $0x3800;
	s31 =	simm.s32 $0x1;
	s13 =	smul.u32 $0x1900, s16  }
0x9: {  	[smem:$0x7FF] =	sst s4;
	s5 =	sadd.s32 $0x53000, s0;
	s15 =	smul.u32 $0x1880, s16  }
0xa: {  	s7 =	sadd.s32 $0x85000, s0;
	s26 =	sshll.u32 s16, $0x6;
	s16 =	smul.u32 $0x31000, s16  }
0xb: {  	s8 =	sadd.s32 $0xA2C00, s0;
	_ =	strace $0x80000056;
	s12 =	smul.u32 $0x1900, s10  }
0xc: {  	s9 =	ssub.s32 $0x2, s10;
	s14 =	smul.u32 $0x18800, s10;
	s10 =	sor.u32 $0x1C05, s26  }
0xd: {  	s24 =	sshrl.u32 s9, $0x1;
	s25 =	sshrl.u32 s11, $0x2;
	s29 =	sshrl.u32 s16, $0x2  }
0xe: {  	s0 =	ssub.s32 s9, s24;
	s17 =	sadd.s32 s25, s2;
	s9 =	sadd.s32 s6, s12  }
.Ltmp0:
0xf: {  	s12 =	sadd.s32 s7, s13;
	s15 =	sadd.s32 s15, s14;
	(pc) =	sbr.rel .LBB2_1-.Ltmp0, $4  }
0x10: {  	s24 =	simm.s32 $0x80;
	s28 =	sshll.u32 s9, $0x4;
	s14 =	sadd.s32 $0x80, s12  }
0x11: {  	s15 =	sadd.s32 s3, s15;
	s3 =	sadd.s32 s29, s2;
	s16 =	smax.u32 s0, $0x1  }
0x12: {  	s17 =	sshrl.u32 s17, $0x3;
	s0 =	simm.s32 $0x2;
	s11 =	sadd.s32 s5, s28  }
0x13: {  	s25 =	sshrl.u32 s3, $0x3;
	s3 =	simm.s32 $0x0;
	s13 =	sadd.s32 $0x80, s11  }
.LBB2_7:
0x14: {  	_ =	swait.ge [sflag:s0], $0x1000  }
0x15: {  	s3 =	sadd.s32 $0x1, s3;
	[sflag:s0] =	ssyncset.done $0x0  }
0x16: {  	p0 =	sne.s32 s3, s16;
	[sflag:s0] =	ssyncadd.s32 $0xFFFFF000  }
.Ltmp1:
0x17: {  	[bflag:$0x0] =	sbarrier.arrive $0xFFFF;
	(pc) =	sbr.rel @!p0 .LBB2_8-.Ltmp1, $4  }
0x18: {  	[hbm:s15], [sflag:s10] =	dma.local [spmem:s25], $0x1880  }
0x19: {  	_ =	swait.ge [sflag:s18], $0x1880  }
0x1a: {  	[sflag:s18] =	ssyncset.done $0x0  }
0x1b: {  	[sflag:s18] =	ssyncadd.s32 $0xFFFFE780  }
.LBB2_1:
0x1c: {  	[spmem:s17], [sflag:s10] =	dma.local [hbm:s8], $0x1A00  }
0x1d: {  	_ =	swait.ge [sflag:s18], $0x1A00  }
0x1e: {  	[sflag:s18] =	ssyncset.done $0x0  }
0x1f: {  	[sflag:s18] =	ssyncadd.s32 $0xFFFFE600  }
0x20: {  	[tilespmem:s4], [sflag:$0x3] =	stream.linear.gather [hbm4b:s11+s4], $0x400, $0x38;
	[tilespmem:$0x12800] =	vst v63  }
0x21: {  	s19 =	simm.s32 $0xC00  }
0x22: {  	[tilespmem:s19], [sflag:$0x4] =	stream.linear.gather [hbm4b:s12+s4], $0x400, $0x38;
	[tilespmem:$0x12800] =	vst v63  }
0x23: {  	s20 =	simm.s32 $0x400  }
0x24: {  	[tilespmem:s20], [sflag:$0x3] =	stream.linear.gather [hbm4b:s13+s4], $0x400, $0x38;
	[tilespmem:$0x12800] =	vst v63  }
0x25: {  	s21 =	simm.s32 $0x1000  }
0x26: {  	[tilespmem:s21], [sflag:$0x4] =	stream.linear.gather [hbm4b:s14+s4], $0x400, $0x38;
	[tilespmem:$0x12800] =	vst v63  }
0x27: {  	_ =	swait.ge [sflag:s22], $0x400  }
0x28: {  	[sflag:s22] =	ssyncset.done $0x0  }
0x29: {  	[sflag:s22] =	ssyncadd.s32 $0xFFFFFC00  }
0x2a: {  	_ =	swait.ge [sflag:s23], $0x400  }
0x2b: {  	[sflag:s23] =	ssyncset.done $0x0  }
0x2c: {  	[sflag:s23] =	ssyncadd.s32 $0xFFFFFC00  }
0x2d: {  	s26 =	simm.s32 $0x1800;
	[bflag:$0x0] =	sbarrier.arrive $0xFFFF  }
0x2e: {  	[tilespmem:s26], [sflag:$0x1] =	stream.indirect.gather [hbm4b:s1+s24], $0x20, s4, s24, $0xb8;
	[tilespmem:$0x12800] =	vst v63  }
.Ltmp2:
0x2f: {  	_ = 	snop;
	(pc) =	sbr.rel .LBB2_2-.Ltmp2, $4  }
0x30: {  	s28 =	simm.s32 $0x2800  }
0x31: {  	[tilespmem:s28], [sflag:$0x1] =	stream.indirect.gather [hbm4b:s1+s24], $0x20, s24, s24, $0xb8;
	[tilespmem:$0x12800] =	vst v63  }
0x32: {  	s29 =	simm.s32 $0x100;
	s19 =	simm.s32 $0xC000;
	s20 =	simm.s32 $0x0  }
0x33: {  	[tilespmem:s30], [sflag:$0x1] =	stream.indirect.gather [hbm4b:s1+s24], $0x20, s29, s24, $0xb8;
	[tilespmem:$0x12800] =	vst v63  }
.LBB2_3:
0x34: {  	s21 =	sshrl.u32 @!p0 s20, $0x3  }
0x35: {  	s21 =	simm.s32 @p0 $0x0;
	p0 =	sgt.u32 s20, $0x17F  }
0x36: {  	s21 =	sadd.s32 @!p0 $0x2, s21  }
0x37: {  	s26 =	sand.u32 @!p0 $0xFF, s21  }
0x38: {  	s26 =	smul.u32 @!p0 $0xAB, s26  }
0x39: {  	_ =	swait.ge [sflag:s22], $0x400  }
0x3a: {  	[sflag:s22] =	ssyncset.done $0x0;
	s26 =	sshrl.u32 @!p0 s26, $0x9  }
0x3b: {  	[sflag:s22] =	ssyncadd.s32 $0xFFFFFC00;
	s28 =	sshll.u32 @!p0 s21, $0x3;
	s26 =	smul.u32 @!p0 $0x3, s26  }
0x3c: {  	_ =	swait.ge [sflag:s23], $0x400;
	s29 =	sadd.s32 @!p0 s9, s28  }
0x3d: {  	[sflag:s23] =	ssyncset.done $0x0;
	s21 =	ssub.s32 @!p0 s21, s26;
	s26 =	sshll.u32 @!p0 s29, $0x4  }
0x3e: {  	[sflag:s23] =	ssyncadd.s32 $0xFFFFFC00;
	s21 =	sand.u32 @!p0 $0xFF, s21;
	s26 =	sand.u32 @!p0 $0x1FFFFF80, s26  }
0x3f: {  	s29 =	simm.s32 @!p0 $0x0;
	s21 =	sshll.u32 @!p0 s21, $0xA;
	s26 =	sadd.s32 @!p0 s5, s26  }
0x40: {  	[tilespmem:s21], [sflag:$0x3] =	stream.linear.gather @!p0 [hbm4b:s26+s29], $0x400, $0x38;
	[tilespmem:$0x12800] =	vst v63  }
0x41: {  	s26 =	sadd.s32 @!p0 s6, s28  }
0x42: {  	s26 =	sshll.u32 @!p0 s26, $0x4  }
0x43: {  	s26 =	sand.u32 @!p0 $0x1FFFFF80, s26  }
0x44: {  	s21 =	sadd.s32 @!p0 $0xC00, s21;
	s26 =	sadd.s32 @!p0 s7, s26  }
0x45: {  	[tilespmem:s21], [sflag:$0x4] =	stream.linear.gather @!p0 [hbm4b:s26+s29], $0x400, $0x38;
	[tilespmem:$0x12800] =	vst v63  }
.LBB2_5:
0x46: {  	s21 =	sadd.s32 $0x3, s20  }
0x47: {  	s26 =	smul.u32 $0xAAAB, s21;
	_ =	sdelay $0x1  }
0x48: {  	s26 =	sshrl.u32 s26, $0x14  }
0x49: {  	s26 =	smul.u32 $0x18, s26;
	_ =	sdelay $0x1  }
0x4a: {  	s29 =	sand.u32 $0xC000, s19;
	s21 =	ssub.s32 s21, s26  }
0x4b: {  	s26 =	sshrl.u32 s29, $0x2;
	s21 =	sshll.u32 s21, $0x7  }
0x4c: {  	s26 =	sadd.s32 $0x1800, s26;
	s21 =	sand.u32 $0x3F80, s21  }
0x4d: {  	[tilespmem:s26], [sflag:$0x1] =	stream.indirect.gather [hbm4b:s1+s24], $0x20, s21, s24, $0xb8;
	[tilespmem:$0x12800] =	vst v63  }
.LBB2_6:
0x4e: {  	s20 =	sadd.s32 $0x1, s20  }
0x4f: {  	p0 =	sne.s32 s20, $0x190  }
.Ltmp3:
0x50: {  	_ = 	snop;
	(pc) =	sbr.rel @!p0 .LBB2_7-.Ltmp3, $2  }
0x51: {  	_ =	sdelay $0x2  }
0x52: {  	s19 =	sadd.s32 $0x4000, s19  }
.LBB2_2:
0x53: {  	s21 =	smul.u32 $0xAAAB, s20;
	_ =	sdelay $0x1  }
0x54: {  	s21 =	sshrl.u32 s21, $0x14  }
0x55: {  	s21 =	smul.u32 $0x18, s21;
	_ =	sdelay $0x1  }
0x56: {  	s26 =	sadd.s32 $0xFFFF4000, s19;
	_ =	swait.ge [sflag:s31], $0x1000;
	s21 =	ssub.s32 s20, s21  }
0x57: {  	p0 =	seq.s32 s20, $0x0;
	s26 =	sand.u32 $0xC000, s26;
	s21 =	sshll.u32 s21, $0x7  }
0x58: {  	[sflag:s31] =	ssyncset.done $0x0;
	s26 =	sshrl.u32 s26, $0x2;
	s21 =	sand.u32 $0x3F80, s21  }
0x59: {  	[sflag:s31] =	ssyncadd.s32 $0xFFFFF000;
	s26 =	sadd.s32 $0x1800, s26;
	s21 =	sadd.s32 $0xC00, s21  }
0x5a: {  	[spmem:s2] =	stream.indirect.scatter.add.f32 [tilespmem:s26], [sflag:$0x2], $0x20, s21, s24, $0xb8;
	[tilespmem:$0x12800] =	vst v63  }
0x5b: {  	s21 =	sand.u32 @!p0 $0x7, s20  }
0x5c: {  	p1 =	sne.s32 @!p0 s21, $0x0  }
0x5d: {  	p2 =	por p1, p0  }
0x5e: {  	p2 =	sgt.u32 @!p2 s20, $0x187  }
0x5f: {  	p1 =	por @!p0 p1, p2  }
0x60: {  	p1 =	por p0, !p1  }
.Ltmp4:
0x61: {  	_ = 	snop;
	(pc) =	sbr.rel @p1 .LBB2_3-.Ltmp4, $4  }
0x62: {  	s21 =	simm.s32 @!p0 $0x2  }
0x63: {  	_ =	swait.ge @!p0 [sflag:s21], $0x1000  }
0x64: {  	[sflag:s21] =	ssyncset.done @!p0 $0x0  }
0x65: {  	[sflag:s21] =	ssyncadd.s32 @!p0 $0xFFFFF000  }
0x66: {  	p0 =	sgt.u32 s20, $0x18C  }
.Ltmp5:
0x67: {  	_ = 	snop;
	(pc) =	sbr.rel @p0 .LBB2_6-.Ltmp5, $4  }
.Ltmp6:
0x68: {  	_ = 	snop;
	(pc) =	sbr.rel @!p0 .LBB2_5-.Ltmp6, $4  }
0x69: {  	_ = 	snop  }
0x6a: {  	_ = 	snop  }
0x6b: {  	_ = 	snop  }
0x6c: {  	_ = 	snop  }
.LBB2_8:
0x6d: {  	_ =	sfence.sel $0x180000  }
0x6e: {  	[bflag:$0x0] =	sbarrier.arrive $0xFFFF  }
0x6f: {  	_ =	strace $0x90000056  }
0x70: {  	s0 =	stileid.u32;
	[bflag:$0x2] =	sbarrier.arrive $0xFFFF  }
0x71: {  	p0 =	sne.s32 s0, $0x0;
	s0 =	rddreg [dreg:$0x4]  }
0x72: {  	s0 =	sadd.s32 @!p0 $0x100000, s0  }
0x73: {  	[sflag:s0] =	ssyncadd.tile.s32 @!p0 $0x1;
	_ =	shalt  }
.Lfunc_end2:
_tile_overlayer_lowered:
.L_overlay_start_2:
0x74: {  	(tag) =	ssettag $0x2  }
0x75: {  	s0 =	rddreg [dreg:$0x0];
	s2 =	stileid.u32  }
0x76: {  	s1 =	rddreg [dreg:$0x1];
	p0 =	sne.s32 s2, $0x0  }
0x77: {  	s3 =	rddreg [dreg:$0x2];
	[bflag:$0x3] =	sbarrier.arrive $0xFFFF;
	s2 =	simm.s32 @!p0 $0x1C05  }
0x78: {  	[timem:s3], [sflag:s2] =	dma.local @!p0 [hbm:s0], s1  }
0x79: {  	s0 =	simm.s32 @!p0 $0x5  }
0x7a: {  	_ =	swait.ge @!p0 [sflag:s0], s1  }
0x7b: {  	s1 =	ssub.s32 @!p0 $0x0, s1;
	[sflag:s0] =	ssyncset.done @!p0 $0x0  }
0x7c: {  	[sflag:s0] =	ssyncadd.s32 @!p0 s1  }
0x7d: {  	[bflag:$0x3] =	sbarrier.arrive $0xFFFF  }
0x7e: {  	_ =	shalt  }

// kernel: kernel.29.cloned.1.call-start
scs
__scs_entry_jumppad:
0x0: {  	(pc) =	sbr.rel $0x88, $3  }
0x1: {  	(tag) =	ssettag $0x0;
	lr =	simm.s32 $0x1  }
0x2: {  	[smem:$0x3F9D] =	sst lr;
	_ =	strace $0xD0000000  }
0x3: {  	_ = 	snop  }
0x4: {  	_ = 	snop  }
0x5: {  	_ = 	snop  }
0x6: {  	_ = 	snop  }
0x7: {  	_ = 	snop  }
__scs_overlays_trampoline_lowered:
0x8: {  	[smem:$0x3FAC] =	sst s0  }
0x9: {  	[smem:$0x3FAD] =	sst s1  }
0xa: {  	[smem:$0x3FAE] =	sst s2  }
0xb: {  	[smem:$0x3FAF] =	sst s3  }
0xc: {  	[smem:$0x3FB0] =	sst s4  }
0xd: {  	[smem:$0x3FB1] =	sst s5  }
0xe: {  	[smem:$0x3FB2] =	sst s6  }
0xf: {  	[smem:$0x3FB3] =	sst s7  }
0x10: {  	[smem:$0x3FB4] =	sst s8  }
0x11: {  	[smem:$0x3FB5] =	sst s9;
	s0 =	simm.s32 @!p0 $0x0  }
0x12: {  	s1 =	sld [smem:$0x3F9B];
	s0 =	simm.s32 @p0 $0x1  }
0x13: {  	[smem:$0x3FB6] =	sst s0;
	s0 =	simm.s32 @!p1 $0x0  }
0x14: {  	s2 =	sld [smem:$0x3F9A];
	s0 =	simm.s32 @p1 $0x1  }
0x15: {  	[smem:$0x3FB7] =	sst s0;
	s0 =	simm.s32 @!p2 $0x0  }
0x16: {  	s3 =	sld [smem:$0x3FDB];
	s0 =	simm.s32 @p2 $0x1  }
0x17: {  	s4 =	simm.s32 $0x1BF5;
	[smem:$0x3FB9] =	sst s0  }
0x18: {  	s0 =	sld [smem:$0x3F9C];
	_ =	swait.ge [sflag:s4], $0x0  }
0x19: {  	s7 =	sld [smem:$0x3F9D]  }
0x1a: {  	s8 =	sadd.s32 $0xFFFFE003, lr  }
0x1b: {  	s9 =	sadd.s32 $0xFFFFFEF7, lr;
	s5 =	simm.s32 $0xFFFFFFFF;
	p2 =	slt.u32 s8, $0xFFFFF086  }
0x1c: {  	p1 =	slt.u32 s9, $0xF7A;
	s5 =	simm.s32 @!p2 $0x0  }
0x1d: {  	s5 =	simm.s32 @p1 $0x1;
	p0 =	seq.s32 s7, s2  }
0x1e: {  	s7 =	smul.u32 @!p0 $0xF7A, s2;
	p2 =	seq.s32 @!p0 s5, $0x0  }
0x1f: {  	s9 =	smul.u32 $0xF7A, s1;
	s8 =	simm.s32 @!p0 $0x1BF5;
	p2 =	por !p2, p0  }
0x20: {  	[sflag:s8] =	ssyncset.s32 @!p0 $0xFFFFF086;
	s6 =	sadd.s32 @!p0 s3, s7;
	s7 =	simm.s32 @!p0 $0x108  }
0x21: {  	s3 =	sadd.s32 s3, s9;
	s6 =	sadd.s32 @!p0 $0x88, s6;
	s7 =	simm.s32 @p2 $0x1082  }
0x22: {  	[simem:s7], [sflag:s8] =	dma.local @!p0 [hbm:s6], $0xF7A  }
0x23: {  	s9 =	sor.u32 $0xD0000000, s2;
	s6 =	simm.s32 $0x108;
	_ =	swait.ge @!p0 [sflag:s8], $0x0  }
0x24: {  	s3 =	sadd.s32 $0x88, s3;
	s6 =	simm.s32 @!p1 $0x1082;
	[sflag:s4] =	ssyncset.s32 $0xFFFFF086  }
0x25: {  	[simem:s6], [sflag:s4] =	dma.local [hbm:s3], $0xF7A  }
0x26: {  	[smem:$0x3F9D] =	sst s1;
	(tag) =	ssettag s2;
	_ =	strace s9  }
0x27: {  	s1 =	sld [smem:$0x3FAD]  }
0x28: {  	s2 =	sld [smem:$0x3FAE]  }
0x29: {  	s4 =	sld [smem:$0x3FB0]  }
0x2a: {  	p0 =	seq.s32 s5, $0x0;
	s5 =	sld [smem:$0x3FB1]  }
0x2b: {  	s6 =	sld [smem:$0x3FB2]  }
0x2c: {  	s7 =	sld [smem:$0x3FB3]  }
0x2d: {  	s3 =	simm.s32 $0x108;
	s8 =	sld [smem:$0x3FB4]  }
0x2e: {  	s3 =	simm.s32 @!p0 $0x1082;
	s9 =	sld [smem:$0x3FB5]  }
0x2f: {  	lr =	sadd.s32 s0, s3;
	s0 =	sld [smem:$0x3FAC]  }
0x30: {  	s3 =	sld [smem:$0x3FAF]  }
0x31: {  	[smem:$0x3FB8] =	sst s10  }
0x32: {  	s10 =	sld [smem:$0x3FB6];
	_ =	sdelay $0x3  }
0x33: {  	p0 =	seq.s32 s10, $0x1;
	s10 =	sld [smem:$0x3FB8];
	_ =	sdelay $0x3  }
0x34: {  	[smem:$0x3FB8] =	sst s10  }
0x35: {  	s10 =	sld [smem:$0x3FB7];
	_ =	sdelay $0x3  }
0x36: {  	p1 =	seq.s32 s10, $0x1;
	s10 =	sld [smem:$0x3FB8];
	_ =	sdelay $0x3  }
0x37: {  	[smem:$0x3FB8] =	sst s10  }
0x38: {  	s10 =	sld [smem:$0x3FB9]  }
0x39: {  	_ = 	snop;
	(pc) =	sbr.ind lr, $3  }
0x3a: {  	_ = 	snop  }
0x3b: {  	_ = 	snop  }
0x3c: {  	p2 =	seq.s32 s10, $0x1;
	s10 =	sld [smem:$0x3FB8]  }
0x3d: {  	_ =	shalt  }
0x3e: {  	_ =	shalt  }
0x3f: {  	_ =	shalt  }
0x40: {  	_ =	shalt  }
0x41: {  	_ =	shalt  }
0x42: {  	_ =	shalt  }
0x43: {  	_ =	shalt  }
0x44: {  	_ =	shalt  }
0x45: {  	_ =	shalt  }
0x46: {  	_ =	shalt  }
0x47: {  	_ =	shalt  }
0x48: {  	_ =	shalt  }
0x49: {  	_ =	shalt  }
0x4a: {  	_ =	shalt  }
0x4b: {  	_ =	shalt  }
0x4c: {  	_ =	shalt  }
0x4d: {  	_ =	shalt  }
0x4e: {  	_ =	shalt  }
0x4f: {  	_ =	shalt  }
0x50: {  	_ =	shalt  }
0x51: {  	_ =	shalt  }
0x52: {  	_ =	shalt  }
0x53: {  	_ =	shalt  }
0x54: {  	_ =	shalt  }
0x55: {  	_ =	shalt  }
0x56: {  	_ =	shalt  }
0x57: {  	_ =	shalt  }
0x58: {  	_ =	shalt  }
0x59: {  	_ =	shalt  }
0x5a: {  	_ =	shalt  }
0x5b: {  	_ =	shalt  }
0x5c: {  	_ =	shalt  }
0x5d: {  	_ =	shalt  }
0x5e: {  	_ =	shalt  }
0x5f: {  	_ =	shalt  }
0x60: {  	_ =	shalt  }
0x61: {  	_ =	shalt  }
0x62: {  	_ =	shalt  }
0x63: {  	_ =	shalt  }
0x64: {  	_ =	shalt  }
0x65: {  	_ =	shalt  }
0x66: {  	_ =	shalt  }
0x67: {  	_ =	shalt  }
0x68: {  	_ =	shalt  }
0x69: {  	_ =	shalt  }
0x6a: {  	_ =	shalt  }
0x6b: {  	_ =	shalt  }
0x6c: {  	_ =	shalt  }
0x6d: {  	_ =	shalt  }
0x6e: {  	_ =	shalt  }
0x6f: {  	_ =	shalt  }
0x70: {  	_ =	shalt  }
0x71: {  	_ =	shalt  }
0x72: {  	_ =	shalt  }
0x73: {  	_ =	shalt  }
0x74: {  	_ =	shalt  }
0x75: {  	_ =	shalt  }
0x76: {  	_ =	shalt  }
0x77: {  	_ =	shalt  }
0x78: {  	_ =	shalt  }
0x79: {  	_ =	shalt  }
0x7a: {  	_ =	shalt  }
0x7b: {  	_ =	shalt  }
0x7c: {  	_ =	shalt  }
0x7d: {  	_ =	shalt  }
0x7e: {  	_ =	shalt  }
0x7f: {  	_ =	shalt  }
0x80: {  	_ =	shalt  }
0x81: {  	_ =	shalt  }
0x82: {  	_ =	shalt  }
0x83: {  	_ =	shalt  }
0x84: {  	_ =	shalt  }
0x85: {  	_ =	shalt  }
0x86: {  	_ =	shalt  }
0x87: {  	_ =	shalt  }
.Lfunc_end0:
.L_simem_size_0:
called_computation.6_lowered:
.L_overlay_start_0:
0x88: {  	s2 =	sld [smem:$0x3FD9]  }
0x89: {  	s3 =	sld [smem:$0x3FFE];
	_ =	sdelay $0x1  }
0x8a: {  	s1 =	srdreg.scid  }
0x8b: {  	s0 =	sand.u32 $0x1, s1  }
0x8c: {  	s15 =	sshll.u32 s0, $0xA;
	s2 =	sadd.s32 s3, s2  }
0x8d: {  	s2 =	sadd.s32 s2, s15  }
0x8e: {  	[smem:$0x3FC4] =	sst s2  }
0x8f: {  	_ = 	snop  }
0x90: {  	s2 =	sld [smem:$0x3FD0];
	_ =	sdelay $0x2  }
0x91: {  	s4 =	simm.s32 $0xB;
	s16 =	simm.s32 $0x10  }
0x92: {  	[smem:s16], [sflag:s4] =	dma.local [hbm:s2], $0x1  }
0x93: {  	_ =	swait.eq [sflag:s4], $0x1  }
0x94: {  	[sflag:s4] =	ssyncset.done $0x0  }
0x95: {  	s17 =	sld [smem:$0x10];
	[sflag:s4] =	ssyncadd.s32 $0xFFFFFFFF  }
0x96: {  	s18 =	sld [smem:$0x11];
	(tm) =	ssettm $0x1  }
0x97: {  	s19 =	sld [smem:$0x3FFB];
	_ =	sdelay $0x3  }
0x98: {  	_ =	strace s19  }
0x99: {  	s2 =	sld [smem:$0x3FFC];
	_ =	sdelay $0x3  }
0x9a: {  	_ =	strace s2  }
0x9b: {  	s2 =	sld [smem:$0x3FFD];
	_ =	sdelay $0x3  }
0x9c: {  	_ =	strace s2  }
0x9d: {  	_ =	strace $0x8FFFFFFF  }
0x9e: {  	s20 =	sld [smem:$0x3FDB];
	_ =	sdelay $0x1  }
0x9f: {  	s5 =	simm.s32 $_scs_section_size  }
0xa0: {  	s6 =	simm.s32 $_size__tile_overlayer_lowered;
	s7 =	simm.s32 $_tile_overlayer_lowered  }
0xa1: {  	s8 =	simm.s32 $0x1BFF;
	s21 =	sshll.u32 s7, $0x1;
	s5 =	sadd.s32 s5, s20  }
0xa2: {  	s22 =	simm.s32 $0x0;
	s6 =	sshll.u32 s6, $0x1;
	s7 =	sadd.s32 s21, s5  }
0xa3: {  	[timem:s22], [sflag:s8] =	dma.local [hbm:s7], s6  }
0xa4: {  	_ =	swait.ge [sflag:s8], s6  }
0xa5: {  	s6 =	ssub.s32 $0x0, s6;
	[sflag:s8] =	ssyncset.done $0x0  }
0xa6: {  	[sflag:s8] =	ssyncadd.s32 s6;
	_ =	sdelay $0x1  }
0xa7: {  	s23 =	simm.s32 $0x1B8B  }
0xa8: {  	_ =	swait.ge [sflag:s23], $0x1  }
0xa9: {  	[sflag:s23] =	ssyncset.done $0x0  }
0xaa: {  	[sflag:s23] =	ssyncadd.s32 $0xFFFFFFFF  }
0xab: {  	s6 =	sld [smem:$0x0]  }
0xac: {  	s7 =	sand.u32 $0xFFFFFFFE, s1  }
0xad: {  	p0 =	sne.s32 s1, s7  }
0xae: {  	s7 =	sshll.u32 @p0 s7, $0xE  }
0xaf: {  	s7 =	sadd.s32 @p0 $0x11B8D, s7;
	s8 =	sshll.u32 @p0 s6, $0x11  }
0xb0: {  	s7 =	sor.u32 @p0 s8, s7  }
0xb1: {  	[sflag:s7] =	ssyncadd.remote.s32 @p0 $0x1;
	_ =	sdelay $0x1  }
0xb2: {  	s7 =	simm.s32 @p0 $0x1B8D  }
0xb3: {  	_ =	swait.eq @p0 [sflag:s7], $0x1  }
0xb4: {  	[sflag:s7] =	ssyncadd.s32 @p0 $0xFFFFFFFF  }
0xb5: {  	s8 =	sshll.u32 @!p0 s1, $0xE  }
0xb6: {  	s8 =	sor.u32 @!p0 $0x4000, s8;
	s7 =	simm.s32 @!p0 $0x1B8D  }
0xb7: {  	s6 =	sshll.u32 @!p0 s6, $0x11;
	s8 =	sadd.s32 @!p0 $0x11B8D, s8;
	_ =	swait.eq @!p0 [sflag:s7], $0x1  }
0xb8: {  	s6 =	sor.u32 @!p0 s6, s8;
	[sflag:s7] =	ssyncadd.s32 @!p0 $0xFFFFFFFF  }
0xb9: {  	s25 =	simm.s32 $0x1B8E;
	s24 =	sld [smem:$0x3FFE];
	[sflag:s6] =	ssyncadd.remote.s32 @!p0 $0x1  }
0xba: {  	s26 =	simm.s32 $execute0_lowered;
	[smem:$0x3FD2] =	sst s25  }
0xbb: {  	s7 =	sshll.u32 s26, $0x1;
	_ =	strace $0x8000005B;
	[dreg:$0x1] =	wrdreg $0xFFFFFFFF  }
0xbc: {  	s28 =	simm.s32 $_size_execute0_lowered;
	s5 =	sadd.s32 s5, s7;
	[dreg:$0x0] =	wrdreg $0x0  }
0xbd: {  	s7 =	sshll.u32 s28, $0x1;
	[dreg:$0x2] =	wrdreg s5  }
0xbe: {  	[dreg:$0x3] =	wrdreg s7  }
0xbf: {  	[dreg:$0x4] =	wrdreg $0xC0  }
0xc0: {  	_ =	task [dreg:s22], $0x5FFFF  }
0xc1: {  	[dreg:$0x1] =	wrdreg $0xFFFFFFFF  }
0xc2: {  	[dreg:$0x0] =	wrdreg $0x60  }
0xc3: {  	[dreg:$0x2] =	wrdreg s18  }
0xc4: {  	[dreg:$0x3] =	wrdreg s24  }
0xc5: {  	[dreg:$0x4] =	wrdreg s17  }
0xc6: {  	[dreg:$0x5] =	wrdreg $0x58000  }
0xc7: {  	[dreg:$0x6] =	wrdreg $0x9  }
0xc8: {  	_ =	task.clear_ibuf [dreg:s22], $0x7FFFF;
	_ =	strace $0x9000005B  }
0xc9: {  	s29 =	simm.s32 $0x9;
	_ =	strace $0x8000005D  }
0xca: {  	_ =	swait.ge [sflag:s29], $0x1  }
0xcb: {  	[sflag:s29] =	ssyncadd.s32 $0xFFFFFFFF  }
0xcc: {  	_ =	strace $0x9000005D  }
0xcd: {  	_ =	sfence  }
0xce: {  	s30 =	sld [smem:$0x0];
	_ =	sdelay $0x2  }
0xcf: {  	s31 =	sshll.u32 s1, $0xD;
	s1 =	sshrl.u32 s1, $0x2  }
0xd0: {  	s4 =	sand.u32 $0x4000, s31;
	s1 =	sadd.s32 s1, s30  }
0xd1: {  	s0 =	sor.u32 s4, s0;
	s1 =	sshll.u32 s1, $0x11  }
0xd2: {  	s0 =	sor.u32 s1, s0  }
0xd3: {  	s0 =	sadd.s32 $0x8F2B, s0  }
0xd4: {  	[sflag:s0] =	ssyncadd.remote.s32 $0x1  }
0xd5: {  	_ =	sfence.sel $0xFFFF  }
0xd6: {  	[dreg:$0x0] =	wrdreg $0xFFFFFFFF;
	(pc) =	sbr.abs _section_cstart, $3  }
0xd7: {  	[dreg:$0x1] =	wrdreg $0xFFFFFFFF  }
0xd8: {  	_ =	task.clear_ibuf [dreg:s22], $0x2FFFF;
	_ =	strace $0x9FFFFFFF  }
0xd9: {  	(tm) =	ssettm $0x7FFFFFFF  }
tec
execute0_lowered:
.L_overlay_start_1:
0x0: {  	(tag) =	ssettag $0x1  }
0x1: {  	s1 =	rddreg [dreg:$0x0]  }
0x2: {  	s0 =	rddreg [dreg:$0x1]  }
0x3: {  	s3 =	rddreg [dreg:$0x2]  }
0x4: {  	s2 =	rddreg [dreg:$0x3]  }
0x5: {  	s4 =	simm.s32 $0x0;
	s6 =	srdreg.scid;
	s16 =	stileid.u32  }
0x6: {  	s18 =	simm.s32 $0x5;
	s10 =	sand.u32 $0x1, s6;
	s6 =	smul.u32 $0x190, s16  }
0x7: {  	s22 =	simm.s32 $0x3;
	s23 =	simm.s32 $0x4;
	s11 =	smul.u32 $0x64000, s16  }
0x8: {  	s30 =	simm.s32 $0x3800;
	s31 =	simm.s32 $0x1;
	s13 =	smul.u32 $0x1900, s16  }
0x9: {  	[smem:$0x7FF] =	sst s4;
	s5 =	sadd.s32 $0x21000, s0;
	s15 =	smul.u32 $0x30E0, s16  }
0xa: {  	s7 =	sadd.s32 $0x7000, s0;
	s26 =	sshll.u32 s16, $0x6;
	s16 =	smul.u32 $0x61C00, s16  }
0xb: {  	s8 =	sadd.s32 $0xA2C00, s0;
	_ =	strace $0x8000005C;
	s12 =	smul.u32 $0x1900, s10  }
0xc: {  	s9 =	ssub.s32 $0x2, s10;
	s14 =	smul.u32 $0x30E00, s10;
	s10 =	sor.u32 $0x1C05, s26  }
0xd: {  	s24 =	sshrl.u32 s9, $0x1;
	s25 =	sshrl.u32 s11, $0x2;
	s29 =	sshrl.u32 s16, $0x2  }
0xe: {  	s0 =	ssub.s32 s9, s24;
	s17 =	sadd.s32 s25, s2;
	s9 =	sadd.s32 s6, s12  }
.Ltmp0:
0xf: {  	s12 =	sadd.s32 s7, s13;
	s15 =	sadd.s32 s15, s14;
	(pc) =	sbr.rel .LBB2_1-.Ltmp0, $4  }
0x10: {  	s24 =	simm.s32 $0x80;
	s28 =	sshll.u32 s9, $0x4;
	s14 =	sadd.s32 $0x80, s12  }
0x11: {  	s15 =	sadd.s32 s3, s15;
	s3 =	sadd.s32 s29, s2;
	s16 =	smax.u32 s0, $0x1  }
0x12: {  	s17 =	sshrl.u32 s17, $0x3;
	s0 =	simm.s32 $0x2;
	s11 =	sadd.s32 s5, s28  }
0x13: {  	s25 =	sshrl.u32 s3, $0x3;
	s3 =	simm.s32 $0x0;
	s13 =	sadd.s32 $0x80, s11  }
.LBB2_7:
0x14: {  	_ =	swait.ge [sflag:s0], $0x1000  }
0x15: {  	s3 =	sadd.s32 $0x1, s3;
	[sflag:s0] =	ssyncset.done $0x0  }
0x16: {  	p0 =	sne.s32 s3, s16;
	[sflag:s0] =	ssyncadd.s32 $0xFFFFF000  }
.Ltmp1:
0x17: {  	[bflag:$0x0] =	sbarrier.arrive $0xFFFF;
	(pc) =	sbr.rel @!p0 .LBB2_8-.Ltmp1, $4  }
0x18: {  	[hbm:s15], [sflag:s10] =	dma.local [spmem:s25], $0x30E0  }
0x19: {  	_ =	swait.ge [sflag:s18], $0x30E0  }
0x1a: {  	[sflag:s18] =	ssyncset.done $0x0  }
0x1b: {  	[sflag:s18] =	ssyncadd.s32 $0xFFFFCF20  }
.LBB2_1:
0x1c: {  	[spmem:s17], [sflag:s10] =	dma.local [hbm:s8], $0x3200  }
0x1d: {  	_ =	swait.ge [sflag:s18], $0x3200  }
0x1e: {  	[sflag:s18] =	ssyncset.done $0x0  }
0x1f: {  	[sflag:s18] =	ssyncadd.s32 $0xFFFFCE00  }
0x20: {  	[tilespmem:s4], [sflag:$0x3] =	stream.linear.gather [hbm4b:s11+s4], $0x400, $0x38;
	[tilespmem:$0x1E800] =	vst v63  }
0x21: {  	s19 =	simm.s32 $0xC00  }
0x22: {  	[tilespmem:s19], [sflag:$0x4] =	stream.linear.gather [hbm4b:s12+s4], $0x400, $0x38;
	[tilespmem:$0x1E800] =	vst v63  }
0x23: {  	s20 =	simm.s32 $0x400  }
0x24: {  	[tilespmem:s20], [sflag:$0x3] =	stream.linear.gather [hbm4b:s13+s4], $0x400, $0x38;
	[tilespmem:$0x1E800] =	vst v63  }
0x25: {  	s21 =	simm.s32 $0x1000  }
0x26: {  	[tilespmem:s21], [sflag:$0x4] =	stream.linear.gather [hbm4b:s14+s4], $0x400, $0x38;
	[tilespmem:$0x1E800] =	vst v63  }
0x27: {  	_ =	swait.ge [sflag:s22], $0x400  }
0x28: {  	[sflag:s22] =	ssyncset.done $0x0  }
0x29: {  	[sflag:s22] =	ssyncadd.s32 $0xFFFFFC00  }
0x2a: {  	_ =	swait.ge [sflag:s23], $0x400  }
0x2b: {  	[sflag:s23] =	ssyncset.done $0x0  }
0x2c: {  	[sflag:s23] =	ssyncadd.s32 $0xFFFFFC00  }
0x2d: {  	s26 =	simm.s32 $0x1800;
	[bflag:$0x0] =	sbarrier.arrive $0xFFFF  }
0x2e: {  	[tilespmem:s26], [sflag:$0x1] =	stream.indirect.gather [hbm4b:s1+s24], $0x20, s4, s24, $0xb8;
	[tilespmem:$0x1E800] =	vst v63  }
.Ltmp2:
0x2f: {  	_ = 	snop;
	(pc) =	sbr.rel .LBB2_2-.Ltmp2, $4  }
0x30: {  	s28 =	simm.s32 $0x2800  }
0x31: {  	[tilespmem:s28], [sflag:$0x1] =	stream.indirect.gather [hbm4b:s1+s24], $0x20, s24, s24, $0xb8;
	[tilespmem:$0x1E800] =	vst v63  }
0x32: {  	s29 =	simm.s32 $0x100;
	s19 =	simm.s32 $0xC000;
	s20 =	simm.s32 $0x0  }
0x33: {  	[tilespmem:s30], [sflag:$0x1] =	stream.indirect.gather [hbm4b:s1+s24], $0x20, s29, s24, $0xb8;
	[tilespmem:$0x1E800] =	vst v63  }
.LBB2_3:
0x34: {  	s21 =	sshrl.u32 @!p0 s20, $0x3  }
0x35: {  	s21 =	simm.s32 @p0 $0x0;
	p0 =	sgt.u32 s20, $0x17F  }
0x36: {  	s21 =	sadd.s32 @!p0 $0x2, s21  }
0x37: {  	s26 =	sand.u32 @!p0 $0xFF, s21  }
0x38: {  	s26 =	smul.u32 @!p0 $0xAB, s26  }
0x39: {  	_ =	swait.ge [sflag:s22], $0x400  }
0x3a: {  	[sflag:s22] =	ssyncset.done $0x0;
	s26 =	sshrl.u32 @!p0 s26, $0x9  }
0x3b: {  	[sflag:s22] =	ssyncadd.s32 $0xFFFFFC00;
	s28 =	sshll.u32 @!p0 s21, $0x3;
	s26 =	smul.u32 @!p0 $0x3, s26  }
0x3c: {  	_ =	swait.ge [sflag:s23], $0x400;
	s29 =	sadd.s32 @!p0 s9, s28  }
0x3d: {  	[sflag:s23] =	ssyncset.done $0x0;
	s21 =	ssub.s32 @!p0 s21, s26;
	s26 =	sshll.u32 @!p0 s29, $0x4  }
0x3e: {  	[sflag:s23] =	ssyncadd.s32 $0xFFFFFC00;
	s21 =	sand.u32 @!p0 $0xFF, s21;
	s26 =	sand.u32 @!p0 $0x1FFFFF80, s26  }
0x3f: {  	s29 =	simm.s32 @!p0 $0x0;
	s21 =	sshll.u32 @!p0 s21, $0xA;
	s26 =	sadd.s32 @!p0 s5, s26  }
0x40: {  	[tilespmem:s21], [sflag:$0x3] =	stream.linear.gather @!p0 [hbm4b:s26+s29], $0x400, $0x38;
	[tilespmem:$0x1E800] =	vst v63  }
0x41: {  	s26 =	sadd.s32 @!p0 s6, s28  }
0x42: {  	s26 =	sshll.u32 @!p0 s26, $0x4  }
0x43: {  	s26 =	sand.u32 @!p0 $0x1FFFFF80, s26  }
0x44: {  	s21 =	sadd.s32 @!p0 $0xC00, s21;
	s26 =	sadd.s32 @!p0 s7, s26  }
0x45: {  	[tilespmem:s21], [sflag:$0x4] =	stream.linear.gather @!p0 [hbm4b:s26+s29], $0x400, $0x38;
	[tilespmem:$0x1E800] =	vst v63  }
.LBB2_5:
0x46: {  	s21 =	sadd.s32 $0x3, s20  }
0x47: {  	s26 =	smul.u32 $0xAAAB, s21;
	_ =	sdelay $0x1  }
0x48: {  	s26 =	sshrl.u32 s26, $0x14  }
0x49: {  	s26 =	smul.u32 $0x18, s26;
	_ =	sdelay $0x1  }
0x4a: {  	s29 =	sand.u32 $0xC000, s19;
	s21 =	ssub.s32 s21, s26  }
0x4b: {  	s26 =	sshrl.u32 s29, $0x2;
	s21 =	sshll.u32 s21, $0x7  }
0x4c: {  	s26 =	sadd.s32 $0x1800, s26;
	s21 =	sand.u32 $0x3F80, s21  }
0x4d: {  	[tilespmem:s26], [sflag:$0x1] =	stream.indirect.gather [hbm4b:s1+s24], $0x20, s21, s24, $0xb8;
	[tilespmem:$0x1E800] =	vst v63  }
.LBB2_6:
0x4e: {  	s20 =	sadd.s32 $0x1, s20  }
0x4f: {  	p0 =	sne.s32 s20, $0x190  }
.Ltmp3:
0x50: {  	_ = 	snop;
	(pc) =	sbr.rel @!p0 .LBB2_7-.Ltmp3, $2  }
0x51: {  	_ =	sdelay $0x2  }
0x52: {  	s19 =	sadd.s32 $0x4000, s19  }
.LBB2_2:
0x53: {  	s21 =	smul.u32 $0xAAAB, s20;
	_ =	sdelay $0x1  }
0x54: {  	s21 =	sshrl.u32 s21, $0x14  }
0x55: {  	s21 =	smul.u32 $0x18, s21;
	_ =	sdelay $0x1  }
0x56: {  	s26 =	sadd.s32 $0xFFFF4000, s19;
	_ =	swait.ge [sflag:s31], $0x1000;
	s21 =	ssub.s32 s20, s21  }
0x57: {  	p0 =	seq.s32 s20, $0x0;
	s26 =	sand.u32 $0xC000, s26;
	s21 =	sshll.u32 s21, $0x7  }
0x58: {  	[sflag:s31] =	ssyncset.done $0x0;
	s26 =	sshrl.u32 s26, $0x2;
	s21 =	sand.u32 $0x3F80, s21  }
0x59: {  	[sflag:s31] =	ssyncadd.s32 $0xFFFFF000;
	s26 =	sadd.s32 $0x1800, s26;
	s21 =	sadd.s32 $0xC00, s21  }
0x5a: {  	[spmem:s2] =	stream.indirect.scatter.add.f32 [tilespmem:s26], [sflag:$0x2], $0x20, s21, s24, $0xb8;
	[tilespmem:$0x1E800] =	vst v63  }
0x5b: {  	s21 =	sand.u32 @!p0 $0x7, s20  }
0x5c: {  	p1 =	sne.s32 @!p0 s21, $0x0  }
0x5d: {  	p2 =	por p1, p0  }
0x5e: {  	p2 =	sgt.u32 @!p2 s20, $0x187  }
0x5f: {  	p1 =	por @!p0 p1, p2  }
0x60: {  	p1 =	por p0, !p1  }
.Ltmp4:
0x61: {  	_ = 	snop;
	(pc) =	sbr.rel @p1 .LBB2_3-.Ltmp4, $4  }
0x62: {  	s21 =	simm.s32 @!p0 $0x2  }
0x63: {  	_ =	swait.ge @!p0 [sflag:s21], $0x1000  }
0x64: {  	[sflag:s21] =	ssyncset.done @!p0 $0x0  }
0x65: {  	[sflag:s21] =	ssyncadd.s32 @!p0 $0xFFFFF000  }
0x66: {  	p0 =	sgt.u32 s20, $0x18C  }
.Ltmp5:
0x67: {  	_ = 	snop;
	(pc) =	sbr.rel @p0 .LBB2_6-.Ltmp5, $4  }
.Ltmp6:
0x68: {  	_ = 	snop;
	(pc) =	sbr.rel @!p0 .LBB2_5-.Ltmp6, $4  }
0x69: {  	_ = 	snop  }
0x6a: {  	_ = 	snop  }
0x6b: {  	_ = 	snop  }
0x6c: {  	_ = 	snop  }
.LBB2_8:
0x6d: {  	_ =	sfence.sel $0x180000  }
0x6e: {  	[bflag:$0x0] =	sbarrier.arrive $0xFFFF  }
0x6f: {  	_ =	strace $0x9000005C  }
0x70: {  	s0 =	stileid.u32;
	[bflag:$0x2] =	sbarrier.arrive $0xFFFF  }
0x71: {  	p0 =	sne.s32 s0, $0x0;
	s0 =	rddreg [dreg:$0x4]  }
0x72: {  	s0 =	sadd.s32 @!p0 $0x100000, s0  }
0x73: {  	[sflag:s0] =	ssyncadd.tile.s32 @!p0 $0x1;
	_ =	shalt  }
.Lfunc_end2:
_tile_overlayer_lowered:
.L_overlay_start_2:
0x74: {  	(tag) =	ssettag $0x2  }
0x75: {  	s0 =	rddreg [dreg:$0x0];
	s2 =	stileid.u32  }
0x76: {  	s1 =	rddreg [dreg:$0x1];
	p0 =	sne.s32 s2, $0x0  }
0x77: {  	s3 =	rddreg [dreg:$0x2];
	[bflag:$0x3] =	sbarrier.arrive $0xFFFF;
	s2 =	simm.s32 @!p0 $0x1C05  }
0x78: {  	[timem:s3], [sflag:s2] =	dma.local @!p0 [hbm:s0], s1  }
0x79: {  	s0 =	simm.s32 @!p0 $0x5  }
0x7a: {  	_ =	swait.ge @!p0 [sflag:s0], s1  }
0x7b: {  	s1 =	ssub.s32 @!p0 $0x0, s1;
	[sflag:s0] =	ssyncset.done @!p0 $0x0  }
0x7c: {  	[sflag:s0] =	ssyncadd.s32 @!p0 s1  }
0x7d: {  	[bflag:$0x3] =	sbarrier.arrive $0xFFFF  }
0x7e: {  	_ =	shalt  }

// kernel: kernel.32.cloned.1.call-start
scs
__scs_entry_jumppad:
0x0: {  	(pc) =	sbr.rel $0x88, $3  }
0x1: {  	(tag) =	ssettag $0x0;
	lr =	simm.s32 $0x1  }
0x2: {  	[smem:$0x3F9D] =	sst lr;
	_ =	strace $0xD0000000  }
0x3: {  	_ = 	snop  }
0x4: {  	_ = 	snop  }
0x5: {  	_ = 	snop  }
0x6: {  	_ = 	snop  }
0x7: {  	_ = 	snop  }
__scs_overlays_trampoline_lowered:
0x8: {  	[smem:$0x3FAC] =	sst s0  }
0x9: {  	[smem:$0x3FAD] =	sst s1  }
0xa: {  	[smem:$0x3FAE] =	sst s2  }
0xb: {  	[smem:$0x3FAF] =	sst s3  }
0xc: {  	[smem:$0x3FB0] =	sst s4  }
0xd: {  	[smem:$0x3FB1] =	sst s5  }
0xe: {  	[smem:$0x3FB2] =	sst s6  }
0xf: {  	[smem:$0x3FB3] =	sst s7  }
0x10: {  	[smem:$0x3FB4] =	sst s8  }
0x11: {  	[smem:$0x3FB5] =	sst s9;
	s0 =	simm.s32 @!p0 $0x0  }
0x12: {  	s1 =	sld [smem:$0x3F9B];
	s0 =	simm.s32 @p0 $0x1  }
0x13: {  	[smem:$0x3FB6] =	sst s0;
	s0 =	simm.s32 @!p1 $0x0  }
0x14: {  	s2 =	sld [smem:$0x3F9A];
	s0 =	simm.s32 @p1 $0x1  }
0x15: {  	[smem:$0x3FB7] =	sst s0;
	s0 =	simm.s32 @!p2 $0x0  }
0x16: {  	s3 =	sld [smem:$0x3FDB];
	s0 =	simm.s32 @p2 $0x1  }
0x17: {  	s4 =	simm.s32 $0x1BF5;
	[smem:$0x3FB9] =	sst s0  }
0x18: {  	s0 =	sld [smem:$0x3F9C];
	_ =	swait.ge [sflag:s4], $0x0  }
0x19: {  	s7 =	sld [smem:$0x3F9D]  }
0x1a: {  	s8 =	sadd.s32 $0xFFFFE003, lr  }
0x1b: {  	s9 =	sadd.s32 $0xFFFFFEF7, lr;
	s5 =	simm.s32 $0xFFFFFFFF;
	p2 =	slt.u32 s8, $0xFFFFF086  }
0x1c: {  	p1 =	slt.u32 s9, $0xF7A;
	s5 =	simm.s32 @!p2 $0x0  }
0x1d: {  	s5 =	simm.s32 @p1 $0x1;
	p0 =	seq.s32 s7, s2  }
0x1e: {  	s7 =	smul.u32 @!p0 $0xF7A, s2;
	p2 =	seq.s32 @!p0 s5, $0x0  }
0x1f: {  	s9 =	smul.u32 $0xF7A, s1;
	s8 =	simm.s32 @!p0 $0x1BF5;
	p2 =	por !p2, p0  }
0x20: {  	[sflag:s8] =	ssyncset.s32 @!p0 $0xFFFFF086;
	s6 =	sadd.s32 @!p0 s3, s7;
	s7 =	simm.s32 @!p0 $0x108  }
0x21: {  	s3 =	sadd.s32 s3, s9;
	s6 =	sadd.s32 @!p0 $0x88, s6;
	s7 =	simm.s32 @p2 $0x1082  }
0x22: {  	[simem:s7], [sflag:s8] =	dma.local @!p0 [hbm:s6], $0xF7A  }
0x23: {  	s9 =	sor.u32 $0xD0000000, s2;
	s6 =	simm.s32 $0x108;
	_ =	swait.ge @!p0 [sflag:s8], $0x0  }
0x24: {  	s3 =	sadd.s32 $0x88, s3;
	s6 =	simm.s32 @!p1 $0x1082;
	[sflag:s4] =	ssyncset.s32 $0xFFFFF086  }
0x25: {  	[simem:s6], [sflag:s4] =	dma.local [hbm:s3], $0xF7A  }
0x26: {  	[smem:$0x3F9D] =	sst s1;
	(tag) =	ssettag s2;
	_ =	strace s9  }
0x27: {  	s1 =	sld [smem:$0x3FAD]  }
0x28: {  	s2 =	sld [smem:$0x3FAE]  }
0x29: {  	s4 =	sld [smem:$0x3FB0]  }
0x2a: {  	p0 =	seq.s32 s5, $0x0;
	s5 =	sld [smem:$0x3FB1]  }
0x2b: {  	s6 =	sld [smem:$0x3FB2]  }
0x2c: {  	s7 =	sld [smem:$0x3FB3]  }
0x2d: {  	s3 =	simm.s32 $0x108;
	s8 =	sld [smem:$0x3FB4]  }
0x2e: {  	s3 =	simm.s32 @!p0 $0x1082;
	s9 =	sld [smem:$0x3FB5]  }
0x2f: {  	lr =	sadd.s32 s0, s3;
	s0 =	sld [smem:$0x3FAC]  }
0x30: {  	s3 =	sld [smem:$0x3FAF]  }
0x31: {  	[smem:$0x3FB8] =	sst s10  }
0x32: {  	s10 =	sld [smem:$0x3FB6];
	_ =	sdelay $0x3  }
0x33: {  	p0 =	seq.s32 s10, $0x1;
	s10 =	sld [smem:$0x3FB8];
	_ =	sdelay $0x3  }
0x34: {  	[smem:$0x3FB8] =	sst s10  }
0x35: {  	s10 =	sld [smem:$0x3FB7];
	_ =	sdelay $0x3  }
0x36: {  	p1 =	seq.s32 s10, $0x1;
	s10 =	sld [smem:$0x3FB8];
	_ =	sdelay $0x3  }
0x37: {  	[smem:$0x3FB8] =	sst s10  }
0x38: {  	s10 =	sld [smem:$0x3FB9]  }
0x39: {  	_ = 	snop;
	(pc) =	sbr.ind lr, $3  }
0x3a: {  	_ = 	snop  }
0x3b: {  	_ = 	snop  }
0x3c: {  	p2 =	seq.s32 s10, $0x1;
	s10 =	sld [smem:$0x3FB8]  }
0x3d: {  	_ =	shalt  }
0x3e: {  	_ =	shalt  }
0x3f: {  	_ =	shalt  }
0x40: {  	_ =	shalt  }
0x41: {  	_ =	shalt  }
0x42: {  	_ =	shalt  }
0x43: {  	_ =	shalt  }
0x44: {  	_ =	shalt  }
0x45: {  	_ =	shalt  }
0x46: {  	_ =	shalt  }
0x47: {  	_ =	shalt  }
0x48: {  	_ =	shalt  }
0x49: {  	_ =	shalt  }
0x4a: {  	_ =	shalt  }
0x4b: {  	_ =	shalt  }
0x4c: {  	_ =	shalt  }
0x4d: {  	_ =	shalt  }
0x4e: {  	_ =	shalt  }
0x4f: {  	_ =	shalt  }
0x50: {  	_ =	shalt  }
0x51: {  	_ =	shalt  }
0x52: {  	_ =	shalt  }
0x53: {  	_ =	shalt  }
0x54: {  	_ =	shalt  }
0x55: {  	_ =	shalt  }
0x56: {  	_ =	shalt  }
0x57: {  	_ =	shalt  }
0x58: {  	_ =	shalt  }
0x59: {  	_ =	shalt  }
0x5a: {  	_ =	shalt  }
0x5b: {  	_ =	shalt  }
0x5c: {  	_ =	shalt  }
0x5d: {  	_ =	shalt  }
0x5e: {  	_ =	shalt  }
0x5f: {  	_ =	shalt  }
0x60: {  	_ =	shalt  }
0x61: {  	_ =	shalt  }
0x62: {  	_ =	shalt  }
0x63: {  	_ =	shalt  }
0x64: {  	_ =	shalt  }
0x65: {  	_ =	shalt  }
0x66: {  	_ =	shalt  }
0x67: {  	_ =	shalt  }
0x68: {  	_ =	shalt  }
0x69: {  	_ =	shalt  }
0x6a: {  	_ =	shalt  }
0x6b: {  	_ =	shalt  }
0x6c: {  	_ =	shalt  }
0x6d: {  	_ =	shalt  }
0x6e: {  	_ =	shalt  }
0x6f: {  	_ =	shalt  }
0x70: {  	_ =	shalt  }
0x71: {  	_ =	shalt  }
0x72: {  	_ =	shalt  }
0x73: {  	_ =	shalt  }
0x74: {  	_ =	shalt  }
0x75: {  	_ =	shalt  }
0x76: {  	_ =	shalt  }
0x77: {  	_ =	shalt  }
0x78: {  	_ =	shalt  }
0x79: {  	_ =	shalt  }
0x7a: {  	_ =	shalt  }
0x7b: {  	_ =	shalt  }
0x7c: {  	_ =	shalt  }
0x7d: {  	_ =	shalt  }
0x7e: {  	_ =	shalt  }
0x7f: {  	_ =	shalt  }
0x80: {  	_ =	shalt  }
0x81: {  	_ =	shalt  }
0x82: {  	_ =	shalt  }
0x83: {  	_ =	shalt  }
0x84: {  	_ =	shalt  }
0x85: {  	_ =	shalt  }
0x86: {  	_ =	shalt  }
0x87: {  	_ =	shalt  }
.Lfunc_end0:
.L_simem_size_0:
called_computation.7_lowered:
.L_overlay_start_0:
0x88: {  	s2 =	sld [smem:$0x3FD9]  }
0x89: {  	s3 =	sld [smem:$0x3FFE];
	_ =	sdelay $0x1  }
0x8a: {  	s1 =	srdreg.scid  }
0x8b: {  	s0 =	sand.u32 $0x1, s1  }
0x8c: {  	s17 =	sshll.u32 s0, $0xA;
	s2 =	sadd.s32 s3, s2  }
0x8d: {  	s2 =	sadd.s32 s2, s17  }
0x8e: {  	[smem:$0x3FC4] =	sst s2  }
0x8f: {  	_ = 	snop  }
0x90: {  	(tm) =	ssettm $0x1  }
0x91: {  	s18 =	sld [smem:$0x3FFB];
	_ =	sdelay $0x3  }
0x92: {  	_ =	strace s18  }
0x93: {  	s2 =	sld [smem:$0x3FFC];
	_ =	sdelay $0x3  }
0x94: {  	_ =	strace s2  }
0x95: {  	s2 =	sld [smem:$0x3FFD];
	_ =	sdelay $0x3  }
0x96: {  	_ =	strace s2  }
0x97: {  	_ =	strace $0x8FFFFFFF  }
0x98: {  	s19 =	sld [smem:$0x3FDB];
	_ =	sdelay $0x1  }
0x99: {  	s20 =	simm.s32 $_scs_section_size  }
0x9a: {  	s4 =	simm.s32 $_size__tile_overlayer_lowered;
	s5 =	simm.s32 $_tile_overlayer_lowered  }
0x9b: {  	s6 =	simm.s32 $0x1BFF;
	s21 =	sshll.u32 s5, $0x1;
	s3 =	sadd.s32 s20, s19  }
0x9c: {  	s22 =	simm.s32 $0x0;
	s4 =	sshll.u32 s4, $0x1;
	s5 =	sadd.s32 s21, s3  }
0x9d: {  	[timem:s22], [sflag:s6] =	dma.local [hbm:s5], s4  }
0x9e: {  	_ =	swait.ge [sflag:s6], s4  }
0x9f: {  	s4 =	ssub.s32 $0x0, s4;
	[sflag:s6] =	ssyncset.done $0x0  }
0xa0: {  	[sflag:s6] =	ssyncadd.s32 s4;
	_ =	sdelay $0x1  }
0xa1: {  	s23 =	simm.s32 $0x1B8B  }
0xa2: {  	_ =	swait.ge [sflag:s23], $0x1  }
0xa3: {  	[sflag:s23] =	ssyncset.done $0x0  }
0xa4: {  	[sflag:s23] =	ssyncadd.s32 $0xFFFFFFFF  }
0xa5: {  	s4 =	sld [smem:$0x0]  }
0xa6: {  	s5 =	sand.u32 $0xFFFFFFFE, s1  }
0xa7: {  	p0 =	sne.s32 s1, s5  }
0xa8: {  	s5 =	sshll.u32 @p0 s5, $0xE  }
0xa9: {  	s5 =	sadd.s32 @p0 $0x11B8D, s5;
	s6 =	sshll.u32 @p0 s4, $0x11  }
0xaa: {  	s5 =	sor.u32 @p0 s6, s5  }
0xab: {  	[sflag:s5] =	ssyncadd.remote.s32 @p0 $0x1;
	_ =	sdelay $0x1  }
0xac: {  	s5 =	simm.s32 @p0 $0x1B8D  }
0xad: {  	_ =	swait.eq @p0 [sflag:s5], $0x1  }
0xae: {  	[sflag:s5] =	ssyncadd.s32 @p0 $0xFFFFFFFF  }
0xaf: {  	s6 =	sshll.u32 @!p0 s1, $0xE  }
0xb0: {  	s6 =	sor.u32 @!p0 $0x4000, s6;
	s5 =	simm.s32 @!p0 $0x1B8D  }
0xb1: {  	s4 =	sshll.u32 @!p0 s4, $0x11;
	s6 =	sadd.s32 @!p0 $0x11B8D, s6;
	_ =	swait.eq @!p0 [sflag:s5], $0x1  }
0xb2: {  	s4 =	sor.u32 @!p0 s4, s6;
	[sflag:s5] =	ssyncadd.s32 @!p0 $0xFFFFFFFF  }
0xb3: {  	s25 =	simm.s32 $0x1B8E;
	s24 =	sld [smem:$0x3FFE];
	[sflag:s4] =	ssyncadd.remote.s32 @!p0 $0x1  }
0xb4: {  	s26 =	simm.s32 $execute0_lowered;
	[smem:$0x3FD2] =	sst s25  }
0xb5: {  	s5 =	sshll.u32 s26, $0x1;
	_ =	strace $0x80000058;
	[dreg:$0x1] =	wrdreg $0xFFFFFFFF  }
0xb6: {  	s28 =	simm.s32 $_size_execute0_lowered;
	s3 =	sadd.s32 s3, s5;
	[dreg:$0x0] =	wrdreg $0x0  }
0xb7: {  	s5 =	sshll.u32 s28, $0x1;
	[dreg:$0x2] =	wrdreg s3  }
0xb8: {  	[dreg:$0x3] =	wrdreg s5  }
0xb9: {  	[dreg:$0x4] =	wrdreg $0xC0  }
0xba: {  	_ =	task [dreg:s22], $0x5FFFF  }
0xbb: {  	[dreg:$0x1] =	wrdreg $0xFFFFFFFF  }
0xbc: {  	[dreg:$0x0] =	wrdreg $0x60  }
0xbd: {  	[dreg:$0x2] =	wrdreg s24  }
0xbe: {  	[dreg:$0x3] =	wrdreg $0x58000  }
0xbf: {  	[dreg:$0x4] =	wrdreg $0xA  }
0xc0: {  	_ =	task.clear_ibuf [dreg:s22], $0x5FFFF;
	_ =	strace $0x90000058  }
0xc1: {  	s29 =	simm.s32 $0xA;
	_ =	strace $0x8000005A  }
0xc2: {  	_ =	swait.ge [sflag:s29], $0x1  }
0xc3: {  	[sflag:s29] =	ssyncadd.s32 $0xFFFFFFFF  }
0xc4: {  	_ =	strace $0x9000005A  }
0xc5: {  	_ =	sfence  }
0xc6: {  	s30 =	sld [smem:$0x0];
	_ =	sdelay $0x2  }
0xc7: {  	s31 =	sshll.u32 s1, $0xD;
	s1 =	sshrl.u32 s1, $0x2  }
0xc8: {  	s4 =	sand.u32 $0x4000, s31;
	s1 =	sadd.s32 s1, s30  }
0xc9: {  	s0 =	sor.u32 s4, s0;
	s1 =	sshll.u32 s1, $0x11  }
0xca: {  	s0 =	sor.u32 s1, s0  }
0xcb: {  	s0 =	sadd.s32 $0x8F2B, s0  }
0xcc: {  	[sflag:s0] =	ssyncadd.remote.s32 $0x1  }
0xcd: {  	_ =	sfence.sel $0xFFFF  }
0xce: {  	[dreg:$0x0] =	wrdreg $0xFFFFFFFF;
	(pc) =	sbr.abs _section_cstart, $3  }
0xcf: {  	[dreg:$0x1] =	wrdreg $0xFFFFFFFF  }
0xd0: {  	_ =	task.clear_ibuf [dreg:s22], $0x2FFFF;
	_ =	strace $0x9FFFFFFF  }
0xd1: {  	(tm) =	ssettm $0x7FFFFFFF  }
tec
execute0_lowered:
.L_overlay_start_1:
0x0: {  	(tag) =	ssettag $0x1  }
0x1: {  	s0 =	rddreg [dreg:$0x0]  }
0x2: {  	s1 =	rddreg [dreg:$0x1];
	s3 =	simm.s32 $0x0;
	s13 =	stileid.u32  }
0x3: {  	s2 =	srdreg.scid;
	s18 =	simm.s32 $0x5;
	s9 =	smul.u32 $0x30E0, s13  }
0x4: {  	s22 =	simm.s32 $0x3;
	s23 =	simm.s32 $0x4;
	s5 =	smul.u32 $0x190, s13  }
0x5: {  	s30 =	simm.s32 $0x3800;
	s31 =	simm.s32 $0x1;
	s10 =	smul.u32 $0x64000, s13  }
0x6: {  	[smem:$0x7FF] =	sst s3;
	s2 =	sand.u32 $0x1, s2;
	s12 =	smul.u32 $0x1900, s13  }
0x7: {  	s4 =	sadd.s32 $0x16B800, s0;
	s6 =	sadd.s32 $0x21000, s0;
	s17 =	smul.u32 $0x61C00, s13  }
0x8: {  	s7 =	sadd.s32 $0x7000, s0;
	s28 =	sshll.u32 s13, $0x6;
	s8 =	smul.u32 $0x30E00, s2  }
0x9: {  	_ =	strace $0x80000059;
	s11 =	ssub.s32 $0x2, s2;
	s2 =	smul.u32 $0x1900, s2  }
0xa: {  	s24 =	sshrl.u32 s11, $0x1;
	s10 =	sshrl.u32 s10, $0x2;
	s12 =	sadd.s32 s7, s12  }
0xb: {  	s29 =	sshrl.u32 s17, $0x2;
	s9 =	sadd.s32 s9, s8;
	s8 =	sadd.s32 $0xA2C00, s0  }
0xc: {  	s16 =	ssub.s32 s11, s24;
	s25 =	sadd.s32 s10, s1;
	s11 =	sor.u32 $0x1C05, s28  }
.Ltmp0:
0xd: {  	s14 =	sadd.s32 $0x80, s12;
	s24 =	simm.s32 $0x80;
	(pc) =	sbr.rel .LBB2_1-.Ltmp0, $4  }
0xe: {  	s0 =	sadd.s32 s9, s0;
	s9 =	sadd.s32 s5, s2;
	s16 =	smax.u32 s16, $0x1  }
0xf: {  	s17 =	sshrl.u32 s25, $0x3;
	s2 =	simm.s32 $0x0;
	s26 =	sshll.u32 s9, $0x4  }
0x10: {  	s15 =	sadd.s32 $0x19C800, s0;
	s0 =	sadd.s32 s29, s1;
	s10 =	sadd.s32 s6, s26  }
0x11: {  	s25 =	sshrl.u32 s0, $0x3;
	s0 =	simm.s32 $0x2;
	s13 =	sadd.s32 $0x80, s10  }
.LBB2_7:
0x12: {  	_ =	swait.ge [sflag:s0], $0x1000  }
0x13: {  	s2 =	sadd.s32 $0x1, s2;
	[sflag:s0] =	ssyncset.done $0x0  }
0x14: {  	p0 =	sne.s32 s2, s16;
	[sflag:s0] =	ssyncadd.s32 $0xFFFFF000  }
.Ltmp1:
0x15: {  	[bflag:$0x0] =	sbarrier.arrive $0xFFFF;
	(pc) =	sbr.rel @!p0 .LBB2_8-.Ltmp1, $4  }
0x16: {  	[hbm:s15], [sflag:s11] =	dma.local [spmem:s25], $0x30E0  }
0x17: {  	_ =	swait.ge [sflag:s18], $0x30E0  }
0x18: {  	[sflag:s18] =	ssyncset.done $0x0  }
0x19: {  	[sflag:s18] =	ssyncadd.s32 $0xFFFFCF20  }
.LBB2_1:
0x1a: {  	[spmem:s17], [sflag:s11] =	dma.local [hbm:s8], $0x3200  }
0x1b: {  	_ =	swait.ge [sflag:s18], $0x3200  }
0x1c: {  	[sflag:s18] =	ssyncset.done $0x0  }
0x1d: {  	[sflag:s18] =	ssyncadd.s32 $0xFFFFCE00  }
0x1e: {  	[tilespmem:s3], [sflag:$0x3] =	stream.linear.gather [hbm4b:s10+s3], $0x400, $0x38;
	[tilespmem:$0x1E800] =	vst v63  }
0x1f: {  	s19 =	simm.s32 $0xC00  }
0x20: {  	[tilespmem:s19], [sflag:$0x4] =	stream.linear.gather [hbm4b:s12+s3], $0x400, $0x38;
	[tilespmem:$0x1E800] =	vst v63  }
0x21: {  	s20 =	simm.s32 $0x400  }
0x22: {  	[tilespmem:s20], [sflag:$0x3] =	stream.linear.gather [hbm4b:s13+s3], $0x400, $0x38;
	[tilespmem:$0x1E800] =	vst v63  }
0x23: {  	s21 =	simm.s32 $0x1000  }
0x24: {  	[tilespmem:s21], [sflag:$0x4] =	stream.linear.gather [hbm4b:s14+s3], $0x400, $0x38;
	[tilespmem:$0x1E800] =	vst v63  }
0x25: {  	_ =	swait.ge [sflag:s22], $0x400  }
0x26: {  	[sflag:s22] =	ssyncset.done $0x0  }
0x27: {  	[sflag:s22] =	ssyncadd.s32 $0xFFFFFC00  }
0x28: {  	_ =	swait.ge [sflag:s23], $0x400  }
0x29: {  	[sflag:s23] =	ssyncset.done $0x0  }
0x2a: {  	[sflag:s23] =	ssyncadd.s32 $0xFFFFFC00  }
0x2b: {  	s26 =	simm.s32 $0x1800;
	[bflag:$0x0] =	sbarrier.arrive $0xFFFF  }
0x2c: {  	[tilespmem:s26], [sflag:$0x1] =	stream.indirect.gather [hbm4b:s4+s24], $0x20, s3, s24, $0xb8;
	[tilespmem:$0x1E800] =	vst v63  }
.Ltmp2:
0x2d: {  	_ = 	snop;
	(pc) =	sbr.rel .LBB2_2-.Ltmp2, $4  }
0x2e: {  	s28 =	simm.s32 $0x2800  }
0x2f: {  	[tilespmem:s28], [sflag:$0x1] =	stream.indirect.gather [hbm4b:s4+s24], $0x20, s24, s24, $0xb8;
	[tilespmem:$0x1E800] =	vst v63  }
0x30: {  	s29 =	simm.s32 $0x100;
	s19 =	simm.s32 $0xC000;
	s20 =	simm.s32 $0x0  }
0x31: {  	[tilespmem:s30], [sflag:$0x1] =	stream.indirect.gather [hbm4b:s4+s24], $0x20, s29, s24, $0xb8;
	[tilespmem:$0x1E800] =	vst v63  }
.LBB2_3:
0x32: {  	s21 =	sshrl.u32 @!p0 s20, $0x3  }
0x33: {  	s21 =	simm.s32 @p0 $0x0;
	p0 =	sgt.u32 s20, $0x17F  }
0x34: {  	s21 =	sadd.s32 @!p0 $0x2, s21  }
0x35: {  	s26 =	sand.u32 @!p0 $0xFF, s21  }
0x36: {  	s26 =	smul.u32 @!p0 $0xAB, s26  }
0x37: {  	_ =	swait.ge [sflag:s22], $0x400  }
0x38: {  	[sflag:s22] =	ssyncset.done $0x0;
	s26 =	sshrl.u32 @!p0 s26, $0x9  }
0x39: {  	[sflag:s22] =	ssyncadd.s32 $0xFFFFFC00;
	s28 =	sshll.u32 @!p0 s21, $0x3;
	s26 =	smul.u32 @!p0 $0x3, s26  }
0x3a: {  	_ =	swait.ge [sflag:s23], $0x400;
	s29 =	sadd.s32 @!p0 s9, s28  }
0x3b: {  	[sflag:s23] =	ssyncset.done $0x0;
	s21 =	ssub.s32 @!p0 s21, s26;
	s26 =	sshll.u32 @!p0 s29, $0x4  }
0x3c: {  	[sflag:s23] =	ssyncadd.s32 $0xFFFFFC00;
	s21 =	sand.u32 @!p0 $0xFF, s21;
	s26 =	sand.u32 @!p0 $0x1FFFFF80, s26  }
0x3d: {  	s29 =	simm.s32 @!p0 $0x0;
	s21 =	sshll.u32 @!p0 s21, $0xA;
	s26 =	sadd.s32 @!p0 s6, s26  }
0x3e: {  	[tilespmem:s21], [sflag:$0x3] =	stream.linear.gather @!p0 [hbm4b:s26+s29], $0x400, $0x38;
	[tilespmem:$0x1E800] =	vst v63  }
0x3f: {  	s26 =	sadd.s32 @!p0 s5, s28  }
0x40: {  	s26 =	sshll.u32 @!p0 s26, $0x4  }
0x41: {  	s26 =	sand.u32 @!p0 $0x1FFFFF80, s26  }
0x42: {  	s21 =	sadd.s32 @!p0 $0xC00, s21;
	s26 =	sadd.s32 @!p0 s7, s26  }
0x43: {  	[tilespmem:s21], [sflag:$0x4] =	stream.linear.gather @!p0 [hbm4b:s26+s29], $0x400, $0x38;
	[tilespmem:$0x1E800] =	vst v63  }
.LBB2_5:
0x44: {  	s21 =	sadd.s32 $0x3, s20  }
0x45: {  	s26 =	smul.u32 $0xAAAB, s21;
	_ =	sdelay $0x1  }
0x46: {  	s26 =	sshrl.u32 s26, $0x14  }
0x47: {  	s26 =	smul.u32 $0x18, s26;
	_ =	sdelay $0x1  }
0x48: {  	s29 =	sand.u32 $0xC000, s19;
	s21 =	ssub.s32 s21, s26  }
0x49: {  	s26 =	sshrl.u32 s29, $0x2;
	s21 =	sshll.u32 s21, $0x7  }
0x4a: {  	s26 =	sadd.s32 $0x1800, s26;
	s21 =	sand.u32 $0x3F80, s21  }
0x4b: {  	[tilespmem:s26], [sflag:$0x1] =	stream.indirect.gather [hbm4b:s4+s24], $0x20, s21, s24, $0xb8;
	[tilespmem:$0x1E800] =	vst v63  }
.LBB2_6:
0x4c: {  	s20 =	sadd.s32 $0x1, s20  }
0x4d: {  	p0 =	sne.s32 s20, $0x190  }
.Ltmp3:
0x4e: {  	_ = 	snop;
	(pc) =	sbr.rel @!p0 .LBB2_7-.Ltmp3, $2  }
0x4f: {  	_ =	sdelay $0x2  }
0x50: {  	s19 =	sadd.s32 $0x4000, s19  }
.LBB2_2:
0x51: {  	s21 =	smul.u32 $0xAAAB, s20;
	_ =	sdelay $0x1  }
0x52: {  	s21 =	sshrl.u32 s21, $0x14  }
0x53: {  	s21 =	smul.u32 $0x18, s21;
	_ =	sdelay $0x1  }
0x54: {  	s26 =	sadd.s32 $0xFFFF4000, s19;
	_ =	swait.ge [sflag:s31], $0x1000;
	s21 =	ssub.s32 s20, s21  }
0x55: {  	p0 =	seq.s32 s20, $0x0;
	s26 =	sand.u32 $0xC000, s26;
	s21 =	sshll.u32 s21, $0x7  }
0x56: {  	[sflag:s31] =	ssyncset.done $0x0;
	s26 =	sshrl.u32 s26, $0x2;
	s21 =	sand.u32 $0x3F80, s21  }
0x57: {  	[sflag:s31] =	ssyncadd.s32 $0xFFFFF000;
	s26 =	sadd.s32 $0x1800, s26;
	s21 =	sadd.s32 $0xC00, s21  }
0x58: {  	[spmem:s1] =	stream.indirect.scatter.add.f32 [tilespmem:s26], [sflag:$0x2], $0x20, s21, s24, $0xb8;
	[tilespmem:$0x1E800] =	vst v63  }
0x59: {  	s21 =	sand.u32 @!p0 $0x7, s20  }
0x5a: {  	p1 =	sne.s32 @!p0 s21, $0x0  }
0x5b: {  	p2 =	por p1, p0  }
0x5c: {  	p2 =	sgt.u32 @!p2 s20, $0x187  }
0x5d: {  	p1 =	por @!p0 p1, p2  }
0x5e: {  	p1 =	por p0, !p1  }
.Ltmp4:
0x5f: {  	_ = 	snop;
	(pc) =	sbr.rel @p1 .LBB2_3-.Ltmp4, $4  }
0x60: {  	s21 =	simm.s32 @!p0 $0x2  }
0x61: {  	_ =	swait.ge @!p0 [sflag:s21], $0x1000  }
0x62: {  	[sflag:s21] =	ssyncset.done @!p0 $0x0  }
0x63: {  	[sflag:s21] =	ssyncadd.s32 @!p0 $0xFFFFF000  }
0x64: {  	p0 =	sgt.u32 s20, $0x18C  }
.Ltmp5:
0x65: {  	_ = 	snop;
	(pc) =	sbr.rel @p0 .LBB2_6-.Ltmp5, $4  }
.Ltmp6:
0x66: {  	_ = 	snop;
	(pc) =	sbr.rel @!p0 .LBB2_5-.Ltmp6, $4  }
0x67: {  	_ = 	snop  }
0x68: {  	_ = 	snop  }
0x69: {  	_ = 	snop  }
0x6a: {  	_ = 	snop  }
.LBB2_8:
0x6b: {  	_ =	sfence.sel $0x180000  }
0x6c: {  	[bflag:$0x0] =	sbarrier.arrive $0xFFFF  }
0x6d: {  	_ =	strace $0x90000059  }
0x6e: {  	s0 =	stileid.u32;
	[bflag:$0x2] =	sbarrier.arrive $0xFFFF  }
0x6f: {  	p0 =	sne.s32 s0, $0x0;
	s0 =	rddreg [dreg:$0x2]  }
0x70: {  	s0 =	sadd.s32 @!p0 $0x100000, s0  }
0x71: {  	[sflag:s0] =	ssyncadd.tile.s32 @!p0 $0x1;
	_ =	shalt  }
.Lfunc_end2:
_tile_overlayer_lowered:
.L_overlay_start_2:
0x72: {  	(tag) =	ssettag $0x2  }
0x73: {  	s0 =	rddreg [dreg:$0x0];
	s2 =	stileid.u32  }
0x74: {  	s1 =	rddreg [dreg:$0x1];
	p0 =	sne.s32 s2, $0x0  }
0x75: {  	s3 =	rddreg [dreg:$0x2];
	[bflag:$0x3] =	sbarrier.arrive $0xFFFF;
	s2 =	simm.s32 @!p0 $0x1C05  }
0x76: {  	[timem:s3], [sflag:s2] =	dma.local @!p0 [hbm:s0], s1  }
0x77: {  	s0 =	simm.s32 @!p0 $0x5  }
0x78: {  	_ =	swait.ge @!p0 [sflag:s0], s1  }
0x79: {  	s1 =	ssub.s32 @!p0 $0x0, s1;
	[sflag:s0] =	ssyncset.done @!p0 $0x0  }
0x7a: {  	[sflag:s0] =	ssyncadd.s32 @!p0 s1  }
0x7b: {  	[bflag:$0x3] =	sbarrier.arrive $0xFFFF  }
0x7c: {  	_ =	shalt  }

// kernel: kernel.35.cloned.1.call-start
scs
__scs_entry_jumppad:
0x0: {  	(pc) =	sbr.rel $0x88, $3  }
0x1: {  	(tag) =	ssettag $0x0;
	lr =	simm.s32 $0x1  }
0x2: {  	[smem:$0x3F9D] =	sst lr;
	_ =	strace $0xD0000000  }
0x3: {  	_ = 	snop  }
0x4: {  	_ = 	snop  }
0x5: {  	_ = 	snop  }
0x6: {  	_ = 	snop  }
0x7: {  	_ = 	snop  }
__scs_overlays_trampoline_lowered:
0x8: {  	[smem:$0x3FAC] =	sst s0  }
0x9: {  	[smem:$0x3FAD] =	sst s1  }
0xa: {  	[smem:$0x3FAE] =	sst s2  }
0xb: {  	[smem:$0x3FAF] =	sst s3  }
0xc: {  	[smem:$0x3FB0] =	sst s4  }
0xd: {  	[smem:$0x3FB1] =	sst s5  }
0xe: {  	[smem:$0x3FB2] =	sst s6  }
0xf: {  	[smem:$0x3FB3] =	sst s7  }
0x10: {  	[smem:$0x3FB4] =	sst s8  }
0x11: {  	[smem:$0x3FB5] =	sst s9;
	s0 =	simm.s32 @!p0 $0x0  }
0x12: {  	s1 =	sld [smem:$0x3F9B];
	s0 =	simm.s32 @p0 $0x1  }
0x13: {  	[smem:$0x3FB6] =	sst s0;
	s0 =	simm.s32 @!p1 $0x0  }
0x14: {  	s2 =	sld [smem:$0x3F9A];
	s0 =	simm.s32 @p1 $0x1  }
0x15: {  	[smem:$0x3FB7] =	sst s0;
	s0 =	simm.s32 @!p2 $0x0  }
0x16: {  	s3 =	sld [smem:$0x3FDB];
	s0 =	simm.s32 @p2 $0x1  }
0x17: {  	s4 =	simm.s32 $0x1BF5;
	[smem:$0x3FB9] =	sst s0  }
0x18: {  	s0 =	sld [smem:$0x3F9C];
	_ =	swait.ge [sflag:s4], $0x0  }
0x19: {  	s7 =	sld [smem:$0x3F9D]  }
0x1a: {  	s8 =	sadd.s32 $0xFFFFE003, lr  }
0x1b: {  	s9 =	sadd.s32 $0xFFFFFEF7, lr;
	s5 =	simm.s32 $0xFFFFFFFF;
	p2 =	slt.u32 s8, $0xFFFFF086  }
0x1c: {  	p1 =	slt.u32 s9, $0xF7A;
	s5 =	simm.s32 @!p2 $0x0  }
0x1d: {  	s5 =	simm.s32 @p1 $0x1;
	p0 =	seq.s32 s7, s2  }
0x1e: {  	s7 =	smul.u32 @!p0 $0xF7A, s2;
	p2 =	seq.s32 @!p0 s5, $0x0  }
0x1f: {  	s9 =	smul.u32 $0xF7A, s1;
	s8 =	simm.s32 @!p0 $0x1BF5;
	p2 =	por !p2, p0  }
0x20: {  	[sflag:s8] =	ssyncset.s32 @!p0 $0xFFFFF086;
	s6 =	sadd.s32 @!p0 s3, s7;
	s7 =	simm.s32 @!p0 $0x108  }
0x21: {  	s3 =	sadd.s32 s3, s9;
	s6 =	sadd.s32 @!p0 $0x88, s6;
	s7 =	simm.s32 @p2 $0x1082  }
0x22: {  	[simem:s7], [sflag:s8] =	dma.local @!p0 [hbm:s6], $0xF7A  }
0x23: {  	s9 =	sor.u32 $0xD0000000, s2;
	s6 =	simm.s32 $0x108;
	_ =	swait.ge @!p0 [sflag:s8], $0x0  }
0x24: {  	s3 =	sadd.s32 $0x88, s3;
	s6 =	simm.s32 @!p1 $0x1082;
	[sflag:s4] =	ssyncset.s32 $0xFFFFF086  }
0x25: {  	[simem:s6], [sflag:s4] =	dma.local [hbm:s3], $0xF7A  }
0x26: {  	[smem:$0x3F9D] =	sst s1;
	(tag) =	ssettag s2;
	_ =	strace s9  }
0x27: {  	s1 =	sld [smem:$0x3FAD]  }
0x28: {  	s2 =	sld [smem:$0x3FAE]  }
0x29: {  	s4 =	sld [smem:$0x3FB0]  }
0x2a: {  	p0 =	seq.s32 s5, $0x0;
	s5 =	sld [smem:$0x3FB1]  }
0x2b: {  	s6 =	sld [smem:$0x3FB2]  }
0x2c: {  	s7 =	sld [smem:$0x3FB3]  }
0x2d: {  	s3 =	simm.s32 $0x108;
	s8 =	sld [smem:$0x3FB4]  }
0x2e: {  	s3 =	simm.s32 @!p0 $0x1082;
	s9 =	sld [smem:$0x3FB5]  }
0x2f: {  	lr =	sadd.s32 s0, s3;
	s0 =	sld [smem:$0x3FAC]  }
0x30: {  	s3 =	sld [smem:$0x3FAF]  }
0x31: {  	[smem:$0x3FB8] =	sst s10  }
0x32: {  	s10 =	sld [smem:$0x3FB6];
	_ =	sdelay $0x3  }
0x33: {  	p0 =	seq.s32 s10, $0x1;
	s10 =	sld [smem:$0x3FB8];
	_ =	sdelay $0x3  }
0x34: {  	[smem:$0x3FB8] =	sst s10  }
0x35: {  	s10 =	sld [smem:$0x3FB7];
	_ =	sdelay $0x3  }
0x36: {  	p1 =	seq.s32 s10, $0x1;
	s10 =	sld [smem:$0x3FB8];
	_ =	sdelay $0x3  }
0x37: {  	[smem:$0x3FB8] =	sst s10  }
0x38: {  	s10 =	sld [smem:$0x3FB9]  }
0x39: {  	_ = 	snop;
	(pc) =	sbr.ind lr, $3  }
0x3a: {  	_ = 	snop  }
0x3b: {  	_ = 	snop  }
0x3c: {  	p2 =	seq.s32 s10, $0x1;
	s10 =	sld [smem:$0x3FB8]  }
0x3d: {  	_ =	shalt  }
0x3e: {  	_ =	shalt  }
0x3f: {  	_ =	shalt  }
0x40: {  	_ =	shalt  }
0x41: {  	_ =	shalt  }
0x42: {  	_ =	shalt  }
0x43: {  	_ =	shalt  }
0x44: {  	_ =	shalt  }
0x45: {  	_ =	shalt  }
0x46: {  	_ =	shalt  }
0x47: {  	_ =	shalt  }
0x48: {  	_ =	shalt  }
0x49: {  	_ =	shalt  }
0x4a: {  	_ =	shalt  }
0x4b: {  	_ =	shalt  }
0x4c: {  	_ =	shalt  }
0x4d: {  	_ =	shalt  }
0x4e: {  	_ =	shalt  }
0x4f: {  	_ =	shalt  }
0x50: {  	_ =	shalt  }
0x51: {  	_ =	shalt  }
0x52: {  	_ =	shalt  }
0x53: {  	_ =	shalt  }
0x54: {  	_ =	shalt  }
0x55: {  	_ =	shalt  }
0x56: {  	_ =	shalt  }
0x57: {  	_ =	shalt  }
0x58: {  	_ =	shalt  }
0x59: {  	_ =	shalt  }
0x5a: {  	_ =	shalt  }
0x5b: {  	_ =	shalt  }
0x5c: {  	_ =	shalt  }
0x5d: {  	_ =	shalt  }
0x5e: {  	_ =	shalt  }
0x5f: {  	_ =	shalt  }
0x60: {  	_ =	shalt  }
0x61: {  	_ =	shalt  }
0x62: {  	_ =	shalt  }
0x63: {  	_ =	shalt  }
0x64: {  	_ =	shalt  }
0x65: {  	_ =	shalt  }
0x66: {  	_ =	shalt  }
0x67: {  	_ =	shalt  }
0x68: {  	_ =	shalt  }
0x69: {  	_ =	shalt  }
0x6a: {  	_ =	shalt  }
0x6b: {  	_ =	shalt  }
0x6c: {  	_ =	shalt  }
0x6d: {  	_ =	shalt  }
0x6e: {  	_ =	shalt  }
0x6f: {  	_ =	shalt  }
0x70: {  	_ =	shalt  }
0x71: {  	_ =	shalt  }
0x72: {  	_ =	shalt  }
0x73: {  	_ =	shalt  }
0x74: {  	_ =	shalt  }
0x75: {  	_ =	shalt  }
0x76: {  	_ =	shalt  }
0x77: {  	_ =	shalt  }
0x78: {  	_ =	shalt  }
0x79: {  	_ =	shalt  }
0x7a: {  	_ =	shalt  }
0x7b: {  	_ =	shalt  }
0x7c: {  	_ =	shalt  }
0x7d: {  	_ =	shalt  }
0x7e: {  	_ =	shalt  }
0x7f: {  	_ =	shalt  }
0x80: {  	_ =	shalt  }
0x81: {  	_ =	shalt  }
0x82: {  	_ =	shalt  }
0x83: {  	_ =	shalt  }
0x84: {  	_ =	shalt  }
0x85: {  	_ =	shalt  }
0x86: {  	_ =	shalt  }
0x87: {  	_ =	shalt  }
.Lfunc_end0:
.L_simem_size_0:
called_computation.8_lowered:
.L_overlay_start_0:
0x88: {  	s2 =	sld [smem:$0x3FD9]  }
0x89: {  	s3 =	sld [smem:$0x3FFE];
	_ =	sdelay $0x1  }
0x8a: {  	s1 =	srdreg.scid  }
0x8b: {  	s0 =	sand.u32 $0x1, s1  }
0x8c: {  	s17 =	sshll.u32 s0, $0xA;
	s2 =	sadd.s32 s3, s2  }
0x8d: {  	s2 =	sadd.s32 s2, s17  }
0x8e: {  	[smem:$0x3FC4] =	sst s2  }
0x8f: {  	_ = 	snop  }
0x90: {  	(tm) =	ssettm $0x1  }
0x91: {  	s18 =	sld [smem:$0x3FFB];
	_ =	sdelay $0x3  }
0x92: {  	_ =	strace s18  }
0x93: {  	s2 =	sld [smem:$0x3FFC];
	_ =	sdelay $0x3  }
0x94: {  	_ =	strace s2  }
0x95: {  	s2 =	sld [smem:$0x3FFD];
	_ =	sdelay $0x3  }
0x96: {  	_ =	strace s2  }
0x97: {  	_ =	strace $0x8FFFFFFF  }
0x98: {  	s19 =	sld [smem:$0x3FDB];
	_ =	sdelay $0x1  }
0x99: {  	s20 =	simm.s32 $_scs_section_size  }
0x9a: {  	s4 =	simm.s32 $_size__tile_overlayer_lowered;
	s5 =	simm.s32 $_tile_overlayer_lowered  }
0x9b: {  	s6 =	simm.s32 $0x1BFF;
	s21 =	sshll.u32 s5, $0x1;
	s3 =	sadd.s32 s20, s19  }
0x9c: {  	s22 =	simm.s32 $0x0;
	s4 =	sshll.u32 s4, $0x1;
	s5 =	sadd.s32 s21, s3  }
0x9d: {  	[timem:s22], [sflag:s6] =	dma.local [hbm:s5], s4  }
0x9e: {  	_ =	swait.ge [sflag:s6], s4  }
0x9f: {  	s4 =	ssub.s32 $0x0, s4;
	[sflag:s6] =	ssyncset.done $0x0  }
0xa0: {  	[sflag:s6] =	ssyncadd.s32 s4;
	_ =	sdelay $0x1  }
0xa1: {  	s23 =	simm.s32 $0x1B8B  }
0xa2: {  	_ =	swait.ge [sflag:s23], $0x1  }
0xa3: {  	[sflag:s23] =	ssyncset.done $0x0  }
0xa4: {  	[sflag:s23] =	ssyncadd.s32 $0xFFFFFFFF  }
0xa5: {  	s4 =	sld [smem:$0x0]  }
0xa6: {  	s5 =	sand.u32 $0xFFFFFFFE, s1  }
0xa7: {  	p0 =	sne.s32 s1, s5  }
0xa8: {  	s5 =	sshll.u32 @p0 s5, $0xE  }
0xa9: {  	s5 =	sadd.s32 @p0 $0x11B8D, s5;
	s6 =	sshll.u32 @p0 s4, $0x11  }
0xaa: {  	s5 =	sor.u32 @p0 s6, s5  }
0xab: {  	[sflag:s5] =	ssyncadd.remote.s32 @p0 $0x1;
	_ =	sdelay $0x1  }
0xac: {  	s5 =	simm.s32 @p0 $0x1B8D  }
0xad: {  	_ =	swait.eq @p0 [sflag:s5], $0x1  }
0xae: {  	[sflag:s5] =	ssyncadd.s32 @p0 $0xFFFFFFFF  }
0xaf: {  	s6 =	sshll.u32 @!p0 s1, $0xE  }
0xb0: {  	s6 =	sor.u32 @!p0 $0x4000, s6;
	s5 =	simm.s32 @!p0 $0x1B8D  }
0xb1: {  	s4 =	sshll.u32 @!p0 s4, $0x11;
	s6 =	sadd.s32 @!p0 $0x11B8D, s6;
	_ =	swait.eq @!p0 [sflag:s5], $0x1  }
0xb2: {  	s4 =	sor.u32 @!p0 s4, s6;
	[sflag:s5] =	ssyncadd.s32 @!p0 $0xFFFFFFFF  }
0xb3: {  	s25 =	simm.s32 $0x1B8E;
	s24 =	sld [smem:$0x3FFE];
	[sflag:s4] =	ssyncadd.remote.s32 @!p0 $0x1  }
0xb4: {  	s26 =	simm.s32 $execute0_lowered;
	[smem:$0x3FD2] =	sst s25  }
0xb5: {  	s5 =	sshll.u32 s26, $0x1;
	_ =	strace $0x8000005E;
	[dreg:$0x1] =	wrdreg $0xFFFFFFFF  }
0xb6: {  	s28 =	simm.s32 $_size_execute0_lowered;
	s3 =	sadd.s32 s3, s5;
	[dreg:$0x0] =	wrdreg $0x0  }
0xb7: {  	s5 =	sshll.u32 s28, $0x1;
	[dreg:$0x2] =	wrdreg s3  }
0xb8: {  	[dreg:$0x3] =	wrdreg s5  }
0xb9: {  	[dreg:$0x4] =	wrdreg $0xC0  }
0xba: {  	_ =	task [dreg:s22], $0x5FFFF  }
0xbb: {  	[dreg:$0x1] =	wrdreg $0xFFFFFFFF  }
0xbc: {  	[dreg:$0x0] =	wrdreg $0x60  }
0xbd: {  	[dreg:$0x2] =	wrdreg s24  }
0xbe: {  	[dreg:$0x3] =	wrdreg $0x58000  }
0xbf: {  	[dreg:$0x4] =	wrdreg $0xA  }
0xc0: {  	_ =	task.clear_ibuf [dreg:s22], $0x5FFFF;
	_ =	strace $0x9000005E  }
0xc1: {  	s29 =	simm.s32 $0xA;
	_ =	strace $0x80000060  }
0xc2: {  	_ =	swait.ge [sflag:s29], $0x1  }
0xc3: {  	[sflag:s29] =	ssyncadd.s32 $0xFFFFFFFF  }
0xc4: {  	_ =	strace $0x90000060  }
0xc5: {  	_ =	sfence  }
0xc6: {  	s30 =	sld [smem:$0x0];
	_ =	sdelay $0x2  }
0xc7: {  	s31 =	sshll.u32 s1, $0xD;
	s1 =	sshrl.u32 s1, $0x2  }
0xc8: {  	s4 =	sand.u32 $0x4000, s31;
	s1 =	sadd.s32 s1, s30  }
0xc9: {  	s0 =	sor.u32 s4, s0;
	s1 =	sshll.u32 s1, $0x11  }
0xca: {  	s0 =	sor.u32 s1, s0  }
0xcb: {  	s0 =	sadd.s32 $0x8F2B, s0  }
0xcc: {  	[sflag:s0] =	ssyncadd.remote.s32 $0x1  }
0xcd: {  	_ =	sfence.sel $0xFFFF  }
0xce: {  	[dreg:$0x0] =	wrdreg $0xFFFFFFFF;
	(pc) =	sbr.abs _section_cstart, $3  }
0xcf: {  	[dreg:$0x1] =	wrdreg $0xFFFFFFFF  }
0xd0: {  	_ =	task.clear_ibuf [dreg:s22], $0x2FFFF;
	_ =	strace $0x9FFFFFFF  }
0xd1: {  	(tm) =	ssettm $0x7FFFFFFF  }
tec
execute0_lowered:
.L_overlay_start_1:
0x0: {  	(tag) =	ssettag $0x1  }
0x1: {  	s0 =	rddreg [dreg:$0x0]  }
0x2: {  	s1 =	rddreg [dreg:$0x1];
	s3 =	simm.s32 $0x0;
	s13 =	stileid.u32  }
0x3: {  	s2 =	srdreg.scid;
	s18 =	simm.s32 $0x5;
	s9 =	smul.u32 $0x1880, s13  }
0x4: {  	s22 =	simm.s32 $0x3;
	s23 =	simm.s32 $0x4;
	s5 =	smul.u32 $0x190, s13  }
0x5: {  	s30 =	simm.s32 $0x3800;
	s31 =	simm.s32 $0x1;
	s10 =	smul.u32 $0x34000, s13  }
0x6: {  	[smem:$0x7FF] =	sst s3;
	s2 =	sand.u32 $0x1, s2;
	s12 =	smul.u32 $0x1900, s13  }
0x7: {  	s4 =	sadd.s32 $0x16B800, s0;
	s6 =	sadd.s32 $0x53000, s0;
	s17 =	smul.u32 $0x31000, s13  }
0x8: {  	s7 =	sadd.s32 $0x85000, s0;
	s28 =	sshll.u32 s13, $0x6;
	s8 =	smul.u32 $0x18800, s2  }
0x9: {  	_ =	strace $0x8000005F;
	s11 =	ssub.s32 $0x2, s2;
	s2 =	smul.u32 $0x1900, s2  }
0xa: {  	s24 =	sshrl.u32 s11, $0x1;
	s10 =	sshrl.u32 s10, $0x2;
	s12 =	sadd.s32 s7, s12  }
0xb: {  	s29 =	sshrl.u32 s17, $0x2;
	s9 =	sadd.s32 s9, s8;
	s8 =	sadd.s32 $0xA2C00, s0  }
0xc: {  	s16 =	ssub.s32 s11, s24;
	s25 =	sadd.s32 s10, s1;
	s11 =	sor.u32 $0x1C05, s28  }
.Ltmp0:
0xd: {  	s14 =	sadd.s32 $0x80, s12;
	s24 =	simm.s32 $0x80;
	(pc) =	sbr.rel .LBB2_1-.Ltmp0, $4  }
0xe: {  	s0 =	sadd.s32 s9, s0;
	s9 =	sadd.s32 s5, s2;
	s16 =	smax.u32 s16, $0x1  }
0xf: {  	s17 =	sshrl.u32 s25, $0x3;
	s2 =	simm.s32 $0x0;
	s26 =	sshll.u32 s9, $0x4  }
0x10: {  	s15 =	sadd.s32 $0x1CD400, s0;
	s0 =	sadd.s32 s29, s1;
	s10 =	sadd.s32 s6, s26  }
0x11: {  	s25 =	sshrl.u32 s0, $0x3;
	s0 =	simm.s32 $0x2;
	s13 =	sadd.s32 $0x80, s10  }
.LBB2_7:
0x12: {  	_ =	swait.ge [sflag:s0], $0x1000  }
0x13: {  	s2 =	sadd.s32 $0x1, s2;
	[sflag:s0] =	ssyncset.done $0x0  }
0x14: {  	p0 =	sne.s32 s2, s16;
	[sflag:s0] =	ssyncadd.s32 $0xFFFFF000  }
.Ltmp1:
0x15: {  	[bflag:$0x0] =	sbarrier.arrive $0xFFFF;
	(pc) =	sbr.rel @!p0 .LBB2_8-.Ltmp1, $4  }
0x16: {  	[hbm:s15], [sflag:s11] =	dma.local [spmem:s25], $0x1880  }
0x17: {  	_ =	swait.ge [sflag:s18], $0x1880  }
0x18: {  	[sflag:s18] =	ssyncset.done $0x0  }
0x19: {  	[sflag:s18] =	ssyncadd.s32 $0xFFFFE780  }
.LBB2_1:
0x1a: {  	[spmem:s17], [sflag:s11] =	dma.local [hbm:s8], $0x1A00  }
0x1b: {  	_ =	swait.ge [sflag:s18], $0x1A00  }
0x1c: {  	[sflag:s18] =	ssyncset.done $0x0  }
0x1d: {  	[sflag:s18] =	ssyncadd.s32 $0xFFFFE600  }
0x1e: {  	[tilespmem:s3], [sflag:$0x3] =	stream.linear.gather [hbm4b:s10+s3], $0x400, $0x38;
	[tilespmem:$0x12800] =	vst v63  }
0x1f: {  	s19 =	simm.s32 $0xC00  }
0x20: {  	[tilespmem:s19], [sflag:$0x4] =	stream.linear.gather [hbm4b:s12+s3], $0x400, $0x38;
	[tilespmem:$0x12800] =	vst v63  }
0x21: {  	s20 =	simm.s32 $0x400  }
0x22: {  	[tilespmem:s20], [sflag:$0x3] =	stream.linear.gather [hbm4b:s13+s3], $0x400, $0x38;
	[tilespmem:$0x12800] =	vst v63  }
0x23: {  	s21 =	simm.s32 $0x1000  }
0x24: {  	[tilespmem:s21], [sflag:$0x4] =	stream.linear.gather [hbm4b:s14+s3], $0x400, $0x38;
	[tilespmem:$0x12800] =	vst v63  }
0x25: {  	_ =	swait.ge [sflag:s22], $0x400  }
0x26: {  	[sflag:s22] =	ssyncset.done $0x0  }
0x27: {  	[sflag:s22] =	ssyncadd.s32 $0xFFFFFC00  }
0x28: {  	_ =	swait.ge [sflag:s23], $0x400  }
0x29: {  	[sflag:s23] =	ssyncset.done $0x0  }
0x2a: {  	[sflag:s23] =	ssyncadd.s32 $0xFFFFFC00  }
0x2b: {  	s26 =	simm.s32 $0x1800;
	[bflag:$0x0] =	sbarrier.arrive $0xFFFF  }
0x2c: {  	[tilespmem:s26], [sflag:$0x1] =	stream.indirect.gather [hbm4b:s4+s24], $0x20, s3, s24, $0xb8;
	[tilespmem:$0x12800] =	vst v63  }
.Ltmp2:
0x2d: {  	_ = 	snop;
	(pc) =	sbr.rel .LBB2_2-.Ltmp2, $4  }
0x2e: {  	s28 =	simm.s32 $0x2800  }
0x2f: {  	[tilespmem:s28], [sflag:$0x1] =	stream.indirect.gather [hbm4b:s4+s24], $0x20, s24, s24, $0xb8;
	[tilespmem:$0x12800] =	vst v63  }
0x30: {  	s29 =	simm.s32 $0x100;
	s19 =	simm.s32 $0xC000;
	s20 =	simm.s32 $0x0  }
0x31: {  	[tilespmem:s30], [sflag:$0x1] =	stream.indirect.gather [hbm4b:s4+s24], $0x20, s29, s24, $0xb8;
	[tilespmem:$0x12800] =	vst v63  }
.LBB2_3:
0x32: {  	s21 =	sshrl.u32 @!p0 s20, $0x3  }
0x33: {  	s21 =	simm.s32 @p0 $0x0;
	p0 =	sgt.u32 s20, $0x17F  }
0x34: {  	s21 =	sadd.s32 @!p0 $0x2, s21  }
0x35: {  	s26 =	sand.u32 @!p0 $0xFF, s21  }
0x36: {  	s26 =	smul.u32 @!p0 $0xAB, s26  }
0x37: {  	_ =	swait.ge [sflag:s22], $0x400  }
0x38: {  	[sflag:s22] =	ssyncset.done $0x0;
	s26 =	sshrl.u32 @!p0 s26, $0x9  }
0x39: {  	[sflag:s22] =	ssyncadd.s32 $0xFFFFFC00;
	s28 =	sshll.u32 @!p0 s21, $0x3;
	s26 =	smul.u32 @!p0 $0x3, s26  }
0x3a: {  	_ =	swait.ge [sflag:s23], $0x400;
	s29 =	sadd.s32 @!p0 s9, s28  }
0x3b: {  	[sflag:s23] =	ssyncset.done $0x0;
	s21 =	ssub.s32 @!p0 s21, s26;
	s26 =	sshll.u32 @!p0 s29, $0x4  }
0x3c: {  	[sflag:s23] =	ssyncadd.s32 $0xFFFFFC00;
	s21 =	sand.u32 @!p0 $0xFF, s21;
	s26 =	sand.u32 @!p0 $0x1FFFFF80, s26  }
0x3d: {  	s29 =	simm.s32 @!p0 $0x0;
	s21 =	sshll.u32 @!p0 s21, $0xA;
	s26 =	sadd.s32 @!p0 s6, s26  }
0x3e: {  	[tilespmem:s21], [sflag:$0x3] =	stream.linear.gather @!p0 [hbm4b:s26+s29], $0x400, $0x38;
	[tilespmem:$0x12800] =	vst v63  }
0x3f: {  	s26 =	sadd.s32 @!p0 s5, s28  }
0x40: {  	s26 =	sshll.u32 @!p0 s26, $0x4  }
0x41: {  	s26 =	sand.u32 @!p0 $0x1FFFFF80, s26  }
0x42: {  	s21 =	sadd.s32 @!p0 $0xC00, s21;
	s26 =	sadd.s32 @!p0 s7, s26  }
0x43: {  	[tilespmem:s21], [sflag:$0x4] =	stream.linear.gather @!p0 [hbm4b:s26+s29], $0x400, $0x38;
	[tilespmem:$0x12800] =	vst v63  }
.LBB2_5:
0x44: {  	s21 =	sadd.s32 $0x3, s20  }
0x45: {  	s26 =	smul.u32 $0xAAAB, s21;
	_ =	sdelay $0x1  }
0x46: {  	s26 =	sshrl.u32 s26, $0x14  }
0x47: {  	s26 =	smul.u32 $0x18, s26;
	_ =	sdelay $0x1  }
0x48: {  	s29 =	sand.u32 $0xC000, s19;
	s21 =	ssub.s32 s21, s26  }
0x49: {  	s26 =	sshrl.u32 s29, $0x2;
	s21 =	sshll.u32 s21, $0x7  }
0x4a: {  	s26 =	sadd.s32 $0x1800, s26;
	s21 =	sand.u32 $0x3F80, s21  }
0x4b: {  	[tilespmem:s26], [sflag:$0x1] =	stream.indirect.gather [hbm4b:s4+s24], $0x20, s21, s24, $0xb8;
	[tilespmem:$0x12800] =	vst v63  }
.LBB2_6:
0x4c: {  	s20 =	sadd.s32 $0x1, s20  }
0x4d: {  	p0 =	sne.s32 s20, $0x190  }
.Ltmp3:
0x4e: {  	_ = 	snop;
	(pc) =	sbr.rel @!p0 .LBB2_7-.Ltmp3, $2  }
0x4f: {  	_ =	sdelay $0x2  }
0x50: {  	s19 =	sadd.s32 $0x4000, s19  }
.LBB2_2:
0x51: {  	s21 =	smul.u32 $0xAAAB, s20;
	_ =	sdelay $0x1  }
0x52: {  	s21 =	sshrl.u32 s21, $0x14  }
0x53: {  	s21 =	smul.u32 $0x18, s21;
	_ =	sdelay $0x1  }
0x54: {  	s26 =	sadd.s32 $0xFFFF4000, s19;
	_ =	swait.ge [sflag:s31], $0x1000;
	s21 =	ssub.s32 s20, s21  }
0x55: {  	p0 =	seq.s32 s20, $0x0;
	s26 =	sand.u32 $0xC000, s26;
	s21 =	sshll.u32 s21, $0x7  }
0x56: {  	[sflag:s31] =	ssyncset.done $0x0;
	s26 =	sshrl.u32 s26, $0x2;
	s21 =	sand.u32 $0x3F80, s21  }
0x57: {  	[sflag:s31] =	ssyncadd.s32 $0xFFFFF000;
	s26 =	sadd.s32 $0x1800, s26;
	s21 =	sadd.s32 $0xC00, s21  }
0x58: {  	[spmem:s1] =	stream.indirect.scatter.add.f32 [tilespmem:s26], [sflag:$0x2], $0x20, s21, s24, $0xb8;
	[tilespmem:$0x12800] =	vst v63  }
0x59: {  	s21 =	sand.u32 @!p0 $0x7, s20  }
0x5a: {  	p1 =	sne.s32 @!p0 s21, $0x0  }
0x5b: {  	p2 =	por p1, p0  }
0x5c: {  	p2 =	sgt.u32 @!p2 s20, $0x187  }
0x5d: {  	p1 =	por @!p0 p1, p2  }
0x5e: {  	p1 =	por p0, !p1  }
.Ltmp4:
0x5f: {  	_ = 	snop;
	(pc) =	sbr.rel @p1 .LBB2_3-.Ltmp4, $4  }
0x60: {  	s21 =	simm.s32 @!p0 $0x2  }
0x61: {  	_ =	swait.ge @!p0 [sflag:s21], $0x1000  }
0x62: {  	[sflag:s21] =	ssyncset.done @!p0 $0x0  }
0x63: {  	[sflag:s21] =	ssyncadd.s32 @!p0 $0xFFFFF000  }
0x64: {  	p0 =	sgt.u32 s20, $0x18C  }
.Ltmp5:
0x65: {  	_ = 	snop;
	(pc) =	sbr.rel @p0 .LBB2_6-.Ltmp5, $4  }
.Ltmp6:
0x66: {  	_ = 	snop;
	(pc) =	sbr.rel @!p0 .LBB2_5-.Ltmp6, $4  }
0x67: {  	_ = 	snop  }
0x68: {  	_ = 	snop  }
0x69: {  	_ = 	snop  }
0x6a: {  	_ = 	snop  }
.LBB2_8:
0x6b: {  	_ =	sfence.sel $0x180000  }
0x6c: {  	[bflag:$0x0] =	sbarrier.arrive $0xFFFF  }
0x6d: {  	_ =	strace $0x9000005F  }
0x6e: {  	s0 =	stileid.u32;
	[bflag:$0x2] =	sbarrier.arrive $0xFFFF  }
0x6f: {  	p0 =	sne.s32 s0, $0x0;
	s0 =	rddreg [dreg:$0x2]  }
0x70: {  	s0 =	sadd.s32 @!p0 $0x100000, s0  }
0x71: {  	[sflag:s0] =	ssyncadd.tile.s32 @!p0 $0x1;
	_ =	shalt  }
.Lfunc_end2:
_tile_overlayer_lowered:
.L_overlay_start_2:
0x72: {  	(tag) =	ssettag $0x2  }
0x73: {  	s0 =	rddreg [dreg:$0x0];
	s2 =	stileid.u32  }
0x74: {  	s1 =	rddreg [dreg:$0x1];
	p0 =	sne.s32 s2, $0x0  }
0x75: {  	s3 =	rddreg [dreg:$0x2];
	[bflag:$0x3] =	sbarrier.arrive $0xFFFF;
	s2 =	simm.s32 @!p0 $0x1C05  }
0x76: {  	[timem:s3], [sflag:s2] =	dma.local @!p0 [hbm:s0], s1  }
0x77: {  	s0 =	simm.s32 @!p0 $0x5  }
0x78: {  	_ =	swait.ge @!p0 [sflag:s0], s1  }
0x79: {  	s1 =	ssub.s32 @!p0 $0x0, s1;
	[sflag:s0] =	ssyncset.done @!p0 $0x0  }
0x7a: {  	[sflag:s0] =	ssyncadd.s32 @!p0 s1  }
0x7b: {  	[bflag:$0x3] =	sbarrier.arrive $0xFFFF  }
0x7c: {  	_ =	shalt  }

</sc_bundles>
